<compile_context>
chip_gen: v7x
topology: tpu7x:2x2x1
jax: 0.10.2.dev20260603
libtpu: 0.0.44.dev20260713+nightly
codegen_flags: <defaults>
</compile_context>

<pallas_src>
import jax
import jax.numpy as jnp
from jax import lax
from jax.experimental import pallas as pl
from jax.experimental.pallas import tpu as pltpu
from jax.experimental.pallas import tpu_sc as plsc

BATCH = 4
SEQ = 2048
D = 768
TOKENS = BATCH * SEQ
NUM_WORKERS = 32
S_PER_W = SEQ // NUM_WORKERS
SCH = 8
ROWS = BATCH * SCH
NUM_CHUNKS = S_PER_W // SCH
NBUF = 3
AHEAD = 2

_mesh = plsc.VectorSubcoreMesh(core_axis_name="c", subcore_axis_name="s")

_scratch = (
    [pltpu.VMEM((S_PER_W * BATCH,), jnp.int32)]
    + [pltpu.VMEM((S_PER_W, D), jnp.float32)]
    + [pltpu.VMEM((NBUF * ROWS, D), jnp.float32)]
    + [pltpu.SemaphoreType.DMA((NBUF,))]
    + [pltpu.SemaphoreType.DMA((NBUF,))]
    + [pltpu.SemaphoreType.DMA]
    + [pltpu.SemaphoreType.DMA]
)


@pl.kernel(
    out_type=jax.ShapeDtypeStruct((TOKENS, D), jnp.float32),
    mesh=_mesh,
    scratch_types=_scratch,
)
def _embed(ids_hbm, table_hbm, pos_hbm, out_hbm, idx_v, pbuf, ring,
           gsem, wsem, isem, psem):
    wid = lax.axis_index("s") * 2 + lax.axis_index("c")
    s_base = wid * S_PER_W

    id_copies = [
        pltpu.async_copy(
            ids_hbm.at[pl.ds(b * SEQ + s_base, S_PER_W)],
            idx_v.at[pl.ds(b * S_PER_W, S_PER_W)], isem)
        for b in range(BATCH)
    ]
    pos_copy = pltpu.async_copy(pos_hbm.at[pl.ds(s_base, S_PER_W)], pbuf, psem)
    for c in id_copies:
        c.wait()

    def gather_copies(j, slot):
        return [
            pltpu.make_async_copy(
                table_hbm.at[idx_v.at[pl.ds(b * S_PER_W + j * SCH, SCH)]],
                ring.at[pl.ds(slot * ROWS + b * SCH, SCH)], gsem.at[slot],
            )
            for b in range(BATCH)
        ]

    def write_copies(j, slot):
        return [
            pltpu.make_async_copy(
                ring.at[pl.ds(slot * ROWS + b * SCH, SCH)],
                out_hbm.at[pl.ds(b * SEQ + s_base + j * SCH, SCH)],
                wsem.at[slot],
            )
            for b in range(BATCH)
        ]

    for j in range(AHEAD):
        for c in gather_copies(j, j % NBUF):
            c.start()
    pos_copy.wait()

    def chunk_step(j, _):
        slot = lax.rem(j, NBUF)
        for c in gather_copies(j, slot):
            c.wait()

        def add_srow(r, _):
            prow = j * SCH + r
            for k in range(D // 16):
                sl = pl.ds(k * 16, 16)
                pvec = pbuf[prow, sl]
                for b in range(BATCH):
                    plsc.addupdate(ring.at[slot * ROWS + b * SCH + r, sl], pvec)
            return 0

        lax.fori_loop(0, SCH, add_srow, 0, unroll=False)

        nxt = j + AHEAD
        nslot = lax.rem(nxt, NBUF)

        @pl.when(nxt < NUM_CHUNKS)
        def _():
            @pl.when(nxt >= NBUF)
            def _():
                for c in write_copies(nxt - NBUF, nslot):
                    c.wait()
            for c in gather_copies(nxt, nslot):
                c.start()

        for c in write_copies(j, slot):
            c.start()
        return 0

    lax.fori_loop(0, NUM_CHUNKS, chunk_step, 0, unroll=False)

    for j in range(NUM_CHUNKS - NBUF, NUM_CHUNKS):
        for c in write_copies(j, j % NBUF):
            c.wait()


def kernel(token_ids, token_table, pos_table):
    out = _embed(token_ids.reshape(TOKENS), token_table, pos_table)
    return out.reshape(BATCH, SEQ, D)

# --- scband reference (transcript-rebuilt; emitter-appended) ---
"""Pipeline reference for scband-token-and-position-embedding-49581102465041 (READ-ONLY COPY).

The authoritative reference and input builder live on the scoring server;
editing this copy changes nothing except your own understanding.
"""

import jax, jax.numpy as jnp
import numpy as np

VOCAB = 100000
D_MODEL = 768
BLOCK = 2048
BATCH = 4
SEQ = 2048


def setup_inputs(seed: int = 0) -> dict:
    key = jax.random.key(seed)
    k1, k2, k3 = jax.random.split(key, 3)
    token_ids = jax.random.randint(k1, (BATCH, SEQ), 0, VOCAB, dtype=jnp.int64 if jax.config.jax_enable_x64 else jnp.int32).astype(jnp.int32)
    token_table = jax.random.normal(k2, (VOCAB, D_MODEL), dtype=jnp.float32) * 0.02
    pos_table = jax.random.normal(k3, (BLOCK, D_MODEL), dtype=jnp.float32) * 0.02
    return {"token_ids": token_ids, "token_table": token_table, "pos_table": pos_table}


def reference(token_ids, token_table, pos_table):
    seq_len = token_ids.shape[1]
    positions = jnp.arange(seq_len)
    tok = jnp.take(token_table, token_ids, axis=0)          # [B, S, D] gather
    pos = jnp.take(pos_table, positions, axis=0)            # [S, D] gather
    return tok + pos[None, :, :]

if __name__ == "__main__":
    import jax
    _d = setup_inputs()
    print(jax.jit(kernel)(*tuple(_d.values())))

</pallas_src>

<mosaic_0001>
#map = affine_map<(d0, d1) -> (0)>
#map1 = affine_map<(d0, d1) -> (0, 0)>
module attributes {stable_mosaic.version = 14 : i64} {
  func.func @_embed(%arg0: i32, %arg1: i32, %arg2: memref<8192xi32, #tpu.memory_space<hbm>>, %arg3: memref<100000x768xf32, #tpu.memory_space<hbm>>, %arg4: memref<2048x768xf32, #tpu.memory_space<hbm>>, %arg5: memref<8192x768xf32, #tpu.memory_space<hbm>>, %arg6: memref<256xi32, #tpu.memory_space<vmem>>, %arg7: memref<64x768xf32, #tpu.memory_space<vmem>>, %arg8: memref<96x768xf32, #tpu.memory_space<vmem>>, %arg9: memref<3x!tpu.dma_semaphore, #tpu.memory_space<semaphore_mem>>, %arg10: memref<3x!tpu.dma_semaphore, #tpu.memory_space<semaphore_mem>>, %arg11: memref<!tpu.dma_semaphore, #tpu.memory_space<semaphore_mem>>, %arg12: memref<!tpu.dma_semaphore, #tpu.memory_space<semaphore_mem>>) attributes {dimension_semantics = [#tpu.dimension_semantics<core_parallel>, #tpu.dimension_semantics<subcore_parallel>], iteration_bounds = array<i64: 2, 16>, scalar_prefetch = 0 : i64, scratch_operands = 7 : i64, tpu.core_type = #tpu.core_type<sc_vector_subcore>, window_params = [{transform_indices = #map}, {transform_indices = #map1}, {transform_indices = #map1}, {transform_indices = #map1}]} {
    %mul3A = arith.constant 2 : i32
    %mul3A_0 = arith.muli %arg1, %mul3A : i32
    %add3A = arith.addi %mul3A_0, %arg0 : i32
    %mul3A_1 = arith.constant 64 : i32
    %mul3A_2 = arith.muli %add3A, %mul3A_1 : i32
    %add3A_3 = arith.constant 0 : i32
    %add3A_4 = arith.addi %add3A_3, %mul3A_2 : i32
    %dma_start3A = arith.constant 0 : i32
    %dma_start3A_5 = tpu.memref_slice %arg6[%dma_start3A] : memref<256xi32, #tpu.memory_space<vmem>> -> memref<64xi32, #tpu.memory_space<vmem>>
    %dma_start3A_6 = tpu.memref_slice %arg2[%add3A_4] : memref<8192xi32, #tpu.memory_space<hbm>> -> memref<64xi32, #tpu.memory_space<hbm>>
    %dma_start3A_7 = arith.constant 0 : i32
    %dma_start3A_8 = tpu.memref_slice %arg6[%dma_start3A_7] : memref<256xi32, #tpu.memory_space<vmem>> -> memref<64xi32, #tpu.memory_space<vmem>>
    %dma_start3A_9 = tpu.memref_slice %arg2[%add3A_4] : memref<8192xi32, #tpu.memory_space<hbm>> -> memref<64xi32, #tpu.memory_space<hbm>>
    tpu.enqueue_dma source(%dma_start3A_9 : memref<64xi32, #tpu.memory_space<hbm>>) target(%dma_start3A_8 : memref<64xi32, #tpu.memory_space<vmem>>) target_semaphore(%arg11 : memref<!tpu.dma_semaphore, #tpu.memory_space<semaphore_mem>>)
    %add3A_10 = arith.constant 2048 : i32
    %add3A_11 = arith.addi %add3A_10, %mul3A_2 : i32
    %dma_start3A_12 = arith.constant 64 : i32
    %dma_start3A_13 = tpu.memref_slice %arg6[%dma_start3A_12] : memref<256xi32, #tpu.memory_space<vmem>> -> memref<64xi32, #tpu.memory_space<vmem>>
    %dma_start3A_14 = tpu.memref_slice %arg2[%add3A_11] : memref<8192xi32, #tpu.memory_space<hbm>> -> memref<64xi32, #tpu.memory_space<hbm>>
    %dma_start3A_15 = arith.constant 64 : i32
    %dma_start3A_16 = tpu.memref_slice %arg6[%dma_start3A_15] : memref<256xi32, #tpu.memory_space<vmem>> -> memref<64xi32, #tpu.memory_space<vmem>>
    %dma_start3A_17 = tpu.memref_slice %arg2[%add3A_11] : memref<8192xi32, #tpu.memory_space<hbm>> -> memref<64xi32, #tpu.memory_space<hbm>>
    tpu.enqueue_dma source(%dma_start3A_17 : memref<64xi32, #tpu.memory_space<hbm>>) target(%dma_start3A_16 : memref<64xi32, #tpu.memory_space<vmem>>) target_semaphore(%arg11 : memref<!tpu.dma_semaphore, #tpu.memory_space<semaphore_mem>>)
    %add3A_18 = arith.constant 4096 : i32
    %add3A_19 = arith.addi %add3A_18, %mul3A_2 : i32
    %dma_start3A_20 = arith.constant 128 : i32
    %dma_start3A_21 = tpu.memref_slice %arg6[%dma_start3A_20] : memref<256xi32, #tpu.memory_space<vmem>> -> memref<64xi32, #tpu.memory_space<vmem>>
    %dma_start3A_22 = tpu.memref_slice %arg2[%add3A_19] : memref<8192xi32, #tpu.memory_space<hbm>> -> memref<64xi32, #tpu.memory_space<hbm>>
    %dma_start3A_23 = arith.constant 128 : i32
    %dma_start3A_24 = tpu.memref_slice %arg6[%dma_start3A_23] : memref<256xi32, #tpu.memory_space<vmem>> -> memref<64xi32, #tpu.memory_space<vmem>>
    %dma_start3A_25 = tpu.memref_slice %arg2[%add3A_19] : memref<8192xi32, #tpu.memory_space<hbm>> -> memref<64xi32, #tpu.memory_space<hbm>>
    tpu.enqueue_dma source(%dma_start3A_25 : memref<64xi32, #tpu.memory_space<hbm>>) target(%dma_start3A_24 : memref<64xi32, #tpu.memory_space<vmem>>) target_semaphore(%arg11 : memref<!tpu.dma_semaphore, #tpu.memory_space<semaphore_mem>>)
    %add3A_26 = arith.constant 6144 : i32
    %add3A_27 = arith.addi %add3A_26, %mul3A_2 : i32
    %dma_start3A_28 = arith.constant 192 : i32
    %dma_start3A_29 = tpu.memref_slice %arg6[%dma_start3A_28] : memref<256xi32, #tpu.memory_space<vmem>> -> memref<64xi32, #tpu.memory_space<vmem>>
    %dma_start3A_30 = tpu.memref_slice %arg2[%add3A_27] : memref<8192xi32, #tpu.memory_space<hbm>> -> memref<64xi32, #tpu.memory_space<hbm>>
    %dma_start3A_31 = arith.constant 192 : i32
    %dma_start3A_32 = tpu.memref_slice %arg6[%dma_start3A_31] : memref<256xi32, #tpu.memory_space<vmem>> -> memref<64xi32, #tpu.memory_space<vmem>>
    %dma_start3A_33 = tpu.memref_slice %arg2[%add3A_27] : memref<8192xi32, #tpu.memory_space<hbm>> -> memref<64xi32, #tpu.memory_space<hbm>>
    tpu.enqueue_dma source(%dma_start3A_33 : memref<64xi32, #tpu.memory_space<hbm>>) target(%dma_start3A_32 : memref<64xi32, #tpu.memory_space<vmem>>) target_semaphore(%arg11 : memref<!tpu.dma_semaphore, #tpu.memory_space<semaphore_mem>>)
    %dma_start3A_34 = arith.constant 0 : i32
    %dma_start3A_35 = tpu.memref_slice %arg4[%mul3A_2, %dma_start3A_34] : memref<2048x768xf32, #tpu.memory_space<hbm>> -> memref<64x768xf32, #tpu.memory_space<hbm>>
    %dma_start3A_36 = arith.constant 0 : i32
    %dma_start3A_37 = tpu.memref_slice %arg4[%mul3A_2, %dma_start3A_36] : memref<2048x768xf32, #tpu.memory_space<hbm>> -> memref<64x768xf32, #tpu.memory_space<hbm>>
    tpu.enqueue_dma source(%dma_start3A_37 : memref<64x768xf32, #tpu.memory_space<hbm>>) target(%arg7 : memref<64x768xf32, #tpu.memory_space<vmem>>) target_semaphore(%arg12 : memref<!tpu.dma_semaphore, #tpu.memory_space<semaphore_mem>>)
    %dma_wait3A = arith.constant 0 : i32
    %dma_wait3A_38 = tpu.memref_slice %arg6[%dma_wait3A] : memref<256xi32, #tpu.memory_space<vmem>> -> memref<64xi32, #tpu.memory_space<vmem>>
    %dma_wait3A_39 = tpu.memref_slice %arg2[%add3A_4] : memref<8192xi32, #tpu.memory_space<hbm>> -> memref<64xi32, #tpu.memory_space<hbm>>
    %dma_wait3A_40 = arith.constant 0 : i32
    %dma_wait3A_41 = tpu.memref_slice %arg6[%dma_wait3A_40] : memref<256xi32, #tpu.memory_space<vmem>> -> memref<64xi32, #tpu.memory_space<vmem>>
    %dma_wait3A_42 = tpu.memref_slice %arg2[%add3A_4] : memref<8192xi32, #tpu.memory_space<hbm>> -> memref<64xi32, #tpu.memory_space<hbm>>
    tpu.wait_dma2 semaphore(%arg11 : memref<!tpu.dma_semaphore, #tpu.memory_space<semaphore_mem>>) src(%dma_wait3A_42 : memref<64xi32, #tpu.memory_space<hbm>>) dst(%dma_wait3A_41 : memref<64xi32, #tpu.memory_space<vmem>>)
    %dma_wait3A_43 = arith.constant 64 : i32
    %dma_wait3A_44 = tpu.memref_slice %arg6[%dma_wait3A_43] : memref<256xi32, #tpu.memory_space<vmem>> -> memref<64xi32, #tpu.memory_space<vmem>>
    %dma_wait3A_45 = tpu.memref_slice %arg2[%add3A_11] : memref<8192xi32, #tpu.memory_space<hbm>> -> memref<64xi32, #tpu.memory_space<hbm>>
    %dma_wait3A_46 = arith.constant 64 : i32
    %dma_wait3A_47 = tpu.memref_slice %arg6[%dma_wait3A_46] : memref<256xi32, #tpu.memory_space<vmem>> -> memref<64xi32, #tpu.memory_space<vmem>>
    %dma_wait3A_48 = tpu.memref_slice %arg2[%add3A_11] : memref<8192xi32, #tpu.memory_space<hbm>> -> memref<64xi32, #tpu.memory_space<hbm>>
    tpu.wait_dma2 semaphore(%arg11 : memref<!tpu.dma_semaphore, #tpu.memory_space<semaphore_mem>>) src(%dma_wait3A_48 : memref<64xi32, #tpu.memory_space<hbm>>) dst(%dma_wait3A_47 : memref<64xi32, #tpu.memory_space<vmem>>)
    %dma_wait3A_49 = arith.constant 128 : i32
    %dma_wait3A_50 = tpu.memref_slice %arg6[%dma_wait3A_49] : memref<256xi32, #tpu.memory_space<vmem>> -> memref<64xi32, #tpu.memory_space<vmem>>
    %dma_wait3A_51 = tpu.memref_slice %arg2[%add3A_19] : memref<8192xi32, #tpu.memory_space<hbm>> -> memref<64xi32, #tpu.memory_space<hbm>>
    %dma_wait3A_52 = arith.constant 128 : i32
    %dma_wait3A_53 = tpu.memref_slice %arg6[%dma_wait3A_52] : memref<256xi32, #tpu.memory_space<vmem>> -> memref<64xi32, #tpu.memory_space<vmem>>
    %dma_wait3A_54 = tpu.memref_slice %arg2[%add3A_19] : memref<8192xi32, #tpu.memory_space<hbm>> -> memref<64xi32, #tpu.memory_space<hbm>>
    tpu.wait_dma2 semaphore(%arg11 : memref<!tpu.dma_semaphore, #tpu.memory_space<semaphore_mem>>) src(%dma_wait3A_54 : memref<64xi32, #tpu.memory_space<hbm>>) dst(%dma_wait3A_53 : memref<64xi32, #tpu.memory_space<vmem>>)
    %dma_wait3A_55 = arith.constant 192 : i32
    %dma_wait3A_56 = tpu.memref_slice %arg6[%dma_wait3A_55] : memref<256xi32, #tpu.memory_space<vmem>> -> memref<64xi32, #tpu.memory_space<vmem>>
    %dma_wait3A_57 = tpu.memref_slice %arg2[%add3A_27] : memref<8192xi32, #tpu.memory_space<hbm>> -> memref<64xi32, #tpu.memory_space<hbm>>
    %dma_wait3A_58 = arith.constant 192 : i32
    %dma_wait3A_59 = tpu.memref_slice %arg6[%dma_wait3A_58] : memref<256xi32, #tpu.memory_space<vmem>> -> memref<64xi32, #tpu.memory_space<vmem>>
    %dma_wait3A_60 = tpu.memref_slice %arg2[%add3A_27] : memref<8192xi32, #tpu.memory_space<hbm>> -> memref<64xi32, #tpu.memory_space<hbm>>
    tpu.wait_dma2 semaphore(%arg11 : memref<!tpu.dma_semaphore, #tpu.memory_space<semaphore_mem>>) src(%dma_wait3A_60 : memref<64xi32, #tpu.memory_space<hbm>>) dst(%dma_wait3A_59 : memref<64xi32, #tpu.memory_space<vmem>>)
    %dma_start3A_61 = arith.constant 0 : i32
    %dma_start3A_62 = arith.constant 0 : i32
    %dma_start3A_63 = arith.constant 0 : i32
    %dma_start3A_64 = tpu.memref_slice %arg8[%dma_start3A_62, %dma_start3A_63] : memref<96x768xf32, #tpu.memory_space<vmem>> -> memref<8x768xf32, #tpu.memory_space<vmem>>
    %dma_start3A_65 = arith.constant 0 : i32
    %dma_start3A_66 = tpu.memref_slice %arg6[%dma_start3A_65] : memref<256xi32, #tpu.memory_space<vmem>> -> memref<8xi32, #tpu.memory_space<vmem>>
    %dma_start3A_67 = arith.constant 0 : i32
    %dma_start3A_68 = arith.constant 0 : i32
    %dma_start3A_69 = tpu.memref_slice %arg3[%dma_start3A_67, %dma_start3A_68] : memref<100000x768xf32, #tpu.memory_space<hbm>> -> memref<100000x768xf32, #tpu.memory_space<hbm>>
    %dma_start3A_70 = tpu.memref_slice %arg9[%dma_start3A_61] : memref<3x!tpu.dma_semaphore, #tpu.memory_space<semaphore_mem>> -> memref<1x!tpu.dma_semaphore, #tpu.memory_space<semaphore_mem>>
    %dma_start3A_71 = tpu.memref_squeeze %dma_start3A_70 : memref<1x!tpu.dma_semaphore, #tpu.memory_space<semaphore_mem>> -> memref<!tpu.dma_semaphore, #tpu.memory_space<semaphore_mem>>
    tpu.enqueue_indirect_dma source(%dma_start3A_69 : memref<100000x768xf32, #tpu.memory_space<hbm>>) target(%dma_start3A_64 : memref<8x768xf32, #tpu.memory_space<vmem>>) offsets(%dma_start3A_66 : memref<8xi32, #tpu.memory_space<vmem>>) semaphore(%dma_start3A_71 : memref<!tpu.dma_semaphore, #tpu.memory_space<semaphore_mem>>)
    %dma_start3A_72 = arith.constant 0 : i32
    %dma_start3A_73 = arith.constant 8 : i32
    %dma_start3A_74 = arith.constant 0 : i32
    %dma_start3A_75 = tpu.memref_slice %arg8[%dma_start3A_73, %dma_start3A_74] : memref<96x768xf32, #tpu.memory_space<vmem>> -> memref<8x768xf32, #tpu.memory_space<vmem>>
    %dma_start3A_76 = arith.constant 64 : i32
    %dma_start3A_77 = tpu.memref_slice %arg6[%dma_start3A_76] : memref<256xi32, #tpu.memory_space<vmem>> -> memref<8xi32, #tpu.memory_space<vmem>>
    %dma_start3A_78 = arith.constant 0 : i32
    %dma_start3A_79 = arith.constant 0 : i32
    %dma_start3A_80 = tpu.memref_slice %arg3[%dma_start3A_78, %dma_start3A_79] : memref<100000x768xf32, #tpu.memory_space<hbm>> -> memref<100000x768xf32, #tpu.memory_space<hbm>>
    %dma_start3A_81 = tpu.memref_slice %arg9[%dma_start3A_72] : memref<3x!tpu.dma_semaphore, #tpu.memory_space<semaphore_mem>> -> memref<1x!tpu.dma_semaphore, #tpu.memory_space<semaphore_mem>>
    %dma_start3A_82 = tpu.memref_squeeze %dma_start3A_81 : memref<1x!tpu.dma_semaphore, #tpu.memory_space<semaphore_mem>> -> memref<!tpu.dma_semaphore, #tpu.memory_space<semaphore_mem>>
    tpu.enqueue_indirect_dma source(%dma_start3A_80 : memref<100000x768xf32, #tpu.memory_space<hbm>>) target(%dma_start3A_75 : memref<8x768xf32, #tpu.memory_space<vmem>>) offsets(%dma_start3A_77 : memref<8xi32, #tpu.memory_space<vmem>>) semaphore(%dma_start3A_82 : memref<!tpu.dma_semaphore, #tpu.memory_space<semaphore_mem>>)
    %dma_start3A_83 = arith.constant 0 : i32
    %dma_start3A_84 = arith.constant 16 : i32
    %dma_start3A_85 = arith.constant 0 : i32
    %dma_start3A_86 = tpu.memref_slice %arg8[%dma_start3A_84, %dma_start3A_85] : memref<96x768xf32, #tpu.memory_space<vmem>> -> memref<8x768xf32, #tpu.memory_space<vmem>>
    %dma_start3A_87 = arith.constant 128 : i32
    %dma_start3A_88 = tpu.memref_slice %arg6[%dma_start3A_87] : memref<256xi32, #tpu.memory_space<vmem>> -> memref<8xi32, #tpu.memory_space<vmem>>
    %dma_start3A_89 = arith.constant 0 : i32
    %dma_start3A_90 = arith.constant 0 : i32
    %dma_start3A_91 = tpu.memref_slice %arg3[%dma_start3A_89, %dma_start3A_90] : memref<100000x768xf32, #tpu.memory_space<hbm>> -> memref<100000x768xf32, #tpu.memory_space<hbm>>
    %dma_start3A_92 = tpu.memref_slice %arg9[%dma_start3A_83] : memref<3x!tpu.dma_semaphore, #tpu.memory_space<semaphore_mem>> -> memref<1x!tpu.dma_semaphore, #tpu.memory_space<semaphore_mem>>
    %dma_start3A_93 = tpu.memref_squeeze %dma_start3A_92 : memref<1x!tpu.dma_semaphore, #tpu.memory_space<semaphore_mem>> -> memref<!tpu.dma_semaphore, #tpu.memory_space<semaphore_mem>>
    tpu.enqueue_indirect_dma source(%dma_start3A_91 : memref<100000x768xf32, #tpu.memory_space<hbm>>) target(%dma_start3A_86 : memref<8x768xf32, #tpu.memory_space<vmem>>) offsets(%dma_start3A_88 : memref<8xi32, #tpu.memory_space<vmem>>) semaphore(%dma_start3A_93 : memref<!tpu.dma_semaphore, #tpu.memory_space<semaphore_mem>>)
    %dma_start3A_94 = arith.constant 0 : i32
    %dma_start3A_95 = arith.constant 24 : i32
    %dma_start3A_96 = arith.constant 0 : i32
    %dma_start3A_97 = tpu.memref_slice %arg8[%dma_start3A_95, %dma_start3A_96] : memref<96x768xf32, #tpu.memory_space<vmem>> -> memref<8x768xf32, #tpu.memory_space<vmem>>
    %dma_start3A_98 = arith.constant 192 : i32
    %dma_start3A_99 = tpu.memref_slice %arg6[%dma_start3A_98] : memref<256xi32, #tpu.memory_space<vmem>> -> memref<8xi32, #tpu.memory_space<vmem>>
    %dma_start3A_100 = arith.constant 0 : i32
    %dma_start3A_101 = arith.constant 0 : i32
    %dma_start3A_102 = tpu.memref_slice %arg3[%dma_start3A_100, %dma_start3A_101] : memref<100000x768xf32, #tpu.memory_space<hbm>> -> memref<100000x768xf32, #tpu.memory_space<hbm>>
    %dma_start3A_103 = tpu.memref_slice %arg9[%dma_start3A_94] : memref<3x!tpu.dma_semaphore, #tpu.memory_space<semaphore_mem>> -> memref<1x!tpu.dma_semaphore, #tpu.memory_space<semaphore_mem>>
    %dma_start3A_104 = tpu.memref_squeeze %dma_start3A_103 : memref<1x!tpu.dma_semaphore, #tpu.memory_space<semaphore_mem>> -> memref<!tpu.dma_semaphore, #tpu.memory_space<semaphore_mem>>
    tpu.enqueue_indirect_dma source(%dma_start3A_102 : memref<100000x768xf32, #tpu.memory_space<hbm>>) target(%dma_start3A_97 : memref<8x768xf32, #tpu.memory_space<vmem>>) offsets(%dma_start3A_99 : memref<8xi32, #tpu.memory_space<vmem>>) semaphore(%dma_start3A_104 : memref<!tpu.dma_semaphore, #tpu.memory_space<semaphore_mem>>)
    %dma_start3A_105 = arith.constant 1 : i32
    %dma_start3A_106 = arith.constant 32 : i32
    %dma_start3A_107 = arith.constant 0 : i32
    %dma_start3A_108 = tpu.memref_slice %arg8[%dma_start3A_106, %dma_start3A_107] : memref<96x768xf32, #tpu.memory_space<vmem>> -> memref<8x768xf32, #tpu.memory_space<vmem>>
    %dma_start3A_109 = arith.constant 8 : i32
    %dma_start3A_110 = tpu.memref_slice %arg6[%dma_start3A_109] : memref<256xi32, #tpu.memory_space<vmem>> -> memref<8xi32, #tpu.memory_space<vmem>>
    %dma_start3A_111 = arith.constant 0 : i32
    %dma_start3A_112 = arith.constant 0 : i32
    %dma_start3A_113 = tpu.memref_slice %arg3[%dma_start3A_111, %dma_start3A_112] : memref<100000x768xf32, #tpu.memory_space<hbm>> -> memref<100000x768xf32, #tpu.memory_space<hbm>>
    %dma_start3A_114 = tpu.memref_slice %arg9[%dma_start3A_105] : memref<3x!tpu.dma_semaphore, #tpu.memory_space<semaphore_mem>> -> memref<1x!tpu.dma_semaphore, #tpu.memory_space<semaphore_mem>>
    %dma_start3A_115 = tpu.memref_squeeze %dma_start3A_114 : memref<1x!tpu.dma_semaphore, #tpu.memory_space<semaphore_mem>> -> memref<!tpu.dma_semaphore, #tpu.memory_space<semaphore_mem>>
    tpu.enqueue_indirect_dma source(%dma_start3A_113 : memref<100000x768xf32, #tpu.memory_space<hbm>>) target(%dma_start3A_108 : memref<8x768xf32, #tpu.memory_space<vmem>>) offsets(%dma_start3A_110 : memref<8xi32, #tpu.memory_space<vmem>>) semaphore(%dma_start3A_115 : memref<!tpu.dma_semaphore, #tpu.memory_space<semaphore_mem>>)
    %dma_start3A_116 = arith.constant 1 : i32
    %dma_start3A_117 = arith.constant 40 : i32
    %dma_start3A_118 = arith.constant 0 : i32
    %dma_start3A_119 = tpu.memref_slice %arg8[%dma_start3A_117, %dma_start3A_118] : memref<96x768xf32, #tpu.memory_space<vmem>> -> memref<8x768xf32, #tpu.memory_space<vmem>>
    %dma_start3A_120 = arith.constant 72 : i32
    %dma_start3A_121 = tpu.memref_slice %arg6[%dma_start3A_120] : memref<256xi32, #tpu.memory_space<vmem>> -> memref<8xi32, #tpu.memory_space<vmem>>
    %dma_start3A_122 = arith.constant 0 : i32
    %dma_start3A_123 = arith.constant 0 : i32
    %dma_start3A_124 = tpu.memref_slice %arg3[%dma_start3A_122, %dma_start3A_123] : memref<100000x768xf32, #tpu.memory_space<hbm>> -> memref<100000x768xf32, #tpu.memory_space<hbm>>
    %dma_start3A_125 = tpu.memref_slice %arg9[%dma_start3A_116] : memref<3x!tpu.dma_semaphore, #tpu.memory_space<semaphore_mem>> -> memref<1x!tpu.dma_semaphore, #tpu.memory_space<semaphore_mem>>
    %dma_start3A_126 = tpu.memref_squeeze %dma_start3A_125 : memref<1x!tpu.dma_semaphore, #tpu.memory_space<semaphore_mem>> -> memref<!tpu.dma_semaphore, #tpu.memory_space<semaphore_mem>>
    tpu.enqueue_indirect_dma source(%dma_start3A_124 : memref<100000x768xf32, #tpu.memory_space<hbm>>) target(%dma_start3A_119 : memref<8x768xf32, #tpu.memory_space<vmem>>) offsets(%dma_start3A_121 : memref<8xi32, #tpu.memory_space<vmem>>) semaphore(%dma_start3A_126 : memref<!tpu.dma_semaphore, #tpu.memory_space<semaphore_mem>>)
    %dma_start3A_127 = arith.constant 1 : i32
    %dma_start3A_128 = arith.constant 48 : i32
    %dma_start3A_129 = arith.constant 0 : i32
    %dma_start3A_130 = tpu.memref_slice %arg8[%dma_start3A_128, %dma_start3A_129] : memref<96x768xf32, #tpu.memory_space<vmem>> -> memref<8x768xf32, #tpu.memory_space<vmem>>
    %dma_start3A_131 = arith.constant 136 : i32
    %dma_start3A_132 = tpu.memref_slice %arg6[%dma_start3A_131] : memref<256xi32, #tpu.memory_space<vmem>> -> memref<8xi32, #tpu.memory_space<vmem>>
    %dma_start3A_133 = arith.constant 0 : i32
    %dma_start3A_134 = arith.constant 0 : i32
    %dma_start3A_135 = tpu.memref_slice %arg3[%dma_start3A_133, %dma_start3A_134] : memref<100000x768xf32, #tpu.memory_space<hbm>> -> memref<100000x768xf32, #tpu.memory_space<hbm>>
    %dma_start3A_136 = tpu.memref_slice %arg9[%dma_start3A_127] : memref<3x!tpu.dma_semaphore, #tpu.memory_space<semaphore_mem>> -> memref<1x!tpu.dma_semaphore, #tpu.memory_space<semaphore_mem>>
    %dma_start3A_137 = tpu.memref_squeeze %dma_start3A_136 : memref<1x!tpu.dma_semaphore, #tpu.memory_space<semaphore_mem>> -> memref<!tpu.dma_semaphore, #tpu.memory_space<semaphore_mem>>
    tpu.enqueue_indirect_dma source(%dma_start3A_135 : memref<100000x768xf32, #tpu.memory_space<hbm>>) target(%dma_start3A_130 : memref<8x768xf32, #tpu.memory_space<vmem>>) offsets(%dma_start3A_132 : memref<8xi32, #tpu.memory_space<vmem>>) semaphore(%dma_start3A_137 : memref<!tpu.dma_semaphore, #tpu.memory_space<semaphore_mem>>)
    %dma_start3A_138 = arith.constant 1 : i32
    %dma_start3A_139 = arith.constant 56 : i32
    %dma_start3A_140 = arith.constant 0 : i32
    %dma_start3A_141 = tpu.memref_slice %arg8[%dma_start3A_139, %dma_start3A_140] : memref<96x768xf32, #tpu.memory_space<vmem>> -> memref<8x768xf32, #tpu.memory_space<vmem>>
    %dma_start3A_142 = arith.constant 200 : i32
    %dma_start3A_143 = tpu.memref_slice %arg6[%dma_start3A_142] : memref<256xi32, #tpu.memory_space<vmem>> -> memref<8xi32, #tpu.memory_space<vmem>>
    %dma_start3A_144 = arith.constant 0 : i32
    %dma_start3A_145 = arith.constant 0 : i32
    %dma_start3A_146 = tpu.memref_slice %arg3[%dma_start3A_144, %dma_start3A_145] : memref<100000x768xf32, #tpu.memory_space<hbm>> -> memref<100000x768xf32, #tpu.memory_space<hbm>>
    %dma_start3A_147 = tpu.memref_slice %arg9[%dma_start3A_138] : memref<3x!tpu.dma_semaphore, #tpu.memory_space<semaphore_mem>> -> memref<1x!tpu.dma_semaphore, #tpu.memory_space<semaphore_mem>>
    %dma_start3A_148 = tpu.memref_squeeze %dma_start3A_147 : memref<1x!tpu.dma_semaphore, #tpu.memory_space<semaphore_mem>> -> memref<!tpu.dma_semaphore, #tpu.memory_space<semaphore_mem>>
    tpu.enqueue_indirect_dma source(%dma_start3A_146 : memref<100000x768xf32, #tpu.memory_space<hbm>>) target(%dma_start3A_141 : memref<8x768xf32, #tpu.memory_space<vmem>>) offsets(%dma_start3A_143 : memref<8xi32, #tpu.memory_space<vmem>>) semaphore(%dma_start3A_148 : memref<!tpu.dma_semaphore, #tpu.memory_space<semaphore_mem>>)
    %dma_wait3A_149 = arith.constant 0 : i32
    %dma_wait3A_150 = tpu.memref_slice %arg4[%mul3A_2, %dma_wait3A_149] : memref<2048x768xf32, #tpu.memory_space<hbm>> -> memref<64x768xf32, #tpu.memory_space<hbm>>
    %dma_wait3A_151 = arith.constant 0 : i32
    %dma_wait3A_152 = tpu.memref_slice %arg4[%mul3A_2, %dma_wait3A_151] : memref<2048x768xf32, #tpu.memory_space<hbm>> -> memref<64x768xf32, #tpu.memory_space<hbm>>
    tpu.wait_dma2 semaphore(%arg12 : memref<!tpu.dma_semaphore, #tpu.memory_space<semaphore_mem>>) src(%dma_wait3A_152 : memref<64x768xf32, #tpu.memory_space<hbm>>) dst(%arg7 : memref<64x768xf32, #tpu.memory_space<vmem>>)
    %scan3A = arith.constant 0 : i32
    %scan3A_153 = arith.constant 0 : i32
    %scan3A_154 = arith.constant 8 : i32
    %scan3A_155 = arith.addi %scan3A_153, %scan3A_154 : i32
    %scan3A_156 = arith.constant 1 : i32
    %scan3A_157 = scf.for %scan3A_363 = %scan3A_153 to %scan3A_155 step %scan3A_156 iter_args(%scan3A_364 = %scan3A) -> (i32)  : i32 {
      %rem3A = arith.constant 3 : i32
      %rem3A_365 = arith.remsi %scan3A_363, %rem3A : i32
      %mul3A_366 = arith.constant 8 : i32
      %mul3A_367 = arith.muli %scan3A_363, %mul3A_366 : i32
      %add3A_368 = arith.constant 0 : i32
      %add3A_369 = arith.addi %add3A_368, %mul3A_367 : i32
      %mul3A_370 = arith.constant 32 : i32
      %mul3A_371 = arith.muli %rem3A_365, %mul3A_370 : i32
      %add3A_372 = arith.constant 0 : i32
      %add3A_373 = arith.addi %mul3A_371, %add3A_372 : i32
      %mul3A_374 = arith.constant 8 : i32
      %mul3A_375 = arith.muli %scan3A_363, %mul3A_374 : i32
      %add3A_376 = arith.constant 64 : i32
      %add3A_377 = arith.addi %add3A_376, %mul3A_375 : i32
      %mul3A_378 = arith.constant 32 : i32
      %mul3A_379 = arith.muli %rem3A_365, %mul3A_378 : i32
      %add3A_380 = arith.constant 8 : i32
      %add3A_381 = arith.addi %mul3A_379, %add3A_380 : i32
      %mul3A_382 = arith.constant 8 : i32
      %mul3A_383 = arith.muli %scan3A_363, %mul3A_382 : i32
      %add3A_384 = arith.constant 128 : i32
      %add3A_385 = arith.addi %add3A_384, %mul3A_383 : i32
      %mul3A_386 = arith.constant 32 : i32
      %mul3A_387 = arith.muli %rem3A_365, %mul3A_386 : i32
      %add3A_388 = arith.constant 16 : i32
      %add3A_389 = arith.addi %mul3A_387, %add3A_388 : i32
      %mul3A_390 = arith.constant 8 : i32
      %mul3A_391 = arith.muli %scan3A_363, %mul3A_390 : i32
      %add3A_392 = arith.constant 192 : i32
      %add3A_393 = arith.addi %add3A_392, %mul3A_391 : i32
      %mul3A_394 = arith.constant 32 : i32
      %mul3A_395 = arith.muli %rem3A_365, %mul3A_394 : i32
      %add3A_396 = arith.constant 24 : i32
      %add3A_397 = arith.addi %mul3A_395, %add3A_396 : i32
      %dma_wait3A_398 = arith.constant 0 : i32
      %dma_wait3A_399 = tpu.memref_slice %arg8[%add3A_373, %dma_wait3A_398] : memref<96x768xf32, #tpu.memory_space<vmem>> -> memref<8x768xf32, #tpu.memory_space<vmem>>
      %dma_wait3A_400 = tpu.memref_slice %arg6[%add3A_369] : memref<256xi32, #tpu.memory_space<vmem>> -> memref<8xi32, #tpu.memory_space<vmem>>
      %dma_wait3A_401 = arith.constant 0 : i32
      %dma_wait3A_402 = arith.constant 0 : i32
      %dma_wait3A_403 = tpu.memref_slice %arg3[%dma_wait3A_401, %dma_wait3A_402] : memref<100000x768xf32, #tpu.memory_space<hbm>> -> memref<100000x768xf32, #tpu.memory_space<hbm>>
      %dma_wait3A_404 = tpu.memref_slice %arg9[%rem3A_365] : memref<3x!tpu.dma_semaphore, #tpu.memory_space<semaphore_mem>> -> memref<1x!tpu.dma_semaphore, #tpu.memory_space<semaphore_mem>>
      %dma_wait3A_405 = tpu.memref_squeeze %dma_wait3A_404 : memref<1x!tpu.dma_semaphore, #tpu.memory_space<semaphore_mem>> -> memref<!tpu.dma_semaphore, #tpu.memory_space<semaphore_mem>>
      tpu.wait_indirect_dma semaphore(%dma_wait3A_405 : memref<!tpu.dma_semaphore, #tpu.memory_space<semaphore_mem>>) src(%dma_wait3A_403 : memref<100000x768xf32, #tpu.memory_space<hbm>>) dst(%dma_wait3A_399 : memref<8x768xf32, #tpu.memory_space<vmem>>)
      %dma_wait3A_406 = arith.constant 0 : i32
      %dma_wait3A_407 = tpu.memref_slice %arg8[%add3A_381, %dma_wait3A_406] : memref<96x768xf32, #tpu.memory_space<vmem>> -> memref<8x768xf32, #tpu.memory_space<vmem>>
      %dma_wait3A_408 = tpu.memref_slice %arg6[%add3A_377] : memref<256xi32, #tpu.memory_space<vmem>> -> memref<8xi32, #tpu.memory_space<vmem>>
      %dma_wait3A_409 = arith.constant 0 : i32
      %dma_wait3A_410 = arith.constant 0 : i32
      %dma_wait3A_411 = tpu.memref_slice %arg3[%dma_wait3A_409, %dma_wait3A_410] : memref<100000x768xf32, #tpu.memory_space<hbm>> -> memref<100000x768xf32, #tpu.memory_space<hbm>>
      %dma_wait3A_412 = tpu.memref_slice %arg9[%rem3A_365] : memref<3x!tpu.dma_semaphore, #tpu.memory_space<semaphore_mem>> -> memref<1x!tpu.dma_semaphore, #tpu.memory_space<semaphore_mem>>
      %dma_wait3A_413 = tpu.memref_squeeze %dma_wait3A_412 : memref<1x!tpu.dma_semaphore, #tpu.memory_space<semaphore_mem>> -> memref<!tpu.dma_semaphore, #tpu.memory_space<semaphore_mem>>
      tpu.wait_indirect_dma semaphore(%dma_wait3A_413 : memref<!tpu.dma_semaphore, #tpu.memory_space<semaphore_mem>>) src(%dma_wait3A_411 : memref<100000x768xf32, #tpu.memory_space<hbm>>) dst(%dma_wait3A_407 : memref<8x768xf32, #tpu.memory_space<vmem>>)
      %dma_wait3A_414 = arith.constant 0 : i32
      %dma_wait3A_415 = tpu.memref_slice %arg8[%add3A_389, %dma_wait3A_414] : memref<96x768xf32, #tpu.memory_space<vmem>> -> memref<8x768xf32, #tpu.memory_space<vmem>>
      %dma_wait3A_416 = tpu.memref_slice %arg6[%add3A_385] : memref<256xi32, #tpu.memory_space<vmem>> -> memref<8xi32, #tpu.memory_space<vmem>>
      %dma_wait3A_417 = arith.constant 0 : i32
      %dma_wait3A_418 = arith.constant 0 : i32
      %dma_wait3A_419 = tpu.memref_slice %arg3[%dma_wait3A_417, %dma_wait3A_418] : memref<100000x768xf32, #tpu.memory_space<hbm>> -> memref<100000x768xf32, #tpu.memory_space<hbm>>
      %dma_wait3A_420 = tpu.memref_slice %arg9[%rem3A_365] : memref<3x!tpu.dma_semaphore, #tpu.memory_space<semaphore_mem>> -> memref<1x!tpu.dma_semaphore, #tpu.memory_space<semaphore_mem>>
      %dma_wait3A_421 = tpu.memref_squeeze %dma_wait3A_420 : memref<1x!tpu.dma_semaphore, #tpu.memory_space<semaphore_mem>> -> memref<!tpu.dma_semaphore, #tpu.memory_space<semaphore_mem>>
      tpu.wait_indirect_dma semaphore(%dma_wait3A_421 : memref<!tpu.dma_semaphore, #tpu.memory_space<semaphore_mem>>) src(%dma_wait3A_419 : memref<100000x768xf32, #tpu.memory_space<hbm>>) dst(%dma_wait3A_415 : memref<8x768xf32, #tpu.memory_space<vmem>>)
      %dma_wait3A_422 = arith.constant 0 : i32
      %dma_wait3A_423 = tpu.memref_slice %arg8[%add3A_397, %dma_wait3A_422] : memref<96x768xf32, #tpu.memory_space<vmem>> -> memref<8x768xf32, #tpu.memory_space<vmem>>
      %dma_wait3A_424 = tpu.memref_slice %arg6[%add3A_393] : memref<256xi32, #tpu.memory_space<vmem>> -> memref<8xi32, #tpu.memory_space<vmem>>
      %dma_wait3A_425 = arith.constant 0 : i32
      %dma_wait3A_426 = arith.constant 0 : i32
      %dma_wait3A_427 = tpu.memref_slice %arg3[%dma_wait3A_425, %dma_wait3A_426] : memref<100000x768xf32, #tpu.memory_space<hbm>> -> memref<100000x768xf32, #tpu.memory_space<hbm>>
      %dma_wait3A_428 = tpu.memref_slice %arg9[%rem3A_365] : memref<3x!tpu.dma_semaphore, #tpu.memory_space<semaphore_mem>> -> memref<1x!tpu.dma_semaphore, #tpu.memory_space<semaphore_mem>>
      %dma_wait3A_429 = tpu.memref_squeeze %dma_wait3A_428 : memref<1x!tpu.dma_semaphore, #tpu.memory_space<semaphore_mem>> -> memref<!tpu.dma_semaphore, #tpu.memory_space<semaphore_mem>>
      tpu.wait_indirect_dma semaphore(%dma_wait3A_429 : memref<!tpu.dma_semaphore, #tpu.memory_space<semaphore_mem>>) src(%dma_wait3A_427 : memref<100000x768xf32, #tpu.memory_space<hbm>>) dst(%dma_wait3A_423 : memref<8x768xf32, #tpu.memory_space<vmem>>)
      %scan3A_430 = arith.constant 0 : i32
      %scan3A_431 = arith.constant 0 : i32
      %scan3A_432 = arith.constant 8 : i32
      %scan3A_433 = arith.addi %scan3A_431, %scan3A_432 : i32
      %scan3A_434 = arith.constant 1 : i32
      %scan3A_435 = scf.for %scan3A_520 = %scan3A_431 to %scan3A_433 step %scan3A_434 iter_args(%scan3A_521 = %scan3A_430) -> (i32)  : i32 {
        %mul3A_522 = arith.constant 8 : i32
        %mul3A_523 = arith.muli %scan3A_363, %mul3A_522 : i32
        %add3A_524 = arith.addi %mul3A_523, %scan3A_520 : i32
        %get3A = arith.index_cast %add3A_524 : i32 to index
        %get3A_525 = arith.constant 0 : index
        %get3A_526 = tpu.vector_load %arg7[%get3A, %get3A_525] {strides = array<i32>} : memref<64x768xf32, #tpu.memory_space<vmem>>, vector<1x16xf32>,
        %get3A_527 = vector.shape_cast %get3A_526 : vector<1x16xf32> to vector<16xf32>
        %mul3A_528 = arith.constant 32 : i32
        %mul3A_529 = arith.muli %rem3A_365, %mul3A_528 : i32
        %add3A_530 = arith.constant 0 : i32
        %add3A_531 = arith.addi %mul3A_529, %add3A_530 : i32
        %add3A_532 = arith.addi %add3A_531, %scan3A_520 : i32
        %swap3A = arith.index_cast %add3A_532 : i32 to index
        %swap3A_533 = arith.constant 0 : index
        %swap3A_534 = tpu.vector_load %arg8[%swap3A, %swap3A_533] {strides = array<i32>} : memref<96x768xf32, #tpu.memory_space<vmem>>, vector<1x16xf32>,
        %swap3A_535 = vector.shape_cast %swap3A_534 : vector<1x16xf32> to vector<16xf32>
        %swap3A_536 = vector.shape_cast %get3A_527 : vector<16xf32> to vector<1x16xf32>
        tpu.vector_store %arg8[%swap3A, %swap3A_533], %swap3A_536 {add = true, strides = array<i32>} : memref<96x768xf32, #tpu.memory_space<vmem>>, vector<1x16xf32>,
        %mul3A_537 = arith.constant 32 : i32
        %mul3A_538 = arith.muli %rem3A_365, %mul3A_537 : i32
        %add3A_539 = arith.constant 8 : i32
        %add3A_540 = arith.addi %mul3A_538, %add3A_539 : i32
        %add3A_541 = arith.addi %add3A_540, %scan3A_520 : i32
        %swap3A_542 = arith.index_cast %add3A_541 : i32 to index
        %swap3A_543 = arith.constant 0 : index
        %swap3A_544 = tpu.vector_load %arg8[%swap3A_542, %swap3A_543] {strides = array<i32>} : memref<96x768xf32, #tpu.memory_space<vmem>>, vector<1x16xf32>,
        %swap3A_545 = vector.shape_cast %swap3A_544 : vector<1x16xf32> to vector<16xf32>
        %swap3A_546 = vector.shape_cast %get3A_527 : vector<16xf32> to vector<1x16xf32>
        tpu.vector_store %arg8[%swap3A_542, %swap3A_543], %swap3A_546 {add = true, strides = array<i32>} : memref<96x768xf32, #tpu.memory_space<vmem>>, vector<1x16xf32>,
        %mul3A_547 = arith.constant 32 : i32
        %mul3A_548 = arith.muli %rem3A_365, %mul3A_547 : i32
        %add3A_549 = arith.constant 16 : i32
        %add3A_550 = arith.addi %mul3A_548, %add3A_549 : i32
        %add3A_551 = arith.addi %add3A_550, %scan3A_520 : i32
        %swap3A_552 = arith.index_cast %add3A_551 : i32 to index
        %swap3A_553 = arith.constant 0 : index
        %swap3A_554 = tpu.vector_load %arg8[%swap3A_552, %swap3A_553] {strides = array<i32>} : memref<96x768xf32, #tpu.memory_space<vmem>>, vector<1x16xf32>,
        %swap3A_555 = vector.shape_cast %swap3A_554 : vector<1x16xf32> to vector<16xf32>
        %swap3A_556 = vector.shape_cast %get3A_527 : vector<16xf32> to vector<1x16xf32>
        tpu.vector_store %arg8[%swap3A_552, %swap3A_553], %swap3A_556 {add = true, strides = array<i32>} : memref<96x768xf32, #tpu.memory_space<vmem>>, vector<1x16xf32>,
        %mul3A_557 = arith.constant 32 : i32
        %mul3A_558 = arith.muli %rem3A_365, %mul3A_557 : i32
        %add3A_559 = arith.constant 24 : i32
        %add3A_560 = arith.addi %mul3A_558, %add3A_559 : i32
        %add3A_561 = arith.addi %add3A_560, %scan3A_520 : i32
        %swap3A_562 = arith.index_cast %add3A_561 : i32 to index
        %swap3A_563 = arith.constant 0 : index
        %swap3A_564 = tpu.vector_load %arg8[%swap3A_562, %swap3A_563] {strides = array<i32>} : memref<96x768xf32, #tpu.memory_space<vmem>>, vector<1x16xf32>,
        %swap3A_565 = vector.shape_cast %swap3A_564 : vector<1x16xf32> to vector<16xf32>
        %swap3A_566 = vector.shape_cast %get3A_527 : vector<16xf32> to vector<1x16xf32>
        tpu.vector_store %arg8[%swap3A_562, %swap3A_563], %swap3A_566 {add = true, strides = array<i32>} : memref<96x768xf32, #tpu.memory_space<vmem>>, vector<1x16xf32>,
        %get3A_567 = arith.index_cast %add3A_524 : i32 to index
        %get3A_568 = arith.constant 16 : index
        %get3A_569 = tpu.vector_load %arg7[%get3A_567, %get3A_568] {strides = array<i32>} : memref<64x768xf32, #tpu.memory_space<vmem>>, vector<1x16xf32>,
        %get3A_570 = vector.shape_cast %get3A_569 : vector<1x16xf32> to vector<16xf32>
        %mul3A_571 = arith.constant 32 : i32
        %mul3A_572 = arith.muli %rem3A_365, %mul3A_571 : i32
        %add3A_573 = arith.constant 0 : i32
        %add3A_574 = arith.addi %mul3A_572, %add3A_573 : i32
        %add3A_575 = arith.addi %add3A_574, %scan3A_520 : i32
        %swap3A_576 = arith.index_cast %add3A_575 : i32 to index
        %swap3A_577 = arith.constant 16 : index
        %swap3A_578 = tpu.vector_load %arg8[%swap3A_576, %swap3A_577] {strides = array<i32>} : memref<96x768xf32, #tpu.memory_space<vmem>>, vector<1x16xf32>,
        %swap3A_579 = vector.shape_cast %swap3A_578 : vector<1x16xf32> to vector<16xf32>
        %swap3A_580 = vector.shape_cast %get3A_570 : vector<16xf32> to vector<1x16xf32>
        tpu.vector_store %arg8[%swap3A_576, %swap3A_577], %swap3A_580 {add = true, strides = array<i32>} : memref<96x768xf32, #tpu.memory_space<vmem>>, vector<1x16xf32>,
        %mul3A_581 = arith.constant 32 : i32
        %mul3A_582 = arith.muli %rem3A_365, %mul3A_581 : i32
        %add3A_583 = arith.constant 8 : i32
        %add3A_584 = arith.addi %mul3A_582, %add3A_583 : i32
        %add3A_585 = arith.addi %add3A_584, %scan3A_520 : i32
        %swap3A_586 = arith.index_cast %add3A_585 : i32 to index
        %swap3A_587 = arith.constant 16 : index
        %swap3A_588 = tpu.vector_load %arg8[%swap3A_586, %swap3A_587] {strides = array<i32>} : memref<96x768xf32, #tpu.memory_space<vmem>>, vector<1x16xf32>,
        %swap3A_589 = vector.shape_cast %swap3A_588 : vector<1x16xf32> to vector<16xf32>
        %swap3A_590 = vector.shape_cast %get3A_570 : vector<16xf32> to vector<1x16xf32>
        tpu.vector_store %arg8[%swap3A_586, %swap3A_587], %swap3A_590 {add = true, strides = array<i32>} : memref<96x768xf32, #tpu.memory_space<vmem>>, vector<1x16xf32>,
        %mul3A_591 = arith.constant 32 : i32
        %mul3A_592 = arith.muli %rem3A_365, %mul3A_591 : i32
        %add3A_593 = arith.constant 16 : i32
        %add3A_594 = arith.addi %mul3A_592, %add3A_593 : i32
        %add3A_595 = arith.addi %add3A_594, %scan3A_520 : i32
        %swap3A_596 = arith.index_cast %add3A_595 : i32 to index
        %swap3A_597 = arith.constant 16 : index
        %swap3A_598 = tpu.vector_load %arg8[%swap3A_596, %swap3A_597] {strides = array<i32>} : memref<96x768xf32, #tpu.memory_space<vmem>>, vector<1x16xf32>,
        %swap3A_599 = vector.shape_cast %swap3A_598 : vector<1x16xf32> to vector<16xf32>
        %swap3A_600 = vector.shape_cast %get3A_570 : vector<16xf32> to vector<1x16xf32>
        tpu.vector_store %arg8[%swap3A_596, %swap3A_597], %swap3A_600 {add = true, strides = array<i32>} : memref<96x768xf32, #tpu.memory_space<vmem>>, vector<1x16xf32>,
        %mul3A_601 = arith.constant 32 : i32
        %mul3A_602 = arith.muli %rem3A_365, %mul3A_601 : i32
        %add3A_603 = arith.constant 24 : i32
        %add3A_604 = arith.addi %mul3A_602, %add3A_603 : i32
        %add3A_605 = arith.addi %add3A_604, %scan3A_520 : i32
        %swap3A_606 = arith.index_cast %add3A_605 : i32 to index
        %swap3A_607 = arith.constant 16 : index
        %swap3A_608 = tpu.vector_load %arg8[%swap3A_606, %swap3A_607] {strides = array<i32>} : memref<96x768xf32, #tpu.memory_space<vmem>>, vector<1x16xf32>,
        %swap3A_609 = vector.shape_cast %swap3A_608 : vector<1x16xf32> to vector<16xf32>
        %swap3A_610 = vector.shape_cast %get3A_570 : vector<16xf32> to vector<1x16xf32>
        tpu.vector_store %arg8[%swap3A_606, %swap3A_607], %swap3A_610 {add = true, strides = array<i32>} : memref<96x768xf32, #tpu.memory_space<vmem>>, vector<1x16xf32>,
        %get3A_611 = arith.index_cast %add3A_524 : i32 to index
        %get3A_612 = arith.constant 32 : index
        %get3A_613 = tpu.vector_load %arg7[%get3A_611, %get3A_612] {strides = array<i32>} : memref<64x768xf32, #tpu.memory_space<vmem>>, vector<1x16xf32>,
        %get3A_614 = vector.shape_cast %get3A_613 : vector<1x16xf32> to vector<16xf32>
        %mul3A_615 = arith.constant 32 : i32
        %mul3A_616 = arith.muli %rem3A_365, %mul3A_615 : i32
        %add3A_617 = arith.constant 0 : i32
        %add3A_618 = arith.addi %mul3A_616, %add3A_617 : i32
        %add3A_619 = arith.addi %add3A_618, %scan3A_520 : i32
        %swap3A_620 = arith.index_cast %add3A_619 : i32 to index
        %swap3A_621 = arith.constant 32 : index
        %swap3A_622 = tpu.vector_load %arg8[%swap3A_620, %swap3A_621] {strides = array<i32>} : memref<96x768xf32, #tpu.memory_space<vmem>>, vector<1x16xf32>,
        %swap3A_623 = vector.shape_cast %swap3A_622 : vector<1x16xf32> to vector<16xf32>
        %swap3A_624 = vector.shape_cast %get3A_614 : vector<16xf32> to vector<1x16xf32>
        tpu.vector_store %arg8[%swap3A_620, %swap3A_621], %swap3A_624 {add = true, strides = array<i32>} : memref<96x768xf32, #tpu.memory_space<vmem>>, vector<1x16xf32>,
        %mul3A_625 = arith.constant 32 : i32
        %mul3A_626 = arith.muli %rem3A_365, %mul3A_625 : i32
        %add3A_627 = arith.constant 8 : i32
        %add3A_628 = arith.addi %mul3A_626, %add3A_627 : i32
        %add3A_629 = arith.addi %add3A_628, %scan3A_520 : i32
        %swap3A_630 = arith.index_cast %add3A_629 : i32 to index
        %swap3A_631 = arith.constant 32 : index
        %swap3A_632 = tpu.vector_load %arg8[%swap3A_630, %swap3A_631] {strides = array<i32>} : memref<96x768xf32, #tpu.memory_space<vmem>>, vector<1x16xf32>,
        %swap3A_633 = vector.shape_cast %swap3A_632 : vector<1x16xf32> to vector<16xf32>
        %swap3A_634 = vector.shape_cast %get3A_614 : vector<16xf32> to vector<1x16xf32>
        tpu.vector_store %arg8[%swap3A_630, %swap3A_631], %swap3A_634 {add = true, strides = array<i32>} : memref<96x768xf32, #tpu.memory_space<vmem>>, vector<1x16xf32>,
        %mul3A_635 = arith.constant 32 : i32
        %mul3A_636 = arith.muli %rem3A_365, %mul3A_635 : i32
        %add3A_637 = arith.constant 16 : i32
        %add3A_638 = arith.addi %mul3A_636, %add3A_637 : i32
        %add3A_639 = arith.addi %add3A_638, %scan3A_520 : i32
        %swap3A_640 = arith.index_cast %add3A_639 : i32 to index
        %swap3A_641 = arith.constant 32 : index
        %swap3A_642 = tpu.vector_load %arg8[%swap3A_640, %swap3A_641] {strides = array<i32>} : memref<96x768xf32, #tpu.memory_space<vmem>>, vector<1x16xf32>,
        %swap3A_643 = vector.shape_cast %swap3A_642 : vector<1x16xf32> to vector<16xf32>
        %swap3A_644 = vector.shape_cast %get3A_614 : vector<16xf32> to vector<1x16xf32>
        tpu.vector_store %arg8[%swap3A_640, %swap3A_641], %swap3A_644 {add = true, strides = array<i32>} : memref<96x768xf32, #tpu.memory_space<vmem>>, vector<1x16xf32>,
        %mul3A_645 = arith.constant 32 : i32
        %mul3A_646 = arith.muli %rem3A_365, %mul3A_645 : i32
        %add3A_647 = arith.constant 24 : i32
        %add3A_648 = arith.addi %mul3A_646, %add3A_647 : i32
        %add3A_649 = arith.addi %add3A_648, %scan3A_520 : i32
        %swap3A_650 = arith.index_cast %add3A_649 : i32 to index
        %swap3A_651 = arith.constant 32 : index
        %swap3A_652 = tpu.vector_load %arg8[%swap3A_650, %swap3A_651] {strides = array<i32>} : memref<96x768xf32, #tpu.memory_space<vmem>>, vector<1x16xf32>,
        %swap3A_653 = vector.shape_cast %swap3A_652 : vector<1x16xf32> to vector<16xf32>
        %swap3A_654 = vector.shape_cast %get3A_614 : vector<16xf32> to vector<1x16xf32>
        tpu.vector_store %arg8[%swap3A_650, %swap3A_651], %swap3A_654 {add = true, strides = array<i32>} : memref<96x768xf32, #tpu.memory_space<vmem>>, vector<1x16xf32>,
        %get3A_655 = arith.index_cast %add3A_524 : i32 to index
        %get3A_656 = arith.constant 48 : index
        %get3A_657 = tpu.vector_load %arg7[%get3A_655, %get3A_656] {strides = array<i32>} : memref<64x768xf32, #tpu.memory_space<vmem>>, vector<1x16xf32>,
        %get3A_658 = vector.shape_cast %get3A_657 : vector<1x16xf32> to vector<16xf32>
        %mul3A_659 = arith.constant 32 : i32
        %mul3A_660 = arith.muli %rem3A_365, %mul3A_659 : i32
        %add3A_661 = arith.constant 0 : i32
        %add3A_662 = arith.addi %mul3A_660, %add3A_661 : i32
        %add3A_663 = arith.addi %add3A_662, %scan3A_520 : i32
        %swap3A_664 = arith.index_cast %add3A_663 : i32 to index
        %swap3A_665 = arith.constant 48 : index
        %swap3A_666 = tpu.vector_load %arg8[%swap3A_664, %swap3A_665] {strides = array<i32>} : memref<96x768xf32, #tpu.memory_space<vmem>>, vector<1x16xf32>,
        %swap3A_667 = vector.shape_cast %swap3A_666 : vector<1x16xf32> to vector<16xf32>
        %swap3A_668 = vector.shape_cast %get3A_658 : vector<16xf32> to vector<1x16xf32>
        tpu.vector_store %arg8[%swap3A_664, %swap3A_665], %swap3A_668 {add = true, strides = array<i32>} : memref<96x768xf32, #tpu.memory_space<vmem>>, vector<1x16xf32>,
        %mul3A_669 = arith.constant 32 : i32
        %mul3A_670 = arith.muli %rem3A_365, %mul3A_669 : i32
        %add3A_671 = arith.constant 8 : i32
        %add3A_672 = arith.addi %mul3A_670, %add3A_671 : i32
        %add3A_673 = arith.addi %add3A_672, %scan3A_520 : i32
        %swap3A_674 = arith.index_cast %add3A_673 : i32 to index
        %swap3A_675 = arith.constant 48 : index
        %swap3A_676 = tpu.vector_load %arg8[%swap3A_674, %swap3A_675] {strides = array<i32>} : memref<96x768xf32, #tpu.memory_space<vmem>>, vector<1x16xf32>,
        %swap3A_677 = vector.shape_cast %swap3A_676 : vector<1x16xf32> to vector<16xf32>
        %swap3A_678 = vector.shape_cast %get3A_658 : vector<16xf32> to vector<1x16xf32>
        tpu.vector_store %arg8[%swap3A_674, %swap3A_675], %swap3A_678 {add = true, strides = array<i32>} : memref<96x768xf32, #tpu.memory_space<vmem>>, vector<1x16xf32>,
        %mul3A_679 = arith.constant 32 : i32
        %mul3A_680 = arith.muli %rem3A_365, %mul3A_679 : i32
        %add3A_681 = arith.constant 16 : i32
        %add3A_682 = arith.addi %mul3A_680, %add3A_681 : i32
        %add3A_683 = arith.addi %add3A_682, %scan3A_520 : i32
        %swap3A_684 = arith.index_cast %add3A_683 : i32 to index
        %swap3A_685 = arith.constant 48 : index
        %swap3A_686 = tpu.vector_load %arg8[%swap3A_684, %swap3A_685] {strides = array<i32>} : memref<96x768xf32, #tpu.memory_space<vmem>>, vector<1x16xf32>,
        %swap3A_687 = vector.shape_cast %swap3A_686 : vector<1x16xf32> to vector<16xf32>
        %swap3A_688 = vector.shape_cast %get3A_658 : vector<16xf32> to vector<1x16xf32>
        tpu.vector_store %arg8[%swap3A_684, %swap3A_685], %swap3A_688 {add = true, strides = array<i32>} : memref<96x768xf32, #tpu.memory_space<vmem>>, vector<1x16xf32>,
        %mul3A_689 = arith.constant 32 : i32
        %mul3A_690 = arith.muli %rem3A_365, %mul3A_689 : i32
        %add3A_691 = arith.constant 24 : i32
        %add3A_692 = arith.addi %mul3A_690, %add3A_691 : i32
        %add3A_693 = arith.addi %add3A_692, %scan3A_520 : i32
        %swap3A_694 = arith.index_cast %add3A_693 : i32 to index
        %swap3A_695 = arith.constant 48 : index
        %swap3A_696 = tpu.vector_load %arg8[%swap3A_694, %swap3A_695] {strides = array<i32>} : memref<96x768xf32, #tpu.memory_space<vmem>>, vector<1x16xf32>,
        %swap3A_697 = vector.shape_cast %swap3A_696 : vector<1x16xf32> to vector<16xf32>
        %swap3A_698 = vector.shape_cast %get3A_658 : vector<16xf32> to vector<1x16xf32>
        tpu.vector_store %arg8[%swap3A_694, %swap3A_695], %swap3A_698 {add = true, strides = array<i32>} : memref<96x768xf32, #tpu.memory_space<vmem>>, vector<1x16xf32>,
        %get3A_699 = arith.index_cast %add3A_524 : i32 to index
        %get3A_700 = arith.constant 64 : index
        %get3A_701 = tpu.vector_load %arg7[%get3A_699, %get3A_700] {strides = array<i32>} : memref<64x768xf32, #tpu.memory_space<vmem>>, vector<1x16xf32>,
        %get3A_702 = vector.shape_cast %get3A_701 : vector<1x16xf32> to vector<16xf32>
        %mul3A_703 = arith.constant 32 : i32
        %mul3A_704 = arith.muli %rem3A_365, %mul3A_703 : i32
        %add3A_705 = arith.constant 0 : i32
        %add3A_706 = arith.addi %mul3A_704, %add3A_705 : i32
        %add3A_707 = arith.addi %add3A_706, %scan3A_520 : i32
        %swap3A_708 = arith.index_cast %add3A_707 : i32 to index
        %swap3A_709 = arith.constant 64 : index
        %swap3A_710 = tpu.vector_load %arg8[%swap3A_708, %swap3A_709] {strides = array<i32>} : memref<96x768xf32, #tpu.memory_space<vmem>>, vector<1x16xf32>,
        %swap3A_711 = vector.shape_cast %swap3A_710 : vector<1x16xf32> to vector<16xf32>
        %swap3A_712 = vector.shape_cast %get3A_702 : vector<16xf32> to vector<1x16xf32>
        tpu.vector_store %arg8[%swap3A_708, %swap3A_709], %swap3A_712 {add = true, strides = array<i32>} : memref<96x768xf32, #tpu.memory_space<vmem>>, vector<1x16xf32>,
        %mul3A_713 = arith.constant 32 : i32
        %mul3A_714 = arith.muli %rem3A_365, %mul3A_713 : i32
        %add3A_715 = arith.constant 8 : i32
        %add3A_716 = arith.addi %mul3A_714, %add3A_715 : i32
        %add3A_717 = arith.addi %add3A_716, %scan3A_520 : i32
        %swap3A_718 = arith.index_cast %add3A_717 : i32 to index
        %swap3A_719 = arith.constant 64 : index
        %swap3A_720 = tpu.vector_load %arg8[%swap3A_718, %swap3A_719] {strides = array<i32>} : memref<96x768xf32, #tpu.memory_space<vmem>>, vector<1x16xf32>,
        %swap3A_721 = vector.shape_cast %swap3A_720 : vector<1x16xf32> to vector<16xf32>
        %swap3A_722 = vector.shape_cast %get3A_702 : vector<16xf32> to vector<1x16xf32>
        tpu.vector_store %arg8[%swap3A_718, %swap3A_719], %swap3A_722 {add = true, strides = array<i32>} : memref<96x768xf32, #tpu.memory_space<vmem>>, vector<1x16xf32>,
        %mul3A_723 = arith.constant 32 : i32
        %mul3A_724 = arith.muli %rem3A_365, %mul3A_723 : i32
        %add3A_725 = arith.constant 16 : i32
        %add3A_726 = arith.addi %mul3A_724, %add3A_725 : i32
        %add3A_727 = arith.addi %add3A_726, %scan3A_520 : i32
        %swap3A_728 = arith.index_cast %add3A_727 : i32 to index
        %swap3A_729 = arith.constant 64 : index
        %swap3A_730 = tpu.vector_load %arg8[%swap3A_728, %swap3A_729] {strides = array<i32>} : memref<96x768xf32, #tpu.memory_space<vmem>>, vector<1x16xf32>,
        %swap3A_731 = vector.shape_cast %swap3A_730 : vector<1x16xf32> to vector<16xf32>
        %swap3A_732 = vector.shape_cast %get3A_702 : vector<16xf32> to vector<1x16xf32>
        tpu.vector_store %arg8[%swap3A_728, %swap3A_729], %swap3A_732 {add = true, strides = array<i32>} : memref<96x768xf32, #tpu.memory_space<vmem>>, vector<1x16xf32>,
        %mul3A_733 = arith.constant 32 : i32
        %mul3A_734 = arith.muli %rem3A_365, %mul3A_733 : i32
        %add3A_735 = arith.constant 24 : i32
        %add3A_736 = arith.addi %mul3A_734, %add3A_735 : i32
        %add3A_737 = arith.addi %add3A_736, %scan3A_520 : i32
        %swap3A_738 = arith.index_cast %add3A_737 : i32 to index
        %swap3A_739 = arith.constant 64 : index
        %swap3A_740 = tpu.vector_load %arg8[%swap3A_738, %swap3A_739] {strides = array<i32>} : memref<96x768xf32, #tpu.memory_space<vmem>>, vector<1x16xf32>,
        %swap3A_741 = vector.shape_cast %swap3A_740 : vector<1x16xf32> to vector<16xf32>
        %swap3A_742 = vector.shape_cast %get3A_702 : vector<16xf32> to vector<1x16xf32>
        tpu.vector_store %arg8[%swap3A_738, %swap3A_739], %swap3A_742 {add = true, strides = array<i32>} : memref<96x768xf32, #tpu.memory_space<vmem>>, vector<1x16xf32>,
        %get3A_743 = arith.index_cast %add3A_524 : i32 to index
        %get3A_744 = arith.constant 80 : index
        %get3A_745 = tpu.vector_load %arg7[%get3A_743, %get3A_744] {strides = array<i32>} : memref<64x768xf32, #tpu.memory_space<vmem>>, vector<1x16xf32>,
        %get3A_746 = vector.shape_cast %get3A_745 : vector<1x16xf32> to vector<16xf32>
        %mul3A_747 = arith.constant 32 : i32
        %mul3A_748 = arith.muli %rem3A_365, %mul3A_747 : i32
        %add3A_749 = arith.constant 0 : i32
        %add3A_750 = arith.addi %mul3A_748, %add3A_749 : i32
        %add3A_751 = arith.addi %add3A_750, %scan3A_520 : i32
        %swap3A_752 = arith.index_cast %add3A_751 : i32 to index
        %swap3A_753 = arith.constant 80 : index
        %swap3A_754 = tpu.vector_load %arg8[%swap3A_752, %swap3A_753] {strides = array<i32>} : memref<96x768xf32, #tpu.memory_space<vmem>>, vector<1x16xf32>,
        %swap3A_755 = vector.shape_cast %swap3A_754 : vector<1x16xf32> to vector<16xf32>
        %swap3A_756 = vector.shape_cast %get3A_746 : vector<16xf32> to vector<1x16xf32>
        tpu.vector_store %arg8[%swap3A_752, %swap3A_753], %swap3A_756 {add = true, strides = array<i32>} : memref<96x768xf32, #tpu.memory_space<vmem>>, vector<1x16xf32>,
        %mul3A_757 = arith.constant 32 : i32
        %mul3A_758 = arith.muli %rem3A_365, %mul3A_757 : i32
        %add3A_759 = arith.constant 8 : i32
        %add3A_760 = arith.addi %mul3A_758, %add3A_759 : i32
        %add3A_761 = arith.addi %add3A_760, %scan3A_520 : i32
        %swap3A_762 = arith.index_cast %add3A_761 : i32 to index
        %swap3A_763 = arith.constant 80 : index
        %swap3A_764 = tpu.vector_load %arg8[%swap3A_762, %swap3A_763] {strides = array<i32>} : memref<96x768xf32, #tpu.memory_space<vmem>>, vector<1x16xf32>,
        %swap3A_765 = vector.shape_cast %swap3A_764 : vector<1x16xf32> to vector<16xf32>
        %swap3A_766 = vector.shape_cast %get3A_746 : vector<16xf32> to vector<1x16xf32>
        tpu.vector_store %arg8[%swap3A_762, %swap3A_763], %swap3A_766 {add = true, strides = array<i32>} : memref<96x768xf32, #tpu.memory_space<vmem>>, vector<1x16xf32>,
        %mul3A_767 = arith.constant 32 : i32
        %mul3A_768 = arith.muli %rem3A_365, %mul3A_767 : i32
        %add3A_769 = arith.constant 16 : i32
        %add3A_770 = arith.addi %mul3A_768, %add3A_769 : i32
        %add3A_771 = arith.addi %add3A_770, %scan3A_520 : i32
        %swap3A_772 = arith.index_cast %add3A_771 : i32 to index
        %swap3A_773 = arith.constant 80 : index
        %swap3A_774 = tpu.vector_load %arg8[%swap3A_772, %swap3A_773] {strides = array<i32>} : memref<96x768xf32, #tpu.memory_space<vmem>>, vector<1x16xf32>,
        %swap3A_775 = vector.shape_cast %swap3A_774 : vector<1x16xf32> to vector<16xf32>
        %swap3A_776 = vector.shape_cast %get3A_746 : vector<16xf32> to vector<1x16xf32>
        tpu.vector_store %arg8[%swap3A_772, %swap3A_773], %swap3A_776 {add = true, strides = array<i32>} : memref<96x768xf32, #tpu.memory_space<vmem>>, vector<1x16xf32>,
        %mul3A_777 = arith.constant 32 : i32
        %mul3A_778 = arith.muli %rem3A_365, %mul3A_777 : i32
        %add3A_779 = arith.constant 24 : i32
        %add3A_780 = arith.addi %mul3A_778, %add3A_779 : i32
        %add3A_781 = arith.addi %add3A_780, %scan3A_520 : i32
        %swap3A_782 = arith.index_cast %add3A_781 : i32 to index
        %swap3A_783 = arith.constant 80 : index
        %swap3A_784 = tpu.vector_load %arg8[%swap3A_782, %swap3A_783] {strides = array<i32>} : memref<96x768xf32, #tpu.memory_space<vmem>>, vector<1x16xf32>,
        %swap3A_785 = vector.shape_cast %swap3A_784 : vector<1x16xf32> to vector<16xf32>
        %swap3A_786 = vector.shape_cast %get3A_746 : vector<16xf32> to vector<1x16xf32>
        tpu.vector_store %arg8[%swap3A_782, %swap3A_783], %swap3A_786 {add = true, strides = array<i32>} : memref<96x768xf32, #tpu.memory_space<vmem>>, vector<1x16xf32>,
        %get3A_787 = arith.index_cast %add3A_524 : i32 to index
        %get3A_788 = arith.constant 96 : index
        %get3A_789 = tpu.vector_load %arg7[%get3A_787, %get3A_788] {strides = array<i32>} : memref<64x768xf32, #tpu.memory_space<vmem>>, vector<1x16xf32>,
        %get3A_790 = vector.shape_cast %get3A_789 : vector<1x16xf32> to vector<16xf32>
        %mul3A_791 = arith.constant 32 : i32
        %mul3A_792 = arith.muli %rem3A_365, %mul3A_791 : i32
        %add3A_793 = arith.constant 0 : i32
        %add3A_794 = arith.addi %mul3A_792, %add3A_793 : i32
        %add3A_795 = arith.addi %add3A_794, %scan3A_520 : i32
        %swap3A_796 = arith.index_cast %add3A_795 : i32 to index
        %swap3A_797 = arith.constant 96 : index
        %swap3A_798 = tpu.vector_load %arg8[%swap3A_796, %swap3A_797] {strides = array<i32>} : memref<96x768xf32, #tpu.memory_space<vmem>>, vector<1x16xf32>,
        %swap3A_799 = vector.shape_cast %swap3A_798 : vector<1x16xf32> to vector<16xf32>
        %swap3A_800 = vector.shape_cast %get3A_790 : vector<16xf32> to vector<1x16xf32>
        tpu.vector_store %arg8[%swap3A_796, %swap3A_797], %swap3A_800 {add = true, strides = array<i32>} : memref<96x768xf32, #tpu.memory_space<vmem>>, vector<1x16xf32>,
        %mul3A_801 = arith.constant 32 : i32
        %mul3A_802 = arith.muli %rem3A_365, %mul3A_801 : i32
        %add3A_803 = arith.constant 8 : i32
        %add3A_804 = arith.addi %mul3A_802, %add3A_803 : i32
        %add3A_805 = arith.addi %add3A_804, %scan3A_520 : i32
        %swap3A_806 = arith.index_cast %add3A_805 : i32 to index
        %swap3A_807 = arith.constant 96 : index
        %swap3A_808 = tpu.vector_load %arg8[%swap3A_806, %swap3A_807] {strides = array<i32>} : memref<96x768xf32, #tpu.memory_space<vmem>>, vector<1x16xf32>,
        %swap3A_809 = vector.shape_cast %swap3A_808 : vector<1x16xf32> to vector<16xf32>
        %swap3A_810 = vector.shape_cast %get3A_790 : vector<16xf32> to vector<1x16xf32>
        tpu.vector_store %arg8[%swap3A_806, %swap3A_807], %swap3A_810 {add = true, strides = array<i32>} : memref<96x768xf32, #tpu.memory_space<vmem>>, vector<1x16xf32>,
        %mul3A_811 = arith.constant 32 : i32
        %mul3A_812 = arith.muli %rem3A_365, %mul3A_811 : i32
        %add3A_813 = arith.constant 16 : i32
        %add3A_814 = arith.addi %mul3A_812, %add3A_813 : i32
        %add3A_815 = arith.addi %add3A_814, %scan3A_520 : i32
        %swap3A_816 = arith.index_cast %add3A_815 : i32 to index
        %swap3A_817 = arith.constant 96 : index
        %swap3A_818 = tpu.vector_load %arg8[%swap3A_816, %swap3A_817] {strides = array<i32>} : memref<96x768xf32, #tpu.memory_space<vmem>>, vector<1x16xf32>,
        %swap3A_819 = vector.shape_cast %swap3A_818 : vector<1x16xf32> to vector<16xf32>
        %swap3A_820 = vector.shape_cast %get3A_790 : vector<16xf32> to vector<1x16xf32>
        tpu.vector_store %arg8[%swap3A_816, %swap3A_817], %swap3A_820 {add = true, strides = array<i32>} : memref<96x768xf32, #tpu.memory_space<vmem>>, vector<1x16xf32>,
        %mul3A_821 = arith.constant 32 : i32
        %mul3A_822 = arith.muli %rem3A_365, %mul3A_821 : i32
        %add3A_823 = arith.constant 24 : i32
        %add3A_824 = arith.addi %mul3A_822, %add3A_823 : i32
        %add3A_825 = arith.addi %add3A_824, %scan3A_520 : i32
        %swap3A_826 = arith.index_cast %add3A_825 : i32 to index
        %swap3A_827 = arith.constant 96 : index
        %swap3A_828 = tpu.vector_load %arg8[%swap3A_826, %swap3A_827] {strides = array<i32>} : memref<96x768xf32, #tpu.memory_space<vmem>>, vector<1x16xf32>,
        %swap3A_829 = vector.shape_cast %swap3A_828 : vector<1x16xf32> to vector<16xf32>
        %swap3A_830 = vector.shape_cast %get3A_790 : vector<16xf32> to vector<1x16xf32>
        tpu.vector_store %arg8[%swap3A_826, %swap3A_827], %swap3A_830 {add = true, strides = array<i32>} : memref<96x768xf32, #tpu.memory_space<vmem>>, vector<1x16xf32>,
        %get3A_831 = arith.index_cast %add3A_524 : i32 to index
        %get3A_832 = arith.constant 112 : index
        %get3A_833 = tpu.vector_load %arg7[%get3A_831, %get3A_832] {strides = array<i32>} : memref<64x768xf32, #tpu.memory_space<vmem>>, vector<1x16xf32>,
        %get3A_834 = vector.shape_cast %get3A_833 : vector<1x16xf32> to vector<16xf32>
        %mul3A_835 = arith.constant 32 : i32
        %mul3A_836 = arith.muli %rem3A_365, %mul3A_835 : i32
        %add3A_837 = arith.constant 0 : i32
        %add3A_838 = arith.addi %mul3A_836, %add3A_837 : i32
        %add3A_839 = arith.addi %add3A_838, %scan3A_520 : i32
        %swap3A_840 = arith.index_cast %add3A_839 : i32 to index
        %swap3A_841 = arith.constant 112 : index
        %swap3A_842 = tpu.vector_load %arg8[%swap3A_840, %swap3A_841] {strides = array<i32>} : memref<96x768xf32, #tpu.memory_space<vmem>>, vector<1x16xf32>,
        %swap3A_843 = vector.shape_cast %swap3A_842 : vector<1x16xf32> to vector<16xf32>
        %swap3A_844 = vector.shape_cast %get3A_834 : vector<16xf32> to vector<1x16xf32>
        tpu.vector_store %arg8[%swap3A_840, %swap3A_841], %swap3A_844 {add = true, strides = array<i32>} : memref<96x768xf32, #tpu.memory_space<vmem>>, vector<1x16xf32>,
        %mul3A_845 = arith.constant 32 : i32
        %mul3A_846 = arith.muli %rem3A_365, %mul3A_845 : i32
        %add3A_847 = arith.constant 8 : i32
        %add3A_848 = arith.addi %mul3A_846, %add3A_847 : i32
        %add3A_849 = arith.addi %add3A_848, %scan3A_520 : i32
        %swap3A_850 = arith.index_cast %add3A_849 : i32 to index
        %swap3A_851 = arith.constant 112 : index
        %swap3A_852 = tpu.vector_load %arg8[%swap3A_850, %swap3A_851] {strides = array<i32>} : memref<96x768xf32, #tpu.memory_space<vmem>>, vector<1x16xf32>,
        %swap3A_853 = vector.shape_cast %swap3A_852 : vector<1x16xf32> to vector<16xf32>
        %swap3A_854 = vector.shape_cast %get3A_834 : vector<16xf32> to vector<1x16xf32>
        tpu.vector_store %arg8[%swap3A_850, %swap3A_851], %swap3A_854 {add = true, strides = array<i32>} : memref<96x768xf32, #tpu.memory_space<vmem>>, vector<1x16xf32>,
        %mul3A_855 = arith.constant 32 : i32
        %mul3A_856 = arith.muli %rem3A_365, %mul3A_855 : i32
        %add3A_857 = arith.constant 16 : i32
        %add3A_858 = arith.addi %mul3A_856, %add3A_857 : i32
        %add3A_859 = arith.addi %add3A_858, %scan3A_520 : i32
        %swap3A_860 = arith.index_cast %add3A_859 : i32 to index
        %swap3A_861 = arith.constant 112 : index
        %swap3A_862 = tpu.vector_load %arg8[%swap3A_860, %swap3A_861] {strides = array<i32>} : memref<96x768xf32, #tpu.memory_space<vmem>>, vector<1x16xf32>,
        %swap3A_863 = vector.shape_cast %swap3A_862 : vector<1x16xf32> to vector<16xf32>
        %swap3A_864 = vector.shape_cast %get3A_834 : vector<16xf32> to vector<1x16xf32>
        tpu.vector_store %arg8[%swap3A_860, %swap3A_861], %swap3A_864 {add = true, strides = array<i32>} : memref<96x768xf32, #tpu.memory_space<vmem>>, vector<1x16xf32>,
        %mul3A_865 = arith.constant 32 : i32
        %mul3A_866 = arith.muli %rem3A_365, %mul3A_865 : i32
        %add3A_867 = arith.constant 24 : i32
        %add3A_868 = arith.addi %mul3A_866, %add3A_867 : i32
        %add3A_869 = arith.addi %add3A_868, %scan3A_520 : i32
        %swap3A_870 = arith.index_cast %add3A_869 : i32 to index
        %swap3A_871 = arith.constant 112 : index
        %swap3A_872 = tpu.vector_load %arg8[%swap3A_870, %swap3A_871] {strides = array<i32>} : memref<96x768xf32, #tpu.memory_space<vmem>>, vector<1x16xf32>,
        %swap3A_873 = vector.shape_cast %swap3A_872 : vector<1x16xf32> to vector<16xf32>
        %swap3A_874 = vector.shape_cast %get3A_834 : vector<16xf32> to vector<1x16xf32>
        tpu.vector_store %arg8[%swap3A_870, %swap3A_871], %swap3A_874 {add = true, strides = array<i32>} : memref<96x768xf32, #tpu.memory_space<vmem>>, vector<1x16xf32>,
        %get3A_875 = arith.index_cast %add3A_524 : i32 to index
        %get3A_876 = arith.constant 128 : index
        %get3A_877 = tpu.vector_load %arg7[%get3A_875, %get3A_876] {strides = array<i32>} : memref<64x768xf32, #tpu.memory_space<vmem>>, vector<1x16xf32>,
        %get3A_878 = vector.shape_cast %get3A_877 : vector<1x16xf32> to vector<16xf32>
        %mul3A_879 = arith.constant 32 : i32
        %mul3A_880 = arith.muli %rem3A_365, %mul3A_879 : i32
        %add3A_881 = arith.constant 0 : i32
        %add3A_882 = arith.addi %mul3A_880, %add3A_881 : i32
        %add3A_883 = arith.addi %add3A_882, %scan3A_520 : i32
        %swap3A_884 = arith.index_cast %add3A_883 : i32 to index
        %swap3A_885 = arith.constant 128 : index
        %swap3A_886 = tpu.vector_load %arg8[%swap3A_884, %swap3A_885] {strides = array<i32>} : memref<96x768xf32, #tpu.memory_space<vmem>>, vector<1x16xf32>,
        %swap3A_887 = vector.shape_cast %swap3A_886 : vector<1x16xf32> to vector<16xf32>
        %swap3A_888 = vector.shape_cast %get3A_878 : vector<16xf32> to vector<1x16xf32>
        tpu.vector_store %arg8[%swap3A_884, %swap3A_885], %swap3A_888 {add = true, strides = array<i32>} : memref<96x768xf32, #tpu.memory_space<vmem>>, vector<1x16xf32>,
        %mul3A_889 = arith.constant 32 : i32
        %mul3A_890 = arith.muli %rem3A_365, %mul3A_889 : i32
        %add3A_891 = arith.constant 8 : i32
        %add3A_892 = arith.addi %mul3A_890, %add3A_891 : i32
        %add3A_893 = arith.addi %add3A_892, %scan3A_520 : i32
        %swap3A_894 = arith.index_cast %add3A_893 : i32 to index
        %swap3A_895 = arith.constant 128 : index
        %swap3A_896 = tpu.vector_load %arg8[%swap3A_894, %swap3A_895] {strides = array<i32>} : memref<96x768xf32, #tpu.memory_space<vmem>>, vector<1x16xf32>,
        %swap3A_897 = vector.shape_cast %swap3A_896 : vector<1x16xf32> to vector<16xf32>
        %swap3A_898 = vector.shape_cast %get3A_878 : vector<16xf32> to vector<1x16xf32>
        tpu.vector_store %arg8[%swap3A_894, %swap3A_895], %swap3A_898 {add = true, strides = array<i32>} : memref<96x768xf32, #tpu.memory_space<vmem>>, vector<1x16xf32>,
        %mul3A_899 = arith.constant 32 : i32
        %mul3A_900 = arith.muli %rem3A_365, %mul3A_899 : i32
        %add3A_901 = arith.constant 16 : i32
        %add3A_902 = arith.addi %mul3A_900, %add3A_901 : i32
        %add3A_903 = arith.addi %add3A_902, %scan3A_520 : i32
        %swap3A_904 = arith.index_cast %add3A_903 : i32 to index
        %swap3A_905 = arith.constant 128 : index
        %swap3A_906 = tpu.vector_load %arg8[%swap3A_904, %swap3A_905] {strides = array<i32>} : memref<96x768xf32, #tpu.memory_space<vmem>>, vector<1x16xf32>,
        %swap3A_907 = vector.shape_cast %swap3A_906 : vector<1x16xf32> to vector<16xf32>
        %swap3A_908 = vector.shape_cast %get3A_878 : vector<16xf32> to vector<1x16xf32>
        tpu.vector_store %arg8[%swap3A_904, %swap3A_905], %swap3A_908 {add = true, strides = array<i32>} : memref<96x768xf32, #tpu.memory_space<vmem>>, vector<1x16xf32>,
        %mul3A_909 = arith.constant 32 : i32
        %mul3A_910 = arith.muli %rem3A_365, %mul3A_909 : i32
        %add3A_911 = arith.constant 24 : i32
        %add3A_912 = arith.addi %mul3A_910, %add3A_911 : i32
        %add3A_913 = arith.addi %add3A_912, %scan3A_520 : i32
        %swap3A_914 = arith.index_cast %add3A_913 : i32 to index
        %swap3A_915 = arith.constant 128 : index
        %swap3A_916 = tpu.vector_load %arg8[%swap3A_914, %swap3A_915] {strides = array<i32>} : memref<96x768xf32, #tpu.memory_space<vmem>>, vector<1x16xf32>,
        %swap3A_917 = vector.shape_cast %swap3A_916 : vector<1x16xf32> to vector<16xf32>
        %swap3A_918 = vector.shape_cast %get3A_878 : vector<16xf32> to vector<1x16xf32>
        tpu.vector_store %arg8[%swap3A_914, %swap3A_915], %swap3A_918 {add = true, strides = array<i32>} : memref<96x768xf32, #tpu.memory_space<vmem>>, vector<1x16xf32>,
        %get3A_919 = arith.index_cast %add3A_524 : i32 to index
        %get3A_920 = arith.constant 144 : index
        %get3A_921 = tpu.vector_load %arg7[%get3A_919, %get3A_920] {strides = array<i32>} : memref<64x768xf32, #tpu.memory_space<vmem>>, vector<1x16xf32>,
        %get3A_922 = vector.shape_cast %get3A_921 : vector<1x16xf32> to vector<16xf32>
        %mul3A_923 = arith.constant 32 : i32
        %mul3A_924 = arith.muli %rem3A_365, %mul3A_923 : i32
        %add3A_925 = arith.constant 0 : i32
        %add3A_926 = arith.addi %mul3A_924, %add3A_925 : i32
        %add3A_927 = arith.addi %add3A_926, %scan3A_520 : i32
        %swap3A_928 = arith.index_cast %add3A_927 : i32 to index
        %swap3A_929 = arith.constant 144 : index
        %swap3A_930 = tpu.vector_load %arg8[%swap3A_928, %swap3A_929] {strides = array<i32>} : memref<96x768xf32, #tpu.memory_space<vmem>>, vector<1x16xf32>,
        %swap3A_931 = vector.shape_cast %swap3A_930 : vector<1x16xf32> to vector<16xf32>
        %swap3A_932 = vector.shape_cast %get3A_922 : vector<16xf32> to vector<1x16xf32>
        tpu.vector_store %arg8[%swap3A_928, %swap3A_929], %swap3A_932 {add = true, strides = array<i32>} : memref<96x768xf32, #tpu.memory_space<vmem>>, vector<1x16xf32>,
        %mul3A_933 = arith.constant 32 : i32
        %mul3A_934 = arith.muli %rem3A_365, %mul3A_933 : i32
        %add3A_935 = arith.constant 8 : i32
        %add3A_936 = arith.addi %mul3A_934, %add3A_935 : i32
        %add3A_937 = arith.addi %add3A_936, %scan3A_520 : i32
        %swap3A_938 = arith.index_cast %add3A_937 : i32 to index
        %swap3A_939 = arith.constant 144 : index
        %swap3A_940 = tpu.vector_load %arg8[%swap3A_938, %swap3A_939] {strides = array<i32>} : memref<96x768xf32, #tpu.memory_space<vmem>>, vector<1x16xf32>,
        %swap3A_941 = vector.shape_cast %swap3A_940 : vector<1x16xf32> to vector<16xf32>
        %swap3A_942 = vector.shape_cast %get3A_922 : vector<16xf32> to vector<1x16xf32>
        tpu.vector_store %arg8[%swap3A_938, %swap3A_939], %swap3A_942 {add = true, strides = array<i32>} : memref<96x768xf32, #tpu.memory_space<vmem>>, vector<1x16xf32>,
        %mul3A_943 = arith.constant 32 : i32
        %mul3A_944 = arith.muli %rem3A_365, %mul3A_943 : i32
        %add3A_945 = arith.constant 16 : i32
        %add3A_946 = arith.addi %mul3A_944, %add3A_945 : i32
        %add3A_947 = arith.addi %add3A_946, %scan3A_520 : i32
        %swap3A_948 = arith.index_cast %add3A_947 : i32 to index
        %swap3A_949 = arith.constant 144 : index
        %swap3A_950 = tpu.vector_load %arg8[%swap3A_948, %swap3A_949] {strides = array<i32>} : memref<96x768xf32, #tpu.memory_space<vmem>>, vector<1x16xf32>,
        %swap3A_951 = vector.shape_cast %swap3A_950 : vector<1x16xf32> to vector<16xf32>
        %swap3A_952 = vector.shape_cast %get3A_922 : vector<16xf32> to vector<1x16xf32>
        tpu.vector_store %arg8[%swap3A_948, %swap3A_949], %swap3A_952 {add = true, strides = array<i32>} : memref<96x768xf32, #tpu.memory_space<vmem>>, vector<1x16xf32>,
        %mul3A_953 = arith.constant 32 : i32
        %mul3A_954 = arith.muli %rem3A_365, %mul3A_953 : i32
        %add3A_955 = arith.constant 24 : i32
        %add3A_956 = arith.addi %mul3A_954, %add3A_955 : i32
        %add3A_957 = arith.addi %add3A_956, %scan3A_520 : i32
        %swap3A_958 = arith.index_cast %add3A_957 : i32 to index
        %swap3A_959 = arith.constant 144 : index
        %swap3A_960 = tpu.vector_load %arg8[%swap3A_958, %swap3A_959] {strides = array<i32>} : memref<96x768xf32, #tpu.memory_space<vmem>>, vector<1x16xf32>,
        %swap3A_961 = vector.shape_cast %swap3A_960 : vector<1x16xf32> to vector<16xf32>
        %swap3A_962 = vector.shape_cast %get3A_922 : vector<16xf32> to vector<1x16xf32>
        tpu.vector_store %arg8[%swap3A_958, %swap3A_959], %swap3A_962 {add = true, strides = array<i32>} : memref<96x768xf32, #tpu.memory_space<vmem>>, vector<1x16xf32>,
        %get3A_963 = arith.index_cast %add3A_524 : i32 to index
        %get3A_964 = arith.constant 160 : index
        %get3A_965 = tpu.vector_load %arg7[%get3A_963, %get3A_964] {strides = array<i32>} : memref<64x768xf32, #tpu.memory_space<vmem>>, vector<1x16xf32>,
        %get3A_966 = vector.shape_cast %get3A_965 : vector<1x16xf32> to vector<16xf32>
        %mul3A_967 = arith.constant 32 : i32
        %mul3A_968 = arith.muli %rem3A_365, %mul3A_967 : i32
        %add3A_969 = arith.constant 0 : i32
        %add3A_970 = arith.addi %mul3A_968, %add3A_969 : i32
        %add3A_971 = arith.addi %add3A_970, %scan3A_520 : i32
        %swap3A_972 = arith.index_cast %add3A_971 : i32 to index
        %swap3A_973 = arith.constant 160 : index
        %swap3A_974 = tpu.vector_load %arg8[%swap3A_972, %swap3A_973] {strides = array<i32>} : memref<96x768xf32, #tpu.memory_space<vmem>>, vector<1x16xf32>,
        %swap3A_975 = vector.shape_cast %swap3A_974 : vector<1x16xf32> to vector<16xf32>
        %swap3A_976 = vector.shape_cast %get3A_966 : vector<16xf32> to vector<1x16xf32>
        tpu.vector_store %arg8[%swap3A_972, %swap3A_973], %swap3A_976 {add = true, strides = array<i32>} : memref<96x768xf32, #tpu.memory_space<vmem>>, vector<1x16xf32>,
        %mul3A_977 = arith.constant 32 : i32
        %mul3A_978 = arith.muli %rem3A_365, %mul3A_977 : i32
        %add3A_979 = arith.constant 8 : i32
        %add3A_980 = arith.addi %mul3A_978, %add3A_979 : i32
        %add3A_981 = arith.addi %add3A_980, %scan3A_520 : i32
        %swap3A_982 = arith.index_cast %add3A_981 : i32 to index
        %swap3A_983 = arith.constant 160 : index
        %swap3A_984 = tpu.vector_load %arg8[%swap3A_982, %swap3A_983] {strides = array<i32>} : memref<96x768xf32, #tpu.memory_space<vmem>>, vector<1x16xf32>,
        %swap3A_985 = vector.shape_cast %swap3A_984 : vector<1x16xf32> to vector<16xf32>
        %swap3A_986 = vector.shape_cast %get3A_966 : vector<16xf32> to vector<1x16xf32>
        tpu.vector_store %arg8[%swap3A_982, %swap3A_983], %swap3A_986 {add = true, strides = array<i32>} : memref<96x768xf32, #tpu.memory_space<vmem>>, vector<1x16xf32>,
        %mul3A_987 = arith.constant 32 : i32
        %mul3A_988 = arith.muli %rem3A_365, %mul3A_987 : i32
        %add3A_989 = arith.constant 16 : i32
        %add3A_990 = arith.addi %mul3A_988, %add3A_989 : i32
        %add3A_991 = arith.addi %add3A_990, %scan3A_520 : i32
        %swap3A_992 = arith.index_cast %add3A_991 : i32 to index
        %swap3A_993 = arith.constant 160 : index
        %swap3A_994 = tpu.vector_load %arg8[%swap3A_992, %swap3A_993] {strides = array<i32>} : memref<96x768xf32, #tpu.memory_space<vmem>>, vector<1x16xf32>,
        %swap3A_995 = vector.shape_cast %swap3A_994 : vector<1x16xf32> to vector<16xf32>
        %swap3A_996 = vector.shape_cast %get3A_966 : vector<16xf32> to vector<1x16xf32>
        tpu.vector_store %arg8[%swap3A_992, %swap3A_993], %swap3A_996 {add = true, strides = array<i32>} : memref<96x768xf32, #tpu.memory_space<vmem>>, vector<1x16xf32>,
        %mul3A_997 = arith.constant 32 : i32
        %mul3A_998 = arith.muli %rem3A_365, %mul3A_997 : i32
        %add3A_999 = arith.constant 24 : i32
        %add3A_1000 = arith.addi %mul3A_998, %add3A_999 : i32
        %add3A_1001 = arith.addi %add3A_1000, %scan3A_520 : i32
        %swap3A_1002 = arith.index_cast %add3A_1001 : i32 to index
        %swap3A_1003 = arith.constant 160 : index
        %swap3A_1004 = tpu.vector_load %arg8[%swap3A_1002, %swap3A_1003] {strides = array<i32>} : memref<96x768xf32, #tpu.memory_space<vmem>>, vector<1x16xf32>,
        %swap3A_1005 = vector.shape_cast %swap3A_1004 : vector<1x16xf32> to vector<16xf32>
        %swap3A_1006 = vector.shape_cast %get3A_966 : vector<16xf32> to vector<1x16xf32>
        tpu.vector_store %arg8[%swap3A_1002, %swap3A_1003], %swap3A_1006 {add = true, strides = array<i32>} : memref<96x768xf32, #tpu.memory_space<vmem>>, vector<1x16xf32>,
        %get3A_1007 = arith.index_cast %add3A_524 : i32 to index
        %get3A_1008 = arith.constant 176 : index
        %get3A_1009 = tpu.vector_load %arg7[%get3A_1007, %get3A_1008] {strides = array<i32>} : memref<64x768xf32, #tpu.memory_space<vmem>>, vector<1x16xf32>,
        %get3A_1010 = vector.shape_cast %get3A_1009 : vector<1x16xf32> to vector<16xf32>
        %mul3A_1011 = arith.constant 32 : i32
        %mul3A_1012 = arith.muli %rem3A_365, %mul3A_1011 : i32
        %add3A_1013 = arith.constant 0 : i32
        %add3A_1014 = arith.addi %mul3A_1012, %add3A_1013 : i32
        %add3A_1015 = arith.addi %add3A_1014, %scan3A_520 : i32
        %swap3A_1016 = arith.index_cast %add3A_1015 : i32 to index
        %swap3A_1017 = arith.constant 176 : index
        %swap3A_1018 = tpu.vector_load %arg8[%swap3A_1016, %swap3A_1017] {strides = array<i32>} : memref<96x768xf32, #tpu.memory_space<vmem>>, vector<1x16xf32>,
        %swap3A_1019 = vector.shape_cast %swap3A_1018 : vector<1x16xf32> to vector<16xf32>
        %swap3A_1020 = vector.shape_cast %get3A_1010 : vector<16xf32> to vector<1x16xf32>
        tpu.vector_store %arg8[%swap3A_1016, %swap3A_1017], %swap3A_1020 {add = true, strides = array<i32>} : memref<96x768xf32, #tpu.memory_space<vmem>>, vector<1x16xf32>,
        %mul3A_1021 = arith.constant 32 : i32
        %mul3A_1022 = arith.muli %rem3A_365, %mul3A_1021 : i32
        %add3A_1023 = arith.constant 8 : i32
        %add3A_1024 = arith.addi %mul3A_1022, %add3A_1023 : i32
        %add3A_1025 = arith.addi %add3A_1024, %scan3A_520 : i32
        %swap3A_1026 = arith.index_cast %add3A_1025 : i32 to index
        %swap3A_1027 = arith.constant 176 : index
        %swap3A_1028 = tpu.vector_load %arg8[%swap3A_1026, %swap3A_1027] {strides = array<i32>} : memref<96x768xf32, #tpu.memory_space<vmem>>, vector<1x16xf32>,
        %swap3A_1029 = vector.shape_cast %swap3A_1028 : vector<1x16xf32> to vector<16xf32>
        %swap3A_1030 = vector.shape_cast %get3A_1010 : vector<16xf32> to vector<1x16xf32>
        tpu.vector_store %arg8[%swap3A_1026, %swap3A_1027], %swap3A_1030 {add = true, strides = array<i32>} : memref<96x768xf32, #tpu.memory_space<vmem>>, vector<1x16xf32>,
        %mul3A_1031 = arith.constant 32 : i32
        %mul3A_1032 = arith.muli %rem3A_365, %mul3A_1031 : i32
        %add3A_1033 = arith.constant 16 : i32
        %add3A_1034 = arith.addi %mul3A_1032, %add3A_1033 : i32
        %add3A_1035 = arith.addi %add3A_1034, %scan3A_520 : i32
        %swap3A_1036 = arith.index_cast %add3A_1035 : i32 to index
        %swap3A_1037 = arith.constant 176 : index
        %swap3A_1038 = tpu.vector_load %arg8[%swap3A_1036, %swap3A_1037] {strides = array<i32>} : memref<96x768xf32, #tpu.memory_space<vmem>>, vector<1x16xf32>,
        %swap3A_1039 = vector.shape_cast %swap3A_1038 : vector<1x16xf32> to vector<16xf32>
        %swap3A_1040 = vector.shape_cast %get3A_1010 : vector<16xf32> to vector<1x16xf32>
        tpu.vector_store %arg8[%swap3A_1036, %swap3A_1037], %swap3A_1040 {add = true, strides = array<i32>} : memref<96x768xf32, #tpu.memory_space<vmem>>, vector<1x16xf32>,
        %mul3A_1041 = arith.constant 32 : i32
        %mul3A_1042 = arith.muli %rem3A_365, %mul3A_1041 : i32
        %add3A_1043 = arith.constant 24 : i32
        %add3A_1044 = arith.addi %mul3A_1042, %add3A_1043 : i32
        %add3A_1045 = arith.addi %add3A_1044, %scan3A_520 : i32
        %swap3A_1046 = arith.index_cast %add3A_1045 : i32 to index
        %swap3A_1047 = arith.constant 176 : index
        %swap3A_1048 = tpu.vector_load %arg8[%swap3A_1046, %swap3A_1047] {strides = array<i32>} : memref<96x768xf32, #tpu.memory_space<vmem>>, vector<1x16xf32>,
        %swap3A_1049 = vector.shape_cast %swap3A_1048 : vector<1x16xf32> to vector<16xf32>
        %swap3A_1050 = vector.shape_cast %get3A_1010 : vector<16xf32> to vector<1x16xf32>
        tpu.vector_store %arg8[%swap3A_1046, %swap3A_1047], %swap3A_1050 {add = true, strides = array<i32>} : memref<96x768xf32, #tpu.memory_space<vmem>>, vector<1x16xf32>,
        %get3A_1051 = arith.index_cast %add3A_524 : i32 to index
        %get3A_1052 = arith.constant 192 : index
        %get3A_1053 = tpu.vector_load %arg7[%get3A_1051, %get3A_1052] {strides = array<i32>} : memref<64x768xf32, #tpu.memory_space<vmem>>, vector<1x16xf32>,
        %get3A_1054 = vector.shape_cast %get3A_1053 : vector<1x16xf32> to vector<16xf32>
        %mul3A_1055 = arith.constant 32 : i32
        %mul3A_1056 = arith.muli %rem3A_365, %mul3A_1055 : i32
        %add3A_1057 = arith.constant 0 : i32
        %add3A_1058 = arith.addi %mul3A_1056, %add3A_1057 : i32
        %add3A_1059 = arith.addi %add3A_1058, %scan3A_520 : i32
        %swap3A_1060 = arith.index_cast %add3A_1059 : i32 to index
        %swap3A_1061 = arith.constant 192 : index
        %swap3A_1062 = tpu.vector_load %arg8[%swap3A_1060, %swap3A_1061] {strides = array<i32>} : memref<96x768xf32, #tpu.memory_space<vmem>>, vector<1x16xf32>,
        %swap3A_1063 = vector.shape_cast %swap3A_1062 : vector<1x16xf32> to vector<16xf32>
        %swap3A_1064 = vector.shape_cast %get3A_1054 : vector<16xf32> to vector<1x16xf32>
        tpu.vector_store %arg8[%swap3A_1060, %swap3A_1061], %swap3A_1064 {add = true, strides = array<i32>} : memref<96x768xf32, #tpu.memory_space<vmem>>, vector<1x16xf32>,
        %mul3A_1065 = arith.constant 32 : i32
        %mul3A_1066 = arith.muli %rem3A_365, %mul3A_1065 : i32
        %add3A_1067 = arith.constant 8 : i32
        %add3A_1068 = arith.addi %mul3A_1066, %add3A_1067 : i32
        %add3A_1069 = arith.addi %add3A_1068, %scan3A_520 : i32
        %swap3A_1070 = arith.index_cast %add3A_1069 : i32 to index
        %swap3A_1071 = arith.constant 192 : index
        %swap3A_1072 = tpu.vector_load %arg8[%swap3A_1070, %swap3A_1071] {strides = array<i32>} : memref<96x768xf32, #tpu.memory_space<vmem>>, vector<1x16xf32>,
        %swap3A_1073 = vector.shape_cast %swap3A_1072 : vector<1x16xf32> to vector<16xf32>
        %swap3A_1074 = vector.shape_cast %get3A_1054 : vector<16xf32> to vector<1x16xf32>
        tpu.vector_store %arg8[%swap3A_1070, %swap3A_1071], %swap3A_1074 {add = true, strides = array<i32>} : memref<96x768xf32, #tpu.memory_space<vmem>>, vector<1x16xf32>,
        %mul3A_1075 = arith.constant 32 : i32
        %mul3A_1076 = arith.muli %rem3A_365, %mul3A_1075 : i32
        %add3A_1077 = arith.constant 16 : i32
        %add3A_1078 = arith.addi %mul3A_1076, %add3A_1077 : i32
        %add3A_1079 = arith.addi %add3A_1078, %scan3A_520 : i32
        %swap3A_1080 = arith.index_cast %add3A_1079 : i32 to index
        %swap3A_1081 = arith.constant 192 : index
        %swap3A_1082 = tpu.vector_load %arg8[%swap3A_1080, %swap3A_1081] {strides = array<i32>} : memref<96x768xf32, #tpu.memory_space<vmem>>, vector<1x16xf32>,
        %swap3A_1083 = vector.shape_cast %swap3A_1082 : vector<1x16xf32> to vector<16xf32>
        %swap3A_1084 = vector.shape_cast %get3A_1054 : vector<16xf32> to vector<1x16xf32>
        tpu.vector_store %arg8[%swap3A_1080, %swap3A_1081], %swap3A_1084 {add = true, strides = array<i32>} : memref<96x768xf32, #tpu.memory_space<vmem>>, vector<1x16xf32>,
        %mul3A_1085 = arith.constant 32 : i32
        %mul3A_1086 = arith.muli %rem3A_365, %mul3A_1085 : i32
        %add3A_1087 = arith.constant 24 : i32
        %add3A_1088 = arith.addi %mul3A_1086, %add3A_1087 : i32
        %add3A_1089 = arith.addi %add3A_1088, %scan3A_520 : i32
        %swap3A_1090 = arith.index_cast %add3A_1089 : i32 to index
        %swap3A_1091 = arith.constant 192 : index
        %swap3A_1092 = tpu.vector_load %arg8[%swap3A_1090, %swap3A_1091] {strides = array<i32>} : memref<96x768xf32, #tpu.memory_space<vmem>>, vector<1x16xf32>,
        %swap3A_1093 = vector.shape_cast %swap3A_1092 : vector<1x16xf32> to vector<16xf32>
        %swap3A_1094 = vector.shape_cast %get3A_1054 : vector<16xf32> to vector<1x16xf32>
        tpu.vector_store %arg8[%swap3A_1090, %swap3A_1091], %swap3A_1094 {add = true, strides = array<i32>} : memref<96x768xf32, #tpu.memory_space<vmem>>, vector<1x16xf32>,
        %get3A_1095 = arith.index_cast %add3A_524 : i32 to index
        %get3A_1096 = arith.constant 208 : index
        %get3A_1097 = tpu.vector_load %arg7[%get3A_1095, %get3A_1096] {strides = array<i32>} : memref<64x768xf32, #tpu.memory_space<vmem>>, vector<1x16xf32>,
        %get3A_1098 = vector.shape_cast %get3A_1097 : vector<1x16xf32> to vector<16xf32>
        %mul3A_1099 = arith.constant 32 : i32
        %mul3A_1100 = arith.muli %rem3A_365, %mul3A_1099 : i32
        %add3A_1101 = arith.constant 0 : i32
        %add3A_1102 = arith.addi %mul3A_1100, %add3A_1101 : i32
        %add3A_1103 = arith.addi %add3A_1102, %scan3A_520 : i32
        %swap3A_1104 = arith.index_cast %add3A_1103 : i32 to index
        %swap3A_1105 = arith.constant 208 : index
        %swap3A_1106 = tpu.vector_load %arg8[%swap3A_1104, %swap3A_1105] {strides = array<i32>} : memref<96x768xf32, #tpu.memory_space<vmem>>, vector<1x16xf32>,
        %swap3A_1107 = vector.shape_cast %swap3A_1106 : vector<1x16xf32> to vector<16xf32>
        %swap3A_1108 = vector.shape_cast %get3A_1098 : vector<16xf32> to vector<1x16xf32>
        tpu.vector_store %arg8[%swap3A_1104, %swap3A_1105], %swap3A_1108 {add = true, strides = array<i32>} : memref<96x768xf32, #tpu.memory_space<vmem>>, vector<1x16xf32>,
        %mul3A_1109 = arith.constant 32 : i32
        %mul3A_1110 = arith.muli %rem3A_365, %mul3A_1109 : i32
        %add3A_1111 = arith.constant 8 : i32
        %add3A_1112 = arith.addi %mul3A_1110, %add3A_1111 : i32
        %add3A_1113 = arith.addi %add3A_1112, %scan3A_520 : i32
        %swap3A_1114 = arith.index_cast %add3A_1113 : i32 to index
        %swap3A_1115 = arith.constant 208 : index
        %swap3A_1116 = tpu.vector_load %arg8[%swap3A_1114, %swap3A_1115] {strides = array<i32>} : memref<96x768xf32, #tpu.memory_space<vmem>>, vector<1x16xf32>,
        %swap3A_1117 = vector.shape_cast %swap3A_1116 : vector<1x16xf32> to vector<16xf32>
        %swap3A_1118 = vector.shape_cast %get3A_1098 : vector<16xf32> to vector<1x16xf32>
        tpu.vector_store %arg8[%swap3A_1114, %swap3A_1115], %swap3A_1118 {add = true, strides = array<i32>} : memref<96x768xf32, #tpu.memory_space<vmem>>, vector<1x16xf32>,
        %mul3A_1119 = arith.constant 32 : i32
        %mul3A_1120 = arith.muli %rem3A_365, %mul3A_1119 : i32
        %add3A_1121 = arith.constant 16 : i32
        %add3A_1122 = arith.addi %mul3A_1120, %add3A_1121 : i32
        %add3A_1123 = arith.addi %add3A_1122, %scan3A_520 : i32
        %swap3A_1124 = arith.index_cast %add3A_1123 : i32 to index
        %swap3A_1125 = arith.constant 208 : index
        %swap3A_1126 = tpu.vector_load %arg8[%swap3A_1124, %swap3A_1125] {strides = array<i32>} : memref<96x768xf32, #tpu.memory_space<vmem>>, vector<1x16xf32>,
        %swap3A_1127 = vector.shape_cast %swap3A_1126 : vector<1x16xf32> to vector<16xf32>
        %swap3A_1128 = vector.shape_cast %get3A_1098 : vector<16xf32> to vector<1x16xf32>
        tpu.vector_store %arg8[%swap3A_1124, %swap3A_1125], %swap3A_1128 {add = true, strides = array<i32>} : memref<96x768xf32, #tpu.memory_space<vmem>>, vector<1x16xf32>,
        %mul3A_1129 = arith.constant 32 : i32
        %mul3A_1130 = arith.muli %rem3A_365, %mul3A_1129 : i32
        %add3A_1131 = arith.constant 24 : i32
        %add3A_1132 = arith.addi %mul3A_1130, %add3A_1131 : i32
        %add3A_1133 = arith.addi %add3A_1132, %scan3A_520 : i32
        %swap3A_1134 = arith.index_cast %add3A_1133 : i32 to index
        %swap3A_1135 = arith.constant 208 : index
        %swap3A_1136 = tpu.vector_load %arg8[%swap3A_1134, %swap3A_1135] {strides = array<i32>} : memref<96x768xf32, #tpu.memory_space<vmem>>, vector<1x16xf32>,
        %swap3A_1137 = vector.shape_cast %swap3A_1136 : vector<1x16xf32> to vector<16xf32>
        %swap3A_1138 = vector.shape_cast %get3A_1098 : vector<16xf32> to vector<1x16xf32>
        tpu.vector_store %arg8[%swap3A_1134, %swap3A_1135], %swap3A_1138 {add = true, strides = array<i32>} : memref<96x768xf32, #tpu.memory_space<vmem>>, vector<1x16xf32>,
        %get3A_1139 = arith.index_cast %add3A_524 : i32 to index
        %get3A_1140 = arith.constant 224 : index
        %get3A_1141 = tpu.vector_load %arg7[%get3A_1139, %get3A_1140] {strides = array<i32>} : memref<64x768xf32, #tpu.memory_space<vmem>>, vector<1x16xf32>,
        %get3A_1142 = vector.shape_cast %get3A_1141 : vector<1x16xf32> to vector<16xf32>
        %mul3A_1143 = arith.constant 32 : i32
        %mul3A_1144 = arith.muli %rem3A_365, %mul3A_1143 : i32
        %add3A_1145 = arith.constant 0 : i32
        %add3A_1146 = arith.addi %mul3A_1144, %add3A_1145 : i32
        %add3A_1147 = arith.addi %add3A_1146, %scan3A_520 : i32
        %swap3A_1148 = arith.index_cast %add3A_1147 : i32 to index
        %swap3A_1149 = arith.constant 224 : index
        %swap3A_1150 = tpu.vector_load %arg8[%swap3A_1148, %swap3A_1149] {strides = array<i32>} : memref<96x768xf32, #tpu.memory_space<vmem>>, vector<1x16xf32>,
        %swap3A_1151 = vector.shape_cast %swap3A_1150 : vector<1x16xf32> to vector<16xf32>
        %swap3A_1152 = vector.shape_cast %get3A_1142 : vector<16xf32> to vector<1x16xf32>
        tpu.vector_store %arg8[%swap3A_1148, %swap3A_1149], %swap3A_1152 {add = true, strides = array<i32>} : memref<96x768xf32, #tpu.memory_space<vmem>>, vector<1x16xf32>,
        %mul3A_1153 = arith.constant 32 : i32
        %mul3A_1154 = arith.muli %rem3A_365, %mul3A_1153 : i32
        %add3A_1155 = arith.constant 8 : i32
        %add3A_1156 = arith.addi %mul3A_1154, %add3A_1155 : i32
        %add3A_1157 = arith.addi %add3A_1156, %scan3A_520 : i32
        %swap3A_1158 = arith.index_cast %add3A_1157 : i32 to index
        %swap3A_1159 = arith.constant 224 : index
        %swap3A_1160 = tpu.vector_load %arg8[%swap3A_1158, %swap3A_1159] {strides = array<i32>} : memref<96x768xf32, #tpu.memory_space<vmem>>, vector<1x16xf32>,
        %swap3A_1161 = vector.shape_cast %swap3A_1160 : vector<1x16xf32> to vector<16xf32>
        %swap3A_1162 = vector.shape_cast %get3A_1142 : vector<16xf32> to vector<1x16xf32>
        tpu.vector_store %arg8[%swap3A_1158, %swap3A_1159], %swap3A_1162 {add = true, strides = array<i32>} : memref<96x768xf32, #tpu.memory_space<vmem>>, vector<1x16xf32>,
        %mul3A_1163 = arith.constant 32 : i32
        %mul3A_1164 = arith.muli %rem3A_365, %mul3A_1163 : i32
        %add3A_1165 = arith.constant 16 : i32
        %add3A_1166 = arith.addi %mul3A_1164, %add3A_1165 : i32
        %add3A_1167 = arith.addi %add3A_1166, %scan3A_520 : i32
        %swap3A_1168 = arith.index_cast %add3A_1167 : i32 to index
        %swap3A_1169 = arith.constant 224 : index
        %swap3A_1170 = tpu.vector_load %arg8[%swap3A_1168, %swap3A_1169] {strides = array<i32>} : memref<96x768xf32, #tpu.memory_space<vmem>>, vector<1x16xf32>,
        %swap3A_1171 = vector.shape_cast %swap3A_1170 : vector<1x16xf32> to vector<16xf32>
        %swap3A_1172 = vector.shape_cast %get3A_1142 : vector<16xf32> to vector<1x16xf32>
        tpu.vector_store %arg8[%swap3A_1168, %swap3A_1169], %swap3A_1172 {add = true, strides = array<i32>} : memref<96x768xf32, #tpu.memory_space<vmem>>, vector<1x16xf32>,
        %mul3A_1173 = arith.constant 32 : i32
        %mul3A_1174 = arith.muli %rem3A_365, %mul3A_1173 : i32
        %add3A_1175 = arith.constant 24 : i32
        %add3A_1176 = arith.addi %mul3A_1174, %add3A_1175 : i32
        %add3A_1177 = arith.addi %add3A_1176, %scan3A_520 : i32
        %swap3A_1178 = arith.index_cast %add3A_1177 : i32 to index
        %swap3A_1179 = arith.constant 224 : index
        %swap3A_1180 = tpu.vector_load %arg8[%swap3A_1178, %swap3A_1179] {strides = array<i32>} : memref<96x768xf32, #tpu.memory_space<vmem>>, vector<1x16xf32>,
        %swap3A_1181 = vector.shape_cast %swap3A_1180 : vector<1x16xf32> to vector<16xf32>
        %swap3A_1182 = vector.shape_cast %get3A_1142 : vector<16xf32> to vector<1x16xf32>
        tpu.vector_store %arg8[%swap3A_1178, %swap3A_1179], %swap3A_1182 {add = true, strides = array<i32>} : memref<96x768xf32, #tpu.memory_space<vmem>>, vector<1x16xf32>,
        %get3A_1183 = arith.index_cast %add3A_524 : i32 to index
        %get3A_1184 = arith.constant 240 : index
        %get3A_1185 = tpu.vector_load %arg7[%get3A_1183, %get3A_1184] {strides = array<i32>} : memref<64x768xf32, #tpu.memory_space<vmem>>, vector<1x16xf32>,
        %get3A_1186 = vector.shape_cast %get3A_1185 : vector<1x16xf32> to vector<16xf32>
        %mul3A_1187 = arith.constant 32 : i32
        %mul3A_1188 = arith.muli %rem3A_365, %mul3A_1187 : i32
        %add3A_1189 = arith.constant 0 : i32
        %add3A_1190 = arith.addi %mul3A_1188, %add3A_1189 : i32
        %add3A_1191 = arith.addi %add3A_1190, %scan3A_520 : i32
        %swap3A_1192 = arith.index_cast %add3A_1191 : i32 to index
        %swap3A_1193 = arith.constant 240 : index
        %swap3A_1194 = tpu.vector_load %arg8[%swap3A_1192, %swap3A_1193] {strides = array<i32>} : memref<96x768xf32, #tpu.memory_space<vmem>>, vector<1x16xf32>,
        %swap3A_1195 = vector.shape_cast %swap3A_1194 : vector<1x16xf32> to vector<16xf32>
        %swap3A_1196 = vector.shape_cast %get3A_1186 : vector<16xf32> to vector<1x16xf32>
        tpu.vector_store %arg8[%swap3A_1192, %swap3A_1193], %swap3A_1196 {add = true, strides = array<i32>} : memref<96x768xf32, #tpu.memory_space<vmem>>, vector<1x16xf32>,
        %mul3A_1197 = arith.constant 32 : i32
        %mul3A_1198 = arith.muli %rem3A_365, %mul3A_1197 : i32
        %add3A_1199 = arith.constant 8 : i32
        %add3A_1200 = arith.addi %mul3A_1198, %add3A_1199 : i32
        %add3A_1201 = arith.addi %add3A_1200, %scan3A_520 : i32
        %swap3A_1202 = arith.index_cast %add3A_1201 : i32 to index
        %swap3A_1203 = arith.constant 240 : index
        %swap3A_1204 = tpu.vector_load %arg8[%swap3A_1202, %swap3A_1203] {strides = array<i32>} : memref<96x768xf32, #tpu.memory_space<vmem>>, vector<1x16xf32>,
        %swap3A_1205 = vector.shape_cast %swap3A_1204 : vector<1x16xf32> to vector<16xf32>
        %swap3A_1206 = vector.shape_cast %get3A_1186 : vector<16xf32> to vector<1x16xf32>
        tpu.vector_store %arg8[%swap3A_1202, %swap3A_1203], %swap3A_1206 {add = true, strides = array<i32>} : memref<96x768xf32, #tpu.memory_space<vmem>>, vector<1x16xf32>,
        %mul3A_1207 = arith.constant 32 : i32
        %mul3A_1208 = arith.muli %rem3A_365, %mul3A_1207 : i32
        %add3A_1209 = arith.constant 16 : i32
        %add3A_1210 = arith.addi %mul3A_1208, %add3A_1209 : i32
        %add3A_1211 = arith.addi %add3A_1210, %scan3A_520 : i32
        %swap3A_1212 = arith.index_cast %add3A_1211 : i32 to index
        %swap3A_1213 = arith.constant 240 : index
        %swap3A_1214 = tpu.vector_load %arg8[%swap3A_1212, %swap3A_1213] {strides = array<i32>} : memref<96x768xf32, #tpu.memory_space<vmem>>, vector<1x16xf32>,
        %swap3A_1215 = vector.shape_cast %swap3A_1214 : vector<1x16xf32> to vector<16xf32>
        %swap3A_1216 = vector.shape_cast %get3A_1186 : vector<16xf32> to vector<1x16xf32>
        tpu.vector_store %arg8[%swap3A_1212, %swap3A_1213], %swap3A_1216 {add = true, strides = array<i32>} : memref<96x768xf32, #tpu.memory_space<vmem>>, vector<1x16xf32>,
        %mul3A_1217 = arith.constant 32 : i32
        %mul3A_1218 = arith.muli %rem3A_365, %mul3A_1217 : i32
        %add3A_1219 = arith.constant 24 : i32
        %add3A_1220 = arith.addi %mul3A_1218, %add3A_1219 : i32
        %add3A_1221 = arith.addi %add3A_1220, %scan3A_520 : i32
        %swap3A_1222 = arith.index_cast %add3A_1221 : i32 to index
        %swap3A_1223 = arith.constant 240 : index
        %swap3A_1224 = tpu.vector_load %arg8[%swap3A_1222, %swap3A_1223] {strides = array<i32>} : memref<96x768xf32, #tpu.memory_space<vmem>>, vector<1x16xf32>,
        %swap3A_1225 = vector.shape_cast %swap3A_1224 : vector<1x16xf32> to vector<16xf32>
        %swap3A_1226 = vector.shape_cast %get3A_1186 : vector<16xf32> to vector<1x16xf32>
        tpu.vector_store %arg8[%swap3A_1222, %swap3A_1223], %swap3A_1226 {add = true, strides = array<i32>} : memref<96x768xf32, #tpu.memory_space<vmem>>, vector<1x16xf32>,
        %get3A_1227 = arith.index_cast %add3A_524 : i32 to index
        %get3A_1228 = arith.constant 256 : index
        %get3A_1229 = tpu.vector_load %arg7[%get3A_1227, %get3A_1228] {strides = array<i32>} : memref<64x768xf32, #tpu.memory_space<vmem>>, vector<1x16xf32>,
        %get3A_1230 = vector.shape_cast %get3A_1229 : vector<1x16xf32> to vector<16xf32>
        %mul3A_1231 = arith.constant 32 : i32
        %mul3A_1232 = arith.muli %rem3A_365, %mul3A_1231 : i32
        %add3A_1233 = arith.constant 0 : i32
        %add3A_1234 = arith.addi %mul3A_1232, %add3A_1233 : i32
        %add3A_1235 = arith.addi %add3A_1234, %scan3A_520 : i32
        %swap3A_1236 = arith.index_cast %add3A_1235 : i32 to index
        %swap3A_1237 = arith.constant 256 : index
        %swap3A_1238 = tpu.vector_load %arg8[%swap3A_1236, %swap3A_1237] {strides = array<i32>} : memref<96x768xf32, #tpu.memory_space<vmem>>, vector<1x16xf32>,
        %swap3A_1239 = vector.shape_cast %swap3A_1238 : vector<1x16xf32> to vector<16xf32>
        %swap3A_1240 = vector.shape_cast %get3A_1230 : vector<16xf32> to vector<1x16xf32>
        tpu.vector_store %arg8[%swap3A_1236, %swap3A_1237], %swap3A_1240 {add = true, strides = array<i32>} : memref<96x768xf32, #tpu.memory_space<vmem>>, vector<1x16xf32>,
        %mul3A_1241 = arith.constant 32 : i32
        %mul3A_1242 = arith.muli %rem3A_365, %mul3A_1241 : i32
        %add3A_1243 = arith.constant 8 : i32
        %add3A_1244 = arith.addi %mul3A_1242, %add3A_1243 : i32
        %add3A_1245 = arith.addi %add3A_1244, %scan3A_520 : i32
        %swap3A_1246 = arith.index_cast %add3A_1245 : i32 to index
        %swap3A_1247 = arith.constant 256 : index
        %swap3A_1248 = tpu.vector_load %arg8[%swap3A_1246, %swap3A_1247] {strides = array<i32>} : memref<96x768xf32, #tpu.memory_space<vmem>>, vector<1x16xf32>,
        %swap3A_1249 = vector.shape_cast %swap3A_1248 : vector<1x16xf32> to vector<16xf32>
        %swap3A_1250 = vector.shape_cast %get3A_1230 : vector<16xf32> to vector<1x16xf32>
        tpu.vector_store %arg8[%swap3A_1246, %swap3A_1247], %swap3A_1250 {add = true, strides = array<i32>} : memref<96x768xf32, #tpu.memory_space<vmem>>, vector<1x16xf32>,
        %mul3A_1251 = arith.constant 32 : i32
        %mul3A_1252 = arith.muli %rem3A_365, %mul3A_1251 : i32
        %add3A_1253 = arith.constant 16 : i32
        %add3A_1254 = arith.addi %mul3A_1252, %add3A_1253 : i32
        %add3A_1255 = arith.addi %add3A_1254, %scan3A_520 : i32
        %swap3A_1256 = arith.index_cast %add3A_1255 : i32 to index
        %swap3A_1257 = arith.constant 256 : index
        %swap3A_1258 = tpu.vector_load %arg8[%swap3A_1256, %swap3A_1257] {strides = array<i32>} : memref<96x768xf32, #tpu.memory_space<vmem>>, vector<1x16xf32>,
        %swap3A_1259 = vector.shape_cast %swap3A_1258 : vector<1x16xf32> to vector<16xf32>
        %swap3A_1260 = vector.shape_cast %get3A_1230 : vector<16xf32> to vector<1x16xf32>
        tpu.vector_store %arg8[%swap3A_1256, %swap3A_1257], %swap3A_1260 {add = true, strides = array<i32>} : memref<96x768xf32, #tpu.memory_space<vmem>>, vector<1x16xf32>,
        %mul3A_1261 = arith.constant 32 : i32
        %mul3A_1262 = arith.muli %rem3A_365, %mul3A_1261 : i32
        %add3A_1263 = arith.constant 24 : i32
        %add3A_1264 = arith.addi %mul3A_1262, %add3A_1263 : i32
        %add3A_1265 = arith.addi %add3A_1264, %scan3A_520 : i32
        %swap3A_1266 = arith.index_cast %add3A_1265 : i32 to index
        %swap3A_1267 = arith.constant 256 : index
        %swap3A_1268 = tpu.vector_load %arg8[%swap3A_1266, %swap3A_1267] {strides = array<i32>} : memref<96x768xf32, #tpu.memory_space<vmem>>, vector<1x16xf32>,
        %swap3A_1269 = vector.shape_cast %swap3A_1268 : vector<1x16xf32> to vector<16xf32>
        %swap3A_1270 = vector.shape_cast %get3A_1230 : vector<16xf32> to vector<1x16xf32>
        tpu.vector_store %arg8[%swap3A_1266, %swap3A_1267], %swap3A_1270 {add = true, strides = array<i32>} : memref<96x768xf32, #tpu.memory_space<vmem>>, vector<1x16xf32>,
        %get3A_1271 = arith.index_cast %add3A_524 : i32 to index
        %get3A_1272 = arith.constant 272 : index
        %get3A_1273 = tpu.vector_load %arg7[%get3A_1271, %get3A_1272] {strides = array<i32>} : memref<64x768xf32, #tpu.memory_space<vmem>>, vector<1x16xf32>,
        %get3A_1274 = vector.shape_cast %get3A_1273 : vector<1x16xf32> to vector<16xf32>
        %mul3A_1275 = arith.constant 32 : i32
        %mul3A_1276 = arith.muli %rem3A_365, %mul3A_1275 : i32
        %add3A_1277 = arith.constant 0 : i32
        %add3A_1278 = arith.addi %mul3A_1276, %add3A_1277 : i32
        %add3A_1279 = arith.addi %add3A_1278, %scan3A_520 : i32
        %swap3A_1280 = arith.index_cast %add3A_1279 : i32 to index
        %swap3A_1281 = arith.constant 272 : index
        %swap3A_1282 = tpu.vector_load %arg8[%swap3A_1280, %swap3A_1281] {strides = array<i32>} : memref<96x768xf32, #tpu.memory_space<vmem>>, vector<1x16xf32>,
        %swap3A_1283 = vector.shape_cast %swap3A_1282 : vector<1x16xf32> to vector<16xf32>
        %swap3A_1284 = vector.shape_cast %get3A_1274 : vector<16xf32> to vector<1x16xf32>
        tpu.vector_store %arg8[%swap3A_1280, %swap3A_1281], %swap3A_1284 {add = true, strides = array<i32>} : memref<96x768xf32, #tpu.memory_space<vmem>>, vector<1x16xf32>,
        %mul3A_1285 = arith.constant 32 : i32
        %mul3A_1286 = arith.muli %rem3A_365, %mul3A_1285 : i32
        %add3A_1287 = arith.constant 8 : i32
        %add3A_1288 = arith.addi %mul3A_1286, %add3A_1287 : i32
        %add3A_1289 = arith.addi %add3A_1288, %scan3A_520 : i32
        %swap3A_1290 = arith.index_cast %add3A_1289 : i32 to index
        %swap3A_1291 = arith.constant 272 : index
        %swap3A_1292 = tpu.vector_load %arg8[%swap3A_1290, %swap3A_1291] {strides = array<i32>} : memref<96x768xf32, #tpu.memory_space<vmem>>, vector<1x16xf32>,
        %swap3A_1293 = vector.shape_cast %swap3A_1292 : vector<1x16xf32> to vector<16xf32>
        %swap3A_1294 = vector.shape_cast %get3A_1274 : vector<16xf32> to vector<1x16xf32>
        tpu.vector_store %arg8[%swap3A_1290, %swap3A_1291], %swap3A_1294 {add = true, strides = array<i32>} : memref<96x768xf32, #tpu.memory_space<vmem>>, vector<1x16xf32>,
        %mul3A_1295 = arith.constant 32 : i32
        %mul3A_1296 = arith.muli %rem3A_365, %mul3A_1295 : i32
        %add3A_1297 = arith.constant 16 : i32
        %add3A_1298 = arith.addi %mul3A_1296, %add3A_1297 : i32
        %add3A_1299 = arith.addi %add3A_1298, %scan3A_520 : i32
        %swap3A_1300 = arith.index_cast %add3A_1299 : i32 to index
        %swap3A_1301 = arith.constant 272 : index
        %swap3A_1302 = tpu.vector_load %arg8[%swap3A_1300, %swap3A_1301] {strides = array<i32>} : memref<96x768xf32, #tpu.memory_space<vmem>>, vector<1x16xf32>,
        %swap3A_1303 = vector.shape_cast %swap3A_1302 : vector<1x16xf32> to vector<16xf32>
        %swap3A_1304 = vector.shape_cast %get3A_1274 : vector<16xf32> to vector<1x16xf32>
        tpu.vector_store %arg8[%swap3A_1300, %swap3A_1301], %swap3A_1304 {add = true, strides = array<i32>} : memref<96x768xf32, #tpu.memory_space<vmem>>, vector<1x16xf32>,
        %mul3A_1305 = arith.constant 32 : i32
        %mul3A_1306 = arith.muli %rem3A_365, %mul3A_1305 : i32
        %add3A_1307 = arith.constant 24 : i32
        %add3A_1308 = arith.addi %mul3A_1306, %add3A_1307 : i32
        %add3A_1309 = arith.addi %add3A_1308, %scan3A_520 : i32
        %swap3A_1310 = arith.index_cast %add3A_1309 : i32 to index
        %swap3A_1311 = arith.constant 272 : index
        %swap3A_1312 = tpu.vector_load %arg8[%swap3A_1310, %swap3A_1311] {strides = array<i32>} : memref<96x768xf32, #tpu.memory_space<vmem>>, vector<1x16xf32>,
        %swap3A_1313 = vector.shape_cast %swap3A_1312 : vector<1x16xf32> to vector<16xf32>
        %swap3A_1314 = vector.shape_cast %get3A_1274 : vector<16xf32> to vector<1x16xf32>
        tpu.vector_store %arg8[%swap3A_1310, %swap3A_1311], %swap3A_1314 {add = true, strides = array<i32>} : memref<96x768xf32, #tpu.memory_space<vmem>>, vector<1x16xf32>,
        %get3A_1315 = arith.index_cast %add3A_524 : i32 to index
        %get3A_1316 = arith.constant 288 : index
        %get3A_1317 = tpu.vector_load %arg7[%get3A_1315, %get3A_1316] {strides = array<i32>} : memref<64x768xf32, #tpu.memory_space<vmem>>, vector<1x16xf32>,
        %get3A_1318 = vector.shape_cast %get3A_1317 : vector<1x16xf32> to vector<16xf32>
        %mul3A_1319 = arith.constant 32 : i32
        %mul3A_1320 = arith.muli %rem3A_365, %mul3A_1319 : i32
        %add3A_1321 = arith.constant 0 : i32
        %add3A_1322 = arith.addi %mul3A_1320, %add3A_1321 : i32
        %add3A_1323 = arith.addi %add3A_1322, %scan3A_520 : i32
        %swap3A_1324 = arith.index_cast %add3A_1323 : i32 to index
        %swap3A_1325 = arith.constant 288 : index
        %swap3A_1326 = tpu.vector_load %arg8[%swap3A_1324, %swap3A_1325] {strides = array<i32>} : memref<96x768xf32, #tpu.memory_space<vmem>>, vector<1x16xf32>,
        %swap3A_1327 = vector.shape_cast %swap3A_1326 : vector<1x16xf32> to vector<16xf32>
        %swap3A_1328 = vector.shape_cast %get3A_1318 : vector<16xf32> to vector<1x16xf32>
        tpu.vector_store %arg8[%swap3A_1324, %swap3A_1325], %swap3A_1328 {add = true, strides = array<i32>} : memref<96x768xf32, #tpu.memory_space<vmem>>, vector<1x16xf32>,
        %mul3A_1329 = arith.constant 32 : i32
        %mul3A_1330 = arith.muli %rem3A_365, %mul3A_1329 : i32
        %add3A_1331 = arith.constant 8 : i32
        %add3A_1332 = arith.addi %mul3A_1330, %add3A_1331 : i32
        %add3A_1333 = arith.addi %add3A_1332, %scan3A_520 : i32
        %swap3A_1334 = arith.index_cast %add3A_1333 : i32 to index
        %swap3A_1335 = arith.constant 288 : index
        %swap3A_1336 = tpu.vector_load %arg8[%swap3A_1334, %swap3A_1335] {strides = array<i32>} : memref<96x768xf32, #tpu.memory_space<vmem>>, vector<1x16xf32>,
        %swap3A_1337 = vector.shape_cast %swap3A_1336 : vector<1x16xf32> to vector<16xf32>
        %swap3A_1338 = vector.shape_cast %get3A_1318 : vector<16xf32> to vector<1x16xf32>
        tpu.vector_store %arg8[%swap3A_1334, %swap3A_1335], %swap3A_1338 {add = true, strides = array<i32>} : memref<96x768xf32, #tpu.memory_space<vmem>>, vector<1x16xf32>,
        %mul3A_1339 = arith.constant 32 : i32
        %mul3A_1340 = arith.muli %rem3A_365, %mul3A_1339 : i32
        %add3A_1341 = arith.constant 16 : i32
        %add3A_1342 = arith.addi %mul3A_1340, %add3A_1341 : i32
        %add3A_1343 = arith.addi %add3A_1342, %scan3A_520 : i32
        %swap3A_1344 = arith.index_cast %add3A_1343 : i32 to index
        %swap3A_1345 = arith.constant 288 : index
        %swap3A_1346 = tpu.vector_load %arg8[%swap3A_1344, %swap3A_1345] {strides = array<i32>} : memref<96x768xf32, #tpu.memory_space<vmem>>, vector<1x16xf32>,
        %swap3A_1347 = vector.shape_cast %swap3A_1346 : vector<1x16xf32> to vector<16xf32>
        %swap3A_1348 = vector.shape_cast %get3A_1318 : vector<16xf32> to vector<1x16xf32>
        tpu.vector_store %arg8[%swap3A_1344, %swap3A_1345], %swap3A_1348 {add = true, strides = array<i32>} : memref<96x768xf32, #tpu.memory_space<vmem>>, vector<1x16xf32>,
        %mul3A_1349 = arith.constant 32 : i32
        %mul3A_1350 = arith.muli %rem3A_365, %mul3A_1349 : i32
        %add3A_1351 = arith.constant 24 : i32
        %add3A_1352 = arith.addi %mul3A_1350, %add3A_1351 : i32
        %add3A_1353 = arith.addi %add3A_1352, %scan3A_520 : i32
        %swap3A_1354 = arith.index_cast %add3A_1353 : i32 to index
        %swap3A_1355 = arith.constant 288 : index
        %swap3A_1356 = tpu.vector_load %arg8[%swap3A_1354, %swap3A_1355] {strides = array<i32>} : memref<96x768xf32, #tpu.memory_space<vmem>>, vector<1x16xf32>,
        %swap3A_1357 = vector.shape_cast %swap3A_1356 : vector<1x16xf32> to vector<16xf32>
        %swap3A_1358 = vector.shape_cast %get3A_1318 : vector<16xf32> to vector<1x16xf32>
        tpu.vector_store %arg8[%swap3A_1354, %swap3A_1355], %swap3A_1358 {add = true, strides = array<i32>} : memref<96x768xf32, #tpu.memory_space<vmem>>, vector<1x16xf32>,
        %get3A_1359 = arith.index_cast %add3A_524 : i32 to index
        %get3A_1360 = arith.constant 304 : index
        %get3A_1361 = tpu.vector_load %arg7[%get3A_1359, %get3A_1360] {strides = array<i32>} : memref<64x768xf32, #tpu.memory_space<vmem>>, vector<1x16xf32>,
        %get3A_1362 = vector.shape_cast %get3A_1361 : vector<1x16xf32> to vector<16xf32>
        %mul3A_1363 = arith.constant 32 : i32
        %mul3A_1364 = arith.muli %rem3A_365, %mul3A_1363 : i32
        %add3A_1365 = arith.constant 0 : i32
        %add3A_1366 = arith.addi %mul3A_1364, %add3A_1365 : i32
        %add3A_1367 = arith.addi %add3A_1366, %scan3A_520 : i32
        %swap3A_1368 = arith.index_cast %add3A_1367 : i32 to index
        %swap3A_1369 = arith.constant 304 : index
        %swap3A_1370 = tpu.vector_load %arg8[%swap3A_1368, %swap3A_1369] {strides = array<i32>} : memref<96x768xf32, #tpu.memory_space<vmem>>, vector<1x16xf32>,
        %swap3A_1371 = vector.shape_cast %swap3A_1370 : vector<1x16xf32> to vector<16xf32>
        %swap3A_1372 = vector.shape_cast %get3A_1362 : vector<16xf32> to vector<1x16xf32>
        tpu.vector_store %arg8[%swap3A_1368, %swap3A_1369], %swap3A_1372 {add = true, strides = array<i32>} : memref<96x768xf32, #tpu.memory_space<vmem>>, vector<1x16xf32>,
        %mul3A_1373 = arith.constant 32 : i32
        %mul3A_1374 = arith.muli %rem3A_365, %mul3A_1373 : i32
        %add3A_1375 = arith.constant 8 : i32
        %add3A_1376 = arith.addi %mul3A_1374, %add3A_1375 : i32
        %add3A_1377 = arith.addi %add3A_1376, %scan3A_520 : i32
        %swap3A_1378 = arith.index_cast %add3A_1377 : i32 to index
        %swap3A_1379 = arith.constant 304 : index
        %swap3A_1380 = tpu.vector_load %arg8[%swap3A_1378, %swap3A_1379] {strides = array<i32>} : memref<96x768xf32, #tpu.memory_space<vmem>>, vector<1x16xf32>,
        %swap3A_1381 = vector.shape_cast %swap3A_1380 : vector<1x16xf32> to vector<16xf32>
        %swap3A_1382 = vector.shape_cast %get3A_1362 : vector<16xf32> to vector<1x16xf32>
        tpu.vector_store %arg8[%swap3A_1378, %swap3A_1379], %swap3A_1382 {add = true, strides = array<i32>} : memref<96x768xf32, #tpu.memory_space<vmem>>, vector<1x16xf32>,
        %mul3A_1383 = arith.constant 32 : i32
        %mul3A_1384 = arith.muli %rem3A_365, %mul3A_1383 : i32
        %add3A_1385 = arith.constant 16 : i32
        %add3A_1386 = arith.addi %mul3A_1384, %add3A_1385 : i32
        %add3A_1387 = arith.addi %add3A_1386, %scan3A_520 : i32
        %swap3A_1388 = arith.index_cast %add3A_1387 : i32 to index
        %swap3A_1389 = arith.constant 304 : index
        %swap3A_1390 = tpu.vector_load %arg8[%swap3A_1388, %swap3A_1389] {strides = array<i32>} : memref<96x768xf32, #tpu.memory_space<vmem>>, vector<1x16xf32>,
        %swap3A_1391 = vector.shape_cast %swap3A_1390 : vector<1x16xf32> to vector<16xf32>
        %swap3A_1392 = vector.shape_cast %get3A_1362 : vector<16xf32> to vector<1x16xf32>
        tpu.vector_store %arg8[%swap3A_1388, %swap3A_1389], %swap3A_1392 {add = true, strides = array<i32>} : memref<96x768xf32, #tpu.memory_space<vmem>>, vector<1x16xf32>,
        %mul3A_1393 = arith.constant 32 : i32
        %mul3A_1394 = arith.muli %rem3A_365, %mul3A_1393 : i32
        %add3A_1395 = arith.constant 24 : i32
        %add3A_1396 = arith.addi %mul3A_1394, %add3A_1395 : i32
        %add3A_1397 = arith.addi %add3A_1396, %scan3A_520 : i32
        %swap3A_1398 = arith.index_cast %add3A_1397 : i32 to index
        %swap3A_1399 = arith.constant 304 : index
        %swap3A_1400 = tpu.vector_load %arg8[%swap3A_1398, %swap3A_1399] {strides = array<i32>} : memref<96x768xf32, #tpu.memory_space<vmem>>, vector<1x16xf32>,
        %swap3A_1401 = vector.shape_cast %swap3A_1400 : vector<1x16xf32> to vector<16xf32>
        %swap3A_1402 = vector.shape_cast %get3A_1362 : vector<16xf32> to vector<1x16xf32>
        tpu.vector_store %arg8[%swap3A_1398, %swap3A_1399], %swap3A_1402 {add = true, strides = array<i32>} : memref<96x768xf32, #tpu.memory_space<vmem>>, vector<1x16xf32>,
        %get3A_1403 = arith.index_cast %add3A_524 : i32 to index
        %get3A_1404 = arith.constant 320 : index
        %get3A_1405 = tpu.vector_load %arg7[%get3A_1403, %get3A_1404] {strides = array<i32>} : memref<64x768xf32, #tpu.memory_space<vmem>>, vector<1x16xf32>,
        %get3A_1406 = vector.shape_cast %get3A_1405 : vector<1x16xf32> to vector<16xf32>
        %mul3A_1407 = arith.constant 32 : i32
        %mul3A_1408 = arith.muli %rem3A_365, %mul3A_1407 : i32
        %add3A_1409 = arith.constant 0 : i32
        %add3A_1410 = arith.addi %mul3A_1408, %add3A_1409 : i32
        %add3A_1411 = arith.addi %add3A_1410, %scan3A_520 : i32
        %swap3A_1412 = arith.index_cast %add3A_1411 : i32 to index
        %swap3A_1413 = arith.constant 320 : index
        %swap3A_1414 = tpu.vector_load %arg8[%swap3A_1412, %swap3A_1413] {strides = array<i32>} : memref<96x768xf32, #tpu.memory_space<vmem>>, vector<1x16xf32>,
        %swap3A_1415 = vector.shape_cast %swap3A_1414 : vector<1x16xf32> to vector<16xf32>
        %swap3A_1416 = vector.shape_cast %get3A_1406 : vector<16xf32> to vector<1x16xf32>
        tpu.vector_store %arg8[%swap3A_1412, %swap3A_1413], %swap3A_1416 {add = true, strides = array<i32>} : memref<96x768xf32, #tpu.memory_space<vmem>>, vector<1x16xf32>,
        %mul3A_1417 = arith.constant 32 : i32
        %mul3A_1418 = arith.muli %rem3A_365, %mul3A_1417 : i32
        %add3A_1419 = arith.constant 8 : i32
        %add3A_1420 = arith.addi %mul3A_1418, %add3A_1419 : i32
        %add3A_1421 = arith.addi %add3A_1420, %scan3A_520 : i32
        %swap3A_1422 = arith.index_cast %add3A_1421 : i32 to index
        %swap3A_1423 = arith.constant 320 : index
        %swap3A_1424 = tpu.vector_load %arg8[%swap3A_1422, %swap3A_1423] {strides = array<i32>} : memref<96x768xf32, #tpu.memory_space<vmem>>, vector<1x16xf32>,
        %swap3A_1425 = vector.shape_cast %swap3A_1424 : vector<1x16xf32> to vector<16xf32>
        %swap3A_1426 = vector.shape_cast %get3A_1406 : vector<16xf32> to vector<1x16xf32>
        tpu.vector_store %arg8[%swap3A_1422, %swap3A_1423], %swap3A_1426 {add = true, strides = array<i32>} : memref<96x768xf32, #tpu.memory_space<vmem>>, vector<1x16xf32>,
        %mul3A_1427 = arith.constant 32 : i32
        %mul3A_1428 = arith.muli %rem3A_365, %mul3A_1427 : i32
        %add3A_1429 = arith.constant 16 : i32
        %add3A_1430 = arith.addi %mul3A_1428, %add3A_1429 : i32
        %add3A_1431 = arith.addi %add3A_1430, %scan3A_520 : i32
        %swap3A_1432 = arith.index_cast %add3A_1431 : i32 to index
        %swap3A_1433 = arith.constant 320 : index
        %swap3A_1434 = tpu.vector_load %arg8[%swap3A_1432, %swap3A_1433] {strides = array<i32>} : memref<96x768xf32, #tpu.memory_space<vmem>>, vector<1x16xf32>,
        %swap3A_1435 = vector.shape_cast %swap3A_1434 : vector<1x16xf32> to vector<16xf32>
        %swap3A_1436 = vector.shape_cast %get3A_1406 : vector<16xf32> to vector<1x16xf32>
        tpu.vector_store %arg8[%swap3A_1432, %swap3A_1433], %swap3A_1436 {add = true, strides = array<i32>} : memref<96x768xf32, #tpu.memory_space<vmem>>, vector<1x16xf32>,
        %mul3A_1437 = arith.constant 32 : i32
        %mul3A_1438 = arith.muli %rem3A_365, %mul3A_1437 : i32
        %add3A_1439 = arith.constant 24 : i32
        %add3A_1440 = arith.addi %mul3A_1438, %add3A_1439 : i32
        %add3A_1441 = arith.addi %add3A_1440, %scan3A_520 : i32
        %swap3A_1442 = arith.index_cast %add3A_1441 : i32 to index
        %swap3A_1443 = arith.constant 320 : index
        %swap3A_1444 = tpu.vector_load %arg8[%swap3A_1442, %swap3A_1443] {strides = array<i32>} : memref<96x768xf32, #tpu.memory_space<vmem>>, vector<1x16xf32>,
        %swap3A_1445 = vector.shape_cast %swap3A_1444 : vector<1x16xf32> to vector<16xf32>
        %swap3A_1446 = vector.shape_cast %get3A_1406 : vector<16xf32> to vector<1x16xf32>
        tpu.vector_store %arg8[%swap3A_1442, %swap3A_1443], %swap3A_1446 {add = true, strides = array<i32>} : memref<96x768xf32, #tpu.memory_space<vmem>>, vector<1x16xf32>,
        %get3A_1447 = arith.index_cast %add3A_524 : i32 to index
        %get3A_1448 = arith.constant 336 : index
        %get3A_1449 = tpu.vector_load %arg7[%get3A_1447, %get3A_1448] {strides = array<i32>} : memref<64x768xf32, #tpu.memory_space<vmem>>, vector<1x16xf32>,
        %get3A_1450 = vector.shape_cast %get3A_1449 : vector<1x16xf32> to vector<16xf32>
        %mul3A_1451 = arith.constant 32 : i32
        %mul3A_1452 = arith.muli %rem3A_365, %mul3A_1451 : i32
        %add3A_1453 = arith.constant 0 : i32
        %add3A_1454 = arith.addi %mul3A_1452, %add3A_1453 : i32
        %add3A_1455 = arith.addi %add3A_1454, %scan3A_520 : i32
        %swap3A_1456 = arith.index_cast %add3A_1455 : i32 to index
        %swap3A_1457 = arith.constant 336 : index
        %swap3A_1458 = tpu.vector_load %arg8[%swap3A_1456, %swap3A_1457] {strides = array<i32>} : memref<96x768xf32, #tpu.memory_space<vmem>>, vector<1x16xf32>,
        %swap3A_1459 = vector.shape_cast %swap3A_1458 : vector<1x16xf32> to vector<16xf32>
        %swap3A_1460 = vector.shape_cast %get3A_1450 : vector<16xf32> to vector<1x16xf32>
        tpu.vector_store %arg8[%swap3A_1456, %swap3A_1457], %swap3A_1460 {add = true, strides = array<i32>} : memref<96x768xf32, #tpu.memory_space<vmem>>, vector<1x16xf32>,
        %mul3A_1461 = arith.constant 32 : i32
        %mul3A_1462 = arith.muli %rem3A_365, %mul3A_1461 : i32
        %add3A_1463 = arith.constant 8 : i32
        %add3A_1464 = arith.addi %mul3A_1462, %add3A_1463 : i32
        %add3A_1465 = arith.addi %add3A_1464, %scan3A_520 : i32
        %swap3A_1466 = arith.index_cast %add3A_1465 : i32 to index
        %swap3A_1467 = arith.constant 336 : index
        %swap3A_1468 = tpu.vector_load %arg8[%swap3A_1466, %swap3A_1467] {strides = array<i32>} : memref<96x768xf32, #tpu.memory_space<vmem>>, vector<1x16xf32>,
        %swap3A_1469 = vector.shape_cast %swap3A_1468 : vector<1x16xf32> to vector<16xf32>
        %swap3A_1470 = vector.shape_cast %get3A_1450 : vector<16xf32> to vector<1x16xf32>
        tpu.vector_store %arg8[%swap3A_1466, %swap3A_1467], %swap3A_1470 {add = true, strides = array<i32>} : memref<96x768xf32, #tpu.memory_space<vmem>>, vector<1x16xf32>,
        %mul3A_1471 = arith.constant 32 : i32
        %mul3A_1472 = arith.muli %rem3A_365, %mul3A_1471 : i32
        %add3A_1473 = arith.constant 16 : i32
        %add3A_1474 = arith.addi %mul3A_1472, %add3A_1473 : i32
        %add3A_1475 = arith.addi %add3A_1474, %scan3A_520 : i32
        %swap3A_1476 = arith.index_cast %add3A_1475 : i32 to index
        %swap3A_1477 = arith.constant 336 : index
        %swap3A_1478 = tpu.vector_load %arg8[%swap3A_1476, %swap3A_1477] {strides = array<i32>} : memref<96x768xf32, #tpu.memory_space<vmem>>, vector<1x16xf32>,
        %swap3A_1479 = vector.shape_cast %swap3A_1478 : vector<1x16xf32> to vector<16xf32>
        %swap3A_1480 = vector.shape_cast %get3A_1450 : vector<16xf32> to vector<1x16xf32>
        tpu.vector_store %arg8[%swap3A_1476, %swap3A_1477], %swap3A_1480 {add = true, strides = array<i32>} : memref<96x768xf32, #tpu.memory_space<vmem>>, vector<1x16xf32>,
        %mul3A_1481 = arith.constant 32 : i32
        %mul3A_1482 = arith.muli %rem3A_365, %mul3A_1481 : i32
        %add3A_1483 = arith.constant 24 : i32
        %add3A_1484 = arith.addi %mul3A_1482, %add3A_1483 : i32
        %add3A_1485 = arith.addi %add3A_1484, %scan3A_520 : i32
        %swap3A_1486 = arith.index_cast %add3A_1485 : i32 to index
        %swap3A_1487 = arith.constant 336 : index
        %swap3A_1488 = tpu.vector_load %arg8[%swap3A_1486, %swap3A_1487] {strides = array<i32>} : memref<96x768xf32, #tpu.memory_space<vmem>>, vector<1x16xf32>,
        %swap3A_1489 = vector.shape_cast %swap3A_1488 : vector<1x16xf32> to vector<16xf32>
        %swap3A_1490 = vector.shape_cast %get3A_1450 : vector<16xf32> to vector<1x16xf32>
        tpu.vector_store %arg8[%swap3A_1486, %swap3A_1487], %swap3A_1490 {add = true, strides = array<i32>} : memref<96x768xf32, #tpu.memory_space<vmem>>, vector<1x16xf32>,
        %get3A_1491 = arith.index_cast %add3A_524 : i32 to index
        %get3A_1492 = arith.constant 352 : index
        %get3A_1493 = tpu.vector_load %arg7[%get3A_1491, %get3A_1492] {strides = array<i32>} : memref<64x768xf32, #tpu.memory_space<vmem>>, vector<1x16xf32>,
        %get3A_1494 = vector.shape_cast %get3A_1493 : vector<1x16xf32> to vector<16xf32>
        %mul3A_1495 = arith.constant 32 : i32
        %mul3A_1496 = arith.muli %rem3A_365, %mul3A_1495 : i32
        %add3A_1497 = arith.constant 0 : i32
        %add3A_1498 = arith.addi %mul3A_1496, %add3A_1497 : i32
        %add3A_1499 = arith.addi %add3A_1498, %scan3A_520 : i32
        %swap3A_1500 = arith.index_cast %add3A_1499 : i32 to index
        %swap3A_1501 = arith.constant 352 : index
        %swap3A_1502 = tpu.vector_load %arg8[%swap3A_1500, %swap3A_1501] {strides = array<i32>} : memref<96x768xf32, #tpu.memory_space<vmem>>, vector<1x16xf32>,
        %swap3A_1503 = vector.shape_cast %swap3A_1502 : vector<1x16xf32> to vector<16xf32>
        %swap3A_1504 = vector.shape_cast %get3A_1494 : vector<16xf32> to vector<1x16xf32>
        tpu.vector_store %arg8[%swap3A_1500, %swap3A_1501], %swap3A_1504 {add = true, strides = array<i32>} : memref<96x768xf32, #tpu.memory_space<vmem>>, vector<1x16xf32>,
        %mul3A_1505 = arith.constant 32 : i32
        %mul3A_1506 = arith.muli %rem3A_365, %mul3A_1505 : i32
        %add3A_1507 = arith.constant 8 : i32
        %add3A_1508 = arith.addi %mul3A_1506, %add3A_1507 : i32
        %add3A_1509 = arith.addi %add3A_1508, %scan3A_520 : i32
        %swap3A_1510 = arith.index_cast %add3A_1509 : i32 to index
        %swap3A_1511 = arith.constant 352 : index
        %swap3A_1512 = tpu.vector_load %arg8[%swap3A_1510, %swap3A_1511] {strides = array<i32>} : memref<96x768xf32, #tpu.memory_space<vmem>>, vector<1x16xf32>,
        %swap3A_1513 = vector.shape_cast %swap3A_1512 : vector<1x16xf32> to vector<16xf32>
        %swap3A_1514 = vector.shape_cast %get3A_1494 : vector<16xf32> to vector<1x16xf32>
        tpu.vector_store %arg8[%swap3A_1510, %swap3A_1511], %swap3A_1514 {add = true, strides = array<i32>} : memref<96x768xf32, #tpu.memory_space<vmem>>, vector<1x16xf32>,
        %mul3A_1515 = arith.constant 32 : i32
        %mul3A_1516 = arith.muli %rem3A_365, %mul3A_1515 : i32
        %add3A_1517 = arith.constant 16 : i32
        %add3A_1518 = arith.addi %mul3A_1516, %add3A_1517 : i32
        %add3A_1519 = arith.addi %add3A_1518, %scan3A_520 : i32
        %swap3A_1520 = arith.index_cast %add3A_1519 : i32 to index
        %swap3A_1521 = arith.constant 352 : index
        %swap3A_1522 = tpu.vector_load %arg8[%swap3A_1520, %swap3A_1521] {strides = array<i32>} : memref<96x768xf32, #tpu.memory_space<vmem>>, vector<1x16xf32>,
        %swap3A_1523 = vector.shape_cast %swap3A_1522 : vector<1x16xf32> to vector<16xf32>
        %swap3A_1524 = vector.shape_cast %get3A_1494 : vector<16xf32> to vector<1x16xf32>
        tpu.vector_store %arg8[%swap3A_1520, %swap3A_1521], %swap3A_1524 {add = true, strides = array<i32>} : memref<96x768xf32, #tpu.memory_space<vmem>>, vector<1x16xf32>,
        %mul3A_1525 = arith.constant 32 : i32
        %mul3A_1526 = arith.muli %rem3A_365, %mul3A_1525 : i32
        %add3A_1527 = arith.constant 24 : i32
        %add3A_1528 = arith.addi %mul3A_1526, %add3A_1527 : i32
        %add3A_1529 = arith.addi %add3A_1528, %scan3A_520 : i32
        %swap3A_1530 = arith.index_cast %add3A_1529 : i32 to index
        %swap3A_1531 = arith.constant 352 : index
        %swap3A_1532 = tpu.vector_load %arg8[%swap3A_1530, %swap3A_1531] {strides = array<i32>} : memref<96x768xf32, #tpu.memory_space<vmem>>, vector<1x16xf32>,
        %swap3A_1533 = vector.shape_cast %swap3A_1532 : vector<1x16xf32> to vector<16xf32>
        %swap3A_1534 = vector.shape_cast %get3A_1494 : vector<16xf32> to vector<1x16xf32>
        tpu.vector_store %arg8[%swap3A_1530, %swap3A_1531], %swap3A_1534 {add = true, strides = array<i32>} : memref<96x768xf32, #tpu.memory_space<vmem>>, vector<1x16xf32>,
        %get3A_1535 = arith.index_cast %add3A_524 : i32 to index
        %get3A_1536 = arith.constant 368 : index
        %get3A_1537 = tpu.vector_load %arg7[%get3A_1535, %get3A_1536] {strides = array<i32>} : memref<64x768xf32, #tpu.memory_space<vmem>>, vector<1x16xf32>,
        %get3A_1538 = vector.shape_cast %get3A_1537 : vector<1x16xf32> to vector<16xf32>
        %mul3A_1539 = arith.constant 32 : i32
        %mul3A_1540 = arith.muli %rem3A_365, %mul3A_1539 : i32
        %add3A_1541 = arith.constant 0 : i32
        %add3A_1542 = arith.addi %mul3A_1540, %add3A_1541 : i32
        %add3A_1543 = arith.addi %add3A_1542, %scan3A_520 : i32
        %swap3A_1544 = arith.index_cast %add3A_1543 : i32 to index
        %swap3A_1545 = arith.constant 368 : index
        %swap3A_1546 = tpu.vector_load %arg8[%swap3A_1544, %swap3A_1545] {strides = array<i32>} : memref<96x768xf32, #tpu.memory_space<vmem>>, vector<1x16xf32>,
        %swap3A_1547 = vector.shape_cast %swap3A_1546 : vector<1x16xf32> to vector<16xf32>
        %swap3A_1548 = vector.shape_cast %get3A_1538 : vector<16xf32> to vector<1x16xf32>
        tpu.vector_store %arg8[%swap3A_1544, %swap3A_1545], %swap3A_1548 {add = true, strides = array<i32>} : memref<96x768xf32, #tpu.memory_space<vmem>>, vector<1x16xf32>,
        %mul3A_1549 = arith.constant 32 : i32
        %mul3A_1550 = arith.muli %rem3A_365, %mul3A_1549 : i32
        %add3A_1551 = arith.constant 8 : i32
        %add3A_1552 = arith.addi %mul3A_1550, %add3A_1551 : i32
        %add3A_1553 = arith.addi %add3A_1552, %scan3A_520 : i32
        %swap3A_1554 = arith.index_cast %add3A_1553 : i32 to index
        %swap3A_1555 = arith.constant 368 : index
        %swap3A_1556 = tpu.vector_load %arg8[%swap3A_1554, %swap3A_1555] {strides = array<i32>} : memref<96x768xf32, #tpu.memory_space<vmem>>, vector<1x16xf32>,
        %swap3A_1557 = vector.shape_cast %swap3A_1556 : vector<1x16xf32> to vector<16xf32>
        %swap3A_1558 = vector.shape_cast %get3A_1538 : vector<16xf32> to vector<1x16xf32>
        tpu.vector_store %arg8[%swap3A_1554, %swap3A_1555], %swap3A_1558 {add = true, strides = array<i32>} : memref<96x768xf32, #tpu.memory_space<vmem>>, vector<1x16xf32>,
        %mul3A_1559 = arith.constant 32 : i32
        %mul3A_1560 = arith.muli %rem3A_365, %mul3A_1559 : i32
        %add3A_1561 = arith.constant 16 : i32
        %add3A_1562 = arith.addi %mul3A_1560, %add3A_1561 : i32
        %add3A_1563 = arith.addi %add3A_1562, %scan3A_520 : i32
        %swap3A_1564 = arith.index_cast %add3A_1563 : i32 to index
        %swap3A_1565 = arith.constant 368 : index
        %swap3A_1566 = tpu.vector_load %arg8[%swap3A_1564, %swap3A_1565] {strides = array<i32>} : memref<96x768xf32, #tpu.memory_space<vmem>>, vector<1x16xf32>,
        %swap3A_1567 = vector.shape_cast %swap3A_1566 : vector<1x16xf32> to vector<16xf32>
        %swap3A_1568 = vector.shape_cast %get3A_1538 : vector<16xf32> to vector<1x16xf32>
        tpu.vector_store %arg8[%swap3A_1564, %swap3A_1565], %swap3A_1568 {add = true, strides = array<i32>} : memref<96x768xf32, #tpu.memory_space<vmem>>, vector<1x16xf32>,
        %mul3A_1569 = arith.constant 32 : i32
        %mul3A_1570 = arith.muli %rem3A_365, %mul3A_1569 : i32
        %add3A_1571 = arith.constant 24 : i32
        %add3A_1572 = arith.addi %mul3A_1570, %add3A_1571 : i32
        %add3A_1573 = arith.addi %add3A_1572, %scan3A_520 : i32
        %swap3A_1574 = arith.index_cast %add3A_1573 : i32 to index
        %swap3A_1575 = arith.constant 368 : index
        %swap3A_1576 = tpu.vector_load %arg8[%swap3A_1574, %swap3A_1575] {strides = array<i32>} : memref<96x768xf32, #tpu.memory_space<vmem>>, vector<1x16xf32>,
        %swap3A_1577 = vector.shape_cast %swap3A_1576 : vector<1x16xf32> to vector<16xf32>
        %swap3A_1578 = vector.shape_cast %get3A_1538 : vector<16xf32> to vector<1x16xf32>
        tpu.vector_store %arg8[%swap3A_1574, %swap3A_1575], %swap3A_1578 {add = true, strides = array<i32>} : memref<96x768xf32, #tpu.memory_space<vmem>>, vector<1x16xf32>,
        %get3A_1579 = arith.index_cast %add3A_524 : i32 to index
        %get3A_1580 = arith.constant 384 : index
        %get3A_1581 = tpu.vector_load %arg7[%get3A_1579, %get3A_1580] {strides = array<i32>} : memref<64x768xf32, #tpu.memory_space<vmem>>, vector<1x16xf32>,
        %get3A_1582 = vector.shape_cast %get3A_1581 : vector<1x16xf32> to vector<16xf32>
        %mul3A_1583 = arith.constant 32 : i32
        %mul3A_1584 = arith.muli %rem3A_365, %mul3A_1583 : i32
        %add3A_1585 = arith.constant 0 : i32
        %add3A_1586 = arith.addi %mul3A_1584, %add3A_1585 : i32
        %add3A_1587 = arith.addi %add3A_1586, %scan3A_520 : i32
        %swap3A_1588 = arith.index_cast %add3A_1587 : i32 to index
        %swap3A_1589 = arith.constant 384 : index
        %swap3A_1590 = tpu.vector_load %arg8[%swap3A_1588, %swap3A_1589] {strides = array<i32>} : memref<96x768xf32, #tpu.memory_space<vmem>>, vector<1x16xf32>,
        %swap3A_1591 = vector.shape_cast %swap3A_1590 : vector<1x16xf32> to vector<16xf32>
        %swap3A_1592 = vector.shape_cast %get3A_1582 : vector<16xf32> to vector<1x16xf32>
        tpu.vector_store %arg8[%swap3A_1588, %swap3A_1589], %swap3A_1592 {add = true, strides = array<i32>} : memref<96x768xf32, #tpu.memory_space<vmem>>, vector<1x16xf32>,
        %mul3A_1593 = arith.constant 32 : i32
        %mul3A_1594 = arith.muli %rem3A_365, %mul3A_1593 : i32
        %add3A_1595 = arith.constant 8 : i32
        %add3A_1596 = arith.addi %mul3A_1594, %add3A_1595 : i32
        %add3A_1597 = arith.addi %add3A_1596, %scan3A_520 : i32
        %swap3A_1598 = arith.index_cast %add3A_1597 : i32 to index
        %swap3A_1599 = arith.constant 384 : index
        %swap3A_1600 = tpu.vector_load %arg8[%swap3A_1598, %swap3A_1599] {strides = array<i32>} : memref<96x768xf32, #tpu.memory_space<vmem>>, vector<1x16xf32>,
        %swap3A_1601 = vector.shape_cast %swap3A_1600 : vector<1x16xf32> to vector<16xf32>
        %swap3A_1602 = vector.shape_cast %get3A_1582 : vector<16xf32> to vector<1x16xf32>
        tpu.vector_store %arg8[%swap3A_1598, %swap3A_1599], %swap3A_1602 {add = true, strides = array<i32>} : memref<96x768xf32, #tpu.memory_space<vmem>>, vector<1x16xf32>,
        %mul3A_1603 = arith.constant 32 : i32
        %mul3A_1604 = arith.muli %rem3A_365, %mul3A_1603 : i32
        %add3A_1605 = arith.constant 16 : i32
        %add3A_1606 = arith.addi %mul3A_1604, %add3A_1605 : i32
        %add3A_1607 = arith.addi %add3A_1606, %scan3A_520 : i32
        %swap3A_1608 = arith.index_cast %add3A_1607 : i32 to index
        %swap3A_1609 = arith.constant 384 : index
        %swap3A_1610 = tpu.vector_load %arg8[%swap3A_1608, %swap3A_1609] {strides = array<i32>} : memref<96x768xf32, #tpu.memory_space<vmem>>, vector<1x16xf32>,
        %swap3A_1611 = vector.shape_cast %swap3A_1610 : vector<1x16xf32> to vector<16xf32>
        %swap3A_1612 = vector.shape_cast %get3A_1582 : vector<16xf32> to vector<1x16xf32>
        tpu.vector_store %arg8[%swap3A_1608, %swap3A_1609], %swap3A_1612 {add = true, strides = array<i32>} : memref<96x768xf32, #tpu.memory_space<vmem>>, vector<1x16xf32>,
        %mul3A_1613 = arith.constant 32 : i32
        %mul3A_1614 = arith.muli %rem3A_365, %mul3A_1613 : i32
        %add3A_1615 = arith.constant 24 : i32
        %add3A_1616 = arith.addi %mul3A_1614, %add3A_1615 : i32
        %add3A_1617 = arith.addi %add3A_1616, %scan3A_520 : i32
        %swap3A_1618 = arith.index_cast %add3A_1617 : i32 to index
        %swap3A_1619 = arith.constant 384 : index
        %swap3A_1620 = tpu.vector_load %arg8[%swap3A_1618, %swap3A_1619] {strides = array<i32>} : memref<96x768xf32, #tpu.memory_space<vmem>>, vector<1x16xf32>,
        %swap3A_1621 = vector.shape_cast %swap3A_1620 : vector<1x16xf32> to vector<16xf32>
        %swap3A_1622 = vector.shape_cast %get3A_1582 : vector<16xf32> to vector<1x16xf32>
        tpu.vector_store %arg8[%swap3A_1618, %swap3A_1619], %swap3A_1622 {add = true, strides = array<i32>} : memref<96x768xf32, #tpu.memory_space<vmem>>, vector<1x16xf32>,
        %get3A_1623 = arith.index_cast %add3A_524 : i32 to index
        %get3A_1624 = arith.constant 400 : index
        %get3A_1625 = tpu.vector_load %arg7[%get3A_1623, %get3A_1624] {strides = array<i32>} : memref<64x768xf32, #tpu.memory_space<vmem>>, vector<1x16xf32>,
        %get3A_1626 = vector.shape_cast %get3A_1625 : vector<1x16xf32> to vector<16xf32>
        %mul3A_1627 = arith.constant 32 : i32
        %mul3A_1628 = arith.muli %rem3A_365, %mul3A_1627 : i32
        %add3A_1629 = arith.constant 0 : i32
        %add3A_1630 = arith.addi %mul3A_1628, %add3A_1629 : i32
        %add3A_1631 = arith.addi %add3A_1630, %scan3A_520 : i32
        %swap3A_1632 = arith.index_cast %add3A_1631 : i32 to index
        %swap3A_1633 = arith.constant 400 : index
        %swap3A_1634 = tpu.vector_load %arg8[%swap3A_1632, %swap3A_1633] {strides = array<i32>} : memref<96x768xf32, #tpu.memory_space<vmem>>, vector<1x16xf32>,
        %swap3A_1635 = vector.shape_cast %swap3A_1634 : vector<1x16xf32> to vector<16xf32>
        %swap3A_1636 = vector.shape_cast %get3A_1626 : vector<16xf32> to vector<1x16xf32>
        tpu.vector_store %arg8[%swap3A_1632, %swap3A_1633], %swap3A_1636 {add = true, strides = array<i32>} : memref<96x768xf32, #tpu.memory_space<vmem>>, vector<1x16xf32>,
        %mul3A_1637 = arith.constant 32 : i32
        %mul3A_1638 = arith.muli %rem3A_365, %mul3A_1637 : i32
        %add3A_1639 = arith.constant 8 : i32
        %add3A_1640 = arith.addi %mul3A_1638, %add3A_1639 : i32
        %add3A_1641 = arith.addi %add3A_1640, %scan3A_520 : i32
        %swap3A_1642 = arith.index_cast %add3A_1641 : i32 to index
        %swap3A_1643 = arith.constant 400 : index
        %swap3A_1644 = tpu.vector_load %arg8[%swap3A_1642, %swap3A_1643] {strides = array<i32>} : memref<96x768xf32, #tpu.memory_space<vmem>>, vector<1x16xf32>,
        %swap3A_1645 = vector.shape_cast %swap3A_1644 : vector<1x16xf32> to vector<16xf32>
        %swap3A_1646 = vector.shape_cast %get3A_1626 : vector<16xf32> to vector<1x16xf32>
        tpu.vector_store %arg8[%swap3A_1642, %swap3A_1643], %swap3A_1646 {add = true, strides = array<i32>} : memref<96x768xf32, #tpu.memory_space<vmem>>, vector<1x16xf32>,
        %mul3A_1647 = arith.constant 32 : i32
        %mul3A_1648 = arith.muli %rem3A_365, %mul3A_1647 : i32
        %add3A_1649 = arith.constant 16 : i32
        %add3A_1650 = arith.addi %mul3A_1648, %add3A_1649 : i32
        %add3A_1651 = arith.addi %add3A_1650, %scan3A_520 : i32
        %swap3A_1652 = arith.index_cast %add3A_1651 : i32 to index
        %swap3A_1653 = arith.constant 400 : index
        %swap3A_1654 = tpu.vector_load %arg8[%swap3A_1652, %swap3A_1653] {strides = array<i32>} : memref<96x768xf32, #tpu.memory_space<vmem>>, vector<1x16xf32>,
        %swap3A_1655 = vector.shape_cast %swap3A_1654 : vector<1x16xf32> to vector<16xf32>
        %swap3A_1656 = vector.shape_cast %get3A_1626 : vector<16xf32> to vector<1x16xf32>
        tpu.vector_store %arg8[%swap3A_1652, %swap3A_1653], %swap3A_1656 {add = true, strides = array<i32>} : memref<96x768xf32, #tpu.memory_space<vmem>>, vector<1x16xf32>,
        %mul3A_1657 = arith.constant 32 : i32
        %mul3A_1658 = arith.muli %rem3A_365, %mul3A_1657 : i32
        %add3A_1659 = arith.constant 24 : i32
        %add3A_1660 = arith.addi %mul3A_1658, %add3A_1659 : i32
        %add3A_1661 = arith.addi %add3A_1660, %scan3A_520 : i32
        %swap3A_1662 = arith.index_cast %add3A_1661 : i32 to index
        %swap3A_1663 = arith.constant 400 : index
        %swap3A_1664 = tpu.vector_load %arg8[%swap3A_1662, %swap3A_1663] {strides = array<i32>} : memref<96x768xf32, #tpu.memory_space<vmem>>, vector<1x16xf32>,
        %swap3A_1665 = vector.shape_cast %swap3A_1664 : vector<1x16xf32> to vector<16xf32>
        %swap3A_1666 = vector.shape_cast %get3A_1626 : vector<16xf32> to vector<1x16xf32>
        tpu.vector_store %arg8[%swap3A_1662, %swap3A_1663], %swap3A_1666 {add = true, strides = array<i32>} : memref<96x768xf32, #tpu.memory_space<vmem>>, vector<1x16xf32>,
        %get3A_1667 = arith.index_cast %add3A_524 : i32 to index
        %get3A_1668 = arith.constant 416 : index
        %get3A_1669 = tpu.vector_load %arg7[%get3A_1667, %get3A_1668] {strides = array<i32>} : memref<64x768xf32, #tpu.memory_space<vmem>>, vector<1x16xf32>,
        %get3A_1670 = vector.shape_cast %get3A_1669 : vector<1x16xf32> to vector<16xf32>
        %mul3A_1671 = arith.constant 32 : i32
        %mul3A_1672 = arith.muli %rem3A_365, %mul3A_1671 : i32
        %add3A_1673 = arith.constant 0 : i32
        %add3A_1674 = arith.addi %mul3A_1672, %add3A_1673 : i32
        %add3A_1675 = arith.addi %add3A_1674, %scan3A_520 : i32
        %swap3A_1676 = arith.index_cast %add3A_1675 : i32 to index
        %swap3A_1677 = arith.constant 416 : index
        %swap3A_1678 = tpu.vector_load %arg8[%swap3A_1676, %swap3A_1677] {strides = array<i32>} : memref<96x768xf32, #tpu.memory_space<vmem>>, vector<1x16xf32>,
        %swap3A_1679 = vector.shape_cast %swap3A_1678 : vector<1x16xf32> to vector<16xf32>
        %swap3A_1680 = vector.shape_cast %get3A_1670 : vector<16xf32> to vector<1x16xf32>
        tpu.vector_store %arg8[%swap3A_1676, %swap3A_1677], %swap3A_1680 {add = true, strides = array<i32>} : memref<96x768xf32, #tpu.memory_space<vmem>>, vector<1x16xf32>,
        %mul3A_1681 = arith.constant 32 : i32
        %mul3A_1682 = arith.muli %rem3A_365, %mul3A_1681 : i32
        %add3A_1683 = arith.constant 8 : i32
        %add3A_1684 = arith.addi %mul3A_1682, %add3A_1683 : i32
        %add3A_1685 = arith.addi %add3A_1684, %scan3A_520 : i32
        %swap3A_1686 = arith.index_cast %add3A_1685 : i32 to index
        %swap3A_1687 = arith.constant 416 : index
        %swap3A_1688 = tpu.vector_load %arg8[%swap3A_1686, %swap3A_1687] {strides = array<i32>} : memref<96x768xf32, #tpu.memory_space<vmem>>, vector<1x16xf32>,
        %swap3A_1689 = vector.shape_cast %swap3A_1688 : vector<1x16xf32> to vector<16xf32>
        %swap3A_1690 = vector.shape_cast %get3A_1670 : vector<16xf32> to vector<1x16xf32>
        tpu.vector_store %arg8[%swap3A_1686, %swap3A_1687], %swap3A_1690 {add = true, strides = array<i32>} : memref<96x768xf32, #tpu.memory_space<vmem>>, vector<1x16xf32>,
        %mul3A_1691 = arith.constant 32 : i32
        %mul3A_1692 = arith.muli %rem3A_365, %mul3A_1691 : i32
        %add3A_1693 = arith.constant 16 : i32
        %add3A_1694 = arith.addi %mul3A_1692, %add3A_1693 : i32
        %add3A_1695 = arith.addi %add3A_1694, %scan3A_520 : i32
        %swap3A_1696 = arith.index_cast %add3A_1695 : i32 to index
        %swap3A_1697 = arith.constant 416 : index
        %swap3A_1698 = tpu.vector_load %arg8[%swap3A_1696, %swap3A_1697] {strides = array<i32>} : memref<96x768xf32, #tpu.memory_space<vmem>>, vector<1x16xf32>,
        %swap3A_1699 = vector.shape_cast %swap3A_1698 : vector<1x16xf32> to vector<16xf32>
        %swap3A_1700 = vector.shape_cast %get3A_1670 : vector<16xf32> to vector<1x16xf32>
        tpu.vector_store %arg8[%swap3A_1696, %swap3A_1697], %swap3A_1700 {add = true, strides = array<i32>} : memref<96x768xf32, #tpu.memory_space<vmem>>, vector<1x16xf32>,
        %mul3A_1701 = arith.constant 32 : i32
        %mul3A_1702 = arith.muli %rem3A_365, %mul3A_1701 : i32
        %add3A_1703 = arith.constant 24 : i32
        %add3A_1704 = arith.addi %mul3A_1702, %add3A_1703 : i32
        %add3A_1705 = arith.addi %add3A_1704, %scan3A_520 : i32
        %swap3A_1706 = arith.index_cast %add3A_1705 : i32 to index
        %swap3A_1707 = arith.constant 416 : index
        %swap3A_1708 = tpu.vector_load %arg8[%swap3A_1706, %swap3A_1707] {strides = array<i32>} : memref<96x768xf32, #tpu.memory_space<vmem>>, vector<1x16xf32>,
        %swap3A_1709 = vector.shape_cast %swap3A_1708 : vector<1x16xf32> to vector<16xf32>
        %swap3A_1710 = vector.shape_cast %get3A_1670 : vector<16xf32> to vector<1x16xf32>
        tpu.vector_store %arg8[%swap3A_1706, %swap3A_1707], %swap3A_1710 {add = true, strides = array<i32>} : memref<96x768xf32, #tpu.memory_space<vmem>>, vector<1x16xf32>,
        %get3A_1711 = arith.index_cast %add3A_524 : i32 to index
        %get3A_1712 = arith.constant 432 : index
        %get3A_1713 = tpu.vector_load %arg7[%get3A_1711, %get3A_1712] {strides = array<i32>} : memref<64x768xf32, #tpu.memory_space<vmem>>, vector<1x16xf32>,
        %get3A_1714 = vector.shape_cast %get3A_1713 : vector<1x16xf32> to vector<16xf32>
        %mul3A_1715 = arith.constant 32 : i32
        %mul3A_1716 = arith.muli %rem3A_365, %mul3A_1715 : i32
        %add3A_1717 = arith.constant 0 : i32
        %add3A_1718 = arith.addi %mul3A_1716, %add3A_1717 : i32
        %add3A_1719 = arith.addi %add3A_1718, %scan3A_520 : i32
        %swap3A_1720 = arith.index_cast %add3A_1719 : i32 to index
        %swap3A_1721 = arith.constant 432 : index
        %swap3A_1722 = tpu.vector_load %arg8[%swap3A_1720, %swap3A_1721] {strides = array<i32>} : memref<96x768xf32, #tpu.memory_space<vmem>>, vector<1x16xf32>,
        %swap3A_1723 = vector.shape_cast %swap3A_1722 : vector<1x16xf32> to vector<16xf32>
        %swap3A_1724 = vector.shape_cast %get3A_1714 : vector<16xf32> to vector<1x16xf32>
        tpu.vector_store %arg8[%swap3A_1720, %swap3A_1721], %swap3A_1724 {add = true, strides = array<i32>} : memref<96x768xf32, #tpu.memory_space<vmem>>, vector<1x16xf32>,
        %mul3A_1725 = arith.constant 32 : i32
        %mul3A_1726 = arith.muli %rem3A_365, %mul3A_1725 : i32
        %add3A_1727 = arith.constant 8 : i32
        %add3A_1728 = arith.addi %mul3A_1726, %add3A_1727 : i32
        %add3A_1729 = arith.addi %add3A_1728, %scan3A_520 : i32
        %swap3A_1730 = arith.index_cast %add3A_1729 : i32 to index
        %swap3A_1731 = arith.constant 432 : index
        %swap3A_1732 = tpu.vector_load %arg8[%swap3A_1730, %swap3A_1731] {strides = array<i32>} : memref<96x768xf32, #tpu.memory_space<vmem>>, vector<1x16xf32>,
        %swap3A_1733 = vector.shape_cast %swap3A_1732 : vector<1x16xf32> to vector<16xf32>
        %swap3A_1734 = vector.shape_cast %get3A_1714 : vector<16xf32> to vector<1x16xf32>
        tpu.vector_store %arg8[%swap3A_1730, %swap3A_1731], %swap3A_1734 {add = true, strides = array<i32>} : memref<96x768xf32, #tpu.memory_space<vmem>>, vector<1x16xf32>,
        %mul3A_1735 = arith.constant 32 : i32
        %mul3A_1736 = arith.muli %rem3A_365, %mul3A_1735 : i32
        %add3A_1737 = arith.constant 16 : i32
        %add3A_1738 = arith.addi %mul3A_1736, %add3A_1737 : i32
        %add3A_1739 = arith.addi %add3A_1738, %scan3A_520 : i32
        %swap3A_1740 = arith.index_cast %add3A_1739 : i32 to index
        %swap3A_1741 = arith.constant 432 : index
        %swap3A_1742 = tpu.vector_load %arg8[%swap3A_1740, %swap3A_1741] {strides = array<i32>} : memref<96x768xf32, #tpu.memory_space<vmem>>, vector<1x16xf32>,
        %swap3A_1743 = vector.shape_cast %swap3A_1742 : vector<1x16xf32> to vector<16xf32>
        %swap3A_1744 = vector.shape_cast %get3A_1714 : vector<16xf32> to vector<1x16xf32>
        tpu.vector_store %arg8[%swap3A_1740, %swap3A_1741], %swap3A_1744 {add = true, strides = array<i32>} : memref<96x768xf32, #tpu.memory_space<vmem>>, vector<1x16xf32>,
        %mul3A_1745 = arith.constant 32 : i32
        %mul3A_1746 = arith.muli %rem3A_365, %mul3A_1745 : i32
        %add3A_1747 = arith.constant 24 : i32
        %add3A_1748 = arith.addi %mul3A_1746, %add3A_1747 : i32
        %add3A_1749 = arith.addi %add3A_1748, %scan3A_520 : i32
        %swap3A_1750 = arith.index_cast %add3A_1749 : i32 to index
        %swap3A_1751 = arith.constant 432 : index
        %swap3A_1752 = tpu.vector_load %arg8[%swap3A_1750, %swap3A_1751] {strides = array<i32>} : memref<96x768xf32, #tpu.memory_space<vmem>>, vector<1x16xf32>,
        %swap3A_1753 = vector.shape_cast %swap3A_1752 : vector<1x16xf32> to vector<16xf32>
        %swap3A_1754 = vector.shape_cast %get3A_1714 : vector<16xf32> to vector<1x16xf32>
        tpu.vector_store %arg8[%swap3A_1750, %swap3A_1751], %swap3A_1754 {add = true, strides = array<i32>} : memref<96x768xf32, #tpu.memory_space<vmem>>, vector<1x16xf32>,
        %get3A_1755 = arith.index_cast %add3A_524 : i32 to index
        %get3A_1756 = arith.constant 448 : index
        %get3A_1757 = tpu.vector_load %arg7[%get3A_1755, %get3A_1756] {strides = array<i32>} : memref<64x768xf32, #tpu.memory_space<vmem>>, vector<1x16xf32>,
        %get3A_1758 = vector.shape_cast %get3A_1757 : vector<1x16xf32> to vector<16xf32>
        %mul3A_1759 = arith.constant 32 : i32
        %mul3A_1760 = arith.muli %rem3A_365, %mul3A_1759 : i32
        %add3A_1761 = arith.constant 0 : i32
        %add3A_1762 = arith.addi %mul3A_1760, %add3A_1761 : i32
        %add3A_1763 = arith.addi %add3A_1762, %scan3A_520 : i32
        %swap3A_1764 = arith.index_cast %add3A_1763 : i32 to index
        %swap3A_1765 = arith.constant 448 : index
        %swap3A_1766 = tpu.vector_load %arg8[%swap3A_1764, %swap3A_1765] {strides = array<i32>} : memref<96x768xf32, #tpu.memory_space<vmem>>, vector<1x16xf32>,
        %swap3A_1767 = vector.shape_cast %swap3A_1766 : vector<1x16xf32> to vector<16xf32>
        %swap3A_1768 = vector.shape_cast %get3A_1758 : vector<16xf32> to vector<1x16xf32>
        tpu.vector_store %arg8[%swap3A_1764, %swap3A_1765], %swap3A_1768 {add = true, strides = array<i32>} : memref<96x768xf32, #tpu.memory_space<vmem>>, vector<1x16xf32>,
        %mul3A_1769 = arith.constant 32 : i32
        %mul3A_1770 = arith.muli %rem3A_365, %mul3A_1769 : i32
        %add3A_1771 = arith.constant 8 : i32
        %add3A_1772 = arith.addi %mul3A_1770, %add3A_1771 : i32
        %add3A_1773 = arith.addi %add3A_1772, %scan3A_520 : i32
        %swap3A_1774 = arith.index_cast %add3A_1773 : i32 to index
        %swap3A_1775 = arith.constant 448 : index
        %swap3A_1776 = tpu.vector_load %arg8[%swap3A_1774, %swap3A_1775] {strides = array<i32>} : memref<96x768xf32, #tpu.memory_space<vmem>>, vector<1x16xf32>,
        %swap3A_1777 = vector.shape_cast %swap3A_1776 : vector<1x16xf32> to vector<16xf32>
        %swap3A_1778 = vector.shape_cast %get3A_1758 : vector<16xf32> to vector<1x16xf32>
        tpu.vector_store %arg8[%swap3A_1774, %swap3A_1775], %swap3A_1778 {add = true, strides = array<i32>} : memref<96x768xf32, #tpu.memory_space<vmem>>, vector<1x16xf32>,
        %mul3A_1779 = arith.constant 32 : i32
        %mul3A_1780 = arith.muli %rem3A_365, %mul3A_1779 : i32
        %add3A_1781 = arith.constant 16 : i32
        %add3A_1782 = arith.addi %mul3A_1780, %add3A_1781 : i32
        %add3A_1783 = arith.addi %add3A_1782, %scan3A_520 : i32
        %swap3A_1784 = arith.index_cast %add3A_1783 : i32 to index
        %swap3A_1785 = arith.constant 448 : index
        %swap3A_1786 = tpu.vector_load %arg8[%swap3A_1784, %swap3A_1785] {strides = array<i32>} : memref<96x768xf32, #tpu.memory_space<vmem>>, vector<1x16xf32>,
        %swap3A_1787 = vector.shape_cast %swap3A_1786 : vector<1x16xf32> to vector<16xf32>
        %swap3A_1788 = vector.shape_cast %get3A_1758 : vector<16xf32> to vector<1x16xf32>
        tpu.vector_store %arg8[%swap3A_1784, %swap3A_1785], %swap3A_1788 {add = true, strides = array<i32>} : memref<96x768xf32, #tpu.memory_space<vmem>>, vector<1x16xf32>,
        %mul3A_1789 = arith.constant 32 : i32
        %mul3A_1790 = arith.muli %rem3A_365, %mul3A_1789 : i32
        %add3A_1791 = arith.constant 24 : i32
        %add3A_1792 = arith.addi %mul3A_1790, %add3A_1791 : i32
        %add3A_1793 = arith.addi %add3A_1792, %scan3A_520 : i32
        %swap3A_1794 = arith.index_cast %add3A_1793 : i32 to index
        %swap3A_1795 = arith.constant 448 : index
        %swap3A_1796 = tpu.vector_load %arg8[%swap3A_1794, %swap3A_1795] {strides = array<i32>} : memref<96x768xf32, #tpu.memory_space<vmem>>, vector<1x16xf32>,
        %swap3A_1797 = vector.shape_cast %swap3A_1796 : vector<1x16xf32> to vector<16xf32>
        %swap3A_1798 = vector.shape_cast %get3A_1758 : vector<16xf32> to vector<1x16xf32>
        tpu.vector_store %arg8[%swap3A_1794, %swap3A_1795], %swap3A_1798 {add = true, strides = array<i32>} : memref<96x768xf32, #tpu.memory_space<vmem>>, vector<1x16xf32>,
        %get3A_1799 = arith.index_cast %add3A_524 : i32 to index
        %get3A_1800 = arith.constant 464 : index
        %get3A_1801 = tpu.vector_load %arg7[%get3A_1799, %get3A_1800] {strides = array<i32>} : memref<64x768xf32, #tpu.memory_space<vmem>>, vector<1x16xf32>,
        %get3A_1802 = vector.shape_cast %get3A_1801 : vector<1x16xf32> to vector<16xf32>
        %mul3A_1803 = arith.constant 32 : i32
        %mul3A_1804 = arith.muli %rem3A_365, %mul3A_1803 : i32
        %add3A_1805 = arith.constant 0 : i32
        %add3A_1806 = arith.addi %mul3A_1804, %add3A_1805 : i32
        %add3A_1807 = arith.addi %add3A_1806, %scan3A_520 : i32
        %swap3A_1808 = arith.index_cast %add3A_1807 : i32 to index
        %swap3A_1809 = arith.constant 464 : index
        %swap3A_1810 = tpu.vector_load %arg8[%swap3A_1808, %swap3A_1809] {strides = array<i32>} : memref<96x768xf32, #tpu.memory_space<vmem>>, vector<1x16xf32>,
        %swap3A_1811 = vector.shape_cast %swap3A_1810 : vector<1x16xf32> to vector<16xf32>
        %swap3A_1812 = vector.shape_cast %get3A_1802 : vector<16xf32> to vector<1x16xf32>
        tpu.vector_store %arg8[%swap3A_1808, %swap3A_1809], %swap3A_1812 {add = true, strides = array<i32>} : memref<96x768xf32, #tpu.memory_space<vmem>>, vector<1x16xf32>,
        %mul3A_1813 = arith.constant 32 : i32
        %mul3A_1814 = arith.muli %rem3A_365, %mul3A_1813 : i32
        %add3A_1815 = arith.constant 8 : i32
        %add3A_1816 = arith.addi %mul3A_1814, %add3A_1815 : i32
        %add3A_1817 = arith.addi %add3A_1816, %scan3A_520 : i32
        %swap3A_1818 = arith.index_cast %add3A_1817 : i32 to index
        %swap3A_1819 = arith.constant 464 : index
        %swap3A_1820 = tpu.vector_load %arg8[%swap3A_1818, %swap3A_1819] {strides = array<i32>} : memref<96x768xf32, #tpu.memory_space<vmem>>, vector<1x16xf32>,
        %swap3A_1821 = vector.shape_cast %swap3A_1820 : vector<1x16xf32> to vector<16xf32>
        %swap3A_1822 = vector.shape_cast %get3A_1802 : vector<16xf32> to vector<1x16xf32>
        tpu.vector_store %arg8[%swap3A_1818, %swap3A_1819], %swap3A_1822 {add = true, strides = array<i32>} : memref<96x768xf32, #tpu.memory_space<vmem>>, vector<1x16xf32>,
        %mul3A_1823 = arith.constant 32 : i32
        %mul3A_1824 = arith.muli %rem3A_365, %mul3A_1823 : i32
        %add3A_1825 = arith.constant 16 : i32
        %add3A_1826 = arith.addi %mul3A_1824, %add3A_1825 : i32
        %add3A_1827 = arith.addi %add3A_1826, %scan3A_520 : i32
        %swap3A_1828 = arith.index_cast %add3A_1827 : i32 to index
        %swap3A_1829 = arith.constant 464 : index
        %swap3A_1830 = tpu.vector_load %arg8[%swap3A_1828, %swap3A_1829] {strides = array<i32>} : memref<96x768xf32, #tpu.memory_space<vmem>>, vector<1x16xf32>,
        %swap3A_1831 = vector.shape_cast %swap3A_1830 : vector<1x16xf32> to vector<16xf32>
        %swap3A_1832 = vector.shape_cast %get3A_1802 : vector<16xf32> to vector<1x16xf32>
        tpu.vector_store %arg8[%swap3A_1828, %swap3A_1829], %swap3A_1832 {add = true, strides = array<i32>} : memref<96x768xf32, #tpu.memory_space<vmem>>, vector<1x16xf32>,
        %mul3A_1833 = arith.constant 32 : i32
        %mul3A_1834 = arith.muli %rem3A_365, %mul3A_1833 : i32
        %add3A_1835 = arith.constant 24 : i32
        %add3A_1836 = arith.addi %mul3A_1834, %add3A_1835 : i32
        %add3A_1837 = arith.addi %add3A_1836, %scan3A_520 : i32
        %swap3A_1838 = arith.index_cast %add3A_1837 : i32 to index
        %swap3A_1839 = arith.constant 464 : index
        %swap3A_1840 = tpu.vector_load %arg8[%swap3A_1838, %swap3A_1839] {strides = array<i32>} : memref<96x768xf32, #tpu.memory_space<vmem>>, vector<1x16xf32>,
        %swap3A_1841 = vector.shape_cast %swap3A_1840 : vector<1x16xf32> to vector<16xf32>
        %swap3A_1842 = vector.shape_cast %get3A_1802 : vector<16xf32> to vector<1x16xf32>
        tpu.vector_store %arg8[%swap3A_1838, %swap3A_1839], %swap3A_1842 {add = true, strides = array<i32>} : memref<96x768xf32, #tpu.memory_space<vmem>>, vector<1x16xf32>,
        %get3A_1843 = arith.index_cast %add3A_524 : i32 to index
        %get3A_1844 = arith.constant 480 : index
        %get3A_1845 = tpu.vector_load %arg7[%get3A_1843, %get3A_1844] {strides = array<i32>} : memref<64x768xf32, #tpu.memory_space<vmem>>, vector<1x16xf32>,
        %get3A_1846 = vector.shape_cast %get3A_1845 : vector<1x16xf32> to vector<16xf32>
        %mul3A_1847 = arith.constant 32 : i32
        %mul3A_1848 = arith.muli %rem3A_365, %mul3A_1847 : i32
        %add3A_1849 = arith.constant 0 : i32
        %add3A_1850 = arith.addi %mul3A_1848, %add3A_1849 : i32
        %add3A_1851 = arith.addi %add3A_1850, %scan3A_520 : i32
        %swap3A_1852 = arith.index_cast %add3A_1851 : i32 to index
        %swap3A_1853 = arith.constant 480 : index
        %swap3A_1854 = tpu.vector_load %arg8[%swap3A_1852, %swap3A_1853] {strides = array<i32>} : memref<96x768xf32, #tpu.memory_space<vmem>>, vector<1x16xf32>,
        %swap3A_1855 = vector.shape_cast %swap3A_1854 : vector<1x16xf32> to vector<16xf32>
        %swap3A_1856 = vector.shape_cast %get3A_1846 : vector<16xf32> to vector<1x16xf32>
        tpu.vector_store %arg8[%swap3A_1852, %swap3A_1853], %swap3A_1856 {add = true, strides = array<i32>} : memref<96x768xf32, #tpu.memory_space<vmem>>, vector<1x16xf32>,
        %mul3A_1857 = arith.constant 32 : i32
        %mul3A_1858 = arith.muli %rem3A_365, %mul3A_1857 : i32
        %add3A_1859 = arith.constant 8 : i32
        %add3A_1860 = arith.addi %mul3A_1858, %add3A_1859 : i32
        %add3A_1861 = arith.addi %add3A_1860, %scan3A_520 : i32
        %swap3A_1862 = arith.index_cast %add3A_1861 : i32 to index
        %swap3A_1863 = arith.constant 480 : index
        %swap3A_1864 = tpu.vector_load %arg8[%swap3A_1862, %swap3A_1863] {strides = array<i32>} : memref<96x768xf32, #tpu.memory_space<vmem>>, vector<1x16xf32>,
        %swap3A_1865 = vector.shape_cast %swap3A_1864 : vector<1x16xf32> to vector<16xf32>
        %swap3A_1866 = vector.shape_cast %get3A_1846 : vector<16xf32> to vector<1x16xf32>
        tpu.vector_store %arg8[%swap3A_1862, %swap3A_1863], %swap3A_1866 {add = true, strides = array<i32>} : memref<96x768xf32, #tpu.memory_space<vmem>>, vector<1x16xf32>,
        %mul3A_1867 = arith.constant 32 : i32
        %mul3A_1868 = arith.muli %rem3A_365, %mul3A_1867 : i32
        %add3A_1869 = arith.constant 16 : i32
        %add3A_1870 = arith.addi %mul3A_1868, %add3A_1869 : i32
        %add3A_1871 = arith.addi %add3A_1870, %scan3A_520 : i32
        %swap3A_1872 = arith.index_cast %add3A_1871 : i32 to index
        %swap3A_1873 = arith.constant 480 : index
        %swap3A_1874 = tpu.vector_load %arg8[%swap3A_1872, %swap3A_1873] {strides = array<i32>} : memref<96x768xf32, #tpu.memory_space<vmem>>, vector<1x16xf32>,
        %swap3A_1875 = vector.shape_cast %swap3A_1874 : vector<1x16xf32> to vector<16xf32>
        %swap3A_1876 = vector.shape_cast %get3A_1846 : vector<16xf32> to vector<1x16xf32>
        tpu.vector_store %arg8[%swap3A_1872, %swap3A_1873], %swap3A_1876 {add = true, strides = array<i32>} : memref<96x768xf32, #tpu.memory_space<vmem>>, vector<1x16xf32>,
        %mul3A_1877 = arith.constant 32 : i32
        %mul3A_1878 = arith.muli %rem3A_365, %mul3A_1877 : i32
        %add3A_1879 = arith.constant 24 : i32
        %add3A_1880 = arith.addi %mul3A_1878, %add3A_1879 : i32
        %add3A_1881 = arith.addi %add3A_1880, %scan3A_520 : i32
        %swap3A_1882 = arith.index_cast %add3A_1881 : i32 to index
        %swap3A_1883 = arith.constant 480 : index
        %swap3A_1884 = tpu.vector_load %arg8[%swap3A_1882, %swap3A_1883] {strides = array<i32>} : memref<96x768xf32, #tpu.memory_space<vmem>>, vector<1x16xf32>,
        %swap3A_1885 = vector.shape_cast %swap3A_1884 : vector<1x16xf32> to vector<16xf32>
        %swap3A_1886 = vector.shape_cast %get3A_1846 : vector<16xf32> to vector<1x16xf32>
        tpu.vector_store %arg8[%swap3A_1882, %swap3A_1883], %swap3A_1886 {add = true, strides = array<i32>} : memref<96x768xf32, #tpu.memory_space<vmem>>, vector<1x16xf32>,
        %get3A_1887 = arith.index_cast %add3A_524 : i32 to index
        %get3A_1888 = arith.constant 496 : index
        %get3A_1889 = tpu.vector_load %arg7[%get3A_1887, %get3A_1888] {strides = array<i32>} : memref<64x768xf32, #tpu.memory_space<vmem>>, vector<1x16xf32>,
        %get3A_1890 = vector.shape_cast %get3A_1889 : vector<1x16xf32> to vector<16xf32>
        %mul3A_1891 = arith.constant 32 : i32
        %mul3A_1892 = arith.muli %rem3A_365, %mul3A_1891 : i32
        %add3A_1893 = arith.constant 0 : i32
        %add3A_1894 = arith.addi %mul3A_1892, %add3A_1893 : i32
        %add3A_1895 = arith.addi %add3A_1894, %scan3A_520 : i32
        %swap3A_1896 = arith.index_cast %add3A_1895 : i32 to index
        %swap3A_1897 = arith.constant 496 : index
        %swap3A_1898 = tpu.vector_load %arg8[%swap3A_1896, %swap3A_1897] {strides = array<i32>} : memref<96x768xf32, #tpu.memory_space<vmem>>, vector<1x16xf32>,
        %swap3A_1899 = vector.shape_cast %swap3A_1898 : vector<1x16xf32> to vector<16xf32>
        %swap3A_1900 = vector.shape_cast %get3A_1890 : vector<16xf32> to vector<1x16xf32>
        tpu.vector_store %arg8[%swap3A_1896, %swap3A_1897], %swap3A_1900 {add = true, strides = array<i32>} : memref<96x768xf32, #tpu.memory_space<vmem>>, vector<1x16xf32>,
        %mul3A_1901 = arith.constant 32 : i32
        %mul3A_1902 = arith.muli %rem3A_365, %mul3A_1901 : i32
        %add3A_1903 = arith.constant 8 : i32
        %add3A_1904 = arith.addi %mul3A_1902, %add3A_1903 : i32
        %add3A_1905 = arith.addi %add3A_1904, %scan3A_520 : i32
        %swap3A_1906 = arith.index_cast %add3A_1905 : i32 to index
        %swap3A_1907 = arith.constant 496 : index
        %swap3A_1908 = tpu.vector_load %arg8[%swap3A_1906, %swap3A_1907] {strides = array<i32>} : memref<96x768xf32, #tpu.memory_space<vmem>>, vector<1x16xf32>,
        %swap3A_1909 = vector.shape_cast %swap3A_1908 : vector<1x16xf32> to vector<16xf32>
        %swap3A_1910 = vector.shape_cast %get3A_1890 : vector<16xf32> to vector<1x16xf32>
        tpu.vector_store %arg8[%swap3A_1906, %swap3A_1907], %swap3A_1910 {add = true, strides = array<i32>} : memref<96x768xf32, #tpu.memory_space<vmem>>, vector<1x16xf32>,
        %mul3A_1911 = arith.constant 32 : i32
        %mul3A_1912 = arith.muli %rem3A_365, %mul3A_1911 : i32
        %add3A_1913 = arith.constant 16 : i32
        %add3A_1914 = arith.addi %mul3A_1912, %add3A_1913 : i32
        %add3A_1915 = arith.addi %add3A_1914, %scan3A_520 : i32
        %swap3A_1916 = arith.index_cast %add3A_1915 : i32 to index
        %swap3A_1917 = arith.constant 496 : index
        %swap3A_1918 = tpu.vector_load %arg8[%swap3A_1916, %swap3A_1917] {strides = array<i32>} : memref<96x768xf32, #tpu.memory_space<vmem>>, vector<1x16xf32>,
        %swap3A_1919 = vector.shape_cast %swap3A_1918 : vector<1x16xf32> to vector<16xf32>
        %swap3A_1920 = vector.shape_cast %get3A_1890 : vector<16xf32> to vector<1x16xf32>
        tpu.vector_store %arg8[%swap3A_1916, %swap3A_1917], %swap3A_1920 {add = true, strides = array<i32>} : memref<96x768xf32, #tpu.memory_space<vmem>>, vector<1x16xf32>,
        %mul3A_1921 = arith.constant 32 : i32
        %mul3A_1922 = arith.muli %rem3A_365, %mul3A_1921 : i32
        %add3A_1923 = arith.constant 24 : i32
        %add3A_1924 = arith.addi %mul3A_1922, %add3A_1923 : i32
        %add3A_1925 = arith.addi %add3A_1924, %scan3A_520 : i32
        %swap3A_1926 = arith.index_cast %add3A_1925 : i32 to index
        %swap3A_1927 = arith.constant 496 : index
        %swap3A_1928 = tpu.vector_load %arg8[%swap3A_1926, %swap3A_1927] {strides = array<i32>} : memref<96x768xf32, #tpu.memory_space<vmem>>, vector<1x16xf32>,
        %swap3A_1929 = vector.shape_cast %swap3A_1928 : vector<1x16xf32> to vector<16xf32>
        %swap3A_1930 = vector.shape_cast %get3A_1890 : vector<16xf32> to vector<1x16xf32>
        tpu.vector_store %arg8[%swap3A_1926, %swap3A_1927], %swap3A_1930 {add = true, strides = array<i32>} : memref<96x768xf32, #tpu.memory_space<vmem>>, vector<1x16xf32>,
        %get3A_1931 = arith.index_cast %add3A_524 : i32 to index
        %get3A_1932 = arith.constant 512 : index
        %get3A_1933 = tpu.vector_load %arg7[%get3A_1931, %get3A_1932] {strides = array<i32>} : memref<64x768xf32, #tpu.memory_space<vmem>>, vector<1x16xf32>,
        %get3A_1934 = vector.shape_cast %get3A_1933 : vector<1x16xf32> to vector<16xf32>
        %mul3A_1935 = arith.constant 32 : i32
        %mul3A_1936 = arith.muli %rem3A_365, %mul3A_1935 : i32
        %add3A_1937 = arith.constant 0 : i32
        %add3A_1938 = arith.addi %mul3A_1936, %add3A_1937 : i32
        %add3A_1939 = arith.addi %add3A_1938, %scan3A_520 : i32
        %swap3A_1940 = arith.index_cast %add3A_1939 : i32 to index
        %swap3A_1941 = arith.constant 512 : index
        %swap3A_1942 = tpu.vector_load %arg8[%swap3A_1940, %swap3A_1941] {strides = array<i32>} : memref<96x768xf32, #tpu.memory_space<vmem>>, vector<1x16xf32>,
        %swap3A_1943 = vector.shape_cast %swap3A_1942 : vector<1x16xf32> to vector<16xf32>
        %swap3A_1944 = vector.shape_cast %get3A_1934 : vector<16xf32> to vector<1x16xf32>
        tpu.vector_store %arg8[%swap3A_1940, %swap3A_1941], %swap3A_1944 {add = true, strides = array<i32>} : memref<96x768xf32, #tpu.memory_space<vmem>>, vector<1x16xf32>,
        %mul3A_1945 = arith.constant 32 : i32
        %mul3A_1946 = arith.muli %rem3A_365, %mul3A_1945 : i32
        %add3A_1947 = arith.constant 8 : i32
        %add3A_1948 = arith.addi %mul3A_1946, %add3A_1947 : i32
        %add3A_1949 = arith.addi %add3A_1948, %scan3A_520 : i32
        %swap3A_1950 = arith.index_cast %add3A_1949 : i32 to index
        %swap3A_1951 = arith.constant 512 : index
        %swap3A_1952 = tpu.vector_load %arg8[%swap3A_1950, %swap3A_1951] {strides = array<i32>} : memref<96x768xf32, #tpu.memory_space<vmem>>, vector<1x16xf32>,
        %swap3A_1953 = vector.shape_cast %swap3A_1952 : vector<1x16xf32> to vector<16xf32>
        %swap3A_1954 = vector.shape_cast %get3A_1934 : vector<16xf32> to vector<1x16xf32>
        tpu.vector_store %arg8[%swap3A_1950, %swap3A_1951], %swap3A_1954 {add = true, strides = array<i32>} : memref<96x768xf32, #tpu.memory_space<vmem>>, vector<1x16xf32>,
        %mul3A_1955 = arith.constant 32 : i32
        %mul3A_1956 = arith.muli %rem3A_365, %mul3A_1955 : i32
        %add3A_1957 = arith.constant 16 : i32
        %add3A_1958 = arith.addi %mul3A_1956, %add3A_1957 : i32
        %add3A_1959 = arith.addi %add3A_1958, %scan3A_520 : i32
        %swap3A_1960 = arith.index_cast %add3A_1959 : i32 to index
        %swap3A_1961 = arith.constant 512 : index
        %swap3A_1962 = tpu.vector_load %arg8[%swap3A_1960, %swap3A_1961] {strides = array<i32>} : memref<96x768xf32, #tpu.memory_space<vmem>>, vector<1x16xf32>,
        %swap3A_1963 = vector.shape_cast %swap3A_1962 : vector<1x16xf32> to vector<16xf32>
        %swap3A_1964 = vector.shape_cast %get3A_1934 : vector<16xf32> to vector<1x16xf32>
        tpu.vector_store %arg8[%swap3A_1960, %swap3A_1961], %swap3A_1964 {add = true, strides = array<i32>} : memref<96x768xf32, #tpu.memory_space<vmem>>, vector<1x16xf32>,
        %mul3A_1965 = arith.constant 32 : i32
        %mul3A_1966 = arith.muli %rem3A_365, %mul3A_1965 : i32
        %add3A_1967 = arith.constant 24 : i32
        %add3A_1968 = arith.addi %mul3A_1966, %add3A_1967 : i32
        %add3A_1969 = arith.addi %add3A_1968, %scan3A_520 : i32
        %swap3A_1970 = arith.index_cast %add3A_1969 : i32 to index
        %swap3A_1971 = arith.constant 512 : index
        %swap3A_1972 = tpu.vector_load %arg8[%swap3A_1970, %swap3A_1971] {strides = array<i32>} : memref<96x768xf32, #tpu.memory_space<vmem>>, vector<1x16xf32>,
        %swap3A_1973 = vector.shape_cast %swap3A_1972 : vector<1x16xf32> to vector<16xf32>
        %swap3A_1974 = vector.shape_cast %get3A_1934 : vector<16xf32> to vector<1x16xf32>
        tpu.vector_store %arg8[%swap3A_1970, %swap3A_1971], %swap3A_1974 {add = true, strides = array<i32>} : memref<96x768xf32, #tpu.memory_space<vmem>>, vector<1x16xf32>,
        %get3A_1975 = arith.index_cast %add3A_524 : i32 to index
        %get3A_1976 = arith.constant 528 : index
        %get3A_1977 = tpu.vector_load %arg7[%get3A_1975, %get3A_1976] {strides = array<i32>} : memref<64x768xf32, #tpu.memory_space<vmem>>, vector<1x16xf32>,
        %get3A_1978 = vector.shape_cast %get3A_1977 : vector<1x16xf32> to vector<16xf32>
        %mul3A_1979 = arith.constant 32 : i32
        %mul3A_1980 = arith.muli %rem3A_365, %mul3A_1979 : i32
        %add3A_1981 = arith.constant 0 : i32
        %add3A_1982 = arith.addi %mul3A_1980, %add3A_1981 : i32
        %add3A_1983 = arith.addi %add3A_1982, %scan3A_520 : i32
        %swap3A_1984 = arith.index_cast %add3A_1983 : i32 to index
        %swap3A_1985 = arith.constant 528 : index
        %swap3A_1986 = tpu.vector_load %arg8[%swap3A_1984, %swap3A_1985] {strides = array<i32>} : memref<96x768xf32, #tpu.memory_space<vmem>>, vector<1x16xf32>,
        %swap3A_1987 = vector.shape_cast %swap3A_1986 : vector<1x16xf32> to vector<16xf32>
        %swap3A_1988 = vector.shape_cast %get3A_1978 : vector<16xf32> to vector<1x16xf32>
        tpu.vector_store %arg8[%swap3A_1984, %swap3A_1985], %swap3A_1988 {add = true, strides = array<i32>} : memref<96x768xf32, #tpu.memory_space<vmem>>, vector<1x16xf32>,
        %mul3A_1989 = arith.constant 32 : i32
        %mul3A_1990 = arith.muli %rem3A_365, %mul3A_1989 : i32
        %add3A_1991 = arith.constant 8 : i32
        %add3A_1992 = arith.addi %mul3A_1990, %add3A_1991 : i32
        %add3A_1993 = arith.addi %add3A_1992, %scan3A_520 : i32
        %swap3A_1994 = arith.index_cast %add3A_1993 : i32 to index
        %swap3A_1995 = arith.constant 528 : index
        %swap3A_1996 = tpu.vector_load %arg8[%swap3A_1994, %swap3A_1995] {strides = array<i32>} : memref<96x768xf32, #tpu.memory_space<vmem>>, vector<1x16xf32>,
        %swap3A_1997 = vector.shape_cast %swap3A_1996 : vector<1x16xf32> to vector<16xf32>
        %swap3A_1998 = vector.shape_cast %get3A_1978 : vector<16xf32> to vector<1x16xf32>
        tpu.vector_store %arg8[%swap3A_1994, %swap3A_1995], %swap3A_1998 {add = true, strides = array<i32>} : memref<96x768xf32, #tpu.memory_space<vmem>>, vector<1x16xf32>,
        %mul3A_1999 = arith.constant 32 : i32
        %mul3A_2000 = arith.muli %rem3A_365, %mul3A_1999 : i32
        %add3A_2001 = arith.constant 16 : i32
        %add3A_2002 = arith.addi %mul3A_2000, %add3A_2001 : i32
        %add3A_2003 = arith.addi %add3A_2002, %scan3A_520 : i32
        %swap3A_2004 = arith.index_cast %add3A_2003 : i32 to index
        %swap3A_2005 = arith.constant 528 : index
        %swap3A_2006 = tpu.vector_load %arg8[%swap3A_2004, %swap3A_2005] {strides = array<i32>} : memref<96x768xf32, #tpu.memory_space<vmem>>, vector<1x16xf32>,
        %swap3A_2007 = vector.shape_cast %swap3A_2006 : vector<1x16xf32> to vector<16xf32>
        %swap3A_2008 = vector.shape_cast %get3A_1978 : vector<16xf32> to vector<1x16xf32>
        tpu.vector_store %arg8[%swap3A_2004, %swap3A_2005], %swap3A_2008 {add = true, strides = array<i32>} : memref<96x768xf32, #tpu.memory_space<vmem>>, vector<1x16xf32>,
        %mul3A_2009 = arith.constant 32 : i32
        %mul3A_2010 = arith.muli %rem3A_365, %mul3A_2009 : i32
        %add3A_2011 = arith.constant 24 : i32
        %add3A_2012 = arith.addi %mul3A_2010, %add3A_2011 : i32
        %add3A_2013 = arith.addi %add3A_2012, %scan3A_520 : i32
        %swap3A_2014 = arith.index_cast %add3A_2013 : i32 to index
        %swap3A_2015 = arith.constant 528 : index
        %swap3A_2016 = tpu.vector_load %arg8[%swap3A_2014, %swap3A_2015] {strides = array<i32>} : memref<96x768xf32, #tpu.memory_space<vmem>>, vector<1x16xf32>,
        %swap3A_2017 = vector.shape_cast %swap3A_2016 : vector<1x16xf32> to vector<16xf32>
        %swap3A_2018 = vector.shape_cast %get3A_1978 : vector<16xf32> to vector<1x16xf32>
        tpu.vector_store %arg8[%swap3A_2014, %swap3A_2015], %swap3A_2018 {add = true, strides = array<i32>} : memref<96x768xf32, #tpu.memory_space<vmem>>, vector<1x16xf32>,
        %get3A_2019 = arith.index_cast %add3A_524 : i32 to index
        %get3A_2020 = arith.constant 544 : index
        %get3A_2021 = tpu.vector_load %arg7[%get3A_2019, %get3A_2020] {strides = array<i32>} : memref<64x768xf32, #tpu.memory_space<vmem>>, vector<1x16xf32>,
        %get3A_2022 = vector.shape_cast %get3A_2021 : vector<1x16xf32> to vector<16xf32>
        %mul3A_2023 = arith.constant 32 : i32
        %mul3A_2024 = arith.muli %rem3A_365, %mul3A_2023 : i32
        %add3A_2025 = arith.constant 0 : i32
        %add3A_2026 = arith.addi %mul3A_2024, %add3A_2025 : i32
        %add3A_2027 = arith.addi %add3A_2026, %scan3A_520 : i32
        %swap3A_2028 = arith.index_cast %add3A_2027 : i32 to index
        %swap3A_2029 = arith.constant 544 : index
        %swap3A_2030 = tpu.vector_load %arg8[%swap3A_2028, %swap3A_2029] {strides = array<i32>} : memref<96x768xf32, #tpu.memory_space<vmem>>, vector<1x16xf32>,
        %swap3A_2031 = vector.shape_cast %swap3A_2030 : vector<1x16xf32> to vector<16xf32>
        %swap3A_2032 = vector.shape_cast %get3A_2022 : vector<16xf32> to vector<1x16xf32>
        tpu.vector_store %arg8[%swap3A_2028, %swap3A_2029], %swap3A_2032 {add = true, strides = array<i32>} : memref<96x768xf32, #tpu.memory_space<vmem>>, vector<1x16xf32>,
        %mul3A_2033 = arith.constant 32 : i32
        %mul3A_2034 = arith.muli %rem3A_365, %mul3A_2033 : i32
        %add3A_2035 = arith.constant 8 : i32
        %add3A_2036 = arith.addi %mul3A_2034, %add3A_2035 : i32
        %add3A_2037 = arith.addi %add3A_2036, %scan3A_520 : i32
        %swap3A_2038 = arith.index_cast %add3A_2037 : i32 to index
        %swap3A_2039 = arith.constant 544 : index
        %swap3A_2040 = tpu.vector_load %arg8[%swap3A_2038, %swap3A_2039] {strides = array<i32>} : memref<96x768xf32, #tpu.memory_space<vmem>>, vector<1x16xf32>,
        %swap3A_2041 = vector.shape_cast %swap3A_2040 : vector<1x16xf32> to vector<16xf32>
        %swap3A_2042 = vector.shape_cast %get3A_2022 : vector<16xf32> to vector<1x16xf32>
        tpu.vector_store %arg8[%swap3A_2038, %swap3A_2039], %swap3A_2042 {add = true, strides = array<i32>} : memref<96x768xf32, #tpu.memory_space<vmem>>, vector<1x16xf32>,
        %mul3A_2043 = arith.constant 32 : i32
        %mul3A_2044 = arith.muli %rem3A_365, %mul3A_2043 : i32
        %add3A_2045 = arith.constant 16 : i32
        %add3A_2046 = arith.addi %mul3A_2044, %add3A_2045 : i32
        %add3A_2047 = arith.addi %add3A_2046, %scan3A_520 : i32
        %swap3A_2048 = arith.index_cast %add3A_2047 : i32 to index
        %swap3A_2049 = arith.constant 544 : index
        %swap3A_2050 = tpu.vector_load %arg8[%swap3A_2048, %swap3A_2049] {strides = array<i32>} : memref<96x768xf32, #tpu.memory_space<vmem>>, vector<1x16xf32>,
        %swap3A_2051 = vector.shape_cast %swap3A_2050 : vector<1x16xf32> to vector<16xf32>
        %swap3A_2052 = vector.shape_cast %get3A_2022 : vector<16xf32> to vector<1x16xf32>
        tpu.vector_store %arg8[%swap3A_2048, %swap3A_2049], %swap3A_2052 {add = true, strides = array<i32>} : memref<96x768xf32, #tpu.memory_space<vmem>>, vector<1x16xf32>,
        %mul3A_2053 = arith.constant 32 : i32
        %mul3A_2054 = arith.muli %rem3A_365, %mul3A_2053 : i32
        %add3A_2055 = arith.constant 24 : i32
        %add3A_2056 = arith.addi %mul3A_2054, %add3A_2055 : i32
        %add3A_2057 = arith.addi %add3A_2056, %scan3A_520 : i32
        %swap3A_2058 = arith.index_cast %add3A_2057 : i32 to index
        %swap3A_2059 = arith.constant 544 : index
        %swap3A_2060 = tpu.vector_load %arg8[%swap3A_2058, %swap3A_2059] {strides = array<i32>} : memref<96x768xf32, #tpu.memory_space<vmem>>, vector<1x16xf32>,
        %swap3A_2061 = vector.shape_cast %swap3A_2060 : vector<1x16xf32> to vector<16xf32>
        %swap3A_2062 = vector.shape_cast %get3A_2022 : vector<16xf32> to vector<1x16xf32>
        tpu.vector_store %arg8[%swap3A_2058, %swap3A_2059], %swap3A_2062 {add = true, strides = array<i32>} : memref<96x768xf32, #tpu.memory_space<vmem>>, vector<1x16xf32>,
        %get3A_2063 = arith.index_cast %add3A_524 : i32 to index
        %get3A_2064 = arith.constant 560 : index
        %get3A_2065 = tpu.vector_load %arg7[%get3A_2063, %get3A_2064] {strides = array<i32>} : memref<64x768xf32, #tpu.memory_space<vmem>>, vector<1x16xf32>,
        %get3A_2066 = vector.shape_cast %get3A_2065 : vector<1x16xf32> to vector<16xf32>
        %mul3A_2067 = arith.constant 32 : i32
        %mul3A_2068 = arith.muli %rem3A_365, %mul3A_2067 : i32
        %add3A_2069 = arith.constant 0 : i32
        %add3A_2070 = arith.addi %mul3A_2068, %add3A_2069 : i32
        %add3A_2071 = arith.addi %add3A_2070, %scan3A_520 : i32
        %swap3A_2072 = arith.index_cast %add3A_2071 : i32 to index
        %swap3A_2073 = arith.constant 560 : index
        %swap3A_2074 = tpu.vector_load %arg8[%swap3A_2072, %swap3A_2073] {strides = array<i32>} : memref<96x768xf32, #tpu.memory_space<vmem>>, vector<1x16xf32>,
        %swap3A_2075 = vector.shape_cast %swap3A_2074 : vector<1x16xf32> to vector<16xf32>
        %swap3A_2076 = vector.shape_cast %get3A_2066 : vector<16xf32> to vector<1x16xf32>
        tpu.vector_store %arg8[%swap3A_2072, %swap3A_2073], %swap3A_2076 {add = true, strides = array<i32>} : memref<96x768xf32, #tpu.memory_space<vmem>>, vector<1x16xf32>,
        %mul3A_2077 = arith.constant 32 : i32
        %mul3A_2078 = arith.muli %rem3A_365, %mul3A_2077 : i32
        %add3A_2079 = arith.constant 8 : i32
        %add3A_2080 = arith.addi %mul3A_2078, %add3A_2079 : i32
        %add3A_2081 = arith.addi %add3A_2080, %scan3A_520 : i32
        %swap3A_2082 = arith.index_cast %add3A_2081 : i32 to index
        %swap3A_2083 = arith.constant 560 : index
        %swap3A_2084 = tpu.vector_load %arg8[%swap3A_2082, %swap3A_2083] {strides = array<i32>} : memref<96x768xf32, #tpu.memory_space<vmem>>, vector<1x16xf32>,
        %swap3A_2085 = vector.shape_cast %swap3A_2084 : vector<1x16xf32> to vector<16xf32>
        %swap3A_2086 = vector.shape_cast %get3A_2066 : vector<16xf32> to vector<1x16xf32>
        tpu.vector_store %arg8[%swap3A_2082, %swap3A_2083], %swap3A_2086 {add = true, strides = array<i32>} : memref<96x768xf32, #tpu.memory_space<vmem>>, vector<1x16xf32>,
        %mul3A_2087 = arith.constant 32 : i32
        %mul3A_2088 = arith.muli %rem3A_365, %mul3A_2087 : i32
        %add3A_2089 = arith.constant 16 : i32
        %add3A_2090 = arith.addi %mul3A_2088, %add3A_2089 : i32
        %add3A_2091 = arith.addi %add3A_2090, %scan3A_520 : i32
        %swap3A_2092 = arith.index_cast %add3A_2091 : i32 to index
        %swap3A_2093 = arith.constant 560 : index
        %swap3A_2094 = tpu.vector_load %arg8[%swap3A_2092, %swap3A_2093] {strides = array<i32>} : memref<96x768xf32, #tpu.memory_space<vmem>>, vector<1x16xf32>,
        %swap3A_2095 = vector.shape_cast %swap3A_2094 : vector<1x16xf32> to vector<16xf32>
        %swap3A_2096 = vector.shape_cast %get3A_2066 : vector<16xf32> to vector<1x16xf32>
        tpu.vector_store %arg8[%swap3A_2092, %swap3A_2093], %swap3A_2096 {add = true, strides = array<i32>} : memref<96x768xf32, #tpu.memory_space<vmem>>, vector<1x16xf32>,
        %mul3A_2097 = arith.constant 32 : i32
        %mul3A_2098 = arith.muli %rem3A_365, %mul3A_2097 : i32
        %add3A_2099 = arith.constant 24 : i32
        %add3A_2100 = arith.addi %mul3A_2098, %add3A_2099 : i32
        %add3A_2101 = arith.addi %add3A_2100, %scan3A_520 : i32
        %swap3A_2102 = arith.index_cast %add3A_2101 : i32 to index
        %swap3A_2103 = arith.constant 560 : index
        %swap3A_2104 = tpu.vector_load %arg8[%swap3A_2102, %swap3A_2103] {strides = array<i32>} : memref<96x768xf32, #tpu.memory_space<vmem>>, vector<1x16xf32>,
        %swap3A_2105 = vector.shape_cast %swap3A_2104 : vector<1x16xf32> to vector<16xf32>
        %swap3A_2106 = vector.shape_cast %get3A_2066 : vector<16xf32> to vector<1x16xf32>
        tpu.vector_store %arg8[%swap3A_2102, %swap3A_2103], %swap3A_2106 {add = true, strides = array<i32>} : memref<96x768xf32, #tpu.memory_space<vmem>>, vector<1x16xf32>,
        %get3A_2107 = arith.index_cast %add3A_524 : i32 to index
        %get3A_2108 = arith.constant 576 : index
        %get3A_2109 = tpu.vector_load %arg7[%get3A_2107, %get3A_2108] {strides = array<i32>} : memref<64x768xf32, #tpu.memory_space<vmem>>, vector<1x16xf32>,
        %get3A_2110 = vector.shape_cast %get3A_2109 : vector<1x16xf32> to vector<16xf32>
        %mul3A_2111 = arith.constant 32 : i32
        %mul3A_2112 = arith.muli %rem3A_365, %mul3A_2111 : i32
        %add3A_2113 = arith.constant 0 : i32
        %add3A_2114 = arith.addi %mul3A_2112, %add3A_2113 : i32
        %add3A_2115 = arith.addi %add3A_2114, %scan3A_520 : i32
        %swap3A_2116 = arith.index_cast %add3A_2115 : i32 to index
        %swap3A_2117 = arith.constant 576 : index
        %swap3A_2118 = tpu.vector_load %arg8[%swap3A_2116, %swap3A_2117] {strides = array<i32>} : memref<96x768xf32, #tpu.memory_space<vmem>>, vector<1x16xf32>,
        %swap3A_2119 = vector.shape_cast %swap3A_2118 : vector<1x16xf32> to vector<16xf32>
        %swap3A_2120 = vector.shape_cast %get3A_2110 : vector<16xf32> to vector<1x16xf32>
        tpu.vector_store %arg8[%swap3A_2116, %swap3A_2117], %swap3A_2120 {add = true, strides = array<i32>} : memref<96x768xf32, #tpu.memory_space<vmem>>, vector<1x16xf32>,
        %mul3A_2121 = arith.constant 32 : i32
        %mul3A_2122 = arith.muli %rem3A_365, %mul3A_2121 : i32
        %add3A_2123 = arith.constant 8 : i32
        %add3A_2124 = arith.addi %mul3A_2122, %add3A_2123 : i32
        %add3A_2125 = arith.addi %add3A_2124, %scan3A_520 : i32
        %swap3A_2126 = arith.index_cast %add3A_2125 : i32 to index
        %swap3A_2127 = arith.constant 576 : index
        %swap3A_2128 = tpu.vector_load %arg8[%swap3A_2126, %swap3A_2127] {strides = array<i32>} : memref<96x768xf32, #tpu.memory_space<vmem>>, vector<1x16xf32>,
        %swap3A_2129 = vector.shape_cast %swap3A_2128 : vector<1x16xf32> to vector<16xf32>
        %swap3A_2130 = vector.shape_cast %get3A_2110 : vector<16xf32> to vector<1x16xf32>
        tpu.vector_store %arg8[%swap3A_2126, %swap3A_2127], %swap3A_2130 {add = true, strides = array<i32>} : memref<96x768xf32, #tpu.memory_space<vmem>>, vector<1x16xf32>,
        %mul3A_2131 = arith.constant 32 : i32
        %mul3A_2132 = arith.muli %rem3A_365, %mul3A_2131 : i32
        %add3A_2133 = arith.constant 16 : i32
        %add3A_2134 = arith.addi %mul3A_2132, %add3A_2133 : i32
        %add3A_2135 = arith.addi %add3A_2134, %scan3A_520 : i32
        %swap3A_2136 = arith.index_cast %add3A_2135 : i32 to index
        %swap3A_2137 = arith.constant 576 : index
        %swap3A_2138 = tpu.vector_load %arg8[%swap3A_2136, %swap3A_2137] {strides = array<i32>} : memref<96x768xf32, #tpu.memory_space<vmem>>, vector<1x16xf32>,
        %swap3A_2139 = vector.shape_cast %swap3A_2138 : vector<1x16xf32> to vector<16xf32>
        %swap3A_2140 = vector.shape_cast %get3A_2110 : vector<16xf32> to vector<1x16xf32>
        tpu.vector_store %arg8[%swap3A_2136, %swap3A_2137], %swap3A_2140 {add = true, strides = array<i32>} : memref<96x768xf32, #tpu.memory_space<vmem>>, vector<1x16xf32>,
        %mul3A_2141 = arith.constant 32 : i32
        %mul3A_2142 = arith.muli %rem3A_365, %mul3A_2141 : i32
        %add3A_2143 = arith.constant 24 : i32
        %add3A_2144 = arith.addi %mul3A_2142, %add3A_2143 : i32
        %add3A_2145 = arith.addi %add3A_2144, %scan3A_520 : i32
        %swap3A_2146 = arith.index_cast %add3A_2145 : i32 to index
        %swap3A_2147 = arith.constant 576 : index
        %swap3A_2148 = tpu.vector_load %arg8[%swap3A_2146, %swap3A_2147] {strides = array<i32>} : memref<96x768xf32, #tpu.memory_space<vmem>>, vector<1x16xf32>,
        %swap3A_2149 = vector.shape_cast %swap3A_2148 : vector<1x16xf32> to vector<16xf32>
        %swap3A_2150 = vector.shape_cast %get3A_2110 : vector<16xf32> to vector<1x16xf32>
        tpu.vector_store %arg8[%swap3A_2146, %swap3A_2147], %swap3A_2150 {add = true, strides = array<i32>} : memref<96x768xf32, #tpu.memory_space<vmem>>, vector<1x16xf32>,
        %get3A_2151 = arith.index_cast %add3A_524 : i32 to index
        %get3A_2152 = arith.constant 592 : index
        %get3A_2153 = tpu.vector_load %arg7[%get3A_2151, %get3A_2152] {strides = array<i32>} : memref<64x768xf32, #tpu.memory_space<vmem>>, vector<1x16xf32>,
        %get3A_2154 = vector.shape_cast %get3A_2153 : vector<1x16xf32> to vector<16xf32>
        %mul3A_2155 = arith.constant 32 : i32
        %mul3A_2156 = arith.muli %rem3A_365, %mul3A_2155 : i32
        %add3A_2157 = arith.constant 0 : i32
        %add3A_2158 = arith.addi %mul3A_2156, %add3A_2157 : i32
        %add3A_2159 = arith.addi %add3A_2158, %scan3A_520 : i32
        %swap3A_2160 = arith.index_cast %add3A_2159 : i32 to index
        %swap3A_2161 = arith.constant 592 : index
        %swap3A_2162 = tpu.vector_load %arg8[%swap3A_2160, %swap3A_2161] {strides = array<i32>} : memref<96x768xf32, #tpu.memory_space<vmem>>, vector<1x16xf32>,
        %swap3A_2163 = vector.shape_cast %swap3A_2162 : vector<1x16xf32> to vector<16xf32>
        %swap3A_2164 = vector.shape_cast %get3A_2154 : vector<16xf32> to vector<1x16xf32>
        tpu.vector_store %arg8[%swap3A_2160, %swap3A_2161], %swap3A_2164 {add = true, strides = array<i32>} : memref<96x768xf32, #tpu.memory_space<vmem>>, vector<1x16xf32>,
        %mul3A_2165 = arith.constant 32 : i32
        %mul3A_2166 = arith.muli %rem3A_365, %mul3A_2165 : i32
        %add3A_2167 = arith.constant 8 : i32
        %add3A_2168 = arith.addi %mul3A_2166, %add3A_2167 : i32
        %add3A_2169 = arith.addi %add3A_2168, %scan3A_520 : i32
        %swap3A_2170 = arith.index_cast %add3A_2169 : i32 to index
        %swap3A_2171 = arith.constant 592 : index
        %swap3A_2172 = tpu.vector_load %arg8[%swap3A_2170, %swap3A_2171] {strides = array<i32>} : memref<96x768xf32, #tpu.memory_space<vmem>>, vector<1x16xf32>,
        %swap3A_2173 = vector.shape_cast %swap3A_2172 : vector<1x16xf32> to vector<16xf32>
        %swap3A_2174 = vector.shape_cast %get3A_2154 : vector<16xf32> to vector<1x16xf32>
        tpu.vector_store %arg8[%swap3A_2170, %swap3A_2171], %swap3A_2174 {add = true, strides = array<i32>} : memref<96x768xf32, #tpu.memory_space<vmem>>, vector<1x16xf32>,
        %mul3A_2175 = arith.constant 32 : i32
        %mul3A_2176 = arith.muli %rem3A_365, %mul3A_2175 : i32
        %add3A_2177 = arith.constant 16 : i32
        %add3A_2178 = arith.addi %mul3A_2176, %add3A_2177 : i32
        %add3A_2179 = arith.addi %add3A_2178, %scan3A_520 : i32
        %swap3A_2180 = arith.index_cast %add3A_2179 : i32 to index
        %swap3A_2181 = arith.constant 592 : index
        %swap3A_2182 = tpu.vector_load %arg8[%swap3A_2180, %swap3A_2181] {strides = array<i32>} : memref<96x768xf32, #tpu.memory_space<vmem>>, vector<1x16xf32>,
        %swap3A_2183 = vector.shape_cast %swap3A_2182 : vector<1x16xf32> to vector<16xf32>
        %swap3A_2184 = vector.shape_cast %get3A_2154 : vector<16xf32> to vector<1x16xf32>
        tpu.vector_store %arg8[%swap3A_2180, %swap3A_2181], %swap3A_2184 {add = true, strides = array<i32>} : memref<96x768xf32, #tpu.memory_space<vmem>>, vector<1x16xf32>,
        %mul3A_2185 = arith.constant 32 : i32
        %mul3A_2186 = arith.muli %rem3A_365, %mul3A_2185 : i32
        %add3A_2187 = arith.constant 24 : i32
        %add3A_2188 = arith.addi %mul3A_2186, %add3A_2187 : i32
        %add3A_2189 = arith.addi %add3A_2188, %scan3A_520 : i32
        %swap3A_2190 = arith.index_cast %add3A_2189 : i32 to index
        %swap3A_2191 = arith.constant 592 : index
        %swap3A_2192 = tpu.vector_load %arg8[%swap3A_2190, %swap3A_2191] {strides = array<i32>} : memref<96x768xf32, #tpu.memory_space<vmem>>, vector<1x16xf32>,
        %swap3A_2193 = vector.shape_cast %swap3A_2192 : vector<1x16xf32> to vector<16xf32>
        %swap3A_2194 = vector.shape_cast %get3A_2154 : vector<16xf32> to vector<1x16xf32>
        tpu.vector_store %arg8[%swap3A_2190, %swap3A_2191], %swap3A_2194 {add = true, strides = array<i32>} : memref<96x768xf32, #tpu.memory_space<vmem>>, vector<1x16xf32>,
        %get3A_2195 = arith.index_cast %add3A_524 : i32 to index
        %get3A_2196 = arith.constant 608 : index
        %get3A_2197 = tpu.vector_load %arg7[%get3A_2195, %get3A_2196] {strides = array<i32>} : memref<64x768xf32, #tpu.memory_space<vmem>>, vector<1x16xf32>,
        %get3A_2198 = vector.shape_cast %get3A_2197 : vector<1x16xf32> to vector<16xf32>
        %mul3A_2199 = arith.constant 32 : i32
        %mul3A_2200 = arith.muli %rem3A_365, %mul3A_2199 : i32
        %add3A_2201 = arith.constant 0 : i32
        %add3A_2202 = arith.addi %mul3A_2200, %add3A_2201 : i32
        %add3A_2203 = arith.addi %add3A_2202, %scan3A_520 : i32
        %swap3A_2204 = arith.index_cast %add3A_2203 : i32 to index
        %swap3A_2205 = arith.constant 608 : index
        %swap3A_2206 = tpu.vector_load %arg8[%swap3A_2204, %swap3A_2205] {strides = array<i32>} : memref<96x768xf32, #tpu.memory_space<vmem>>, vector<1x16xf32>,
        %swap3A_2207 = vector.shape_cast %swap3A_2206 : vector<1x16xf32> to vector<16xf32>
        %swap3A_2208 = vector.shape_cast %get3A_2198 : vector<16xf32> to vector<1x16xf32>
        tpu.vector_store %arg8[%swap3A_2204, %swap3A_2205], %swap3A_2208 {add = true, strides = array<i32>} : memref<96x768xf32, #tpu.memory_space<vmem>>, vector<1x16xf32>,
        %mul3A_2209 = arith.constant 32 : i32
        %mul3A_2210 = arith.muli %rem3A_365, %mul3A_2209 : i32
        %add3A_2211 = arith.constant 8 : i32
        %add3A_2212 = arith.addi %mul3A_2210, %add3A_2211 : i32
        %add3A_2213 = arith.addi %add3A_2212, %scan3A_520 : i32
        %swap3A_2214 = arith.index_cast %add3A_2213 : i32 to index
        %swap3A_2215 = arith.constant 608 : index
        %swap3A_2216 = tpu.vector_load %arg8[%swap3A_2214, %swap3A_2215] {strides = array<i32>} : memref<96x768xf32, #tpu.memory_space<vmem>>, vector<1x16xf32>,
        %swap3A_2217 = vector.shape_cast %swap3A_2216 : vector<1x16xf32> to vector<16xf32>
        %swap3A_2218 = vector.shape_cast %get3A_2198 : vector<16xf32> to vector<1x16xf32>
        tpu.vector_store %arg8[%swap3A_2214, %swap3A_2215], %swap3A_2218 {add = true, strides = array<i32>} : memref<96x768xf32, #tpu.memory_space<vmem>>, vector<1x16xf32>,
        %mul3A_2219 = arith.constant 32 : i32
        %mul3A_2220 = arith.muli %rem3A_365, %mul3A_2219 : i32
        %add3A_2221 = arith.constant 16 : i32
        %add3A_2222 = arith.addi %mul3A_2220, %add3A_2221 : i32
        %add3A_2223 = arith.addi %add3A_2222, %scan3A_520 : i32
        %swap3A_2224 = arith.index_cast %add3A_2223 : i32 to index
        %swap3A_2225 = arith.constant 608 : index
        %swap3A_2226 = tpu.vector_load %arg8[%swap3A_2224, %swap3A_2225] {strides = array<i32>} : memref<96x768xf32, #tpu.memory_space<vmem>>, vector<1x16xf32>,
        %swap3A_2227 = vector.shape_cast %swap3A_2226 : vector<1x16xf32> to vector<16xf32>
        %swap3A_2228 = vector.shape_cast %get3A_2198 : vector<16xf32> to vector<1x16xf32>
        tpu.vector_store %arg8[%swap3A_2224, %swap3A_2225], %swap3A_2228 {add = true, strides = array<i32>} : memref<96x768xf32, #tpu.memory_space<vmem>>, vector<1x16xf32>,
        %mul3A_2229 = arith.constant 32 : i32
        %mul3A_2230 = arith.muli %rem3A_365, %mul3A_2229 : i32
        %add3A_2231 = arith.constant 24 : i32
        %add3A_2232 = arith.addi %mul3A_2230, %add3A_2231 : i32
        %add3A_2233 = arith.addi %add3A_2232, %scan3A_520 : i32
        %swap3A_2234 = arith.index_cast %add3A_2233 : i32 to index
        %swap3A_2235 = arith.constant 608 : index
        %swap3A_2236 = tpu.vector_load %arg8[%swap3A_2234, %swap3A_2235] {strides = array<i32>} : memref<96x768xf32, #tpu.memory_space<vmem>>, vector<1x16xf32>,
        %swap3A_2237 = vector.shape_cast %swap3A_2236 : vector<1x16xf32> to vector<16xf32>
        %swap3A_2238 = vector.shape_cast %get3A_2198 : vector<16xf32> to vector<1x16xf32>
        tpu.vector_store %arg8[%swap3A_2234, %swap3A_2235], %swap3A_2238 {add = true, strides = array<i32>} : memref<96x768xf32, #tpu.memory_space<vmem>>, vector<1x16xf32>,
        %get3A_2239 = arith.index_cast %add3A_524 : i32 to index
        %get3A_2240 = arith.constant 624 : index
        %get3A_2241 = tpu.vector_load %arg7[%get3A_2239, %get3A_2240] {strides = array<i32>} : memref<64x768xf32, #tpu.memory_space<vmem>>, vector<1x16xf32>,
        %get3A_2242 = vector.shape_cast %get3A_2241 : vector<1x16xf32> to vector<16xf32>
        %mul3A_2243 = arith.constant 32 : i32
        %mul3A_2244 = arith.muli %rem3A_365, %mul3A_2243 : i32
        %add3A_2245 = arith.constant 0 : i32
        %add3A_2246 = arith.addi %mul3A_2244, %add3A_2245 : i32
        %add3A_2247 = arith.addi %add3A_2246, %scan3A_520 : i32
        %swap3A_2248 = arith.index_cast %add3A_2247 : i32 to index
        %swap3A_2249 = arith.constant 624 : index
        %swap3A_2250 = tpu.vector_load %arg8[%swap3A_2248, %swap3A_2249] {strides = array<i32>} : memref<96x768xf32, #tpu.memory_space<vmem>>, vector<1x16xf32>,
        %swap3A_2251 = vector.shape_cast %swap3A_2250 : vector<1x16xf32> to vector<16xf32>
        %swap3A_2252 = vector.shape_cast %get3A_2242 : vector<16xf32> to vector<1x16xf32>
        tpu.vector_store %arg8[%swap3A_2248, %swap3A_2249], %swap3A_2252 {add = true, strides = array<i32>} : memref<96x768xf32, #tpu.memory_space<vmem>>, vector<1x16xf32>,
        %mul3A_2253 = arith.constant 32 : i32
        %mul3A_2254 = arith.muli %rem3A_365, %mul3A_2253 : i32
        %add3A_2255 = arith.constant 8 : i32
        %add3A_2256 = arith.addi %mul3A_2254, %add3A_2255 : i32
        %add3A_2257 = arith.addi %add3A_2256, %scan3A_520 : i32
        %swap3A_2258 = arith.index_cast %add3A_2257 : i32 to index
        %swap3A_2259 = arith.constant 624 : index
        %swap3A_2260 = tpu.vector_load %arg8[%swap3A_2258, %swap3A_2259] {strides = array<i32>} : memref<96x768xf32, #tpu.memory_space<vmem>>, vector<1x16xf32>,
        %swap3A_2261 = vector.shape_cast %swap3A_2260 : vector<1x16xf32> to vector<16xf32>
        %swap3A_2262 = vector.shape_cast %get3A_2242 : vector<16xf32> to vector<1x16xf32>
        tpu.vector_store %arg8[%swap3A_2258, %swap3A_2259], %swap3A_2262 {add = true, strides = array<i32>} : memref<96x768xf32, #tpu.memory_space<vmem>>, vector<1x16xf32>,
        %mul3A_2263 = arith.constant 32 : i32
        %mul3A_2264 = arith.muli %rem3A_365, %mul3A_2263 : i32
        %add3A_2265 = arith.constant 16 : i32
        %add3A_2266 = arith.addi %mul3A_2264, %add3A_2265 : i32
        %add3A_2267 = arith.addi %add3A_2266, %scan3A_520 : i32
        %swap3A_2268 = arith.index_cast %add3A_2267 : i32 to index
        %swap3A_2269 = arith.constant 624 : index
        %swap3A_2270 = tpu.vector_load %arg8[%swap3A_2268, %swap3A_2269] {strides = array<i32>} : memref<96x768xf32, #tpu.memory_space<vmem>>, vector<1x16xf32>,
        %swap3A_2271 = vector.shape_cast %swap3A_2270 : vector<1x16xf32> to vector<16xf32>
        %swap3A_2272 = vector.shape_cast %get3A_2242 : vector<16xf32> to vector<1x16xf32>
        tpu.vector_store %arg8[%swap3A_2268, %swap3A_2269], %swap3A_2272 {add = true, strides = array<i32>} : memref<96x768xf32, #tpu.memory_space<vmem>>, vector<1x16xf32>,
        %mul3A_2273 = arith.constant 32 : i32
        %mul3A_2274 = arith.muli %rem3A_365, %mul3A_2273 : i32
        %add3A_2275 = arith.constant 24 : i32
        %add3A_2276 = arith.addi %mul3A_2274, %add3A_2275 : i32
        %add3A_2277 = arith.addi %add3A_2276, %scan3A_520 : i32
        %swap3A_2278 = arith.index_cast %add3A_2277 : i32 to index
        %swap3A_2279 = arith.constant 624 : index
        %swap3A_2280 = tpu.vector_load %arg8[%swap3A_2278, %swap3A_2279] {strides = array<i32>} : memref<96x768xf32, #tpu.memory_space<vmem>>, vector<1x16xf32>,
        %swap3A_2281 = vector.shape_cast %swap3A_2280 : vector<1x16xf32> to vector<16xf32>
        %swap3A_2282 = vector.shape_cast %get3A_2242 : vector<16xf32> to vector<1x16xf32>
        tpu.vector_store %arg8[%swap3A_2278, %swap3A_2279], %swap3A_2282 {add = true, strides = array<i32>} : memref<96x768xf32, #tpu.memory_space<vmem>>, vector<1x16xf32>,
        %get3A_2283 = arith.index_cast %add3A_524 : i32 to index
        %get3A_2284 = arith.constant 640 : index
        %get3A_2285 = tpu.vector_load %arg7[%get3A_2283, %get3A_2284] {strides = array<i32>} : memref<64x768xf32, #tpu.memory_space<vmem>>, vector<1x16xf32>,
        %get3A_2286 = vector.shape_cast %get3A_2285 : vector<1x16xf32> to vector<16xf32>
        %mul3A_2287 = arith.constant 32 : i32
        %mul3A_2288 = arith.muli %rem3A_365, %mul3A_2287 : i32
        %add3A_2289 = arith.constant 0 : i32
        %add3A_2290 = arith.addi %mul3A_2288, %add3A_2289 : i32
        %add3A_2291 = arith.addi %add3A_2290, %scan3A_520 : i32
        %swap3A_2292 = arith.index_cast %add3A_2291 : i32 to index
        %swap3A_2293 = arith.constant 640 : index
        %swap3A_2294 = tpu.vector_load %arg8[%swap3A_2292, %swap3A_2293] {strides = array<i32>} : memref<96x768xf32, #tpu.memory_space<vmem>>, vector<1x16xf32>,
        %swap3A_2295 = vector.shape_cast %swap3A_2294 : vector<1x16xf32> to vector<16xf32>
        %swap3A_2296 = vector.shape_cast %get3A_2286 : vector<16xf32> to vector<1x16xf32>
        tpu.vector_store %arg8[%swap3A_2292, %swap3A_2293], %swap3A_2296 {add = true, strides = array<i32>} : memref<96x768xf32, #tpu.memory_space<vmem>>, vector<1x16xf32>,
        %mul3A_2297 = arith.constant 32 : i32
        %mul3A_2298 = arith.muli %rem3A_365, %mul3A_2297 : i32
        %add3A_2299 = arith.constant 8 : i32
        %add3A_2300 = arith.addi %mul3A_2298, %add3A_2299 : i32
        %add3A_2301 = arith.addi %add3A_2300, %scan3A_520 : i32
        %swap3A_2302 = arith.index_cast %add3A_2301 : i32 to index
        %swap3A_2303 = arith.constant 640 : index
        %swap3A_2304 = tpu.vector_load %arg8[%swap3A_2302, %swap3A_2303] {strides = array<i32>} : memref<96x768xf32, #tpu.memory_space<vmem>>, vector<1x16xf32>,
        %swap3A_2305 = vector.shape_cast %swap3A_2304 : vector<1x16xf32> to vector<16xf32>
        %swap3A_2306 = vector.shape_cast %get3A_2286 : vector<16xf32> to vector<1x16xf32>
        tpu.vector_store %arg8[%swap3A_2302, %swap3A_2303], %swap3A_2306 {add = true, strides = array<i32>} : memref<96x768xf32, #tpu.memory_space<vmem>>, vector<1x16xf32>,
        %mul3A_2307 = arith.constant 32 : i32
        %mul3A_2308 = arith.muli %rem3A_365, %mul3A_2307 : i32
        %add3A_2309 = arith.constant 16 : i32
        %add3A_2310 = arith.addi %mul3A_2308, %add3A_2309 : i32
        %add3A_2311 = arith.addi %add3A_2310, %scan3A_520 : i32
        %swap3A_2312 = arith.index_cast %add3A_2311 : i32 to index
        %swap3A_2313 = arith.constant 640 : index
        %swap3A_2314 = tpu.vector_load %arg8[%swap3A_2312, %swap3A_2313] {strides = array<i32>} : memref<96x768xf32, #tpu.memory_space<vmem>>, vector<1x16xf32>,
        %swap3A_2315 = vector.shape_cast %swap3A_2314 : vector<1x16xf32> to vector<16xf32>
        %swap3A_2316 = vector.shape_cast %get3A_2286 : vector<16xf32> to vector<1x16xf32>
        tpu.vector_store %arg8[%swap3A_2312, %swap3A_2313], %swap3A_2316 {add = true, strides = array<i32>} : memref<96x768xf32, #tpu.memory_space<vmem>>, vector<1x16xf32>,
        %mul3A_2317 = arith.constant 32 : i32
        %mul3A_2318 = arith.muli %rem3A_365, %mul3A_2317 : i32
        %add3A_2319 = arith.constant 24 : i32
        %add3A_2320 = arith.addi %mul3A_2318, %add3A_2319 : i32
        %add3A_2321 = arith.addi %add3A_2320, %scan3A_520 : i32
        %swap3A_2322 = arith.index_cast %add3A_2321 : i32 to index
        %swap3A_2323 = arith.constant 640 : index
        %swap3A_2324 = tpu.vector_load %arg8[%swap3A_2322, %swap3A_2323] {strides = array<i32>} : memref<96x768xf32, #tpu.memory_space<vmem>>, vector<1x16xf32>,
        %swap3A_2325 = vector.shape_cast %swap3A_2324 : vector<1x16xf32> to vector<16xf32>
        %swap3A_2326 = vector.shape_cast %get3A_2286 : vector<16xf32> to vector<1x16xf32>
        tpu.vector_store %arg8[%swap3A_2322, %swap3A_2323], %swap3A_2326 {add = true, strides = array<i32>} : memref<96x768xf32, #tpu.memory_space<vmem>>, vector<1x16xf32>,
        %get3A_2327 = arith.index_cast %add3A_524 : i32 to index
        %get3A_2328 = arith.constant 656 : index
        %get3A_2329 = tpu.vector_load %arg7[%get3A_2327, %get3A_2328] {strides = array<i32>} : memref<64x768xf32, #tpu.memory_space<vmem>>, vector<1x16xf32>,
        %get3A_2330 = vector.shape_cast %get3A_2329 : vector<1x16xf32> to vector<16xf32>
        %mul3A_2331 = arith.constant 32 : i32
        %mul3A_2332 = arith.muli %rem3A_365, %mul3A_2331 : i32
        %add3A_2333 = arith.constant 0 : i32
        %add3A_2334 = arith.addi %mul3A_2332, %add3A_2333 : i32
        %add3A_2335 = arith.addi %add3A_2334, %scan3A_520 : i32
        %swap3A_2336 = arith.index_cast %add3A_2335 : i32 to index
        %swap3A_2337 = arith.constant 656 : index
        %swap3A_2338 = tpu.vector_load %arg8[%swap3A_2336, %swap3A_2337] {strides = array<i32>} : memref<96x768xf32, #tpu.memory_space<vmem>>, vector<1x16xf32>,
        %swap3A_2339 = vector.shape_cast %swap3A_2338 : vector<1x16xf32> to vector<16xf32>
        %swap3A_2340 = vector.shape_cast %get3A_2330 : vector<16xf32> to vector<1x16xf32>
        tpu.vector_store %arg8[%swap3A_2336, %swap3A_2337], %swap3A_2340 {add = true, strides = array<i32>} : memref<96x768xf32, #tpu.memory_space<vmem>>, vector<1x16xf32>,
        %mul3A_2341 = arith.constant 32 : i32
        %mul3A_2342 = arith.muli %rem3A_365, %mul3A_2341 : i32
        %add3A_2343 = arith.constant 8 : i32
        %add3A_2344 = arith.addi %mul3A_2342, %add3A_2343 : i32
        %add3A_2345 = arith.addi %add3A_2344, %scan3A_520 : i32
        %swap3A_2346 = arith.index_cast %add3A_2345 : i32 to index
        %swap3A_2347 = arith.constant 656 : index
        %swap3A_2348 = tpu.vector_load %arg8[%swap3A_2346, %swap3A_2347] {strides = array<i32>} : memref<96x768xf32, #tpu.memory_space<vmem>>, vector<1x16xf32>,
        %swap3A_2349 = vector.shape_cast %swap3A_2348 : vector<1x16xf32> to vector<16xf32>
        %swap3A_2350 = vector.shape_cast %get3A_2330 : vector<16xf32> to vector<1x16xf32>
        tpu.vector_store %arg8[%swap3A_2346, %swap3A_2347], %swap3A_2350 {add = true, strides = array<i32>} : memref<96x768xf32, #tpu.memory_space<vmem>>, vector<1x16xf32>,
        %mul3A_2351 = arith.constant 32 : i32
        %mul3A_2352 = arith.muli %rem3A_365, %mul3A_2351 : i32
        %add3A_2353 = arith.constant 16 : i32
        %add3A_2354 = arith.addi %mul3A_2352, %add3A_2353 : i32
        %add3A_2355 = arith.addi %add3A_2354, %scan3A_520 : i32
        %swap3A_2356 = arith.index_cast %add3A_2355 : i32 to index
        %swap3A_2357 = arith.constant 656 : index
        %swap3A_2358 = tpu.vector_load %arg8[%swap3A_2356, %swap3A_2357] {strides = array<i32>} : memref<96x768xf32, #tpu.memory_space<vmem>>, vector<1x16xf32>,
        %swap3A_2359 = vector.shape_cast %swap3A_2358 : vector<1x16xf32> to vector<16xf32>
        %swap3A_2360 = vector.shape_cast %get3A_2330 : vector<16xf32> to vector<1x16xf32>
        tpu.vector_store %arg8[%swap3A_2356, %swap3A_2357], %swap3A_2360 {add = true, strides = array<i32>} : memref<96x768xf32, #tpu.memory_space<vmem>>, vector<1x16xf32>,
        %mul3A_2361 = arith.constant 32 : i32
        %mul3A_2362 = arith.muli %rem3A_365, %mul3A_2361 : i32
        %add3A_2363 = arith.constant 24 : i32
        %add3A_2364 = arith.addi %mul3A_2362, %add3A_2363 : i32
        %add3A_2365 = arith.addi %add3A_2364, %scan3A_520 : i32
        %swap3A_2366 = arith.index_cast %add3A_2365 : i32 to index
        %swap3A_2367 = arith.constant 656 : index
        %swap3A_2368 = tpu.vector_load %arg8[%swap3A_2366, %swap3A_2367] {strides = array<i32>} : memref<96x768xf32, #tpu.memory_space<vmem>>, vector<1x16xf32>,
        %swap3A_2369 = vector.shape_cast %swap3A_2368 : vector<1x16xf32> to vector<16xf32>
        %swap3A_2370 = vector.shape_cast %get3A_2330 : vector<16xf32> to vector<1x16xf32>
        tpu.vector_store %arg8[%swap3A_2366, %swap3A_2367], %swap3A_2370 {add = true, strides = array<i32>} : memref<96x768xf32, #tpu.memory_space<vmem>>, vector<1x16xf32>,
        %get3A_2371 = arith.index_cast %add3A_524 : i32 to index
        %get3A_2372 = arith.constant 672 : index
        %get3A_2373 = tpu.vector_load %arg7[%get3A_2371, %get3A_2372] {strides = array<i32>} : memref<64x768xf32, #tpu.memory_space<vmem>>, vector<1x16xf32>,
        %get3A_2374 = vector.shape_cast %get3A_2373 : vector<1x16xf32> to vector<16xf32>
        %mul3A_2375 = arith.constant 32 : i32
        %mul3A_2376 = arith.muli %rem3A_365, %mul3A_2375 : i32
        %add3A_2377 = arith.constant 0 : i32
        %add3A_2378 = arith.addi %mul3A_2376, %add3A_2377 : i32
        %add3A_2379 = arith.addi %add3A_2378, %scan3A_520 : i32
        %swap3A_2380 = arith.index_cast %add3A_2379 : i32 to index
        %swap3A_2381 = arith.constant 672 : index
        %swap3A_2382 = tpu.vector_load %arg8[%swap3A_2380, %swap3A_2381] {strides = array<i32>} : memref<96x768xf32, #tpu.memory_space<vmem>>, vector<1x16xf32>,
        %swap3A_2383 = vector.shape_cast %swap3A_2382 : vector<1x16xf32> to vector<16xf32>
        %swap3A_2384 = vector.shape_cast %get3A_2374 : vector<16xf32> to vector<1x16xf32>
        tpu.vector_store %arg8[%swap3A_2380, %swap3A_2381], %swap3A_2384 {add = true, strides = array<i32>} : memref<96x768xf32, #tpu.memory_space<vmem>>, vector<1x16xf32>,
        %mul3A_2385 = arith.constant 32 : i32
        %mul3A_2386 = arith.muli %rem3A_365, %mul3A_2385 : i32
        %add3A_2387 = arith.constant 8 : i32
        %add3A_2388 = arith.addi %mul3A_2386, %add3A_2387 : i32
        %add3A_2389 = arith.addi %add3A_2388, %scan3A_520 : i32
        %swap3A_2390 = arith.index_cast %add3A_2389 : i32 to index
        %swap3A_2391 = arith.constant 672 : index
        %swap3A_2392 = tpu.vector_load %arg8[%swap3A_2390, %swap3A_2391] {strides = array<i32>} : memref<96x768xf32, #tpu.memory_space<vmem>>, vector<1x16xf32>,
        %swap3A_2393 = vector.shape_cast %swap3A_2392 : vector<1x16xf32> to vector<16xf32>
        %swap3A_2394 = vector.shape_cast %get3A_2374 : vector<16xf32> to vector<1x16xf32>
        tpu.vector_store %arg8[%swap3A_2390, %swap3A_2391], %swap3A_2394 {add = true, strides = array<i32>} : memref<96x768xf32, #tpu.memory_space<vmem>>, vector<1x16xf32>,
        %mul3A_2395 = arith.constant 32 : i32
        %mul3A_2396 = arith.muli %rem3A_365, %mul3A_2395 : i32
        %add3A_2397 = arith.constant 16 : i32
        %add3A_2398 = arith.addi %mul3A_2396, %add3A_2397 : i32
        %add3A_2399 = arith.addi %add3A_2398, %scan3A_520 : i32
        %swap3A_2400 = arith.index_cast %add3A_2399 : i32 to index
        %swap3A_2401 = arith.constant 672 : index
        %swap3A_2402 = tpu.vector_load %arg8[%swap3A_2400, %swap3A_2401] {strides = array<i32>} : memref<96x768xf32, #tpu.memory_space<vmem>>, vector<1x16xf32>,
        %swap3A_2403 = vector.shape_cast %swap3A_2402 : vector<1x16xf32> to vector<16xf32>
        %swap3A_2404 = vector.shape_cast %get3A_2374 : vector<16xf32> to vector<1x16xf32>
        tpu.vector_store %arg8[%swap3A_2400, %swap3A_2401], %swap3A_2404 {add = true, strides = array<i32>} : memref<96x768xf32, #tpu.memory_space<vmem>>, vector<1x16xf32>,
        %mul3A_2405 = arith.constant 32 : i32
        %mul3A_2406 = arith.muli %rem3A_365, %mul3A_2405 : i32
        %add3A_2407 = arith.constant 24 : i32
        %add3A_2408 = arith.addi %mul3A_2406, %add3A_2407 : i32
        %add3A_2409 = arith.addi %add3A_2408, %scan3A_520 : i32
        %swap3A_2410 = arith.index_cast %add3A_2409 : i32 to index
        %swap3A_2411 = arith.constant 672 : index
        %swap3A_2412 = tpu.vector_load %arg8[%swap3A_2410, %swap3A_2411] {strides = array<i32>} : memref<96x768xf32, #tpu.memory_space<vmem>>, vector<1x16xf32>,
        %swap3A_2413 = vector.shape_cast %swap3A_2412 : vector<1x16xf32> to vector<16xf32>
        %swap3A_2414 = vector.shape_cast %get3A_2374 : vector<16xf32> to vector<1x16xf32>
        tpu.vector_store %arg8[%swap3A_2410, %swap3A_2411], %swap3A_2414 {add = true, strides = array<i32>} : memref<96x768xf32, #tpu.memory_space<vmem>>, vector<1x16xf32>,
        %get3A_2415 = arith.index_cast %add3A_524 : i32 to index
        %get3A_2416 = arith.constant 688 : index
        %get3A_2417 = tpu.vector_load %arg7[%get3A_2415, %get3A_2416] {strides = array<i32>} : memref<64x768xf32, #tpu.memory_space<vmem>>, vector<1x16xf32>,
        %get3A_2418 = vector.shape_cast %get3A_2417 : vector<1x16xf32> to vector<16xf32>
        %mul3A_2419 = arith.constant 32 : i32
        %mul3A_2420 = arith.muli %rem3A_365, %mul3A_2419 : i32
        %add3A_2421 = arith.constant 0 : i32
        %add3A_2422 = arith.addi %mul3A_2420, %add3A_2421 : i32
        %add3A_2423 = arith.addi %add3A_2422, %scan3A_520 : i32
        %swap3A_2424 = arith.index_cast %add3A_2423 : i32 to index
        %swap3A_2425 = arith.constant 688 : index
        %swap3A_2426 = tpu.vector_load %arg8[%swap3A_2424, %swap3A_2425] {strides = array<i32>} : memref<96x768xf32, #tpu.memory_space<vmem>>, vector<1x16xf32>,
        %swap3A_2427 = vector.shape_cast %swap3A_2426 : vector<1x16xf32> to vector<16xf32>
        %swap3A_2428 = vector.shape_cast %get3A_2418 : vector<16xf32> to vector<1x16xf32>
        tpu.vector_store %arg8[%swap3A_2424, %swap3A_2425], %swap3A_2428 {add = true, strides = array<i32>} : memref<96x768xf32, #tpu.memory_space<vmem>>, vector<1x16xf32>,
        %mul3A_2429 = arith.constant 32 : i32
        %mul3A_2430 = arith.muli %rem3A_365, %mul3A_2429 : i32
        %add3A_2431 = arith.constant 8 : i32
        %add3A_2432 = arith.addi %mul3A_2430, %add3A_2431 : i32
        %add3A_2433 = arith.addi %add3A_2432, %scan3A_520 : i32
        %swap3A_2434 = arith.index_cast %add3A_2433 : i32 to index
        %swap3A_2435 = arith.constant 688 : index
        %swap3A_2436 = tpu.vector_load %arg8[%swap3A_2434, %swap3A_2435] {strides = array<i32>} : memref<96x768xf32, #tpu.memory_space<vmem>>, vector<1x16xf32>,
        %swap3A_2437 = vector.shape_cast %swap3A_2436 : vector<1x16xf32> to vector<16xf32>
        %swap3A_2438 = vector.shape_cast %get3A_2418 : vector<16xf32> to vector<1x16xf32>
        tpu.vector_store %arg8[%swap3A_2434, %swap3A_2435], %swap3A_2438 {add = true, strides = array<i32>} : memref<96x768xf32, #tpu.memory_space<vmem>>, vector<1x16xf32>,
        %mul3A_2439 = arith.constant 32 : i32
        %mul3A_2440 = arith.muli %rem3A_365, %mul3A_2439 : i32
        %add3A_2441 = arith.constant 16 : i32
        %add3A_2442 = arith.addi %mul3A_2440, %add3A_2441 : i32
        %add3A_2443 = arith.addi %add3A_2442, %scan3A_520 : i32
        %swap3A_2444 = arith.index_cast %add3A_2443 : i32 to index
        %swap3A_2445 = arith.constant 688 : index
        %swap3A_2446 = tpu.vector_load %arg8[%swap3A_2444, %swap3A_2445] {strides = array<i32>} : memref<96x768xf32, #tpu.memory_space<vmem>>, vector<1x16xf32>,
        %swap3A_2447 = vector.shape_cast %swap3A_2446 : vector<1x16xf32> to vector<16xf32>
        %swap3A_2448 = vector.shape_cast %get3A_2418 : vector<16xf32> to vector<1x16xf32>
        tpu.vector_store %arg8[%swap3A_2444, %swap3A_2445], %swap3A_2448 {add = true, strides = array<i32>} : memref<96x768xf32, #tpu.memory_space<vmem>>, vector<1x16xf32>,
        %mul3A_2449 = arith.constant 32 : i32
        %mul3A_2450 = arith.muli %rem3A_365, %mul3A_2449 : i32
        %add3A_2451 = arith.constant 24 : i32
        %add3A_2452 = arith.addi %mul3A_2450, %add3A_2451 : i32
        %add3A_2453 = arith.addi %add3A_2452, %scan3A_520 : i32
        %swap3A_2454 = arith.index_cast %add3A_2453 : i32 to index
        %swap3A_2455 = arith.constant 688 : index
        %swap3A_2456 = tpu.vector_load %arg8[%swap3A_2454, %swap3A_2455] {strides = array<i32>} : memref<96x768xf32, #tpu.memory_space<vmem>>, vector<1x16xf32>,
        %swap3A_2457 = vector.shape_cast %swap3A_2456 : vector<1x16xf32> to vector<16xf32>
        %swap3A_2458 = vector.shape_cast %get3A_2418 : vector<16xf32> to vector<1x16xf32>
        tpu.vector_store %arg8[%swap3A_2454, %swap3A_2455], %swap3A_2458 {add = true, strides = array<i32>} : memref<96x768xf32, #tpu.memory_space<vmem>>, vector<1x16xf32>,
        %get3A_2459 = arith.index_cast %add3A_524 : i32 to index
        %get3A_2460 = arith.constant 704 : index
        %get3A_2461 = tpu.vector_load %arg7[%get3A_2459, %get3A_2460] {strides = array<i32>} : memref<64x768xf32, #tpu.memory_space<vmem>>, vector<1x16xf32>,
        %get3A_2462 = vector.shape_cast %get3A_2461 : vector<1x16xf32> to vector<16xf32>
        %mul3A_2463 = arith.constant 32 : i32
        %mul3A_2464 = arith.muli %rem3A_365, %mul3A_2463 : i32
        %add3A_2465 = arith.constant 0 : i32
        %add3A_2466 = arith.addi %mul3A_2464, %add3A_2465 : i32
        %add3A_2467 = arith.addi %add3A_2466, %scan3A_520 : i32
        %swap3A_2468 = arith.index_cast %add3A_2467 : i32 to index
        %swap3A_2469 = arith.constant 704 : index
        %swap3A_2470 = tpu.vector_load %arg8[%swap3A_2468, %swap3A_2469] {strides = array<i32>} : memref<96x768xf32, #tpu.memory_space<vmem>>, vector<1x16xf32>,
        %swap3A_2471 = vector.shape_cast %swap3A_2470 : vector<1x16xf32> to vector<16xf32>
        %swap3A_2472 = vector.shape_cast %get3A_2462 : vector<16xf32> to vector<1x16xf32>
        tpu.vector_store %arg8[%swap3A_2468, %swap3A_2469], %swap3A_2472 {add = true, strides = array<i32>} : memref<96x768xf32, #tpu.memory_space<vmem>>, vector<1x16xf32>,
        %mul3A_2473 = arith.constant 32 : i32
        %mul3A_2474 = arith.muli %rem3A_365, %mul3A_2473 : i32
        %add3A_2475 = arith.constant 8 : i32
        %add3A_2476 = arith.addi %mul3A_2474, %add3A_2475 : i32
        %add3A_2477 = arith.addi %add3A_2476, %scan3A_520 : i32
        %swap3A_2478 = arith.index_cast %add3A_2477 : i32 to index
        %swap3A_2479 = arith.constant 704 : index
        %swap3A_2480 = tpu.vector_load %arg8[%swap3A_2478, %swap3A_2479] {strides = array<i32>} : memref<96x768xf32, #tpu.memory_space<vmem>>, vector<1x16xf32>,
        %swap3A_2481 = vector.shape_cast %swap3A_2480 : vector<1x16xf32> to vector<16xf32>
        %swap3A_2482 = vector.shape_cast %get3A_2462 : vector<16xf32> to vector<1x16xf32>
        tpu.vector_store %arg8[%swap3A_2478, %swap3A_2479], %swap3A_2482 {add = true, strides = array<i32>} : memref<96x768xf32, #tpu.memory_space<vmem>>, vector<1x16xf32>,
        %mul3A_2483 = arith.constant 32 : i32
        %mul3A_2484 = arith.muli %rem3A_365, %mul3A_2483 : i32
        %add3A_2485 = arith.constant 16 : i32
        %add3A_2486 = arith.addi %mul3A_2484, %add3A_2485 : i32
        %add3A_2487 = arith.addi %add3A_2486, %scan3A_520 : i32
        %swap3A_2488 = arith.index_cast %add3A_2487 : i32 to index
        %swap3A_2489 = arith.constant 704 : index
        %swap3A_2490 = tpu.vector_load %arg8[%swap3A_2488, %swap3A_2489] {strides = array<i32>} : memref<96x768xf32, #tpu.memory_space<vmem>>, vector<1x16xf32>,
        %swap3A_2491 = vector.shape_cast %swap3A_2490 : vector<1x16xf32> to vector<16xf32>
        %swap3A_2492 = vector.shape_cast %get3A_2462 : vector<16xf32> to vector<1x16xf32>
        tpu.vector_store %arg8[%swap3A_2488, %swap3A_2489], %swap3A_2492 {add = true, strides = array<i32>} : memref<96x768xf32, #tpu.memory_space<vmem>>, vector<1x16xf32>,
        %mul3A_2493 = arith.constant 32 : i32
        %mul3A_2494 = arith.muli %rem3A_365, %mul3A_2493 : i32
        %add3A_2495 = arith.constant 24 : i32
        %add3A_2496 = arith.addi %mul3A_2494, %add3A_2495 : i32
        %add3A_2497 = arith.addi %add3A_2496, %scan3A_520 : i32
        %swap3A_2498 = arith.index_cast %add3A_2497 : i32 to index
        %swap3A_2499 = arith.constant 704 : index
        %swap3A_2500 = tpu.vector_load %arg8[%swap3A_2498, %swap3A_2499] {strides = array<i32>} : memref<96x768xf32, #tpu.memory_space<vmem>>, vector<1x16xf32>,
        %swap3A_2501 = vector.shape_cast %swap3A_2500 : vector<1x16xf32> to vector<16xf32>
        %swap3A_2502 = vector.shape_cast %get3A_2462 : vector<16xf32> to vector<1x16xf32>
        tpu.vector_store %arg8[%swap3A_2498, %swap3A_2499], %swap3A_2502 {add = true, strides = array<i32>} : memref<96x768xf32, #tpu.memory_space<vmem>>, vector<1x16xf32>,
        %get3A_2503 = arith.index_cast %add3A_524 : i32 to index
        %get3A_2504 = arith.constant 720 : index
        %get3A_2505 = tpu.vector_load %arg7[%get3A_2503, %get3A_2504] {strides = array<i32>} : memref<64x768xf32, #tpu.memory_space<vmem>>, vector<1x16xf32>,
        %get3A_2506 = vector.shape_cast %get3A_2505 : vector<1x16xf32> to vector<16xf32>
        %mul3A_2507 = arith.constant 32 : i32
        %mul3A_2508 = arith.muli %rem3A_365, %mul3A_2507 : i32
        %add3A_2509 = arith.constant 0 : i32
        %add3A_2510 = arith.addi %mul3A_2508, %add3A_2509 : i32
        %add3A_2511 = arith.addi %add3A_2510, %scan3A_520 : i32
        %swap3A_2512 = arith.index_cast %add3A_2511 : i32 to index
        %swap3A_2513 = arith.constant 720 : index
        %swap3A_2514 = tpu.vector_load %arg8[%swap3A_2512, %swap3A_2513] {strides = array<i32>} : memref<96x768xf32, #tpu.memory_space<vmem>>, vector<1x16xf32>,
        %swap3A_2515 = vector.shape_cast %swap3A_2514 : vector<1x16xf32> to vector<16xf32>
        %swap3A_2516 = vector.shape_cast %get3A_2506 : vector<16xf32> to vector<1x16xf32>
        tpu.vector_store %arg8[%swap3A_2512, %swap3A_2513], %swap3A_2516 {add = true, strides = array<i32>} : memref<96x768xf32, #tpu.memory_space<vmem>>, vector<1x16xf32>,
        %mul3A_2517 = arith.constant 32 : i32
        %mul3A_2518 = arith.muli %rem3A_365, %mul3A_2517 : i32
        %add3A_2519 = arith.constant 8 : i32
        %add3A_2520 = arith.addi %mul3A_2518, %add3A_2519 : i32
        %add3A_2521 = arith.addi %add3A_2520, %scan3A_520 : i32
        %swap3A_2522 = arith.index_cast %add3A_2521 : i32 to index
        %swap3A_2523 = arith.constant 720 : index
        %swap3A_2524 = tpu.vector_load %arg8[%swap3A_2522, %swap3A_2523] {strides = array<i32>} : memref<96x768xf32, #tpu.memory_space<vmem>>, vector<1x16xf32>,
        %swap3A_2525 = vector.shape_cast %swap3A_2524 : vector<1x16xf32> to vector<16xf32>
        %swap3A_2526 = vector.shape_cast %get3A_2506 : vector<16xf32> to vector<1x16xf32>
        tpu.vector_store %arg8[%swap3A_2522, %swap3A_2523], %swap3A_2526 {add = true, strides = array<i32>} : memref<96x768xf32, #tpu.memory_space<vmem>>, vector<1x16xf32>,
        %mul3A_2527 = arith.constant 32 : i32
        %mul3A_2528 = arith.muli %rem3A_365, %mul3A_2527 : i32
        %add3A_2529 = arith.constant 16 : i32
        %add3A_2530 = arith.addi %mul3A_2528, %add3A_2529 : i32
        %add3A_2531 = arith.addi %add3A_2530, %scan3A_520 : i32
        %swap3A_2532 = arith.index_cast %add3A_2531 : i32 to index
        %swap3A_2533 = arith.constant 720 : index
        %swap3A_2534 = tpu.vector_load %arg8[%swap3A_2532, %swap3A_2533] {strides = array<i32>} : memref<96x768xf32, #tpu.memory_space<vmem>>, vector<1x16xf32>,
        %swap3A_2535 = vector.shape_cast %swap3A_2534 : vector<1x16xf32> to vector<16xf32>
        %swap3A_2536 = vector.shape_cast %get3A_2506 : vector<16xf32> to vector<1x16xf32>
        tpu.vector_store %arg8[%swap3A_2532, %swap3A_2533], %swap3A_2536 {add = true, strides = array<i32>} : memref<96x768xf32, #tpu.memory_space<vmem>>, vector<1x16xf32>,
        %mul3A_2537 = arith.constant 32 : i32
        %mul3A_2538 = arith.muli %rem3A_365, %mul3A_2537 : i32
        %add3A_2539 = arith.constant 24 : i32
        %add3A_2540 = arith.addi %mul3A_2538, %add3A_2539 : i32
        %add3A_2541 = arith.addi %add3A_2540, %scan3A_520 : i32
        %swap3A_2542 = arith.index_cast %add3A_2541 : i32 to index
        %swap3A_2543 = arith.constant 720 : index
        %swap3A_2544 = tpu.vector_load %arg8[%swap3A_2542, %swap3A_2543] {strides = array<i32>} : memref<96x768xf32, #tpu.memory_space<vmem>>, vector<1x16xf32>,
        %swap3A_2545 = vector.shape_cast %swap3A_2544 : vector<1x16xf32> to vector<16xf32>
        %swap3A_2546 = vector.shape_cast %get3A_2506 : vector<16xf32> to vector<1x16xf32>
        tpu.vector_store %arg8[%swap3A_2542, %swap3A_2543], %swap3A_2546 {add = true, strides = array<i32>} : memref<96x768xf32, #tpu.memory_space<vmem>>, vector<1x16xf32>,
        %get3A_2547 = arith.index_cast %add3A_524 : i32 to index
        %get3A_2548 = arith.constant 736 : index
        %get3A_2549 = tpu.vector_load %arg7[%get3A_2547, %get3A_2548] {strides = array<i32>} : memref<64x768xf32, #tpu.memory_space<vmem>>, vector<1x16xf32>,
        %get3A_2550 = vector.shape_cast %get3A_2549 : vector<1x16xf32> to vector<16xf32>
        %mul3A_2551 = arith.constant 32 : i32
        %mul3A_2552 = arith.muli %rem3A_365, %mul3A_2551 : i32
        %add3A_2553 = arith.constant 0 : i32
        %add3A_2554 = arith.addi %mul3A_2552, %add3A_2553 : i32
        %add3A_2555 = arith.addi %add3A_2554, %scan3A_520 : i32
        %swap3A_2556 = arith.index_cast %add3A_2555 : i32 to index
        %swap3A_2557 = arith.constant 736 : index
        %swap3A_2558 = tpu.vector_load %arg8[%swap3A_2556, %swap3A_2557] {strides = array<i32>} : memref<96x768xf32, #tpu.memory_space<vmem>>, vector<1x16xf32>,
        %swap3A_2559 = vector.shape_cast %swap3A_2558 : vector<1x16xf32> to vector<16xf32>
        %swap3A_2560 = vector.shape_cast %get3A_2550 : vector<16xf32> to vector<1x16xf32>
        tpu.vector_store %arg8[%swap3A_2556, %swap3A_2557], %swap3A_2560 {add = true, strides = array<i32>} : memref<96x768xf32, #tpu.memory_space<vmem>>, vector<1x16xf32>,
        %mul3A_2561 = arith.constant 32 : i32
        %mul3A_2562 = arith.muli %rem3A_365, %mul3A_2561 : i32
        %add3A_2563 = arith.constant 8 : i32
        %add3A_2564 = arith.addi %mul3A_2562, %add3A_2563 : i32
        %add3A_2565 = arith.addi %add3A_2564, %scan3A_520 : i32
        %swap3A_2566 = arith.index_cast %add3A_2565 : i32 to index
        %swap3A_2567 = arith.constant 736 : index
        %swap3A_2568 = tpu.vector_load %arg8[%swap3A_2566, %swap3A_2567] {strides = array<i32>} : memref<96x768xf32, #tpu.memory_space<vmem>>, vector<1x16xf32>,
        %swap3A_2569 = vector.shape_cast %swap3A_2568 : vector<1x16xf32> to vector<16xf32>
        %swap3A_2570 = vector.shape_cast %get3A_2550 : vector<16xf32> to vector<1x16xf32>
        tpu.vector_store %arg8[%swap3A_2566, %swap3A_2567], %swap3A_2570 {add = true, strides = array<i32>} : memref<96x768xf32, #tpu.memory_space<vmem>>, vector<1x16xf32>,
        %mul3A_2571 = arith.constant 32 : i32
        %mul3A_2572 = arith.muli %rem3A_365, %mul3A_2571 : i32
        %add3A_2573 = arith.constant 16 : i32
        %add3A_2574 = arith.addi %mul3A_2572, %add3A_2573 : i32
        %add3A_2575 = arith.addi %add3A_2574, %scan3A_520 : i32
        %swap3A_2576 = arith.index_cast %add3A_2575 : i32 to index
        %swap3A_2577 = arith.constant 736 : index
        %swap3A_2578 = tpu.vector_load %arg8[%swap3A_2576, %swap3A_2577] {strides = array<i32>} : memref<96x768xf32, #tpu.memory_space<vmem>>, vector<1x16xf32>,
        %swap3A_2579 = vector.shape_cast %swap3A_2578 : vector<1x16xf32> to vector<16xf32>
        %swap3A_2580 = vector.shape_cast %get3A_2550 : vector<16xf32> to vector<1x16xf32>
        tpu.vector_store %arg8[%swap3A_2576, %swap3A_2577], %swap3A_2580 {add = true, strides = array<i32>} : memref<96x768xf32, #tpu.memory_space<vmem>>, vector<1x16xf32>,
        %mul3A_2581 = arith.constant 32 : i32
        %mul3A_2582 = arith.muli %rem3A_365, %mul3A_2581 : i32
        %add3A_2583 = arith.constant 24 : i32
        %add3A_2584 = arith.addi %mul3A_2582, %add3A_2583 : i32
        %add3A_2585 = arith.addi %add3A_2584, %scan3A_520 : i32
        %swap3A_2586 = arith.index_cast %add3A_2585 : i32 to index
        %swap3A_2587 = arith.constant 736 : index
        %swap3A_2588 = tpu.vector_load %arg8[%swap3A_2586, %swap3A_2587] {strides = array<i32>} : memref<96x768xf32, #tpu.memory_space<vmem>>, vector<1x16xf32>,
        %swap3A_2589 = vector.shape_cast %swap3A_2588 : vector<1x16xf32> to vector<16xf32>
        %swap3A_2590 = vector.shape_cast %get3A_2550 : vector<16xf32> to vector<1x16xf32>
        tpu.vector_store %arg8[%swap3A_2586, %swap3A_2587], %swap3A_2590 {add = true, strides = array<i32>} : memref<96x768xf32, #tpu.memory_space<vmem>>, vector<1x16xf32>,
        %get3A_2591 = arith.index_cast %add3A_524 : i32 to index
        %get3A_2592 = arith.constant 752 : index
        %get3A_2593 = tpu.vector_load %arg7[%get3A_2591, %get3A_2592] {strides = array<i32>} : memref<64x768xf32, #tpu.memory_space<vmem>>, vector<1x16xf32>,
        %get3A_2594 = vector.shape_cast %get3A_2593 : vector<1x16xf32> to vector<16xf32>
        %mul3A_2595 = arith.constant 32 : i32
        %mul3A_2596 = arith.muli %rem3A_365, %mul3A_2595 : i32
        %add3A_2597 = arith.constant 0 : i32
        %add3A_2598 = arith.addi %mul3A_2596, %add3A_2597 : i32
        %add3A_2599 = arith.addi %add3A_2598, %scan3A_520 : i32
        %swap3A_2600 = arith.index_cast %add3A_2599 : i32 to index
        %swap3A_2601 = arith.constant 752 : index
        %swap3A_2602 = tpu.vector_load %arg8[%swap3A_2600, %swap3A_2601] {strides = array<i32>} : memref<96x768xf32, #tpu.memory_space<vmem>>, vector<1x16xf32>,
        %swap3A_2603 = vector.shape_cast %swap3A_2602 : vector<1x16xf32> to vector<16xf32>
        %swap3A_2604 = vector.shape_cast %get3A_2594 : vector<16xf32> to vector<1x16xf32>
        tpu.vector_store %arg8[%swap3A_2600, %swap3A_2601], %swap3A_2604 {add = true, strides = array<i32>} : memref<96x768xf32, #tpu.memory_space<vmem>>, vector<1x16xf32>,
        %mul3A_2605 = arith.constant 32 : i32
        %mul3A_2606 = arith.muli %rem3A_365, %mul3A_2605 : i32
        %add3A_2607 = arith.constant 8 : i32
        %add3A_2608 = arith.addi %mul3A_2606, %add3A_2607 : i32
        %add3A_2609 = arith.addi %add3A_2608, %scan3A_520 : i32
        %swap3A_2610 = arith.index_cast %add3A_2609 : i32 to index
        %swap3A_2611 = arith.constant 752 : index
        %swap3A_2612 = tpu.vector_load %arg8[%swap3A_2610, %swap3A_2611] {strides = array<i32>} : memref<96x768xf32, #tpu.memory_space<vmem>>, vector<1x16xf32>,
        %swap3A_2613 = vector.shape_cast %swap3A_2612 : vector<1x16xf32> to vector<16xf32>
        %swap3A_2614 = vector.shape_cast %get3A_2594 : vector<16xf32> to vector<1x16xf32>
        tpu.vector_store %arg8[%swap3A_2610, %swap3A_2611], %swap3A_2614 {add = true, strides = array<i32>} : memref<96x768xf32, #tpu.memory_space<vmem>>, vector<1x16xf32>,
        %mul3A_2615 = arith.constant 32 : i32
        %mul3A_2616 = arith.muli %rem3A_365, %mul3A_2615 : i32
        %add3A_2617 = arith.constant 16 : i32
        %add3A_2618 = arith.addi %mul3A_2616, %add3A_2617 : i32
        %add3A_2619 = arith.addi %add3A_2618, %scan3A_520 : i32
        %swap3A_2620 = arith.index_cast %add3A_2619 : i32 to index
        %swap3A_2621 = arith.constant 752 : index
        %swap3A_2622 = tpu.vector_load %arg8[%swap3A_2620, %swap3A_2621] {strides = array<i32>} : memref<96x768xf32, #tpu.memory_space<vmem>>, vector<1x16xf32>,
        %swap3A_2623 = vector.shape_cast %swap3A_2622 : vector<1x16xf32> to vector<16xf32>
        %swap3A_2624 = vector.shape_cast %get3A_2594 : vector<16xf32> to vector<1x16xf32>
        tpu.vector_store %arg8[%swap3A_2620, %swap3A_2621], %swap3A_2624 {add = true, strides = array<i32>} : memref<96x768xf32, #tpu.memory_space<vmem>>, vector<1x16xf32>,
        %mul3A_2625 = arith.constant 32 : i32
        %mul3A_2626 = arith.muli %rem3A_365, %mul3A_2625 : i32
        %add3A_2627 = arith.constant 24 : i32
        %add3A_2628 = arith.addi %mul3A_2626, %add3A_2627 : i32
        %add3A_2629 = arith.addi %add3A_2628, %scan3A_520 : i32
        %swap3A_2630 = arith.index_cast %add3A_2629 : i32 to index
        %swap3A_2631 = arith.constant 752 : index
        %swap3A_2632 = tpu.vector_load %arg8[%swap3A_2630, %swap3A_2631] {strides = array<i32>} : memref<96x768xf32, #tpu.memory_space<vmem>>, vector<1x16xf32>,
        %swap3A_2633 = vector.shape_cast %swap3A_2632 : vector<1x16xf32> to vector<16xf32>
        %swap3A_2634 = vector.shape_cast %get3A_2594 : vector<16xf32> to vector<1x16xf32>
        tpu.vector_store %arg8[%swap3A_2630, %swap3A_2631], %swap3A_2634 {add = true, strides = array<i32>} : memref<96x768xf32, #tpu.memory_space<vmem>>, vector<1x16xf32>,
        %scan3A_2635 = arith.constant 0 : i32
        scf.yield %scan3A_2635 : i32
      }
      %scan3A_436 = arith.constant 8 : i32
      %add3A_437 = arith.constant 2 : i32
      %add3A_438 = arith.addi %scan3A_363, %add3A_437 : i32
      %rem3A_439 = arith.constant 3 : i32
      %rem3A_440 = arith.remsi %add3A_438, %rem3A_439 : i32
      %lt3A = arith.constant 8 : i32
      %lt3A_441 = arith.cmpi slt, %add3A_438, %lt3A : i32
      %convert_element_type3A = arith.extui %lt3A_441 : i1 to i32
      %cond3A = arith.constant 0 : i32
      %cond3A_442 = arith.cmpi ne, %convert_element_type3A, %cond3A : i32
      scf.if %cond3A_442 {
        %ge3A = arith.constant 3 : i32
        %ge3A_520 = arith.cmpi sge, %add3A_438, %ge3A : i32
        %convert_element_type3A_521 = arith.extui %ge3A_520 : i1 to i32
        %cond3A_522 = arith.constant 0 : i32
        %cond3A_523 = arith.cmpi ne, %convert_element_type3A_521, %cond3A_522 : i32
        scf.if %cond3A_523 {
          %sub3A = arith.constant 3 : i32
          %sub3A_588 = arith.subi %add3A_438, %sub3A : i32
          %mul3A_589 = arith.constant 32 : i32
          %mul3A_590 = arith.muli %rem3A_440, %mul3A_589 : i32
          %add3A_591 = arith.constant 0 : i32
          %add3A_592 = arith.addi %mul3A_590, %add3A_591 : i32
          %add3A_593 = arith.constant 0 : i32
          %add3A_594 = arith.addi %add3A_593, %mul3A_2 : i32
          %mul3A_595 = arith.constant 8 : i32
          %mul3A_596 = arith.muli %sub3A_588, %mul3A_595 : i32
          %add3A_597 = arith.addi %add3A_594, %mul3A_596 : i32
          %mul3A_598 = arith.constant 32 : i32
          %mul3A_599 = arith.muli %rem3A_440, %mul3A_598 : i32
          %add3A_600 = arith.constant 8 : i32
          %add3A_601 = arith.addi %mul3A_599, %add3A_600 : i32
          %add3A_602 = arith.constant 2048 : i32
          %add3A_603 = arith.addi %add3A_602, %mul3A_2 : i32
          %mul3A_604 = arith.constant 8 : i32
          %mul3A_605 = arith.muli %sub3A_588, %mul3A_604 : i32
          %add3A_606 = arith.addi %add3A_603, %mul3A_605 : i32
          %mul3A_607 = arith.constant 32 : i32
          %mul3A_608 = arith.muli %rem3A_440, %mul3A_607 : i32
          %add3A_609 = arith.constant 16 : i32
          %add3A_610 = arith.addi %mul3A_608, %add3A_609 : i32
          %add3A_611 = arith.constant 4096 : i32
          %add3A_612 = arith.addi %add3A_611, %mul3A_2 : i32
          %mul3A_613 = arith.constant 8 : i32
          %mul3A_614 = arith.muli %sub3A_588, %mul3A_613 : i32
          %add3A_615 = arith.addi %add3A_612, %mul3A_614 : i32
          %mul3A_616 = arith.constant 32 : i32
          %mul3A_617 = arith.muli %rem3A_440, %mul3A_616 : i32
          %add3A_618 = arith.constant 24 : i32
          %add3A_619 = arith.addi %mul3A_617, %add3A_618 : i32
          %add3A_620 = arith.constant 6144 : i32
          %add3A_621 = arith.addi %add3A_620, %mul3A_2 : i32
          %mul3A_622 = arith.constant 8 : i32
          %mul3A_623 = arith.muli %sub3A_588, %mul3A_622 : i32
          %add3A_624 = arith.addi %add3A_621, %mul3A_623 : i32
          %dma_wait3A_625 = arith.constant 0 : i32
          %dma_wait3A_626 = tpu.memref_slice %arg8[%add3A_592, %dma_wait3A_625] : memref<96x768xf32, #tpu.memory_space<vmem>> -> memref<8x768xf32, #tpu.memory_space<vmem>>
          %dma_wait3A_627 = arith.constant 0 : i32
          %dma_wait3A_628 = tpu.memref_slice %arg5[%add3A_597, %dma_wait3A_627] : memref<8192x768xf32, #tpu.memory_space<hbm>> -> memref<8x768xf32, #tpu.memory_space<hbm>>
          %dma_wait3A_629 = tpu.memref_slice %arg10[%rem3A_440] : memref<3x!tpu.dma_semaphore, #tpu.memory_space<semaphore_mem>> -> memref<1x!tpu.dma_semaphore, #tpu.memory_space<semaphore_mem>>
          %dma_wait3A_630 = tpu.memref_squeeze %dma_wait3A_629 : memref<1x!tpu.dma_semaphore, #tpu.memory_space<semaphore_mem>> -> memref<!tpu.dma_semaphore, #tpu.memory_space<semaphore_mem>>
          %dma_wait3A_631 = arith.constant 0 : i32
          %dma_wait3A_632 = tpu.memref_slice %arg5[%add3A_597, %dma_wait3A_631] : memref<8192x768xf32, #tpu.memory_space<hbm>> -> memref<8x768xf32, #tpu.memory_space<hbm>>
          %dma_wait3A_633 = arith.constant 0 : i32
          %dma_wait3A_634 = tpu.memref_slice %arg8[%add3A_592, %dma_wait3A_633] : memref<96x768xf32, #tpu.memory_space<vmem>> -> memref<8x768xf32, #tpu.memory_space<vmem>>
          tpu.wait_dma2 semaphore(%dma_wait3A_630 : memref<!tpu.dma_semaphore, #tpu.memory_space<semaphore_mem>>) src(%dma_wait3A_634 : memref<8x768xf32, #tpu.memory_space<vmem>>) dst(%dma_wait3A_632 : memref<8x768xf32, #tpu.memory_space<hbm>>)
          %dma_wait3A_635 = arith.constant 0 : i32
          %dma_wait3A_636 = tpu.memref_slice %arg8[%add3A_601, %dma_wait3A_635] : memref<96x768xf32, #tpu.memory_space<vmem>> -> memref<8x768xf32, #tpu.memory_space<vmem>>
          %dma_wait3A_637 = arith.constant 0 : i32
          %dma_wait3A_638 = tpu.memref_slice %arg5[%add3A_606, %dma_wait3A_637] : memref<8192x768xf32, #tpu.memory_space<hbm>> -> memref<8x768xf32, #tpu.memory_space<hbm>>
          %dma_wait3A_639 = tpu.memref_slice %arg10[%rem3A_440] : memref<3x!tpu.dma_semaphore, #tpu.memory_space<semaphore_mem>> -> memref<1x!tpu.dma_semaphore, #tpu.memory_space<semaphore_mem>>
          %dma_wait3A_640 = tpu.memref_squeeze %dma_wait3A_639 : memref<1x!tpu.dma_semaphore, #tpu.memory_space<semaphore_mem>> -> memref<!tpu.dma_semaphore, #tpu.memory_space<semaphore_mem>>
          %dma_wait3A_641 = arith.constant 0 : i32
          %dma_wait3A_642 = tpu.memref_slice %arg5[%add3A_606, %dma_wait3A_641] : memref<8192x768xf32, #tpu.memory_space<hbm>> -> memref<8x768xf32, #tpu.memory_space<hbm>>
          %dma_wait3A_643 = arith.constant 0 : i32
          %dma_wait3A_644 = tpu.memref_slice %arg8[%add3A_601, %dma_wait3A_643] : memref<96x768xf32, #tpu.memory_space<vmem>> -> memref<8x768xf32, #tpu.memory_space<vmem>>
          tpu.wait_dma2 semaphore(%dma_wait3A_640 : memref<!tpu.dma_semaphore, #tpu.memory_space<semaphore_mem>>) src(%dma_wait3A_644 : memref<8x768xf32, #tpu.memory_space<vmem>>) dst(%dma_wait3A_642 : memref<8x768xf32, #tpu.memory_space<hbm>>)
          %dma_wait3A_645 = arith.constant 0 : i32
          %dma_wait3A_646 = tpu.memref_slice %arg8[%add3A_610, %dma_wait3A_645] : memref<96x768xf32, #tpu.memory_space<vmem>> -> memref<8x768xf32, #tpu.memory_space<vmem>>
          %dma_wait3A_647 = arith.constant 0 : i32
          %dma_wait3A_648 = tpu.memref_slice %arg5[%add3A_615, %dma_wait3A_647] : memref<8192x768xf32, #tpu.memory_space<hbm>> -> memref<8x768xf32, #tpu.memory_space<hbm>>
          %dma_wait3A_649 = tpu.memref_slice %arg10[%rem3A_440] : memref<3x!tpu.dma_semaphore, #tpu.memory_space<semaphore_mem>> -> memref<1x!tpu.dma_semaphore, #tpu.memory_space<semaphore_mem>>
          %dma_wait3A_650 = tpu.memref_squeeze %dma_wait3A_649 : memref<1x!tpu.dma_semaphore, #tpu.memory_space<semaphore_mem>> -> memref<!tpu.dma_semaphore, #tpu.memory_space<semaphore_mem>>
          %dma_wait3A_651 = arith.constant 0 : i32
          %dma_wait3A_652 = tpu.memref_slice %arg5[%add3A_615, %dma_wait3A_651] : memref<8192x768xf32, #tpu.memory_space<hbm>> -> memref<8x768xf32, #tpu.memory_space<hbm>>
          %dma_wait3A_653 = arith.constant 0 : i32
          %dma_wait3A_654 = tpu.memref_slice %arg8[%add3A_610, %dma_wait3A_653] : memref<96x768xf32, #tpu.memory_space<vmem>> -> memref<8x768xf32, #tpu.memory_space<vmem>>
          tpu.wait_dma2 semaphore(%dma_wait3A_650 : memref<!tpu.dma_semaphore, #tpu.memory_space<semaphore_mem>>) src(%dma_wait3A_654 : memref<8x768xf32, #tpu.memory_space<vmem>>) dst(%dma_wait3A_652 : memref<8x768xf32, #tpu.memory_space<hbm>>)
          %dma_wait3A_655 = arith.constant 0 : i32
          %dma_wait3A_656 = tpu.memref_slice %arg8[%add3A_619, %dma_wait3A_655] : memref<96x768xf32, #tpu.memory_space<vmem>> -> memref<8x768xf32, #tpu.memory_space<vmem>>
          %dma_wait3A_657 = arith.constant 0 : i32
          %dma_wait3A_658 = tpu.memref_slice %arg5[%add3A_624, %dma_wait3A_657] : memref<8192x768xf32, #tpu.memory_space<hbm>> -> memref<8x768xf32, #tpu.memory_space<hbm>>
          %dma_wait3A_659 = tpu.memref_slice %arg10[%rem3A_440] : memref<3x!tpu.dma_semaphore, #tpu.memory_space<semaphore_mem>> -> memref<1x!tpu.dma_semaphore, #tpu.memory_space<semaphore_mem>>
          %dma_wait3A_660 = tpu.memref_squeeze %dma_wait3A_659 : memref<1x!tpu.dma_semaphore, #tpu.memory_space<semaphore_mem>> -> memref<!tpu.dma_semaphore, #tpu.memory_space<semaphore_mem>>
          %dma_wait3A_661 = arith.constant 0 : i32
          %dma_wait3A_662 = tpu.memref_slice %arg5[%add3A_624, %dma_wait3A_661] : memref<8192x768xf32, #tpu.memory_space<hbm>> -> memref<8x768xf32, #tpu.memory_space<hbm>>
          %dma_wait3A_663 = arith.constant 0 : i32
          %dma_wait3A_664 = tpu.memref_slice %arg8[%add3A_619, %dma_wait3A_663] : memref<96x768xf32, #tpu.memory_space<vmem>> -> memref<8x768xf32, #tpu.memory_space<vmem>>
          tpu.wait_dma2 semaphore(%dma_wait3A_660 : memref<!tpu.dma_semaphore, #tpu.memory_space<semaphore_mem>>) src(%dma_wait3A_664 : memref<8x768xf32, #tpu.memory_space<vmem>>) dst(%dma_wait3A_662 : memref<8x768xf32, #tpu.memory_space<hbm>>)
        } else {
        }
        %mul3A_524 = arith.constant 8 : i32
        %mul3A_525 = arith.muli %add3A_438, %mul3A_524 : i32
        %add3A_526 = arith.constant 0 : i32
        %add3A_527 = arith.addi %add3A_526, %mul3A_525 : i32
        %mul3A_528 = arith.constant 32 : i32
        %mul3A_529 = arith.muli %rem3A_440, %mul3A_528 : i32
        %add3A_530 = arith.constant 0 : i32
        %add3A_531 = arith.addi %mul3A_529, %add3A_530 : i32
        %mul3A_532 = arith.constant 8 : i32
        %mul3A_533 = arith.muli %add3A_438, %mul3A_532 : i32
        %add3A_534 = arith.constant 64 : i32
        %add3A_535 = arith.addi %add3A_534, %mul3A_533 : i32
        %mul3A_536 = arith.constant 32 : i32
        %mul3A_537 = arith.muli %rem3A_440, %mul3A_536 : i32
        %add3A_538 = arith.constant 8 : i32
        %add3A_539 = arith.addi %mul3A_537, %add3A_538 : i32
        %mul3A_540 = arith.constant 8 : i32
        %mul3A_541 = arith.muli %add3A_438, %mul3A_540 : i32
        %add3A_542 = arith.constant 128 : i32
        %add3A_543 = arith.addi %add3A_542, %mul3A_541 : i32
        %mul3A_544 = arith.constant 32 : i32
        %mul3A_545 = arith.muli %rem3A_440, %mul3A_544 : i32
        %add3A_546 = arith.constant 16 : i32
        %add3A_547 = arith.addi %mul3A_545, %add3A_546 : i32
        %mul3A_548 = arith.constant 8 : i32
        %mul3A_549 = arith.muli %add3A_438, %mul3A_548 : i32
        %add3A_550 = arith.constant 192 : i32
        %add3A_551 = arith.addi %add3A_550, %mul3A_549 : i32
        %mul3A_552 = arith.constant 32 : i32
        %mul3A_553 = arith.muli %rem3A_440, %mul3A_552 : i32
        %add3A_554 = arith.constant 24 : i32
        %add3A_555 = arith.addi %mul3A_553, %add3A_554 : i32
        %dma_start3A_556 = arith.constant 0 : i32
        %dma_start3A_557 = tpu.memref_slice %arg8[%add3A_531, %dma_start3A_556] : memref<96x768xf32, #tpu.memory_space<vmem>> -> memref<8x768xf32, #tpu.memory_space<vmem>>
        %dma_start3A_558 = tpu.memref_slice %arg6[%add3A_527] : memref<256xi32, #tpu.memory_space<vmem>> -> memref<8xi32, #tpu.memory_space<vmem>>
        %dma_start3A_559 = arith.constant 0 : i32
        %dma_start3A_560 = arith.constant 0 : i32
        %dma_start3A_561 = tpu.memref_slice %arg3[%dma_start3A_559, %dma_start3A_560] : memref<100000x768xf32, #tpu.memory_space<hbm>> -> memref<100000x768xf32, #tpu.memory_space<hbm>>
        %dma_start3A_562 = tpu.memref_slice %arg9[%rem3A_440] : memref<3x!tpu.dma_semaphore, #tpu.memory_space<semaphore_mem>> -> memref<1x!tpu.dma_semaphore, #tpu.memory_space<semaphore_mem>>
        %dma_start3A_563 = tpu.memref_squeeze %dma_start3A_562 : memref<1x!tpu.dma_semaphore, #tpu.memory_space<semaphore_mem>> -> memref<!tpu.dma_semaphore, #tpu.memory_space<semaphore_mem>>
        tpu.enqueue_indirect_dma source(%dma_start3A_561 : memref<100000x768xf32, #tpu.memory_space<hbm>>) target(%dma_start3A_557 : memref<8x768xf32, #tpu.memory_space<vmem>>) offsets(%dma_start3A_558 : memref<8xi32, #tpu.memory_space<vmem>>) semaphore(%dma_start3A_563 : memref<!tpu.dma_semaphore, #tpu.memory_space<semaphore_mem>>)
        %dma_start3A_564 = arith.constant 0 : i32
        %dma_start3A_565 = tpu.memref_slice %arg8[%add3A_539, %dma_start3A_564] : memref<96x768xf32, #tpu.memory_space<vmem>> -> memref<8x768xf32, #tpu.memory_space<vmem>>
        %dma_start3A_566 = tpu.memref_slice %arg6[%add3A_535] : memref<256xi32, #tpu.memory_space<vmem>> -> memref<8xi32, #tpu.memory_space<vmem>>
        %dma_start3A_567 = arith.constant 0 : i32
        %dma_start3A_568 = arith.constant 0 : i32
        %dma_start3A_569 = tpu.memref_slice %arg3[%dma_start3A_567, %dma_start3A_568] : memref<100000x768xf32, #tpu.memory_space<hbm>> -> memref<100000x768xf32, #tpu.memory_space<hbm>>
        %dma_start3A_570 = tpu.memref_slice %arg9[%rem3A_440] : memref<3x!tpu.dma_semaphore, #tpu.memory_space<semaphore_mem>> -> memref<1x!tpu.dma_semaphore, #tpu.memory_space<semaphore_mem>>
        %dma_start3A_571 = tpu.memref_squeeze %dma_start3A_570 : memref<1x!tpu.dma_semaphore, #tpu.memory_space<semaphore_mem>> -> memref<!tpu.dma_semaphore, #tpu.memory_space<semaphore_mem>>
        tpu.enqueue_indirect_dma source(%dma_start3A_569 : memref<100000x768xf32, #tpu.memory_space<hbm>>) target(%dma_start3A_565 : memref<8x768xf32, #tpu.memory_space<vmem>>) offsets(%dma_start3A_566 : memref<8xi32, #tpu.memory_space<vmem>>) semaphore(%dma_start3A_571 : memref<!tpu.dma_semaphore, #tpu.memory_space<semaphore_mem>>)
        %dma_start3A_572 = arith.constant 0 : i32
        %dma_start3A_573 = tpu.memref_slice %arg8[%add3A_547, %dma_start3A_572] : memref<96x768xf32, #tpu.memory_space<vmem>> -> memref<8x768xf32, #tpu.memory_space<vmem>>
        %dma_start3A_574 = tpu.memref_slice %arg6[%add3A_543] : memref<256xi32, #tpu.memory_space<vmem>> -> memref<8xi32, #tpu.memory_space<vmem>>
        %dma_start3A_575 = arith.constant 0 : i32
        %dma_start3A_576 = arith.constant 0 : i32
        %dma_start3A_577 = tpu.memref_slice %arg3[%dma_start3A_575, %dma_start3A_576] : memref<100000x768xf32, #tpu.memory_space<hbm>> -> memref<100000x768xf32, #tpu.memory_space<hbm>>
        %dma_start3A_578 = tpu.memref_slice %arg9[%rem3A_440] : memref<3x!tpu.dma_semaphore, #tpu.memory_space<semaphore_mem>> -> memref<1x!tpu.dma_semaphore, #tpu.memory_space<semaphore_mem>>
        %dma_start3A_579 = tpu.memref_squeeze %dma_start3A_578 : memref<1x!tpu.dma_semaphore, #tpu.memory_space<semaphore_mem>> -> memref<!tpu.dma_semaphore, #tpu.memory_space<semaphore_mem>>
        tpu.enqueue_indirect_dma source(%dma_start3A_577 : memref<100000x768xf32, #tpu.memory_space<hbm>>) target(%dma_start3A_573 : memref<8x768xf32, #tpu.memory_space<vmem>>) offsets(%dma_start3A_574 : memref<8xi32, #tpu.memory_space<vmem>>) semaphore(%dma_start3A_579 : memref<!tpu.dma_semaphore, #tpu.memory_space<semaphore_mem>>)
        %dma_start3A_580 = arith.constant 0 : i32
        %dma_start3A_581 = tpu.memref_slice %arg8[%add3A_555, %dma_start3A_580] : memref<96x768xf32, #tpu.memory_space<vmem>> -> memref<8x768xf32, #tpu.memory_space<vmem>>
        %dma_start3A_582 = tpu.memref_slice %arg6[%add3A_551] : memref<256xi32, #tpu.memory_space<vmem>> -> memref<8xi32, #tpu.memory_space<vmem>>
        %dma_start3A_583 = arith.constant 0 : i32
        %dma_start3A_584 = arith.constant 0 : i32
        %dma_start3A_585 = tpu.memref_slice %arg3[%dma_start3A_583, %dma_start3A_584] : memref<100000x768xf32, #tpu.memory_space<hbm>> -> memref<100000x768xf32, #tpu.memory_space<hbm>>
        %dma_start3A_586 = tpu.memref_slice %arg9[%rem3A_440] : memref<3x!tpu.dma_semaphore, #tpu.memory_space<semaphore_mem>> -> memref<1x!tpu.dma_semaphore, #tpu.memory_space<semaphore_mem>>
        %dma_start3A_587 = tpu.memref_squeeze %dma_start3A_586 : memref<1x!tpu.dma_semaphore, #tpu.memory_space<semaphore_mem>> -> memref<!tpu.dma_semaphore, #tpu.memory_space<semaphore_mem>>
        tpu.enqueue_indirect_dma source(%dma_start3A_585 : memref<100000x768xf32, #tpu.memory_space<hbm>>) target(%dma_start3A_581 : memref<8x768xf32, #tpu.memory_space<vmem>>) offsets(%dma_start3A_582 : memref<8xi32, #tpu.memory_space<vmem>>) semaphore(%dma_start3A_587 : memref<!tpu.dma_semaphore, #tpu.memory_space<semaphore_mem>>)
      } else {
      }
      %mul3A_443 = arith.constant 32 : i32
      %mul3A_444 = arith.muli %rem3A_365, %mul3A_443 : i32
      %add3A_445 = arith.constant 0 : i32
      %add3A_446 = arith.addi %mul3A_444, %add3A_445 : i32
      %add3A_447 = arith.constant 0 : i32
      %add3A_448 = arith.addi %add3A_447, %mul3A_2 : i32
      %mul3A_449 = arith.constant 8 : i32
      %mul3A_450 = arith.muli %scan3A_363, %mul3A_449 : i32
      %add3A_451 = arith.addi %add3A_448, %mul3A_450 : i32
      %mul3A_452 = arith.constant 32 : i32
      %mul3A_453 = arith.muli %rem3A_365, %mul3A_452 : i32
      %add3A_454 = arith.constant 8 : i32
      %add3A_455 = arith.addi %mul3A_453, %add3A_454 : i32
      %add3A_456 = arith.constant 2048 : i32
      %add3A_457 = arith.addi %add3A_456, %mul3A_2 : i32
      %mul3A_458 = arith.constant 8 : i32
      %mul3A_459 = arith.muli %scan3A_363, %mul3A_458 : i32
      %add3A_460 = arith.addi %add3A_457, %mul3A_459 : i32
      %mul3A_461 = arith.constant 32 : i32
      %mul3A_462 = arith.muli %rem3A_365, %mul3A_461 : i32
      %add3A_463 = arith.constant 16 : i32
      %add3A_464 = arith.addi %mul3A_462, %add3A_463 : i32
      %add3A_465 = arith.constant 4096 : i32
      %add3A_466 = arith.addi %add3A_465, %mul3A_2 : i32
      %mul3A_467 = arith.constant 8 : i32
      %mul3A_468 = arith.muli %scan3A_363, %mul3A_467 : i32
      %add3A_469 = arith.addi %add3A_466, %mul3A_468 : i32
      %mul3A_470 = arith.constant 32 : i32
      %mul3A_471 = arith.muli %rem3A_365, %mul3A_470 : i32
      %add3A_472 = arith.constant 24 : i32
      %add3A_473 = arith.addi %mul3A_471, %add3A_472 : i32
      %add3A_474 = arith.constant 6144 : i32
      %add3A_475 = arith.addi %add3A_474, %mul3A_2 : i32
      %mul3A_476 = arith.constant 8 : i32
      %mul3A_477 = arith.muli %scan3A_363, %mul3A_476 : i32
      %add3A_478 = arith.addi %add3A_475, %mul3A_477 : i32
      %dma_start3A_479 = arith.constant 0 : i32
      %dma_start3A_480 = tpu.memref_slice %arg8[%add3A_446, %dma_start3A_479] : memref<96x768xf32, #tpu.memory_space<vmem>> -> memref<8x768xf32, #tpu.memory_space<vmem>>
      %dma_start3A_481 = arith.constant 0 : i32
      %dma_start3A_482 = tpu.memref_slice %arg5[%add3A_451, %dma_start3A_481] : memref<8192x768xf32, #tpu.memory_space<hbm>> -> memref<8x768xf32, #tpu.memory_space<hbm>>
      %dma_start3A_483 = tpu.memref_slice %arg10[%rem3A_365] : memref<3x!tpu.dma_semaphore, #tpu.memory_space<semaphore_mem>> -> memref<1x!tpu.dma_semaphore, #tpu.memory_space<semaphore_mem>>
      %dma_start3A_484 = tpu.memref_squeeze %dma_start3A_483 : memref<1x!tpu.dma_semaphore, #tpu.memory_space<semaphore_mem>> -> memref<!tpu.dma_semaphore, #tpu.memory_space<semaphore_mem>>
      %dma_start3A_485 = arith.constant 0 : i32
      %dma_start3A_486 = tpu.memref_slice %arg5[%add3A_451, %dma_start3A_485] : memref<8192x768xf32, #tpu.memory_space<hbm>> -> memref<8x768xf32, #tpu.memory_space<hbm>>
      %dma_start3A_487 = arith.constant 0 : i32
      %dma_start3A_488 = tpu.memref_slice %arg8[%add3A_446, %dma_start3A_487] : memref<96x768xf32, #tpu.memory_space<vmem>> -> memref<8x768xf32, #tpu.memory_space<vmem>>
      tpu.enqueue_dma source(%dma_start3A_488 : memref<8x768xf32, #tpu.memory_space<vmem>>) target(%dma_start3A_486 : memref<8x768xf32, #tpu.memory_space<hbm>>) target_semaphore(%dma_start3A_484 : memref<!tpu.dma_semaphore, #tpu.memory_space<semaphore_mem>>)
      %dma_start3A_489 = arith.constant 0 : i32
      %dma_start3A_490 = tpu.memref_slice %arg8[%add3A_455, %dma_start3A_489] : memref<96x768xf32, #tpu.memory_space<vmem>> -> memref<8x768xf32, #tpu.memory_space<vmem>>
      %dma_start3A_491 = arith.constant 0 : i32
      %dma_start3A_492 = tpu.memref_slice %arg5[%add3A_460, %dma_start3A_491] : memref<8192x768xf32, #tpu.memory_space<hbm>> -> memref<8x768xf32, #tpu.memory_space<hbm>>
      %dma_start3A_493 = tpu.memref_slice %arg10[%rem3A_365] : memref<3x!tpu.dma_semaphore, #tpu.memory_space<semaphore_mem>> -> memref<1x!tpu.dma_semaphore, #tpu.memory_space<semaphore_mem>>
      %dma_start3A_494 = tpu.memref_squeeze %dma_start3A_493 : memref<1x!tpu.dma_semaphore, #tpu.memory_space<semaphore_mem>> -> memref<!tpu.dma_semaphore, #tpu.memory_space<semaphore_mem>>
      %dma_start3A_495 = arith.constant 0 : i32
      %dma_start3A_496 = tpu.memref_slice %arg5[%add3A_460, %dma_start3A_495] : memref<8192x768xf32, #tpu.memory_space<hbm>> -> memref<8x768xf32, #tpu.memory_space<hbm>>
      %dma_start3A_497 = arith.constant 0 : i32
      %dma_start3A_498 = tpu.memref_slice %arg8[%add3A_455, %dma_start3A_497] : memref<96x768xf32, #tpu.memory_space<vmem>> -> memref<8x768xf32, #tpu.memory_space<vmem>>
      tpu.enqueue_dma source(%dma_start3A_498 : memref<8x768xf32, #tpu.memory_space<vmem>>) target(%dma_start3A_496 : memref<8x768xf32, #tpu.memory_space<hbm>>) target_semaphore(%dma_start3A_494 : memref<!tpu.dma_semaphore, #tpu.memory_space<semaphore_mem>>)
      %dma_start3A_499 = arith.constant 0 : i32
      %dma_start3A_500 = tpu.memref_slice %arg8[%add3A_464, %dma_start3A_499] : memref<96x768xf32, #tpu.memory_space<vmem>> -> memref<8x768xf32, #tpu.memory_space<vmem>>
      %dma_start3A_501 = arith.constant 0 : i32
      %dma_start3A_502 = tpu.memref_slice %arg5[%add3A_469, %dma_start3A_501] : memref<8192x768xf32, #tpu.memory_space<hbm>> -> memref<8x768xf32, #tpu.memory_space<hbm>>
      %dma_start3A_503 = tpu.memref_slice %arg10[%rem3A_365] : memref<3x!tpu.dma_semaphore, #tpu.memory_space<semaphore_mem>> -> memref<1x!tpu.dma_semaphore, #tpu.memory_space<semaphore_mem>>
      %dma_start3A_504 = tpu.memref_squeeze %dma_start3A_503 : memref<1x!tpu.dma_semaphore, #tpu.memory_space<semaphore_mem>> -> memref<!tpu.dma_semaphore, #tpu.memory_space<semaphore_mem>>
      %dma_start3A_505 = arith.constant 0 : i32
      %dma_start3A_506 = tpu.memref_slice %arg5[%add3A_469, %dma_start3A_505] : memref<8192x768xf32, #tpu.memory_space<hbm>> -> memref<8x768xf32, #tpu.memory_space<hbm>>
      %dma_start3A_507 = arith.constant 0 : i32
      %dma_start3A_508 = tpu.memref_slice %arg8[%add3A_464, %dma_start3A_507] : memref<96x768xf32, #tpu.memory_space<vmem>> -> memref<8x768xf32, #tpu.memory_space<vmem>>
      tpu.enqueue_dma source(%dma_start3A_508 : memref<8x768xf32, #tpu.memory_space<vmem>>) target(%dma_start3A_506 : memref<8x768xf32, #tpu.memory_space<hbm>>) target_semaphore(%dma_start3A_504 : memref<!tpu.dma_semaphore, #tpu.memory_space<semaphore_mem>>)
      %dma_start3A_509 = arith.constant 0 : i32
      %dma_start3A_510 = tpu.memref_slice %arg8[%add3A_473, %dma_start3A_509] : memref<96x768xf32, #tpu.memory_space<vmem>> -> memref<8x768xf32, #tpu.memory_space<vmem>>
      %dma_start3A_511 = arith.constant 0 : i32
      %dma_start3A_512 = tpu.memref_slice %arg5[%add3A_478, %dma_start3A_511] : memref<8192x768xf32, #tpu.memory_space<hbm>> -> memref<8x768xf32, #tpu.memory_space<hbm>>
      %dma_start3A_513 = tpu.memref_slice %arg10[%rem3A_365] : memref<3x!tpu.dma_semaphore, #tpu.memory_space<semaphore_mem>> -> memref<1x!tpu.dma_semaphore, #tpu.memory_space<semaphore_mem>>
      %dma_start3A_514 = tpu.memref_squeeze %dma_start3A_513 : memref<1x!tpu.dma_semaphore, #tpu.memory_space<semaphore_mem>> -> memref<!tpu.dma_semaphore, #tpu.memory_space<semaphore_mem>>
      %dma_start3A_515 = arith.constant 0 : i32
      %dma_start3A_516 = tpu.memref_slice %arg5[%add3A_478, %dma_start3A_515] : memref<8192x768xf32, #tpu.memory_space<hbm>> -> memref<8x768xf32, #tpu.memory_space<hbm>>
      %dma_start3A_517 = arith.constant 0 : i32
      %dma_start3A_518 = tpu.memref_slice %arg8[%add3A_473, %dma_start3A_517] : memref<96x768xf32, #tpu.memory_space<vmem>> -> memref<8x768xf32, #tpu.memory_space<vmem>>
      tpu.enqueue_dma source(%dma_start3A_518 : memref<8x768xf32, #tpu.memory_space<vmem>>) target(%dma_start3A_516 : memref<8x768xf32, #tpu.memory_space<hbm>>) target_semaphore(%dma_start3A_514 : memref<!tpu.dma_semaphore, #tpu.memory_space<semaphore_mem>>)
      %scan3A_519 = arith.constant 0 : i32
      scf.yield %scan3A_519 : i32
    }
    %scan3A_158 = arith.constant 8 : i32
    %add3A_159 = arith.constant 0 : i32
    %add3A_160 = arith.addi %add3A_159, %mul3A_2 : i32
    %add3A_161 = arith.constant 40 : i32
    %add3A_162 = arith.addi %add3A_160, %add3A_161 : i32
    %add3A_163 = arith.constant 2048 : i32
    %add3A_164 = arith.addi %add3A_163, %mul3A_2 : i32
    %add3A_165 = arith.constant 40 : i32
    %add3A_166 = arith.addi %add3A_164, %add3A_165 : i32
    %add3A_167 = arith.constant 4096 : i32
    %add3A_168 = arith.addi %add3A_167, %mul3A_2 : i32
    %add3A_169 = arith.constant 40 : i32
    %add3A_170 = arith.addi %add3A_168, %add3A_169 : i32
    %add3A_171 = arith.constant 6144 : i32
    %add3A_172 = arith.addi %add3A_171, %mul3A_2 : i32
    %add3A_173 = arith.constant 40 : i32
    %add3A_174 = arith.addi %add3A_172, %add3A_173 : i32
    %dma_wait3A_175 = arith.constant 2 : i32
    %dma_wait3A_176 = arith.constant 64 : i32
    %dma_wait3A_177 = arith.constant 0 : i32
    %dma_wait3A_178 = tpu.memref_slice %arg8[%dma_wait3A_176, %dma_wait3A_177] : memref<96x768xf32, #tpu.memory_space<vmem>> -> memref<8x768xf32, #tpu.memory_space<vmem>>
    %dma_wait3A_179 = arith.constant 0 : i32
    %dma_wait3A_180 = tpu.memref_slice %arg5[%add3A_162, %dma_wait3A_179] : memref<8192x768xf32, #tpu.memory_space<hbm>> -> memref<8x768xf32, #tpu.memory_space<hbm>>
    %dma_wait3A_181 = tpu.memref_slice %arg10[%dma_wait3A_175] : memref<3x!tpu.dma_semaphore, #tpu.memory_space<semaphore_mem>> -> memref<1x!tpu.dma_semaphore, #tpu.memory_space<semaphore_mem>>
    %dma_wait3A_182 = tpu.memref_squeeze %dma_wait3A_181 : memref<1x!tpu.dma_semaphore, #tpu.memory_space<semaphore_mem>> -> memref<!tpu.dma_semaphore, #tpu.memory_space<semaphore_mem>>
    %dma_wait3A_183 = arith.constant 0 : i32
    %dma_wait3A_184 = tpu.memref_slice %arg5[%add3A_162, %dma_wait3A_183] : memref<8192x768xf32, #tpu.memory_space<hbm>> -> memref<8x768xf32, #tpu.memory_space<hbm>>
    %dma_wait3A_185 = arith.constant 64 : i32
    %dma_wait3A_186 = arith.constant 0 : i32
    %dma_wait3A_187 = tpu.memref_slice %arg8[%dma_wait3A_185, %dma_wait3A_186] : memref<96x768xf32, #tpu.memory_space<vmem>> -> memref<8x768xf32, #tpu.memory_space<vmem>>
    tpu.wait_dma2 semaphore(%dma_wait3A_182 : memref<!tpu.dma_semaphore, #tpu.memory_space<semaphore_mem>>) src(%dma_wait3A_187 : memref<8x768xf32, #tpu.memory_space<vmem>>) dst(%dma_wait3A_184 : memref<8x768xf32, #tpu.memory_space<hbm>>)
    %dma_wait3A_188 = arith.constant 2 : i32
    %dma_wait3A_189 = arith.constant 72 : i32
    %dma_wait3A_190 = arith.constant 0 : i32
    %dma_wait3A_191 = tpu.memref_slice %arg8[%dma_wait3A_189, %dma_wait3A_190] : memref<96x768xf32, #tpu.memory_space<vmem>> -> memref<8x768xf32, #tpu.memory_space<vmem>>
    %dma_wait3A_192 = arith.constant 0 : i32
    %dma_wait3A_193 = tpu.memref_slice %arg5[%add3A_166, %dma_wait3A_192] : memref<8192x768xf32, #tpu.memory_space<hbm>> -> memref<8x768xf32, #tpu.memory_space<hbm>>
    %dma_wait3A_194 = tpu.memref_slice %arg10[%dma_wait3A_188] : memref<3x!tpu.dma_semaphore, #tpu.memory_space<semaphore_mem>> -> memref<1x!tpu.dma_semaphore, #tpu.memory_space<semaphore_mem>>
    %dma_wait3A_195 = tpu.memref_squeeze %dma_wait3A_194 : memref<1x!tpu.dma_semaphore, #tpu.memory_space<semaphore_mem>> -> memref<!tpu.dma_semaphore, #tpu.memory_space<semaphore_mem>>
    %dma_wait3A_196 = arith.constant 0 : i32
    %dma_wait3A_197 = tpu.memref_slice %arg5[%add3A_166, %dma_wait3A_196] : memref<8192x768xf32, #tpu.memory_space<hbm>> -> memref<8x768xf32, #tpu.memory_space<hbm>>
    %dma_wait3A_198 = arith.constant 72 : i32
    %dma_wait3A_199 = arith.constant 0 : i32
    %dma_wait3A_200 = tpu.memref_slice %arg8[%dma_wait3A_198, %dma_wait3A_199] : memref<96x768xf32, #tpu.memory_space<vmem>> -> memref<8x768xf32, #tpu.memory_space<vmem>>
    tpu.wait_dma2 semaphore(%dma_wait3A_195 : memref<!tpu.dma_semaphore, #tpu.memory_space<semaphore_mem>>) src(%dma_wait3A_200 : memref<8x768xf32, #tpu.memory_space<vmem>>) dst(%dma_wait3A_197 : memref<8x768xf32, #tpu.memory_space<hbm>>)
    %dma_wait3A_201 = arith.constant 2 : i32
    %dma_wait3A_202 = arith.constant 80 : i32
    %dma_wait3A_203 = arith.constant 0 : i32
    %dma_wait3A_204 = tpu.memref_slice %arg8[%dma_wait3A_202, %dma_wait3A_203] : memref<96x768xf32, #tpu.memory_space<vmem>> -> memref<8x768xf32, #tpu.memory_space<vmem>>
    %dma_wait3A_205 = arith.constant 0 : i32
    %dma_wait3A_206 = tpu.memref_slice %arg5[%add3A_170, %dma_wait3A_205] : memref<8192x768xf32, #tpu.memory_space<hbm>> -> memref<8x768xf32, #tpu.memory_space<hbm>>
    %dma_wait3A_207 = tpu.memref_slice %arg10[%dma_wait3A_201] : memref<3x!tpu.dma_semaphore, #tpu.memory_space<semaphore_mem>> -> memref<1x!tpu.dma_semaphore, #tpu.memory_space<semaphore_mem>>
    %dma_wait3A_208 = tpu.memref_squeeze %dma_wait3A_207 : memref<1x!tpu.dma_semaphore, #tpu.memory_space<semaphore_mem>> -> memref<!tpu.dma_semaphore, #tpu.memory_space<semaphore_mem>>
    %dma_wait3A_209 = arith.constant 0 : i32
    %dma_wait3A_210 = tpu.memref_slice %arg5[%add3A_170, %dma_wait3A_209] : memref<8192x768xf32, #tpu.memory_space<hbm>> -> memref<8x768xf32, #tpu.memory_space<hbm>>
    %dma_wait3A_211 = arith.constant 80 : i32
    %dma_wait3A_212 = arith.constant 0 : i32
    %dma_wait3A_213 = tpu.memref_slice %arg8[%dma_wait3A_211, %dma_wait3A_212] : memref<96x768xf32, #tpu.memory_space<vmem>> -> memref<8x768xf32, #tpu.memory_space<vmem>>
    tpu.wait_dma2 semaphore(%dma_wait3A_208 : memref<!tpu.dma_semaphore, #tpu.memory_space<semaphore_mem>>) src(%dma_wait3A_213 : memref<8x768xf32, #tpu.memory_space<vmem>>) dst(%dma_wait3A_210 : memref<8x768xf32, #tpu.memory_space<hbm>>)
    %dma_wait3A_214 = arith.constant 2 : i32
    %dma_wait3A_215 = arith.constant 88 : i32
    %dma_wait3A_216 = arith.constant 0 : i32
    %dma_wait3A_217 = tpu.memref_slice %arg8[%dma_wait3A_215, %dma_wait3A_216] : memref<96x768xf32, #tpu.memory_space<vmem>> -> memref<8x768xf32, #tpu.memory_space<vmem>>
    %dma_wait3A_218 = arith.constant 0 : i32
    %dma_wait3A_219 = tpu.memref_slice %arg5[%add3A_174, %dma_wait3A_218] : memref<8192x768xf32, #tpu.memory_space<hbm>> -> memref<8x768xf32, #tpu.memory_space<hbm>>
    %dma_wait3A_220 = tpu.memref_slice %arg10[%dma_wait3A_214] : memref<3x!tpu.dma_semaphore, #tpu.memory_space<semaphore_mem>> -> memref<1x!tpu.dma_semaphore, #tpu.memory_space<semaphore_mem>>
    %dma_wait3A_221 = tpu.memref_squeeze %dma_wait3A_220 : memref<1x!tpu.dma_semaphore, #tpu.memory_space<semaphore_mem>> -> memref<!tpu.dma_semaphore, #tpu.memory_space<semaphore_mem>>
    %dma_wait3A_222 = arith.constant 0 : i32
    %dma_wait3A_223 = tpu.memref_slice %arg5[%add3A_174, %dma_wait3A_222] : memref<8192x768xf32, #tpu.memory_space<hbm>> -> memref<8x768xf32, #tpu.memory_space<hbm>>
    %dma_wait3A_224 = arith.constant 88 : i32
    %dma_wait3A_225 = arith.constant 0 : i32
    %dma_wait3A_226 = tpu.memref_slice %arg8[%dma_wait3A_224, %dma_wait3A_225] : memref<96x768xf32, #tpu.memory_space<vmem>> -> memref<8x768xf32, #tpu.memory_space<vmem>>
    tpu.wait_dma2 semaphore(%dma_wait3A_221 : memref<!tpu.dma_semaphore, #tpu.memory_space<semaphore_mem>>) src(%dma_wait3A_226 : memref<8x768xf32, #tpu.memory_space<vmem>>) dst(%dma_wait3A_223 : memref<8x768xf32, #tpu.memory_space<hbm>>)
    %add3A_227 = arith.constant 0 : i32
    %add3A_228 = arith.addi %add3A_227, %mul3A_2 : i32
    %add3A_229 = arith.constant 48 : i32
    %add3A_230 = arith.addi %add3A_228, %add3A_229 : i32
    %add3A_231 = arith.constant 2048 : i32
    %add3A_232 = arith.addi %add3A_231, %mul3A_2 : i32
    %add3A_233 = arith.constant 48 : i32
    %add3A_234 = arith.addi %add3A_232, %add3A_233 : i32
    %add3A_235 = arith.constant 4096 : i32
    %add3A_236 = arith.addi %add3A_235, %mul3A_2 : i32
    %add3A_237 = arith.constant 48 : i32
    %add3A_238 = arith.addi %add3A_236, %add3A_237 : i32
    %add3A_239 = arith.constant 6144 : i32
    %add3A_240 = arith.addi %add3A_239, %mul3A_2 : i32
    %add3A_241 = arith.constant 48 : i32
    %add3A_242 = arith.addi %add3A_240, %add3A_241 : i32
    %dma_wait3A_243 = arith.constant 0 : i32
    %dma_wait3A_244 = arith.constant 0 : i32
    %dma_wait3A_245 = arith.constant 0 : i32
    %dma_wait3A_246 = tpu.memref_slice %arg8[%dma_wait3A_244, %dma_wait3A_245] : memref<96x768xf32, #tpu.memory_space<vmem>> -> memref<8x768xf32, #tpu.memory_space<vmem>>
    %dma_wait3A_247 = arith.constant 0 : i32
    %dma_wait3A_248 = tpu.memref_slice %arg5[%add3A_230, %dma_wait3A_247] : memref<8192x768xf32, #tpu.memory_space<hbm>> -> memref<8x768xf32, #tpu.memory_space<hbm>>
    %dma_wait3A_249 = tpu.memref_slice %arg10[%dma_wait3A_243] : memref<3x!tpu.dma_semaphore, #tpu.memory_space<semaphore_mem>> -> memref<1x!tpu.dma_semaphore, #tpu.memory_space<semaphore_mem>>
    %dma_wait3A_250 = tpu.memref_squeeze %dma_wait3A_249 : memref<1x!tpu.dma_semaphore, #tpu.memory_space<semaphore_mem>> -> memref<!tpu.dma_semaphore, #tpu.memory_space<semaphore_mem>>
    %dma_wait3A_251 = arith.constant 0 : i32
    %dma_wait3A_252 = tpu.memref_slice %arg5[%add3A_230, %dma_wait3A_251] : memref<8192x768xf32, #tpu.memory_space<hbm>> -> memref<8x768xf32, #tpu.memory_space<hbm>>
    %dma_wait3A_253 = arith.constant 0 : i32
    %dma_wait3A_254 = arith.constant 0 : i32
    %dma_wait3A_255 = tpu.memref_slice %arg8[%dma_wait3A_253, %dma_wait3A_254] : memref<96x768xf32, #tpu.memory_space<vmem>> -> memref<8x768xf32, #tpu.memory_space<vmem>>
    tpu.wait_dma2 semaphore(%dma_wait3A_250 : memref<!tpu.dma_semaphore, #tpu.memory_space<semaphore_mem>>) src(%dma_wait3A_255 : memref<8x768xf32, #tpu.memory_space<vmem>>) dst(%dma_wait3A_252 : memref<8x768xf32, #tpu.memory_space<hbm>>)
    %dma_wait3A_256 = arith.constant 0 : i32
    %dma_wait3A_257 = arith.constant 8 : i32
    %dma_wait3A_258 = arith.constant 0 : i32
    %dma_wait3A_259 = tpu.memref_slice %arg8[%dma_wait3A_257, %dma_wait3A_258] : memref<96x768xf32, #tpu.memory_space<vmem>> -> memref<8x768xf32, #tpu.memory_space<vmem>>
    %dma_wait3A_260 = arith.constant 0 : i32
    %dma_wait3A_261 = tpu.memref_slice %arg5[%add3A_234, %dma_wait3A_260] : memref<8192x768xf32, #tpu.memory_space<hbm>> -> memref<8x768xf32, #tpu.memory_space<hbm>>
    %dma_wait3A_262 = tpu.memref_slice %arg10[%dma_wait3A_256] : memref<3x!tpu.dma_semaphore, #tpu.memory_space<semaphore_mem>> -> memref<1x!tpu.dma_semaphore, #tpu.memory_space<semaphore_mem>>
    %dma_wait3A_263 = tpu.memref_squeeze %dma_wait3A_262 : memref<1x!tpu.dma_semaphore, #tpu.memory_space<semaphore_mem>> -> memref<!tpu.dma_semaphore, #tpu.memory_space<semaphore_mem>>
    %dma_wait3A_264 = arith.constant 0 : i32
    %dma_wait3A_265 = tpu.memref_slice %arg5[%add3A_234, %dma_wait3A_264] : memref<8192x768xf32, #tpu.memory_space<hbm>> -> memref<8x768xf32, #tpu.memory_space<hbm>>
    %dma_wait3A_266 = arith.constant 8 : i32
    %dma_wait3A_267 = arith.constant 0 : i32
    %dma_wait3A_268 = tpu.memref_slice %arg8[%dma_wait3A_266, %dma_wait3A_267] : memref<96x768xf32, #tpu.memory_space<vmem>> -> memref<8x768xf32, #tpu.memory_space<vmem>>
    tpu.wait_dma2 semaphore(%dma_wait3A_263 : memref<!tpu.dma_semaphore, #tpu.memory_space<semaphore_mem>>) src(%dma_wait3A_268 : memref<8x768xf32, #tpu.memory_space<vmem>>) dst(%dma_wait3A_265 : memref<8x768xf32, #tpu.memory_space<hbm>>)
    %dma_wait3A_269 = arith.constant 0 : i32
    %dma_wait3A_270 = arith.constant 16 : i32
    %dma_wait3A_271 = arith.constant 0 : i32
    %dma_wait3A_272 = tpu.memref_slice %arg8[%dma_wait3A_270, %dma_wait3A_271] : memref<96x768xf32, #tpu.memory_space<vmem>> -> memref<8x768xf32, #tpu.memory_space<vmem>>
    %dma_wait3A_273 = arith.constant 0 : i32
    %dma_wait3A_274 = tpu.memref_slice %arg5[%add3A_238, %dma_wait3A_273] : memref<8192x768xf32, #tpu.memory_space<hbm>> -> memref<8x768xf32, #tpu.memory_space<hbm>>
    %dma_wait3A_275 = tpu.memref_slice %arg10[%dma_wait3A_269] : memref<3x!tpu.dma_semaphore, #tpu.memory_space<semaphore_mem>> -> memref<1x!tpu.dma_semaphore, #tpu.memory_space<semaphore_mem>>
    %dma_wait3A_276 = tpu.memref_squeeze %dma_wait3A_275 : memref<1x!tpu.dma_semaphore, #tpu.memory_space<semaphore_mem>> -> memref<!tpu.dma_semaphore, #tpu.memory_space<semaphore_mem>>
    %dma_wait3A_277 = arith.constant 0 : i32
    %dma_wait3A_278 = tpu.memref_slice %arg5[%add3A_238, %dma_wait3A_277] : memref<8192x768xf32, #tpu.memory_space<hbm>> -> memref<8x768xf32, #tpu.memory_space<hbm>>
    %dma_wait3A_279 = arith.constant 16 : i32
    %dma_wait3A_280 = arith.constant 0 : i32
    %dma_wait3A_281 = tpu.memref_slice %arg8[%dma_wait3A_279, %dma_wait3A_280] : memref<96x768xf32, #tpu.memory_space<vmem>> -> memref<8x768xf32, #tpu.memory_space<vmem>>
    tpu.wait_dma2 semaphore(%dma_wait3A_276 : memref<!tpu.dma_semaphore, #tpu.memory_space<semaphore_mem>>) src(%dma_wait3A_281 : memref<8x768xf32, #tpu.memory_space<vmem>>) dst(%dma_wait3A_278 : memref<8x768xf32, #tpu.memory_space<hbm>>)
    %dma_wait3A_282 = arith.constant 0 : i32
    %dma_wait3A_283 = arith.constant 24 : i32
    %dma_wait3A_284 = arith.constant 0 : i32
    %dma_wait3A_285 = tpu.memref_slice %arg8[%dma_wait3A_283, %dma_wait3A_284] : memref<96x768xf32, #tpu.memory_space<vmem>> -> memref<8x768xf32, #tpu.memory_space<vmem>>
    %dma_wait3A_286 = arith.constant 0 : i32
    %dma_wait3A_287 = tpu.memref_slice %arg5[%add3A_242, %dma_wait3A_286] : memref<8192x768xf32, #tpu.memory_space<hbm>> -> memref<8x768xf32, #tpu.memory_space<hbm>>
    %dma_wait3A_288 = tpu.memref_slice %arg10[%dma_wait3A_282] : memref<3x!tpu.dma_semaphore, #tpu.memory_space<semaphore_mem>> -> memref<1x!tpu.dma_semaphore, #tpu.memory_space<semaphore_mem>>
    %dma_wait3A_289 = tpu.memref_squeeze %dma_wait3A_288 : memref<1x!tpu.dma_semaphore, #tpu.memory_space<semaphore_mem>> -> memref<!tpu.dma_semaphore, #tpu.memory_space<semaphore_mem>>
    %dma_wait3A_290 = arith.constant 0 : i32
    %dma_wait3A_291 = tpu.memref_slice %arg5[%add3A_242, %dma_wait3A_290] : memref<8192x768xf32, #tpu.memory_space<hbm>> -> memref<8x768xf32, #tpu.memory_space<hbm>>
    %dma_wait3A_292 = arith.constant 24 : i32
    %dma_wait3A_293 = arith.constant 0 : i32
    %dma_wait3A_294 = tpu.memref_slice %arg8[%dma_wait3A_292, %dma_wait3A_293] : memref<96x768xf32, #tpu.memory_space<vmem>> -> memref<8x768xf32, #tpu.memory_space<vmem>>
    tpu.wait_dma2 semaphore(%dma_wait3A_289 : memref<!tpu.dma_semaphore, #tpu.memory_space<semaphore_mem>>) src(%dma_wait3A_294 : memref<8x768xf32, #tpu.memory_space<vmem>>) dst(%dma_wait3A_291 : memref<8x768xf32, #tpu.memory_space<hbm>>)
    %add3A_295 = arith.constant 0 : i32
    %add3A_296 = arith.addi %add3A_295, %mul3A_2 : i32
    %add3A_297 = arith.constant 56 : i32
    %add3A_298 = arith.addi %add3A_296, %add3A_297 : i32
    %add3A_299 = arith.constant 2048 : i32
    %add3A_300 = arith.addi %add3A_299, %mul3A_2 : i32
    %add3A_301 = arith.constant 56 : i32
    %add3A_302 = arith.addi %add3A_300, %add3A_301 : i32
    %add3A_303 = arith.constant 4096 : i32
    %add3A_304 = arith.addi %add3A_303, %mul3A_2 : i32
    %add3A_305 = arith.constant 56 : i32
    %add3A_306 = arith.addi %add3A_304, %add3A_305 : i32
    %add3A_307 = arith.constant 6144 : i32
    %add3A_308 = arith.addi %add3A_307, %mul3A_2 : i32
    %add3A_309 = arith.constant 56 : i32
    %add3A_310 = arith.addi %add3A_308, %add3A_309 : i32
    %dma_wait3A_311 = arith.constant 1 : i32
    %dma_wait3A_312 = arith.constant 32 : i32
    %dma_wait3A_313 = arith.constant 0 : i32
    %dma_wait3A_314 = tpu.memref_slice %arg8[%dma_wait3A_312, %dma_wait3A_313] : memref<96x768xf32, #tpu.memory_space<vmem>> -> memref<8x768xf32, #tpu.memory_space<vmem>>
    %dma_wait3A_315 = arith.constant 0 : i32
    %dma_wait3A_316 = tpu.memref_slice %arg5[%add3A_298, %dma_wait3A_315] : memref<8192x768xf32, #tpu.memory_space<hbm>> -> memref<8x768xf32, #tpu.memory_space<hbm>>
    %dma_wait3A_317 = tpu.memref_slice %arg10[%dma_wait3A_311] : memref<3x!tpu.dma_semaphore, #tpu.memory_space<semaphore_mem>> -> memref<1x!tpu.dma_semaphore, #tpu.memory_space<semaphore_mem>>
    %dma_wait3A_318 = tpu.memref_squeeze %dma_wait3A_317 : memref<1x!tpu.dma_semaphore, #tpu.memory_space<semaphore_mem>> -> memref<!tpu.dma_semaphore, #tpu.memory_space<semaphore_mem>>
    %dma_wait3A_319 = arith.constant 0 : i32
    %dma_wait3A_320 = tpu.memref_slice %arg5[%add3A_298, %dma_wait3A_319] : memref<8192x768xf32, #tpu.memory_space<hbm>> -> memref<8x768xf32, #tpu.memory_space<hbm>>
    %dma_wait3A_321 = arith.constant 32 : i32
    %dma_wait3A_322 = arith.constant 0 : i32
    %dma_wait3A_323 = tpu.memref_slice %arg8[%dma_wait3A_321, %dma_wait3A_322] : memref<96x768xf32, #tpu.memory_space<vmem>> -> memref<8x768xf32, #tpu.memory_space<vmem>>
    tpu.wait_dma2 semaphore(%dma_wait3A_318 : memref<!tpu.dma_semaphore, #tpu.memory_space<semaphore_mem>>) src(%dma_wait3A_323 : memref<8x768xf32, #tpu.memory_space<vmem>>) dst(%dma_wait3A_320 : memref<8x768xf32, #tpu.memory_space<hbm>>)
    %dma_wait3A_324 = arith.constant 1 : i32
    %dma_wait3A_325 = arith.constant 40 : i32
    %dma_wait3A_326 = arith.constant 0 : i32
    %dma_wait3A_327 = tpu.memref_slice %arg8[%dma_wait3A_325, %dma_wait3A_326] : memref<96x768xf32, #tpu.memory_space<vmem>> -> memref<8x768xf32, #tpu.memory_space<vmem>>
    %dma_wait3A_328 = arith.constant 0 : i32
    %dma_wait3A_329 = tpu.memref_slice %arg5[%add3A_302, %dma_wait3A_328] : memref<8192x768xf32, #tpu.memory_space<hbm>> -> memref<8x768xf32, #tpu.memory_space<hbm>>
    %dma_wait3A_330 = tpu.memref_slice %arg10[%dma_wait3A_324] : memref<3x!tpu.dma_semaphore, #tpu.memory_space<semaphore_mem>> -> memref<1x!tpu.dma_semaphore, #tpu.memory_space<semaphore_mem>>
    %dma_wait3A_331 = tpu.memref_squeeze %dma_wait3A_330 : memref<1x!tpu.dma_semaphore, #tpu.memory_space<semaphore_mem>> -> memref<!tpu.dma_semaphore, #tpu.memory_space<semaphore_mem>>
    %dma_wait3A_332 = arith.constant 0 : i32
    %dma_wait3A_333 = tpu.memref_slice %arg5[%add3A_302, %dma_wait3A_332] : memref<8192x768xf32, #tpu.memory_space<hbm>> -> memref<8x768xf32, #tpu.memory_space<hbm>>
    %dma_wait3A_334 = arith.constant 40 : i32
    %dma_wait3A_335 = arith.constant 0 : i32
    %dma_wait3A_336 = tpu.memref_slice %arg8[%dma_wait3A_334, %dma_wait3A_335] : memref<96x768xf32, #tpu.memory_space<vmem>> -> memref<8x768xf32, #tpu.memory_space<vmem>>
    tpu.wait_dma2 semaphore(%dma_wait3A_331 : memref<!tpu.dma_semaphore, #tpu.memory_space<semaphore_mem>>) src(%dma_wait3A_336 : memref<8x768xf32, #tpu.memory_space<vmem>>) dst(%dma_wait3A_333 : memref<8x768xf32, #tpu.memory_space<hbm>>)
    %dma_wait3A_337 = arith.constant 1 : i32
    %dma_wait3A_338 = arith.constant 48 : i32
    %dma_wait3A_339 = arith.constant 0 : i32
    %dma_wait3A_340 = tpu.memref_slice %arg8[%dma_wait3A_338, %dma_wait3A_339] : memref<96x768xf32, #tpu.memory_space<vmem>> -> memref<8x768xf32, #tpu.memory_space<vmem>>
    %dma_wait3A_341 = arith.constant 0 : i32
    %dma_wait3A_342 = tpu.memref_slice %arg5[%add3A_306, %dma_wait3A_341] : memref<8192x768xf32, #tpu.memory_space<hbm>> -> memref<8x768xf32, #tpu.memory_space<hbm>>
    %dma_wait3A_343 = tpu.memref_slice %arg10[%dma_wait3A_337] : memref<3x!tpu.dma_semaphore, #tpu.memory_space<semaphore_mem>> -> memref<1x!tpu.dma_semaphore, #tpu.memory_space<semaphore_mem>>
    %dma_wait3A_344 = tpu.memref_squeeze %dma_wait3A_343 : memref<1x!tpu.dma_semaphore, #tpu.memory_space<semaphore_mem>> -> memref<!tpu.dma_semaphore, #tpu.memory_space<semaphore_mem>>
    %dma_wait3A_345 = arith.constant 0 : i32
    %dma_wait3A_346 = tpu.memref_slice %arg5[%add3A_306, %dma_wait3A_345] : memref<8192x768xf32, #tpu.memory_space<hbm>> -> memref<8x768xf32, #tpu.memory_space<hbm>>
    %dma_wait3A_347 = arith.constant 48 : i32
    %dma_wait3A_348 = arith.constant 0 : i32
    %dma_wait3A_349 = tpu.memref_slice %arg8[%dma_wait3A_347, %dma_wait3A_348] : memref<96x768xf32, #tpu.memory_space<vmem>> -> memref<8x768xf32, #tpu.memory_space<vmem>>
    tpu.wait_dma2 semaphore(%dma_wait3A_344 : memref<!tpu.dma_semaphore, #tpu.memory_space<semaphore_mem>>) src(%dma_wait3A_349 : memref<8x768xf32, #tpu.memory_space<vmem>>) dst(%dma_wait3A_346 : memref<8x768xf32, #tpu.memory_space<hbm>>)
    %dma_wait3A_350 = arith.constant 1 : i32
    %dma_wait3A_351 = arith.constant 56 : i32
    %dma_wait3A_352 = arith.constant 0 : i32
    %dma_wait3A_353 = tpu.memref_slice %arg8[%dma_wait3A_351, %dma_wait3A_352] : memref<96x768xf32, #tpu.memory_space<vmem>> -> memref<8x768xf32, #tpu.memory_space<vmem>>
    %dma_wait3A_354 = arith.constant 0 : i32
    %dma_wait3A_355 = tpu.memref_slice %arg5[%add3A_310, %dma_wait3A_354] : memref<8192x768xf32, #tpu.memory_space<hbm>> -> memref<8x768xf32, #tpu.memory_space<hbm>>
    %dma_wait3A_356 = tpu.memref_slice %arg10[%dma_wait3A_350] : memref<3x!tpu.dma_semaphore, #tpu.memory_space<semaphore_mem>> -> memref<1x!tpu.dma_semaphore, #tpu.memory_space<semaphore_mem>>
    %dma_wait3A_357 = tpu.memref_squeeze %dma_wait3A_356 : memref<1x!tpu.dma_semaphore, #tpu.memory_space<semaphore_mem>> -> memref<!tpu.dma_semaphore, #tpu.memory_space<semaphore_mem>>
    %dma_wait3A_358 = arith.constant 0 : i32
    %dma_wait3A_359 = tpu.memref_slice %arg5[%add3A_310, %dma_wait3A_358] : memref<8192x768xf32, #tpu.memory_space<hbm>> -> memref<8x768xf32, #tpu.memory_space<hbm>>
    %dma_wait3A_360 = arith.constant 56 : i32
    %dma_wait3A_361 = arith.constant 0 : i32
    %dma_wait3A_362 = tpu.memref_slice %arg8[%dma_wait3A_360, %dma_wait3A_361] : memref<96x768xf32, #tpu.memory_space<vmem>> -> memref<8x768xf32, #tpu.memory_space<vmem>>
    tpu.wait_dma2 semaphore(%dma_wait3A_357 : memref<!tpu.dma_semaphore, #tpu.memory_space<semaphore_mem>>) src(%dma_wait3A_362 : memref<8x768xf32, #tpu.memory_space<vmem>>) dst(%dma_wait3A_359 : memref<8x768xf32, #tpu.memory_space<hbm>>)
    return
  }
}

</mosaic_0001>

<sc_bundles>
// kernel: kernel.3.cloned.1.call-start
scs
__scs_entry_jumppad:
0x0: {  	(pc) =	sbr.rel $0x88, $3  }
0x1: {  	(tag) =	ssettag $0x0;
	lr =	simm.s32 $0x1  }
0x2: {  	[smem:$0x3F9E] =	sst lr;
	_ =	strace $0xD0000000  }
0x3: {  	_ = 	snop  }
0x4: {  	_ = 	snop  }
0x5: {  	_ = 	snop  }
0x6: {  	_ = 	snop  }
0x7: {  	_ = 	snop  }
__scs_overlays_trampoline_lowered:
0x8: {  	[smem:$0x3FAD] =	sst s0  }
0x9: {  	[smem:$0x3FAE] =	sst s1  }
0xa: {  	[smem:$0x3FAF] =	sst s2  }
0xb: {  	[smem:$0x3FB0] =	sst s3  }
0xc: {  	[smem:$0x3FB1] =	sst s4  }
0xd: {  	[smem:$0x3FB2] =	sst s5  }
0xe: {  	[smem:$0x3FB3] =	sst s6  }
0xf: {  	[smem:$0x3FB4] =	sst s7  }
0x10: {  	[smem:$0x3FB5] =	sst s8  }
0x11: {  	[smem:$0x3FB6] =	sst s9;
	s0 =	simm.s32 @!p0 $0x0  }
0x12: {  	s1 =	sld [smem:$0x3F9C];
	s0 =	simm.s32 @p0 $0x1  }
0x13: {  	[smem:$0x3FB7] =	sst s0;
	s0 =	simm.s32 @!p1 $0x0  }
0x14: {  	s2 =	sld [smem:$0x3F9B];
	s0 =	simm.s32 @p1 $0x1  }
0x15: {  	[smem:$0x3FB8] =	sst s0;
	s0 =	simm.s32 @!p2 $0x0  }
0x16: {  	s3 =	sld [smem:$0x3FDB];
	s0 =	simm.s32 @p2 $0x1  }
0x17: {  	s4 =	simm.s32 $0x1BF5;
	[smem:$0x3FBA] =	sst s0  }
0x18: {  	s0 =	sld [smem:$0x3F9D];
	_ =	swait.ge [sflag:s4], $0x0  }
0x19: {  	s7 =	sld [smem:$0x3F9E]  }
0x1a: {  	s8 =	sadd.s32 $0xFFFFE003, lr  }
0x1b: {  	s9 =	sadd.s32 $0xFFFFFEF7, lr;
	s5 =	simm.s32 $0xFFFFFFFF;
	p2 =	slt.u32 s8, $0xFFFFF086  }
0x1c: {  	p1 =	slt.u32 s9, $0xF7A;
	s5 =	simm.s32 @!p2 $0x0  }
0x1d: {  	s5 =	simm.s32 @p1 $0x1;
	p0 =	seq.s32 s7, s2  }
0x1e: {  	s7 =	smul.u32 @!p0 $0xF7A, s2;
	p2 =	seq.s32 @!p0 s5, $0x0  }
0x1f: {  	s9 =	smul.u32 $0xF7A, s1;
	s8 =	simm.s32 @!p0 $0x1BF5;
	p2 =	por !p2, p0  }
0x20: {  	[sflag:s8] =	ssyncset.s32 @!p0 $0xFFFFF086;
	s6 =	sadd.s32 @!p0 s3, s7;
	s7 =	simm.s32 @!p0 $0x108  }
0x21: {  	s3 =	sadd.s32 s3, s9;
	s6 =	sadd.s32 @!p0 $0x88, s6;
	s7 =	simm.s32 @p2 $0x1082  }
0x22: {  	[simem:s7], [sflag:s8] =	dma.local @!p0 [hbm:s6], $0xF7A  }
0x23: {  	s9 =	sor.u32 $0xD0000000, s2;
	s6 =	simm.s32 $0x108;
	_ =	swait.ge @!p0 [sflag:s8], $0x0  }
0x24: {  	s3 =	sadd.s32 $0x88, s3;
	s6 =	simm.s32 @!p1 $0x1082;
	[sflag:s4] =	ssyncset.s32 $0xFFFFF086  }
0x25: {  	[simem:s6], [sflag:s4] =	dma.local [hbm:s3], $0xF7A  }
0x26: {  	[smem:$0x3F9E] =	sst s1;
	(tag) =	ssettag s2;
	_ =	strace s9  }
0x27: {  	s1 =	sld [smem:$0x3FAE]  }
0x28: {  	s2 =	sld [smem:$0x3FAF]  }
0x29: {  	s4 =	sld [smem:$0x3FB1]  }
0x2a: {  	p0 =	seq.s32 s5, $0x0;
	s5 =	sld [smem:$0x3FB2]  }
0x2b: {  	s6 =	sld [smem:$0x3FB3]  }
0x2c: {  	s7 =	sld [smem:$0x3FB4]  }
0x2d: {  	s3 =	simm.s32 $0x108;
	s8 =	sld [smem:$0x3FB5]  }
0x2e: {  	s3 =	simm.s32 @!p0 $0x1082;
	s9 =	sld [smem:$0x3FB6]  }
0x2f: {  	lr =	sadd.s32 s0, s3;
	s0 =	sld [smem:$0x3FAD]  }
0x30: {  	s3 =	sld [smem:$0x3FB0]  }
0x31: {  	[smem:$0x3FB9] =	sst s10  }
0x32: {  	s10 =	sld [smem:$0x3FB7];
	_ =	sdelay $0x3  }
0x33: {  	p0 =	seq.s32 s10, $0x1;
	s10 =	sld [smem:$0x3FB9];
	_ =	sdelay $0x3  }
0x34: {  	[smem:$0x3FB9] =	sst s10  }
0x35: {  	s10 =	sld [smem:$0x3FB8];
	_ =	sdelay $0x3  }
0x36: {  	p1 =	seq.s32 s10, $0x1;
	s10 =	sld [smem:$0x3FB9];
	_ =	sdelay $0x3  }
0x37: {  	[smem:$0x3FB9] =	sst s10  }
0x38: {  	s10 =	sld [smem:$0x3FBA]  }
0x39: {  	_ = 	snop;
	(pc) =	sbr.ind lr, $3  }
0x3a: {  	_ = 	snop  }
0x3b: {  	_ = 	snop  }
0x3c: {  	p2 =	seq.s32 s10, $0x1;
	s10 =	sld [smem:$0x3FB9]  }
0x3d: {  	_ =	shalt  }
0x3e: {  	_ =	shalt  }
0x3f: {  	_ =	shalt  }
0x40: {  	_ =	shalt  }
0x41: {  	_ =	shalt  }
0x42: {  	_ =	shalt  }
0x43: {  	_ =	shalt  }
0x44: {  	_ =	shalt  }
0x45: {  	_ =	shalt  }
0x46: {  	_ =	shalt  }
0x47: {  	_ =	shalt  }
0x48: {  	_ =	shalt  }
0x49: {  	_ =	shalt  }
0x4a: {  	_ =	shalt  }
0x4b: {  	_ =	shalt  }
0x4c: {  	_ =	shalt  }
0x4d: {  	_ =	shalt  }
0x4e: {  	_ =	shalt  }
0x4f: {  	_ =	shalt  }
0x50: {  	_ =	shalt  }
0x51: {  	_ =	shalt  }
0x52: {  	_ =	shalt  }
0x53: {  	_ =	shalt  }
0x54: {  	_ =	shalt  }
0x55: {  	_ =	shalt  }
0x56: {  	_ =	shalt  }
0x57: {  	_ =	shalt  }
0x58: {  	_ =	shalt  }
0x59: {  	_ =	shalt  }
0x5a: {  	_ =	shalt  }
0x5b: {  	_ =	shalt  }
0x5c: {  	_ =	shalt  }
0x5d: {  	_ =	shalt  }
0x5e: {  	_ =	shalt  }
0x5f: {  	_ =	shalt  }
0x60: {  	_ =	shalt  }
0x61: {  	_ =	shalt  }
0x62: {  	_ =	shalt  }
0x63: {  	_ =	shalt  }
0x64: {  	_ =	shalt  }
0x65: {  	_ =	shalt  }
0x66: {  	_ =	shalt  }
0x67: {  	_ =	shalt  }
0x68: {  	_ =	shalt  }
0x69: {  	_ =	shalt  }
0x6a: {  	_ =	shalt  }
0x6b: {  	_ =	shalt  }
0x6c: {  	_ =	shalt  }
0x6d: {  	_ =	shalt  }
0x6e: {  	_ =	shalt  }
0x6f: {  	_ =	shalt  }
0x70: {  	_ =	shalt  }
0x71: {  	_ =	shalt  }
0x72: {  	_ =	shalt  }
0x73: {  	_ =	shalt  }
0x74: {  	_ =	shalt  }
0x75: {  	_ =	shalt  }
0x76: {  	_ =	shalt  }
0x77: {  	_ =	shalt  }
0x78: {  	_ =	shalt  }
0x79: {  	_ =	shalt  }
0x7a: {  	_ =	shalt  }
0x7b: {  	_ =	shalt  }
0x7c: {  	_ =	shalt  }
0x7d: {  	_ =	shalt  }
0x7e: {  	_ =	shalt  }
0x7f: {  	_ =	shalt  }
0x80: {  	_ =	shalt  }
0x81: {  	_ =	shalt  }
0x82: {  	_ =	shalt  }
0x83: {  	_ =	shalt  }
0x84: {  	_ =	shalt  }
0x85: {  	_ =	shalt  }
0x86: {  	_ =	shalt  }
0x87: {  	_ =	shalt  }
.Lfunc_end0:
.L_simem_size_0:
called_computation_lowered:
.L_overlay_start_0:
0x88: {  	s2 =	sld [smem:$0x3FD9]  }
0x89: {  	s3 =	sld [smem:$0x3FFE];
	_ =	sdelay $0x1  }
0x8a: {  	s1 =	srdreg.scid  }
0x8b: {  	s0 =	sand.u32 $0x1, s1  }
0x8c: {  	s17 =	sshll.u32 s0, $0xA;
	s2 =	sadd.s32 s3, s2  }
0x8d: {  	s2 =	sadd.s32 s2, s17  }
0x8e: {  	[smem:$0x3FC5] =	sst s2  }
0x8f: {  	_ = 	snop  }
0x90: {  	s2 =	sld [smem:$0x3FC8]  }
0x91: {  	s18 =	sld [smem:$0x3FC7]  }
0x92: {  	s4 =	sld [smem:$0x3FD0];
	(tm) =	ssettm $0x1  }
0x93: {  	s5 =	sld [smem:$0x3FFB];
	_ =	sdelay $0x3  }
0x94: {  	_ =	strace s5  }
0x95: {  	s5 =	sld [smem:$0x3FFC];
	_ =	sdelay $0x3  }
0x96: {  	_ =	strace s5  }
0x97: {  	s5 =	sld [smem:$0x3FFD];
	_ =	sdelay $0x3  }
0x98: {  	_ =	strace s5  }
0x99: {  	_ =	strace $0x8FFFFFFF  }
0x9a: {  	s19 =	sld [smem:$0x3FDB];
	_ =	sdelay $0x1  }
0x9b: {  	s6 =	simm.s32 $_scs_section_size  }
0x9c: {  	s7 =	simm.s32 $_size__tile_overlayer_lowered;
	s8 =	simm.s32 $_tile_overlayer_lowered  }
0x9d: {  	s22 =	simm.s32 $0x1BFF;
	s21 =	sshll.u32 s8, $0x1;
	s5 =	sadd.s32 s6, s19  }
0x9e: {  	s9 =	simm.s32 $0x0;
	s20 =	sshll.u32 s7, $0x1;
	s7 =	sadd.s32 s21, s5  }
0x9f: {  	[timem:s9], [sflag:s22] =	dma.local [hbm:s7], s20  }
0xa0: {  	_ =	swait.ge [sflag:s22], s20  }
0xa1: {  	s6 =	ssub.s32 $0x0, s20;
	[sflag:s22] =	ssyncset.done $0x0  }
0xa2: {  	[sflag:s22] =	ssyncadd.s32 s6;
	_ =	sdelay $0x1  }
0xa3: {  	s23 =	simm.s32 $0x1B8B  }
0xa4: {  	_ =	swait.ge [sflag:s23], $0x1  }
0xa5: {  	[sflag:s23] =	ssyncset.done $0x0  }
0xa6: {  	s25 =	simm.s32 $0x1B8E;
	s24 =	sld [smem:$0x3FFE];
	[sflag:s23] =	ssyncadd.s32 $0xFFFFFFFF  }
0xa7: {  	s26 =	simm.s32 $execute0_lowered;
	[smem:$0x3FD2] =	sst s25  }
0xa8: {  	s7 =	sshll.u32 s26, $0x1;
	_ =	strace $0x80000046;
	[dreg:$0x1] =	wrdreg $0xFFFFFFFF  }
0xa9: {  	s28 =	simm.s32 $_size_execute0_lowered;
	s5 =	sadd.s32 s5, s7;
	[dreg:$0x0] =	wrdreg $0x0  }
0xaa: {  	s7 =	sshll.u32 s28, $0x1;
	[dreg:$0x2] =	wrdreg s5  }
0xab: {  	[dreg:$0x3] =	wrdreg s7  }
0xac: {  	[dreg:$0x4] =	wrdreg $0xC0  }
0xad: {  	_ =	task [dreg:s9], $0x5FFFF  }
0xae: {  	[dreg:$0x1] =	wrdreg $0xFFFFFFFF  }
0xaf: {  	[dreg:$0x0] =	wrdreg $0x60  }
0xb0: {  	[dreg:$0x2] =	wrdreg s24  }
0xb1: {  	[dreg:$0x3] =	wrdreg s2  }
0xb2: {  	[dreg:$0x4] =	wrdreg s18  }
0xb3: {  	[dreg:$0x5] =	wrdreg s4  }
0xb4: {  	[dreg:$0x6] =	wrdreg $0x9  }
0xb5: {  	_ =	task.clear_ibuf [dreg:s9], $0x7FFFF;
	_ =	strace $0x90000046  }
0xb6: {  	s29 =	simm.s32 $0x9;
	_ =	strace $0x80000048  }
0xb7: {  	_ =	swait.ge [sflag:s29], $0x1  }
0xb8: {  	[sflag:s29] =	ssyncadd.s32 $0xFFFFFFFF  }
0xb9: {  	_ =	strace $0x90000048  }
0xba: {  	_ =	sfence  }
0xbb: {  	s30 =	sld [smem:$0x0];
	_ =	sdelay $0x2  }
0xbc: {  	s31 =	sshll.u32 s1, $0xD;
	s1 =	sshrl.u32 s1, $0x2  }
0xbd: {  	s3 =	sand.u32 $0x4000, s31;
	s1 =	sadd.s32 s1, s30  }
0xbe: {  	s0 =	sor.u32 s3, s0;
	s1 =	sshll.u32 s1, $0x11  }
0xbf: {  	s0 =	sor.u32 s1, s0  }
0xc0: {  	s0 =	sadd.s32 $0x8F2B, s0  }
0xc1: {  	[sflag:s0] =	ssyncadd.remote.s32 $0x1  }
0xc2: {  	_ =	sfence.sel $0xFFFF  }
0xc3: {  	[dreg:$0x0] =	wrdreg $0xFFFFFFFF;
	(pc) =	sbr.abs _section_cstart, $3  }
0xc4: {  	[dreg:$0x1] =	wrdreg $0xFFFFFFFF  }
0xc5: {  	_ =	task.clear_ibuf [dreg:s9], $0x2FFFF;
	_ =	strace $0x9FFFFFFF  }
0xc6: {  	(tm) =	ssettm $0x7FFFFFFF  }
0xc7: {  	_ =	shalt  }
tec
execute0_lowered:
.L_overlay_start_1:
0x0: {  	(tag) =	ssettag $0x1  }
0x1: {  	s0 =	rddreg [dreg:$0x0]  }
0x2: {  	s1 =	rddreg [dreg:$0x1]  }
0x3: {  	s3 =	rddreg [dreg:$0x2]  }
0x4: {  	s2 =	rddreg [dreg:$0x3];
	s5 =	srdreg.scid  }
0x5: {  	s4 =	simm.s32 $0x0;
	s7 =	stileid.u32;
	s5 =	sand.u32 $0x1, s5  }
0x6: {  	[smem:$0x7FF] =	sst s4;
	s7 =	sshll.u32 s7, $0x4;
	s6 =	ssub.s32 $0x2, s5  }
0x7: {  	s0 =	sadd.s32 $0x400, s0;
	s5 =	sshll.u32 s5, $0x3;
	s8 =	sshrl.u32 s6, $0x1  }
0x8: {  	_ =	strace $0x80000047;
	s5 =	sor.u32 s5, s7;
	s6 =	ssub.s32 s6, s8  }
0x9: {  	s7 =	sadd.s32 s0, s5;
	s8 =	sor.u32 $0x200, s5;
	s9 =	smul.u32 $0x300, s5  }
0xa: {  	[dreg:$0x5] =	wrdreg s7;
	s7 =	sor.u32 $0x100, s5;
	s29 =	sadd.s32 s0, s8  }
.Ltmp0:
0xb: {  	s31 =	smax.u32 s6, $0x1;
	[dreg:$0x7] =	wrdreg s29;
	(pc) =	sbr.rel .LBB2_1-.Ltmp0, $4  }
0xc: {  	s11 =	sor.u32 $0x300, s5;
	s10 =	sadd.s32 s0, s7;
	[dreg:$0xa] =	wrdreg s31  }
0xd: {  	v0 =	vlaneseq.u32;
	s0 =	sadd.s32 s0, s11;
	[dreg:$0x6] =	wrdreg s10  }
0xe: {  	s14 =	sadd.s32 $0x100, s1;
	v1 =	vshrl.u32 v0, $0x3;
	s30 =	sadd.s32 s3, s9;
	[dreg:$0x8] =	wrdreg s0  }
0xf: {  	vm0 =	vmmov $0xffff;
	s15 =	sadd.s32 $0x200, s1;
	v0 =	vand.u32 $0x7, v0;
	v1 =	vmul.u32 $0x8, v1;
	s6 =	simm.s32 $0x0;
	[dreg:$0x9] =	wrdreg s30  }
.LBB2_7:
0x10: {  	s0 =	simm.s32 $0x6  }
0x11: {  	_ =	swait.ge [sflag:s0], $0x1800  }
0x12: {  	[sflag:s0] =	ssyncset.done $0x0  }
0x13: {  	[sflag:s0] =	ssyncadd.s32 $0xFFFFE800  }
0x14: {  	_ =	swait.ge [sflag:s0], $0x1800  }
0x15: {  	[sflag:s0] =	ssyncset.done $0x0  }
0x16: {  	[sflag:s0] =	ssyncadd.s32 $0xFFFFE800  }
0x17: {  	_ =	swait.ge [sflag:s0], $0x1800  }
0x18: {  	[sflag:s0] =	ssyncset.done $0x0  }
0x19: {  	[sflag:s0] =	ssyncadd.s32 $0xFFFFE800  }
0x1a: {  	_ =	swait.ge [sflag:s0], $0x1800  }
0x1b: {  	[sflag:s0] =	ssyncset.done $0x0  }
0x1c: {  	s30 =	simm.s32 $0x4;
	[sflag:s0] =	ssyncadd.s32 $0xFFFFE800  }
0x1d: {  	_ =	swait.ge [sflag:s30], $0x1800  }
0x1e: {  	[sflag:s30] =	ssyncset.done $0x0  }
0x1f: {  	[sflag:s30] =	ssyncadd.s32 $0xFFFFE800  }
0x20: {  	_ =	swait.ge [sflag:s30], $0x1800  }
0x21: {  	[sflag:s30] =	ssyncset.done $0x0  }
0x22: {  	[sflag:s30] =	ssyncadd.s32 $0xFFFFE800  }
0x23: {  	_ =	swait.ge [sflag:s30], $0x1800  }
0x24: {  	[sflag:s30] =	ssyncset.done $0x0  }
0x25: {  	[sflag:s30] =	ssyncadd.s32 $0xFFFFE800  }
0x26: {  	_ =	swait.ge [sflag:s30], $0x1800  }
0x27: {  	[sflag:s30] =	ssyncset.done $0x0  }
0x28: {  	s3 =	simm.s32 $0x5;
	[sflag:s30] =	ssyncadd.s32 $0xFFFFE800  }
0x29: {  	_ =	swait.ge [sflag:s3], $0x1800  }
0x2a: {  	[sflag:s3] =	ssyncset.done $0x0  }
0x2b: {  	[sflag:s3] =	ssyncadd.s32 $0xFFFFE800  }
0x2c: {  	_ =	swait.ge [sflag:s3], $0x1800  }
0x2d: {  	[sflag:s3] =	ssyncset.done $0x0  }
0x2e: {  	[sflag:s3] =	ssyncadd.s32 $0xFFFFE800  }
0x2f: {  	_ =	swait.ge [sflag:s3], $0x1800  }
0x30: {  	[sflag:s3] =	ssyncset.done $0x0  }
0x31: {  	[sflag:s3] =	ssyncadd.s32 $0xFFFFE800  }
0x32: {  	_ =	swait.ge [sflag:s3], $0x1800  }
0x33: {  	s6 =	rddreg [dreg:$0xb]  }
0x34: {  	s31 =	rddreg [dreg:$0xa];
	s6 =	sadd.s32 $0x1, s6  }
0x35: {  	p0 =	sne.s32 s6, s31  }
.Ltmp1:
0x36: {  	_ = 	snop;
	(pc) =	sbr.rel @!p0 .LBB2_8-.Ltmp1, $3  }
0x37: {  	_ =	sdelay $0x1  }
0x38: {  	[sflag:s3] =	ssyncset.done $0x0  }
0x39: {  	[sflag:s3] =	ssyncadd.s32 $0xFFFFE800  }
.LBB2_1:
0x3a: {  	[dreg:$0xb] =	wrdreg s6  }
0x3b: {  	s0 =	rddreg [dreg:$0x5]  }
0x3c: {  	[tilespmem:s4], [sflag:$0x7] =	stream.linear.gather [hbm4b:s0+s4], $0x40, $0x38;
	[tilespmem:$0x1E100] =	vst v63  }
0x3d: {  	s19 =	rddreg [dreg:$0x6];
	s3 =	simm.s32 $0x40  }
0x3e: {  	[tilespmem:s3], [sflag:$0x7] =	stream.linear.gather [hbm4b:s19+s4], $0x40, $0x38;
	[tilespmem:$0x1E100] =	vst v63  }
0x3f: {  	s20 =	rddreg [dreg:$0x7];
	s21 =	simm.s32 $0x80  }
0x40: {  	[tilespmem:s21], [sflag:$0x7] =	stream.linear.gather [hbm4b:s20+s4], $0x40, $0x38;
	[tilespmem:$0x1E100] =	vst v63  }
0x41: {  	s22 =	rddreg [dreg:$0x8];
	s23 =	simm.s32 $0xC0  }
0x42: {  	[tilespmem:s23], [sflag:$0x7] =	stream.linear.gather [hbm4b:s22+s4], $0x40, $0x38;
	[tilespmem:$0x1E100] =	vst v63  }
0x43: {  	s24 =	rddreg [dreg:$0x9];
	s25 =	simm.s32 $0x100;
	s26 =	simm.s32 $0x7  }
0x44: {  	[tilespmem:s25], [sflag:$0x8] =	stream.linear.gather [hbm4b:s24+s4], $0xC000, $0x38;
	[tilespmem:$0x1E100] =	vst v63  }
0x45: {  	_ =	swait.ge [sflag:s26], $0x40  }
0x46: {  	[sflag:s26] =	ssyncset.done $0x0  }
0x47: {  	[sflag:s26] =	ssyncadd.s32 $0xFFFFFFC0  }
0x48: {  	_ =	swait.ge [sflag:s26], $0x40  }
0x49: {  	[sflag:s26] =	ssyncset.done $0x0  }
0x4a: {  	[sflag:s26] =	ssyncadd.s32 $0xFFFFFFC0  }
0x4b: {  	_ =	swait.ge [sflag:s26], $0x40  }
0x4c: {  	[sflag:s26] =	ssyncset.done $0x0  }
0x4d: {  	[sflag:s26] =	ssyncadd.s32 $0xFFFFFFC0  }
0x4e: {  	_ =	swait.ge [sflag:s26], $0x40  }
0x4f: {  	[sflag:s26] =	ssyncset.done $0x0  }
0x50: {  	[sflag:s26] =	ssyncadd.s32 $0xFFFFFFC0  }
0x51: {  	v2 =	vld.msk [tilespmem:$0x0], $0xff;
	_ =	sdelay $0x4  }
0x52: {  	v3 =	vshrl.u32 v2, $0x3  }
0x53: {  	v3 =	vmul.u32 $0x30, v3  }
0x54: {  	v2 =	vand.u32 $0x7, v2  }
0x55: {  	v2 =	vor.u32 v2, v3  }
0x56: {  	v2 =	vperm.xlane v2, v0;
	_ =	sdelay $0x1  }
0x57: {  	v2 =	vadd.s32 v1, v2;
	_ =	sdelay $0x3  }
0x58: {  	s28 =	simm.s32 $0xC100  }
0x59: {  	[tilespmem:s28], [sflag:$0x1] =	stream.indirect_vreg.gather [hbm4b:s1+s4], $0x80, v2, vm0, $0xb8;
	[tilespmem:$0x1E100] =	vst v63  }
0x5a: {  	s29 =	simm.s32 $0xC900  }
0x5b: {  	[tilespmem:s29], [sflag:$0x1] =	stream.indirect_vreg.gather [hbm4b:s14+s4], $0x80, v2, vm0, $0xb8;
	[tilespmem:$0x1E100] =	vst v63  }
0x5c: {  	s30 =	simm.s32 $0xD100  }
0x5d: {  	[tilespmem:s30], [sflag:$0x1] =	stream.indirect_vreg.gather [hbm4b:s15+s4], $0x80, v2, vm0, $0xb8;
	[tilespmem:$0x1E100] =	vst v63  }
0x5e: {  	v2 =	vld.msk [tilespmem:$0x40], $0xff;
	_ =	sdelay $0x4  }
0x5f: {  	v3 =	vshrl.u32 v2, $0x3  }
0x60: {  	v3 =	vmul.u32 $0x30, v3  }
0x61: {  	v2 =	vand.u32 $0x7, v2  }
0x62: {  	v2 =	vor.u32 v2, v3  }
0x63: {  	v2 =	vperm.xlane v2, v0;
	_ =	sdelay $0x1  }
0x64: {  	v2 =	vadd.s32 v1, v2;
	_ =	sdelay $0x3  }
0x65: {  	s31 =	simm.s32 $0xD900  }
0x66: {  	[tilespmem:s31], [sflag:$0x1] =	stream.indirect_vreg.gather [hbm4b:s1+s4], $0x80, v2, vm0, $0xb8;
	[tilespmem:$0x1E100] =	vst v63  }
0x67: {  	s3 =	simm.s32 $0xE100  }
0x68: {  	[tilespmem:s3], [sflag:$0x1] =	stream.indirect_vreg.gather [hbm4b:s14+s4], $0x80, v2, vm0, $0xb8;
	[tilespmem:$0x1E100] =	vst v63  }
0x69: {  	s6 =	simm.s32 $0xE900  }
0x6a: {  	[tilespmem:s6], [sflag:$0x1] =	stream.indirect_vreg.gather [hbm4b:s15+s4], $0x80, v2, vm0, $0xb8;
	[tilespmem:$0x1E100] =	vst v63  }
0x6b: {  	v2 =	vld.msk [tilespmem:$0x80], $0xff;
	_ =	sdelay $0x4  }
0x6c: {  	v3 =	vshrl.u32 v2, $0x3  }
0x6d: {  	v3 =	vmul.u32 $0x30, v3  }
0x6e: {  	v2 =	vand.u32 $0x7, v2  }
0x6f: {  	v2 =	vor.u32 v2, v3  }
0x70: {  	v2 =	vperm.xlane v2, v0;
	_ =	sdelay $0x1  }
0x71: {  	v2 =	vadd.s32 v1, v2;
	_ =	sdelay $0x3  }
0x72: {  	s9 =	simm.s32 $0xF100  }
0x73: {  	[tilespmem:s9], [sflag:$0x1] =	stream.indirect_vreg.gather [hbm4b:s1+s4], $0x80, v2, vm0, $0xb8;
	[tilespmem:$0x1E100] =	vst v63  }
0x74: {  	s10 =	simm.s32 $0xF900  }
0x75: {  	[tilespmem:s10], [sflag:$0x1] =	stream.indirect_vreg.gather [hbm4b:s14+s4], $0x80, v2, vm0, $0xb8;
	[tilespmem:$0x1E100] =	vst v63  }
0x76: {  	s12 =	simm.s32 $0x10100  }
0x77: {  	[tilespmem:s12], [sflag:$0x1] =	stream.indirect_vreg.gather [hbm4b:s15+s4], $0x80, v2, vm0, $0xb8;
	[tilespmem:$0x1E100] =	vst v63  }
0x78: {  	v2 =	vld.msk [tilespmem:$0xC0], $0xff;
	_ =	sdelay $0x4  }
0x79: {  	v3 =	vshrl.u32 v2, $0x3  }
0x7a: {  	v3 =	vmul.u32 $0x30, v3  }
0x7b: {  	v2 =	vand.u32 $0x7, v2  }
0x7c: {  	v2 =	vor.u32 v2, v3  }
0x7d: {  	v2 =	vperm.xlane v2, v0;
	_ =	sdelay $0x1  }
0x7e: {  	v2 =	vadd.s32 v1, v2;
	_ =	sdelay $0x3  }
0x7f: {  	s13 =	simm.s32 $0x10900  }
0x80: {  	[tilespmem:s13], [sflag:$0x1] =	stream.indirect_vreg.gather [hbm4b:s1+s4], $0x80, v2, vm0, $0xb8;
	[tilespmem:$0x1E100] =	vst v63  }
0x81: {  	s16 =	simm.s32 $0x11100  }
0x82: {  	[tilespmem:s16], [sflag:$0x1] =	stream.indirect_vreg.gather [hbm4b:s14+s4], $0x80, v2, vm0, $0xb8;
	[tilespmem:$0x1E100] =	vst v63  }
0x83: {  	s17 =	simm.s32 $0x11900  }
0x84: {  	[tilespmem:s17], [sflag:$0x1] =	stream.indirect_vreg.gather [hbm4b:s15+s4], $0x80, v2, vm0, $0xb8;
	[tilespmem:$0x1E100] =	vst v63  }
0x85: {  	v2 =	vld.msk [tilespmem:$0x8], $0xff;
	_ =	sdelay $0x4  }
0x86: {  	v3 =	vshrl.u32 v2, $0x3  }
0x87: {  	v3 =	vmul.u32 $0x30, v3  }
0x88: {  	v2 =	vand.u32 $0x7, v2  }
0x89: {  	v2 =	vor.u32 v2, v3  }
0x8a: {  	v2 =	vperm.xlane v2, v0;
	_ =	sdelay $0x1  }
0x8b: {  	v2 =	vadd.s32 v1, v2;
	_ =	sdelay $0x3  }
0x8c: {  	s18 =	simm.s32 $0x12100  }
0x8d: {  	[tilespmem:s18], [sflag:$0x2] =	stream.indirect_vreg.gather [hbm4b:s1+s4], $0x80, v2, vm0, $0xb8;
	[tilespmem:$0x1E100] =	vst v63  }
0x8e: {  	s19 =	simm.s32 $0x12900  }
0x8f: {  	[tilespmem:s19], [sflag:$0x2] =	stream.indirect_vreg.gather [hbm4b:s14+s4], $0x80, v2, vm0, $0xb8;
	[tilespmem:$0x1E100] =	vst v63  }
0x90: {  	s20 =	simm.s32 $0x13100  }
0x91: {  	[tilespmem:s20], [sflag:$0x2] =	stream.indirect_vreg.gather [hbm4b:s15+s4], $0x80, v2, vm0, $0xb8;
	[tilespmem:$0x1E100] =	vst v63  }
0x92: {  	v2 =	vld.msk [tilespmem:$0x48], $0xff;
	_ =	sdelay $0x4  }
0x93: {  	v3 =	vshrl.u32 v2, $0x3  }
0x94: {  	v3 =	vmul.u32 $0x30, v3  }
0x95: {  	v2 =	vand.u32 $0x7, v2  }
0x96: {  	v2 =	vor.u32 v2, v3  }
0x97: {  	v2 =	vperm.xlane v2, v0;
	_ =	sdelay $0x1  }
0x98: {  	v2 =	vadd.s32 v1, v2;
	_ =	sdelay $0x3  }
0x99: {  	s21 =	simm.s32 $0x13900  }
0x9a: {  	[tilespmem:s21], [sflag:$0x2] =	stream.indirect_vreg.gather [hbm4b:s1+s4], $0x80, v2, vm0, $0xb8;
	[tilespmem:$0x1E100] =	vst v63  }
0x9b: {  	s22 =	simm.s32 $0x14100  }
0x9c: {  	[tilespmem:s22], [sflag:$0x2] =	stream.indirect_vreg.gather [hbm4b:s14+s4], $0x80, v2, vm0, $0xb8;
	[tilespmem:$0x1E100] =	vst v63  }
0x9d: {  	s23 =	simm.s32 $0x14900  }
0x9e: {  	[tilespmem:s23], [sflag:$0x2] =	stream.indirect_vreg.gather [hbm4b:s15+s4], $0x80, v2, vm0, $0xb8;
	[tilespmem:$0x1E100] =	vst v63  }
0x9f: {  	v2 =	vld.msk [tilespmem:$0x88], $0xff;
	_ =	sdelay $0x4  }
0xa0: {  	v3 =	vshrl.u32 v2, $0x3  }
0xa1: {  	v3 =	vmul.u32 $0x30, v3  }
0xa2: {  	v2 =	vand.u32 $0x7, v2  }
0xa3: {  	v2 =	vor.u32 v2, v3  }
0xa4: {  	v2 =	vperm.xlane v2, v0;
	_ =	sdelay $0x1  }
0xa5: {  	v2 =	vadd.s32 v1, v2;
	_ =	sdelay $0x3  }
0xa6: {  	s24 =	simm.s32 $0x15100  }
0xa7: {  	[tilespmem:s24], [sflag:$0x2] =	stream.indirect_vreg.gather [hbm4b:s1+s4], $0x80, v2, vm0, $0xb8;
	[tilespmem:$0x1E100] =	vst v63  }
0xa8: {  	s25 =	simm.s32 $0x15900  }
0xa9: {  	[tilespmem:s25], [sflag:$0x2] =	stream.indirect_vreg.gather [hbm4b:s14+s4], $0x80, v2, vm0, $0xb8;
	[tilespmem:$0x1E100] =	vst v63  }
0xaa: {  	s26 =	simm.s32 $0x16100  }
0xab: {  	[tilespmem:s26], [sflag:$0x2] =	stream.indirect_vreg.gather [hbm4b:s15+s4], $0x80, v2, vm0, $0xb8;
	[tilespmem:$0x1E100] =	vst v63  }
0xac: {  	v2 =	vld.msk [tilespmem:$0xC8], $0xff;
	_ =	sdelay $0x4  }
0xad: {  	v3 =	vshrl.u32 v2, $0x3  }
0xae: {  	v3 =	vmul.u32 $0x30, v3  }
0xaf: {  	v2 =	vand.u32 $0x7, v2  }
0xb0: {  	v2 =	vor.u32 v2, v3  }
0xb1: {  	v2 =	vperm.xlane v2, v0;
	_ =	sdelay $0x1  }
0xb2: {  	v2 =	vadd.s32 v1, v2;
	_ =	sdelay $0x3  }
0xb3: {  	s28 =	simm.s32 $0x16900  }
0xb4: {  	[tilespmem:s28], [sflag:$0x2] =	stream.indirect_vreg.gather [hbm4b:s1+s4], $0x80, v2, vm0, $0xb8;
	[tilespmem:$0x1E100] =	vst v63  }
0xb5: {  	s29 =	simm.s32 $0x17100  }
0xb6: {  	[tilespmem:s29], [sflag:$0x2] =	stream.indirect_vreg.gather [hbm4b:s14+s4], $0x80, v2, vm0, $0xb8;
	[tilespmem:$0x1E100] =	vst v63  }
.Ltmp2:
0xb7: {  	s30 =	simm.s32 $0x17900;
	s31 =	simm.s32 $0x8;
	(pc) =	sbr.rel .LBB2_2-.Ltmp2, $4  }
0xb8: {  	[tilespmem:s30], [sflag:$0x2] =	stream.indirect_vreg.gather [hbm4b:s15+s4], $0x80, v2, vm0, $0xb8;
	[tilespmem:$0x1E100] =	vst v63  }
0xb9: {  	_ =	swait.ge [sflag:s31], $0xC000  }
0xba: {  	[sflag:s31] =	ssyncset.done $0x0  }
0xbb: {  	s20 =	simm.s32 $0x0;
	[sflag:s31] =	ssyncadd.s32 $0xFFFF4000  }
.LBB2_6:
0xbc: {  	s0 =	sadd.s32 s5, s20  }
0xbd: {  	s3 =	sadd.s32 s7, s20;
	s0 =	smul.u32 $0x300, s0  }
0xbe: {  	s6 =	sadd.s32 $0x4, s22;
	s29 =	sadd.s32 s8, s20;
	s30 =	sadd.s32 s11, s20  }
0xbf: {  	s20 =	sadd.s32 $0x1, s20;
	s3 =	smul.u32 $0x300, s3;
	s0 =	sadd.s32 s2, s0  }
0xc0: {  	[hbm4b:s0+s4] =	stream.linear.scatter [tilespmem:s26], [sflag:s6], $0x1800, $0x38;
	[tilespmem:$0x1E100] =	vst v63  }
0xc1: {  	p0 =	sne.s32 s20, $0x8;
	s28 =	sadd.s32 s2, s3;
	s0 =	smul.u32 $0x300, s29  }
0xc2: {  	[hbm4b:s28+s4] =	stream.linear.scatter [tilespmem:s25], [sflag:s6], $0x1800, $0x38;
	[tilespmem:$0x1E100] =	vst v63  }
.Ltmp3:
0xc3: {  	_ = 	snop;
	(pc) =	sbr.rel @!p0 .LBB2_7-.Ltmp3, $4  }
0xc4: {  	s3 =	smul.u32 $0x300, s30;
	s0 =	sadd.s32 s2, s0  }
0xc5: {  	[hbm4b:s0+s4] =	stream.linear.scatter [tilespmem:s23], [sflag:s6], $0x1800, $0x38;
	[tilespmem:$0x1E100] =	vst v63  }
0xc6: {  	s31 =	sadd.s32 s2, s3  }
0xc7: {  	[hbm4b:s31+s4] =	stream.linear.scatter [tilespmem:s24], [sflag:s6], $0x1800, $0x38;
	[tilespmem:$0x1E100] =	vst v63  }
.LBB2_2:
0xc8: {  	s0 =	smul.u32 $0xAB, s20;
	_ =	sdelay $0x1  }
0xc9: {  	s0 =	sshrl.u32 s0, $0x9  }
0xca: {  	s0 =	sand.u32 $0x7F, s0  }
0xcb: {  	s0 =	smul.u32 $0x3, s0;
	_ =	sdelay $0x1  }
0xcc: {  	s0 =	ssub.s32 s20, s0  }
0xcd: {  	s22 =	sand.u32 $0xFF, s0  }
0xce: {  	s0 =	sadd.s32 $0x1, s22  }
0xcf: {  	_ =	swait.ge [sflag:s0], $0x1800  }
0xd0: {  	[sflag:s0] =	ssyncset.done $0x0  }
0xd1: {  	[sflag:s0] =	ssyncadd.s32 $0xFFFFE800  }
0xd2: {  	s3 =	smul.u32 $0x6000, s20;
	_ =	swait.ge [sflag:s0], $0x1800  }
0xd3: {  	[sflag:s0] =	ssyncset.done $0x0  }
0xd4: {  	s10 =	sshra.s32 s3, $0x2;
	[sflag:s0] =	ssyncadd.s32 $0xFFFFE800  }
0xd5: {  	s3 =	sor.u32 $0x100, s10;
	_ =	swait.ge [sflag:s0], $0x1800  }
0xd6: {  	v2 =	vmov s3;
	[sflag:s0] =	ssyncset.done $0x0  }
0xd7: {  	[sflag:s0] =	ssyncadd.s32 $0xFFFFE800  }
0xd8: {  	_ =	swait.ge [sflag:s0], $0x1800  }
0xd9: {  	[sflag:s0] =	ssyncset.done $0x0  }
0xda: {  	[sflag:s0] =	ssyncadd.s32 $0xFFFFE800;
	s0 =	simm.s32 $0x0  }
0xdb: {  	s16 =	sshll.u32 s22, $0x2;
	s6 =	smul.u32 $0x18000, s22;
	v3 =	vld.idx.msk [tilespmem:v2+s0+$0x0 ss:$0x1], $0xffff  }
0xdc: {  	s3 =	sor.u32 $0x2, s16  }
0xdd: {  	s9 =	sshllo.u32 s22, $0x2;
	s12 =	sshrl.u32 s6, $0x2;
	s3 =	smul.u32 $0x6000, s3  }
0xde: {  	s17 =	smul.u32 $0x6000, s9;
	s26 =	sadd.s32 $0xC100, s12  }
0xdf: {  	s25 =	sadd.s32 $0xD900, s12;
	s16 =	sshrl.u32 s3, $0x2;
	s3 =	sadd.s32 $0x0, s26  }
0xe0: {  	s9 =	sshrl.u32 s17, $0x2;
	s17 =	sadd.s32 $0x0, s25;
	s23 =	sadd.s32 $0xC100, s16;
	[tilespmem:s3+$0x0] =	vst.add.f32.msk $0xffff, v3  }
0xe1: {  	s24 =	sadd.s32 $0xC100, s9;
	s6 =	sadd.s32 $0x0, s23;
	[tilespmem:s17+$0x0] =	vst.add.f32.msk $0xffff, v3  }
0xe2: {  	s13 =	sadd.s32 $0x0, s24;
	[tilespmem:s6+$0x0] =	vst.add.f32.msk $0xffff, v3  }
0xe3: {  	[tilespmem:s13+$0x0] =	vst.add.f32.msk $0xffff, v3  }
0xe4: {  	v3 =	vld.idx.msk [tilespmem:v2+s0+$0x10 ss:$0x1], $0xffff;
	_ =	sdelay $0x4  }
0xe5: {  	[tilespmem:s3+$0x10] =	vst.add.f32.msk $0xffff, v3  }
0xe6: {  	[tilespmem:s17+$0x10] =	vst.add.f32.msk $0xffff, v3  }
0xe7: {  	[tilespmem:s6+$0x10] =	vst.add.f32.msk $0xffff, v3  }
0xe8: {  	[tilespmem:s13+$0x10] =	vst.add.f32.msk $0xffff, v3  }
0xe9: {  	v3 =	vld.idx.msk [tilespmem:v2+s0+$0x20 ss:$0x1], $0xffff;
	_ =	sdelay $0x4  }
0xea: {  	[tilespmem:s3+$0x20] =	vst.add.f32.msk $0xffff, v3  }
0xeb: {  	[tilespmem:s17+$0x20] =	vst.add.f32.msk $0xffff, v3  }
0xec: {  	[tilespmem:s6+$0x20] =	vst.add.f32.msk $0xffff, v3  }
0xed: {  	[tilespmem:s13+$0x20] =	vst.add.f32.msk $0xffff, v3  }
0xee: {  	v3 =	vld.idx.msk [tilespmem:v2+s0+$0x30 ss:$0x1], $0xffff;
	_ =	sdelay $0x4  }
0xef: {  	[tilespmem:s3+$0x30] =	vst.add.f32.msk $0xffff, v3  }
0xf0: {  	[tilespmem:s17+$0x30] =	vst.add.f32.msk $0xffff, v3  }
0xf1: {  	[tilespmem:s6+$0x30] =	vst.add.f32.msk $0xffff, v3  }
0xf2: {  	[tilespmem:s13+$0x30] =	vst.add.f32.msk $0xffff, v3  }
0xf3: {  	v3 =	vld.idx.msk [tilespmem:v2+s0+$0x40 ss:$0x1], $0xffff;
	_ =	sdelay $0x4  }
0xf4: {  	[tilespmem:s3+$0x40] =	vst.add.f32.msk $0xffff, v3  }
0xf5: {  	[tilespmem:s17+$0x40] =	vst.add.f32.msk $0xffff, v3  }
0xf6: {  	[tilespmem:s6+$0x40] =	vst.add.f32.msk $0xffff, v3  }
0xf7: {  	[tilespmem:s13+$0x40] =	vst.add.f32.msk $0xffff, v3  }
0xf8: {  	v3 =	vld.idx.msk [tilespmem:v2+s0+$0x50 ss:$0x1], $0xffff;
	_ =	sdelay $0x4  }
0xf9: {  	[tilespmem:s3+$0x50] =	vst.add.f32.msk $0xffff, v3  }
0xfa: {  	[tilespmem:s17+$0x50] =	vst.add.f32.msk $0xffff, v3  }
0xfb: {  	[tilespmem:s6+$0x50] =	vst.add.f32.msk $0xffff, v3  }
0xfc: {  	[tilespmem:s13+$0x50] =	vst.add.f32.msk $0xffff, v3  }
0xfd: {  	v3 =	vld.idx.msk [tilespmem:v2+s0+$0x60 ss:$0x1], $0xffff;
	_ =	sdelay $0x4  }
0xfe: {  	[tilespmem:s3+$0x60] =	vst.add.f32.msk $0xffff, v3  }
0xff: {  	[tilespmem:s17+$0x60] =	vst.add.f32.msk $0xffff, v3  }
0x100: {  	[tilespmem:s6+$0x60] =	vst.add.f32.msk $0xffff, v3  }
0x101: {  	[tilespmem:s13+$0x60] =	vst.add.f32.msk $0xffff, v3  }
0x102: {  	v3 =	vld.idx.msk [tilespmem:v2+s0+$0x70 ss:$0x1], $0xffff;
	_ =	sdelay $0x4  }
0x103: {  	[tilespmem:s3+$0x70] =	vst.add.f32.msk $0xffff, v3  }
0x104: {  	[tilespmem:s17+$0x70] =	vst.add.f32.msk $0xffff, v3  }
0x105: {  	[tilespmem:s6+$0x70] =	vst.add.f32.msk $0xffff, v3  }
0x106: {  	[tilespmem:s13+$0x70] =	vst.add.f32.msk $0xffff, v3  }
0x107: {  	v3 =	vld.idx.msk [tilespmem:v2+s0+$0x400 ss:$0x1], $0xffff;
	_ =	sdelay $0x4  }
0x108: {  	[tilespmem:s3+$0x400] =	vst.add.f32.msk $0xffff, v3  }
0x109: {  	[tilespmem:s17+$0x400] =	vst.add.f32.msk $0xffff, v3  }
0x10a: {  	[tilespmem:s6+$0x400] =	vst.add.f32.msk $0xffff, v3  }
0x10b: {  	[tilespmem:s13+$0x400] =	vst.add.f32.msk $0xffff, v3  }
0x10c: {  	v3 =	vld.idx.msk [tilespmem:v2+s0+$0x410 ss:$0x1], $0xffff;
	_ =	sdelay $0x4  }
0x10d: {  	[tilespmem:s3+$0x410] =	vst.add.f32.msk $0xffff, v3  }
0x10e: {  	[tilespmem:s17+$0x410] =	vst.add.f32.msk $0xffff, v3  }
0x10f: {  	[tilespmem:s6+$0x410] =	vst.add.f32.msk $0xffff, v3  }
0x110: {  	[tilespmem:s13+$0x410] =	vst.add.f32.msk $0xffff, v3  }
0x111: {  	v3 =	vld.idx.msk [tilespmem:v2+s0+$0x420 ss:$0x1], $0xffff;
	_ =	sdelay $0x4  }
0x112: {  	[tilespmem:s3+$0x420] =	vst.add.f32.msk $0xffff, v3  }
0x113: {  	[tilespmem:s17+$0x420] =	vst.add.f32.msk $0xffff, v3  }
0x114: {  	[tilespmem:s6+$0x420] =	vst.add.f32.msk $0xffff, v3  }
0x115: {  	[tilespmem:s13+$0x420] =	vst.add.f32.msk $0xffff, v3  }
0x116: {  	v3 =	vld.idx.msk [tilespmem:v2+s0+$0x430 ss:$0x1], $0xffff;
	_ =	sdelay $0x4  }
0x117: {  	[tilespmem:s3+$0x430] =	vst.add.f32.msk $0xffff, v3  }
0x118: {  	[tilespmem:s17+$0x430] =	vst.add.f32.msk $0xffff, v3  }
0x119: {  	[tilespmem:s6+$0x430] =	vst.add.f32.msk $0xffff, v3  }
0x11a: {  	[tilespmem:s13+$0x430] =	vst.add.f32.msk $0xffff, v3  }
0x11b: {  	v3 =	vld.idx.msk [tilespmem:v2+s0+$0x440 ss:$0x1], $0xffff;
	_ =	sdelay $0x4  }
0x11c: {  	[tilespmem:s3+$0x440] =	vst.add.f32.msk $0xffff, v3  }
0x11d: {  	[tilespmem:s17+$0x440] =	vst.add.f32.msk $0xffff, v3  }
0x11e: {  	[tilespmem:s6+$0x440] =	vst.add.f32.msk $0xffff, v3  }
0x11f: {  	[tilespmem:s13+$0x440] =	vst.add.f32.msk $0xffff, v3  }
0x120: {  	v3 =	vld.idx.msk [tilespmem:v2+s0+$0x450 ss:$0x1], $0xffff;
	_ =	sdelay $0x4  }
0x121: {  	[tilespmem:s3+$0x450] =	vst.add.f32.msk $0xffff, v3  }
0x122: {  	[tilespmem:s17+$0x450] =	vst.add.f32.msk $0xffff, v3  }
0x123: {  	[tilespmem:s6+$0x450] =	vst.add.f32.msk $0xffff, v3  }
0x124: {  	[tilespmem:s13+$0x450] =	vst.add.f32.msk $0xffff, v3  }
0x125: {  	v3 =	vld.idx.msk [tilespmem:v2+s0+$0x460 ss:$0x1], $0xffff;
	_ =	sdelay $0x4  }
0x126: {  	[tilespmem:s3+$0x460] =	vst.add.f32.msk $0xffff, v3  }
0x127: {  	[tilespmem:s17+$0x460] =	vst.add.f32.msk $0xffff, v3  }
0x128: {  	[tilespmem:s6+$0x460] =	vst.add.f32.msk $0xffff, v3  }
0x129: {  	[tilespmem:s13+$0x460] =	vst.add.f32.msk $0xffff, v3  }
0x12a: {  	v4 =	vld.idx.msk [tilespmem:v2+s0+$0x470 ss:$0x1], $0xffff;
	_ =	sdelay $0x2  }
0x12b: {  	s18 =	sadd.s32 $0x900, s10  }
0x12c: {  	v3 =	vmov s18  }
0x12d: {  	[tilespmem:s3+$0x470] =	vst.add.f32.msk $0xffff, v4  }
0x12e: {  	[tilespmem:s17+$0x470] =	vst.add.f32.msk $0xffff, v4  }
0x12f: {  	[tilespmem:s6+$0x470] =	vst.add.f32.msk $0xffff, v4  }
0x130: {  	[tilespmem:s13+$0x470] =	vst.add.f32.msk $0xffff, v4  }
0x131: {  	v4 =	vld.idx.msk [tilespmem:v3+s0+$0x0 ss:$0x1], $0xffff;
	_ =	sdelay $0x3  }
0x132: {  	s28 =	sadd.s32 $0xE100, s12  }
0x133: {  	s18 =	sadd.s32 $0x0, s28;
	[tilespmem:s3+$0x800] =	vst.add.f32.msk $0xffff, v4  }
0x134: {  	s29 =	sadd.s32 $0xC900, s9;
	[tilespmem:s18+$0x0] =	vst.add.f32.msk $0xffff, v4  }
0x135: {  	s21 =	sadd.s32 $0x0, s29;
	[tilespmem:s6+$0x800] =	vst.add.f32.msk $0xffff, v4  }
0x136: {  	[tilespmem:s21+$0x0] =	vst.add.f32.msk $0xffff, v4  }
0x137: {  	v4 =	vld.idx.msk [tilespmem:v3+s0+$0x10 ss:$0x1], $0xffff;
	_ =	sdelay $0x4  }
0x138: {  	[tilespmem:s3+$0x810] =	vst.add.f32.msk $0xffff, v4  }
0x139: {  	[tilespmem:s18+$0x10] =	vst.add.f32.msk $0xffff, v4  }
0x13a: {  	[tilespmem:s6+$0x810] =	vst.add.f32.msk $0xffff, v4  }
0x13b: {  	[tilespmem:s21+$0x10] =	vst.add.f32.msk $0xffff, v4  }
0x13c: {  	v4 =	vld.idx.msk [tilespmem:v3+s0+$0x20 ss:$0x1], $0xffff;
	_ =	sdelay $0x4  }
0x13d: {  	[tilespmem:s3+$0x820] =	vst.add.f32.msk $0xffff, v4  }
0x13e: {  	[tilespmem:s18+$0x20] =	vst.add.f32.msk $0xffff, v4  }
0x13f: {  	[tilespmem:s6+$0x820] =	vst.add.f32.msk $0xffff, v4  }
0x140: {  	[tilespmem:s21+$0x20] =	vst.add.f32.msk $0xffff, v4  }
0x141: {  	v4 =	vld.idx.msk [tilespmem:v3+s0+$0x30 ss:$0x1], $0xffff;
	_ =	sdelay $0x4  }
0x142: {  	[tilespmem:s3+$0x830] =	vst.add.f32.msk $0xffff, v4  }
0x143: {  	[tilespmem:s18+$0x30] =	vst.add.f32.msk $0xffff, v4  }
0x144: {  	[tilespmem:s6+$0x830] =	vst.add.f32.msk $0xffff, v4  }
0x145: {  	[tilespmem:s21+$0x30] =	vst.add.f32.msk $0xffff, v4  }
0x146: {  	v4 =	vld.idx.msk [tilespmem:v3+s0+$0x40 ss:$0x1], $0xffff;
	_ =	sdelay $0x4  }
0x147: {  	[tilespmem:s3+$0x840] =	vst.add.f32.msk $0xffff, v4  }
0x148: {  	[tilespmem:s18+$0x40] =	vst.add.f32.msk $0xffff, v4  }
0x149: {  	[tilespmem:s6+$0x840] =	vst.add.f32.msk $0xffff, v4  }
0x14a: {  	[tilespmem:s21+$0x40] =	vst.add.f32.msk $0xffff, v4  }
0x14b: {  	v4 =	vld.idx.msk [tilespmem:v3+s0+$0x50 ss:$0x1], $0xffff;
	_ =	sdelay $0x4  }
0x14c: {  	[tilespmem:s3+$0x850] =	vst.add.f32.msk $0xffff, v4  }
0x14d: {  	[tilespmem:s18+$0x50] =	vst.add.f32.msk $0xffff, v4  }
0x14e: {  	[tilespmem:s6+$0x850] =	vst.add.f32.msk $0xffff, v4  }
0x14f: {  	[tilespmem:s21+$0x50] =	vst.add.f32.msk $0xffff, v4  }
0x150: {  	v4 =	vld.idx.msk [tilespmem:v3+s0+$0x60 ss:$0x1], $0xffff;
	_ =	sdelay $0x4  }
0x151: {  	[tilespmem:s3+$0x860] =	vst.add.f32.msk $0xffff, v4  }
0x152: {  	[tilespmem:s18+$0x60] =	vst.add.f32.msk $0xffff, v4  }
0x153: {  	[tilespmem:s6+$0x860] =	vst.add.f32.msk $0xffff, v4  }
0x154: {  	[tilespmem:s21+$0x60] =	vst.add.f32.msk $0xffff, v4  }
0x155: {  	v5 =	vld.idx.msk [tilespmem:v3+s0+$0x70 ss:$0x1], $0xffff;
	_ =	sdelay $0x2  }
0x156: {  	s19 =	sadd.s32 $0xD00, s10  }
0x157: {  	v4 =	vmov s19  }
0x158: {  	[tilespmem:s3+$0x870] =	vst.add.f32.msk $0xffff, v5  }
0x159: {  	[tilespmem:s18+$0x70] =	vst.add.f32.msk $0xffff, v5  }
0x15a: {  	[tilespmem:s6+$0x870] =	vst.add.f32.msk $0xffff, v5  }
0x15b: {  	[tilespmem:s21+$0x70] =	vst.add.f32.msk $0xffff, v5  }
0x15c: {  	v5 =	vld.idx.msk [tilespmem:v4+s0+$0x0 ss:$0x1], $0xffff;
	_ =	sdelay $0x3  }
0x15d: {  	s30 =	sadd.s32 $0xE500, s12  }
0x15e: {  	s19 =	sadd.s32 $0x0, s30;
	[tilespmem:s3+$0xC00] =	vst.add.f32.msk $0xffff, v5  }
0x15f: {  	s31 =	sadd.s32 $0xCD00, s9;
	[tilespmem:s19+$0x0] =	vst.add.f32.msk $0xffff, v5  }
0x160: {  	s9 =	sadd.s32 $0x0, s31;
	[tilespmem:s6+$0xC00] =	vst.add.f32.msk $0xffff, v5  }
0x161: {  	[tilespmem:s9+$0x0] =	vst.add.f32.msk $0xffff, v5  }
0x162: {  	v5 =	vld.idx.msk [tilespmem:v4+s0+$0x10 ss:$0x1], $0xffff;
	_ =	sdelay $0x4  }
0x163: {  	[tilespmem:s3+$0xC10] =	vst.add.f32.msk $0xffff, v5  }
0x164: {  	[tilespmem:s19+$0x10] =	vst.add.f32.msk $0xffff, v5  }
0x165: {  	[tilespmem:s6+$0xC10] =	vst.add.f32.msk $0xffff, v5  }
0x166: {  	[tilespmem:s9+$0x10] =	vst.add.f32.msk $0xffff, v5  }
0x167: {  	v5 =	vld.idx.msk [tilespmem:v4+s0+$0x20 ss:$0x1], $0xffff;
	_ =	sdelay $0x4  }
0x168: {  	[tilespmem:s3+$0xC20] =	vst.add.f32.msk $0xffff, v5  }
0x169: {  	[tilespmem:s19+$0x20] =	vst.add.f32.msk $0xffff, v5  }
0x16a: {  	[tilespmem:s6+$0xC20] =	vst.add.f32.msk $0xffff, v5  }
0x16b: {  	[tilespmem:s9+$0x20] =	vst.add.f32.msk $0xffff, v5  }
0x16c: {  	v5 =	vld.idx.msk [tilespmem:v4+s0+$0x30 ss:$0x1], $0xffff;
	_ =	sdelay $0x4  }
0x16d: {  	[tilespmem:s3+$0xC30] =	vst.add.f32.msk $0xffff, v5  }
0x16e: {  	[tilespmem:s19+$0x30] =	vst.add.f32.msk $0xffff, v5  }
0x16f: {  	[tilespmem:s6+$0xC30] =	vst.add.f32.msk $0xffff, v5  }
0x170: {  	[tilespmem:s9+$0x30] =	vst.add.f32.msk $0xffff, v5  }
0x171: {  	v5 =	vld.idx.msk [tilespmem:v4+s0+$0x40 ss:$0x1], $0xffff;
	_ =	sdelay $0x4  }
0x172: {  	[tilespmem:s3+$0xC40] =	vst.add.f32.msk $0xffff, v5  }
0x173: {  	[tilespmem:s19+$0x40] =	vst.add.f32.msk $0xffff, v5  }
0x174: {  	[tilespmem:s6+$0xC40] =	vst.add.f32.msk $0xffff, v5  }
0x175: {  	[tilespmem:s9+$0x40] =	vst.add.f32.msk $0xffff, v5  }
0x176: {  	v5 =	vld.idx.msk [tilespmem:v4+s0+$0x50 ss:$0x1], $0xffff;
	_ =	sdelay $0x4  }
0x177: {  	[tilespmem:s3+$0xC50] =	vst.add.f32.msk $0xffff, v5  }
0x178: {  	[tilespmem:s19+$0x50] =	vst.add.f32.msk $0xffff, v5  }
0x179: {  	[tilespmem:s6+$0xC50] =	vst.add.f32.msk $0xffff, v5  }
0x17a: {  	[tilespmem:s9+$0x50] =	vst.add.f32.msk $0xffff, v5  }
0x17b: {  	v5 =	vld.idx.msk [tilespmem:v4+s0+$0x60 ss:$0x1], $0xffff;
	_ =	sdelay $0x4  }
0x17c: {  	[tilespmem:s3+$0xC60] =	vst.add.f32.msk $0xffff, v5  }
0x17d: {  	[tilespmem:s19+$0x60] =	vst.add.f32.msk $0xffff, v5  }
0x17e: {  	[tilespmem:s6+$0xC60] =	vst.add.f32.msk $0xffff, v5  }
0x17f: {  	[tilespmem:s9+$0x60] =	vst.add.f32.msk $0xffff, v5  }
0x180: {  	v6 =	vld.idx.msk [tilespmem:v4+s0+$0x70 ss:$0x1], $0xffff;
	_ =	sdelay $0x2  }
0x181: {  	s21 =	sadd.s32 $0x1100, s10  }
0x182: {  	v5 =	vmov s21  }
0x183: {  	[tilespmem:s3+$0xC70] =	vst.add.f32.msk $0xffff, v6  }
0x184: {  	[tilespmem:s19+$0x70] =	vst.add.f32.msk $0xffff, v6  }
0x185: {  	[tilespmem:s6+$0xC70] =	vst.add.f32.msk $0xffff, v6  }
0x186: {  	[tilespmem:s9+$0x70] =	vst.add.f32.msk $0xffff, v6  }
0x187: {  	v6 =	vld.idx.msk [tilespmem:v5+s0+$0x0 ss:$0x1], $0xffff;
	_ =	sdelay $0x3  }
0x188: {  	s9 =	sadd.s32 $0xE900, s12  }
0x189: {  	s6 =	sadd.s32 $0xD100, s16;
	s19 =	sadd.s32 $0x0, s9;
	[tilespmem:s3+$0x1000] =	vst.add.f32.msk $0xffff, v6  }
0x18a: {  	s21 =	sadd.s32 $0x0, s6;
	[tilespmem:s19+$0x0] =	vst.add.f32.msk $0xffff, v6  }
0x18b: {  	[tilespmem:s21+$0x0] =	vst.add.f32.msk $0xffff, v6  }
0x18c: {  	[tilespmem:s13+$0x1000] =	vst.add.f32.msk $0xffff, v6  }
0x18d: {  	v6 =	vld.idx.msk [tilespmem:v5+s0+$0x10 ss:$0x1], $0xffff;
	_ =	sdelay $0x4  }
0x18e: {  	[tilespmem:s3+$0x1010] =	vst.add.f32.msk $0xffff, v6  }
0x18f: {  	[tilespmem:s19+$0x10] =	vst.add.f32.msk $0xffff, v6  }
0x190: {  	[tilespmem:s21+$0x10] =	vst.add.f32.msk $0xffff, v6  }
0x191: {  	[tilespmem:s13+$0x1010] =	vst.add.f32.msk $0xffff, v6  }
0x192: {  	v6 =	vld.idx.msk [tilespmem:v5+s0+$0x20 ss:$0x1], $0xffff;
	_ =	sdelay $0x4  }
0x193: {  	[tilespmem:s3+$0x1020] =	vst.add.f32.msk $0xffff, v6  }
0x194: {  	[tilespmem:s19+$0x20] =	vst.add.f32.msk $0xffff, v6  }
0x195: {  	[tilespmem:s21+$0x20] =	vst.add.f32.msk $0xffff, v6  }
0x196: {  	[tilespmem:s13+$0x1020] =	vst.add.f32.msk $0xffff, v6  }
0x197: {  	v6 =	vld.idx.msk [tilespmem:v5+s0+$0x30 ss:$0x1], $0xffff;
	_ =	sdelay $0x4  }
0x198: {  	[tilespmem:s3+$0x1030] =	vst.add.f32.msk $0xffff, v6  }
0x199: {  	[tilespmem:s19+$0x30] =	vst.add.f32.msk $0xffff, v6  }
0x19a: {  	[tilespmem:s21+$0x30] =	vst.add.f32.msk $0xffff, v6  }
0x19b: {  	[tilespmem:s13+$0x1030] =	vst.add.f32.msk $0xffff, v6  }
0x19c: {  	v6 =	vld.idx.msk [tilespmem:v5+s0+$0x40 ss:$0x1], $0xffff;
	_ =	sdelay $0x4  }
0x19d: {  	[tilespmem:s3+$0x1040] =	vst.add.f32.msk $0xffff, v6  }
0x19e: {  	[tilespmem:s19+$0x40] =	vst.add.f32.msk $0xffff, v6  }
0x19f: {  	[tilespmem:s21+$0x40] =	vst.add.f32.msk $0xffff, v6  }
0x1a0: {  	[tilespmem:s13+$0x1040] =	vst.add.f32.msk $0xffff, v6  }
0x1a1: {  	v6 =	vld.idx.msk [tilespmem:v5+s0+$0x50 ss:$0x1], $0xffff;
	_ =	sdelay $0x4  }
0x1a2: {  	[tilespmem:s3+$0x1050] =	vst.add.f32.msk $0xffff, v6  }
0x1a3: {  	[tilespmem:s19+$0x50] =	vst.add.f32.msk $0xffff, v6  }
0x1a4: {  	[tilespmem:s21+$0x50] =	vst.add.f32.msk $0xffff, v6  }
0x1a5: {  	[tilespmem:s13+$0x1050] =	vst.add.f32.msk $0xffff, v6  }
0x1a6: {  	v6 =	vld.idx.msk [tilespmem:v5+s0+$0x60 ss:$0x1], $0xffff;
	_ =	sdelay $0x4  }
0x1a7: {  	[tilespmem:s3+$0x1060] =	vst.add.f32.msk $0xffff, v6  }
0x1a8: {  	[tilespmem:s19+$0x60] =	vst.add.f32.msk $0xffff, v6  }
0x1a9: {  	[tilespmem:s21+$0x60] =	vst.add.f32.msk $0xffff, v6  }
0x1aa: {  	[tilespmem:s13+$0x1060] =	vst.add.f32.msk $0xffff, v6  }
0x1ab: {  	v7 =	vld.idx.msk [tilespmem:v5+s0+$0x70 ss:$0x1], $0xffff;
	_ =	sdelay $0x2  }
0x1ac: {  	s10 =	sadd.s32 $0x1500, s10  }
0x1ad: {  	v6 =	vmov s10  }
0x1ae: {  	[tilespmem:s3+$0x1070] =	vst.add.f32.msk $0xffff, v7  }
0x1af: {  	[tilespmem:s19+$0x70] =	vst.add.f32.msk $0xffff, v7  }
0x1b0: {  	[tilespmem:s21+$0x70] =	vst.add.f32.msk $0xffff, v7  }
0x1b1: {  	[tilespmem:s13+$0x1070] =	vst.add.f32.msk $0xffff, v7  }
0x1b2: {  	v7 =	vld.idx.msk [tilespmem:v6+s0+$0x0 ss:$0x1], $0xffff;
	_ =	sdelay $0x3  }
0x1b3: {  	s12 =	sadd.s32 $0xED00, s12  }
0x1b4: {  	s10 =	sadd.s32 $0xD500, s16;
	s19 =	sadd.s32 $0x0, s12;
	[tilespmem:s3+$0x1400] =	vst.add.f32.msk $0xffff, v7  }
0x1b5: {  	s21 =	sadd.s32 $0x0, s10;
	[tilespmem:s19+$0x0] =	vst.add.f32.msk $0xffff, v7  }
0x1b6: {  	[tilespmem:s21+$0x0] =	vst.add.f32.msk $0xffff, v7  }
0x1b7: {  	[tilespmem:s13+$0x1400] =	vst.add.f32.msk $0xffff, v7  }
0x1b8: {  	v7 =	vld.idx.msk [tilespmem:v6+s0+$0x10 ss:$0x1], $0xffff;
	_ =	sdelay $0x4  }
0x1b9: {  	[tilespmem:s3+$0x1410] =	vst.add.f32.msk $0xffff, v7  }
0x1ba: {  	[tilespmem:s19+$0x10] =	vst.add.f32.msk $0xffff, v7  }
0x1bb: {  	[tilespmem:s21+$0x10] =	vst.add.f32.msk $0xffff, v7  }
0x1bc: {  	[tilespmem:s13+$0x1410] =	vst.add.f32.msk $0xffff, v7  }
0x1bd: {  	v7 =	vld.idx.msk [tilespmem:v6+s0+$0x20 ss:$0x1], $0xffff;
	_ =	sdelay $0x4  }
0x1be: {  	[tilespmem:s3+$0x1420] =	vst.add.f32.msk $0xffff, v7  }
0x1bf: {  	[tilespmem:s19+$0x20] =	vst.add.f32.msk $0xffff, v7  }
0x1c0: {  	[tilespmem:s21+$0x20] =	vst.add.f32.msk $0xffff, v7  }
0x1c1: {  	[tilespmem:s13+$0x1420] =	vst.add.f32.msk $0xffff, v7  }
0x1c2: {  	v7 =	vld.idx.msk [tilespmem:v6+s0+$0x30 ss:$0x1], $0xffff;
	_ =	sdelay $0x4  }
0x1c3: {  	[tilespmem:s3+$0x1430] =	vst.add.f32.msk $0xffff, v7  }
0x1c4: {  	[tilespmem:s19+$0x30] =	vst.add.f32.msk $0xffff, v7  }
0x1c5: {  	[tilespmem:s21+$0x30] =	vst.add.f32.msk $0xffff, v7  }
0x1c6: {  	[tilespmem:s13+$0x1430] =	vst.add.f32.msk $0xffff, v7  }
0x1c7: {  	v7 =	vld.idx.msk [tilespmem:v6+s0+$0x40 ss:$0x1], $0xffff;
	_ =	sdelay $0x4  }
0x1c8: {  	[tilespmem:s3+$0x1440] =	vst.add.f32.msk $0xffff, v7  }
0x1c9: {  	[tilespmem:s19+$0x40] =	vst.add.f32.msk $0xffff, v7  }
0x1ca: {  	[tilespmem:s21+$0x40] =	vst.add.f32.msk $0xffff, v7  }
0x1cb: {  	[tilespmem:s13+$0x1440] =	vst.add.f32.msk $0xffff, v7  }
0x1cc: {  	v7 =	vld.idx.msk [tilespmem:v6+s0+$0x50 ss:$0x1], $0xffff;
	_ =	sdelay $0x4  }
0x1cd: {  	[tilespmem:s3+$0x1450] =	vst.add.f32.msk $0xffff, v7  }
0x1ce: {  	[tilespmem:s19+$0x50] =	vst.add.f32.msk $0xffff, v7  }
0x1cf: {  	[tilespmem:s21+$0x50] =	vst.add.f32.msk $0xffff, v7  }
0x1d0: {  	[tilespmem:s13+$0x1450] =	vst.add.f32.msk $0xffff, v7  }
0x1d1: {  	v7 =	vld.idx.msk [tilespmem:v6+s0+$0x60 ss:$0x1], $0xffff;
	_ =	sdelay $0x4  }
0x1d2: {  	[tilespmem:s3+$0x1460] =	vst.add.f32.msk $0xffff, v7  }
0x1d3: {  	[tilespmem:s19+$0x60] =	vst.add.f32.msk $0xffff, v7  }
0x1d4: {  	[tilespmem:s21+$0x60] =	vst.add.f32.msk $0xffff, v7  }
0x1d5: {  	[tilespmem:s13+$0x1460] =	vst.add.f32.msk $0xffff, v7  }
0x1d6: {  	v7 =	vld.idx.msk [tilespmem:v6+s0+$0x70 ss:$0x1], $0xffff;
	_ =	sdelay $0x4  }
0x1d7: {  	[tilespmem:s3+$0x1470] =	vst.add.f32.msk $0xffff, v7  }
0x1d8: {  	[tilespmem:s19+$0x70] =	vst.add.f32.msk $0xffff, v7  }
0x1d9: {  	s16 =	simm.s32 $0x1;
	s0 =	simm.s32 $0x2;
	[tilespmem:s21+$0x70] =	vst.add.f32.msk $0xffff, v7  }
.LBB2_3:
0x1da: {  	p0 =	sne.s32 s0, $0x7  }
0x1db: {  	s21 =	sshll.u32 s16, $0x7;
	[tilespmem:s13+$0x1470] =	vst.add.f32.msk $0xffff, v7;
	s16 =	smov.u32 s0;
	s0 =	sadd.s32 $0x1, s0  }
0x1dc: {  	v7 =	vld.idx.msk [tilespmem:v2+s21+$0x0 ss:$0x1], $0xffff;
	_ =	sdelay $0x4  }
0x1dd: {  	s3 =	sadd.s32 s21, s26  }
0x1de: {  	s18 =	sadd.s32 s21, s25;
	[tilespmem:s3+$0x0] =	vst.add.f32.msk $0xffff, v7  }
0x1df: {  	s17 =	sadd.s32 s21, s23;
	[tilespmem:s18+$0x0] =	vst.add.f32.msk $0xffff, v7  }
0x1e0: {  	s13 =	sadd.s32 s21, s24;
	[tilespmem:s17+$0x0] =	vst.add.f32.msk $0xffff, v7  }
0x1e1: {  	[tilespmem:s13+$0x0] =	vst.add.f32.msk $0xffff, v7  }
0x1e2: {  	v7 =	vld.idx.msk [tilespmem:v2+s21+$0x10 ss:$0x1], $0xffff;
	_ =	sdelay $0x5  }
0x1e3: {  	[tilespmem:s3+$0x10] =	vst.add.f32.msk $0xffff, v7  }
0x1e4: {  	[tilespmem:s18+$0x10] =	vst.add.f32.msk $0xffff, v7  }
0x1e5: {  	[tilespmem:s17+$0x10] =	vst.add.f32.msk $0xffff, v7  }
0x1e6: {  	[tilespmem:s13+$0x10] =	vst.add.f32.msk $0xffff, v7  }
0x1e7: {  	v7 =	vld.idx.msk [tilespmem:v2+s21+$0x20 ss:$0x1], $0xffff;
	_ =	sdelay $0x5  }
0x1e8: {  	[tilespmem:s3+$0x20] =	vst.add.f32.msk $0xffff, v7  }
0x1e9: {  	[tilespmem:s18+$0x20] =	vst.add.f32.msk $0xffff, v7  }
0x1ea: {  	[tilespmem:s17+$0x20] =	vst.add.f32.msk $0xffff, v7  }
0x1eb: {  	[tilespmem:s13+$0x20] =	vst.add.f32.msk $0xffff, v7  }
0x1ec: {  	v7 =	vld.idx.msk [tilespmem:v2+s21+$0x30 ss:$0x1], $0xffff;
	_ =	sdelay $0x5  }
0x1ed: {  	[tilespmem:s3+$0x30] =	vst.add.f32.msk $0xffff, v7  }
0x1ee: {  	[tilespmem:s18+$0x30] =	vst.add.f32.msk $0xffff, v7  }
0x1ef: {  	[tilespmem:s17+$0x30] =	vst.add.f32.msk $0xffff, v7  }
0x1f0: {  	[tilespmem:s13+$0x30] =	vst.add.f32.msk $0xffff, v7  }
0x1f1: {  	v7 =	vld.idx.msk [tilespmem:v2+s21+$0x40 ss:$0x1], $0xffff;
	_ =	sdelay $0x5  }
0x1f2: {  	[tilespmem:s3+$0x40] =	vst.add.f32.msk $0xffff, v7  }
0x1f3: {  	[tilespmem:s18+$0x40] =	vst.add.f32.msk $0xffff, v7  }
0x1f4: {  	[tilespmem:s17+$0x40] =	vst.add.f32.msk $0xffff, v7  }
0x1f5: {  	[tilespmem:s13+$0x40] =	vst.add.f32.msk $0xffff, v7  }
0x1f6: {  	v7 =	vld.idx.msk [tilespmem:v2+s21+$0x50 ss:$0x1], $0xffff;
	_ =	sdelay $0x5  }
0x1f7: {  	[tilespmem:s3+$0x50] =	vst.add.f32.msk $0xffff, v7  }
0x1f8: {  	[tilespmem:s18+$0x50] =	vst.add.f32.msk $0xffff, v7  }
0x1f9: {  	[tilespmem:s17+$0x50] =	vst.add.f32.msk $0xffff, v7  }
0x1fa: {  	[tilespmem:s13+$0x50] =	vst.add.f32.msk $0xffff, v7  }
0x1fb: {  	v7 =	vld.idx.msk [tilespmem:v2+s21+$0x60 ss:$0x1], $0xffff;
	_ =	sdelay $0x5  }
0x1fc: {  	[tilespmem:s3+$0x60] =	vst.add.f32.msk $0xffff, v7  }
0x1fd: {  	[tilespmem:s18+$0x60] =	vst.add.f32.msk $0xffff, v7  }
0x1fe: {  	[tilespmem:s17+$0x60] =	vst.add.f32.msk $0xffff, v7  }
0x1ff: {  	[tilespmem:s13+$0x60] =	vst.add.f32.msk $0xffff, v7  }
0x200: {  	v7 =	vld.idx.msk [tilespmem:v2+s21+$0x70 ss:$0x1], $0xffff;
	_ =	sdelay $0x5  }
0x201: {  	[tilespmem:s3+$0x70] =	vst.add.f32.msk $0xffff, v7  }
0x202: {  	[tilespmem:s18+$0x70] =	vst.add.f32.msk $0xffff, v7  }
0x203: {  	[tilespmem:s17+$0x70] =	vst.add.f32.msk $0xffff, v7  }
0x204: {  	[tilespmem:s13+$0x70] =	vst.add.f32.msk $0xffff, v7  }
0x205: {  	v7 =	vld.idx.msk [tilespmem:v2+s21+$0x400 ss:$0x1], $0xffff;
	_ =	sdelay $0x5  }
0x206: {  	[tilespmem:s3+$0x400] =	vst.add.f32.msk $0xffff, v7  }
0x207: {  	[tilespmem:s18+$0x400] =	vst.add.f32.msk $0xffff, v7  }
0x208: {  	[tilespmem:s17+$0x400] =	vst.add.f32.msk $0xffff, v7  }
0x209: {  	[tilespmem:s13+$0x400] =	vst.add.f32.msk $0xffff, v7  }
0x20a: {  	v7 =	vld.idx.msk [tilespmem:v2+s21+$0x410 ss:$0x1], $0xffff;
	_ =	sdelay $0x5  }
0x20b: {  	[tilespmem:s3+$0x410] =	vst.add.f32.msk $0xffff, v7  }
0x20c: {  	[tilespmem:s18+$0x410] =	vst.add.f32.msk $0xffff, v7  }
0x20d: {  	[tilespmem:s17+$0x410] =	vst.add.f32.msk $0xffff, v7  }
0x20e: {  	[tilespmem:s13+$0x410] =	vst.add.f32.msk $0xffff, v7  }
0x20f: {  	v7 =	vld.idx.msk [tilespmem:v2+s21+$0x420 ss:$0x1], $0xffff;
	_ =	sdelay $0x5  }
0x210: {  	[tilespmem:s3+$0x420] =	vst.add.f32.msk $0xffff, v7  }
0x211: {  	[tilespmem:s18+$0x420] =	vst.add.f32.msk $0xffff, v7  }
0x212: {  	[tilespmem:s17+$0x420] =	vst.add.f32.msk $0xffff, v7  }
0x213: {  	[tilespmem:s13+$0x420] =	vst.add.f32.msk $0xffff, v7  }
0x214: {  	v7 =	vld.idx.msk [tilespmem:v2+s21+$0x430 ss:$0x1], $0xffff;
	_ =	sdelay $0x5  }
0x215: {  	[tilespmem:s3+$0x430] =	vst.add.f32.msk $0xffff, v7  }
0x216: {  	[tilespmem:s18+$0x430] =	vst.add.f32.msk $0xffff, v7  }
0x217: {  	[tilespmem:s17+$0x430] =	vst.add.f32.msk $0xffff, v7  }
0x218: {  	[tilespmem:s13+$0x430] =	vst.add.f32.msk $0xffff, v7  }
0x219: {  	v7 =	vld.idx.msk [tilespmem:v2+s21+$0x440 ss:$0x1], $0xffff;
	_ =	sdelay $0x5  }
0x21a: {  	[tilespmem:s3+$0x440] =	vst.add.f32.msk $0xffff, v7  }
0x21b: {  	[tilespmem:s18+$0x440] =	vst.add.f32.msk $0xffff, v7  }
0x21c: {  	[tilespmem:s17+$0x440] =	vst.add.f32.msk $0xffff, v7  }
0x21d: {  	[tilespmem:s13+$0x440] =	vst.add.f32.msk $0xffff, v7  }
0x21e: {  	v7 =	vld.idx.msk [tilespmem:v2+s21+$0x450 ss:$0x1], $0xffff;
	_ =	sdelay $0x5  }
0x21f: {  	[tilespmem:s3+$0x450] =	vst.add.f32.msk $0xffff, v7  }
0x220: {  	[tilespmem:s18+$0x450] =	vst.add.f32.msk $0xffff, v7  }
0x221: {  	[tilespmem:s17+$0x450] =	vst.add.f32.msk $0xffff, v7  }
0x222: {  	[tilespmem:s13+$0x450] =	vst.add.f32.msk $0xffff, v7  }
0x223: {  	v7 =	vld.idx.msk [tilespmem:v2+s21+$0x460 ss:$0x1], $0xffff;
	_ =	sdelay $0x5  }
0x224: {  	[tilespmem:s3+$0x460] =	vst.add.f32.msk $0xffff, v7  }
0x225: {  	[tilespmem:s18+$0x460] =	vst.add.f32.msk $0xffff, v7  }
0x226: {  	[tilespmem:s17+$0x460] =	vst.add.f32.msk $0xffff, v7  }
0x227: {  	[tilespmem:s13+$0x460] =	vst.add.f32.msk $0xffff, v7  }
0x228: {  	v7 =	vld.idx.msk [tilespmem:v2+s21+$0x470 ss:$0x1], $0xffff;
	_ =	sdelay $0x5  }
0x229: {  	[tilespmem:s3+$0x470] =	vst.add.f32.msk $0xffff, v7  }
0x22a: {  	[tilespmem:s18+$0x470] =	vst.add.f32.msk $0xffff, v7  }
0x22b: {  	[tilespmem:s17+$0x470] =	vst.add.f32.msk $0xffff, v7  }
0x22c: {  	[tilespmem:s13+$0x470] =	vst.add.f32.msk $0xffff, v7  }
0x22d: {  	v7 =	vld.idx.msk [tilespmem:v3+s21+$0x0 ss:$0x1], $0xffff;
	_ =	sdelay $0x5  }
0x22e: {  	s18 =	sadd.s32 s21, s28;
	[tilespmem:s3+$0x800] =	vst.add.f32.msk $0xffff, v7  }
0x22f: {  	[tilespmem:s18+$0x0] =	vst.add.f32.msk $0xffff, v7  }
0x230: {  	s19 =	sadd.s32 s21, s29;
	[tilespmem:s17+$0x800] =	vst.add.f32.msk $0xffff, v7  }
0x231: {  	[tilespmem:s19+$0x0] =	vst.add.f32.msk $0xffff, v7  }
0x232: {  	v7 =	vld.idx.msk [tilespmem:v3+s21+$0x10 ss:$0x1], $0xffff;
	_ =	sdelay $0x5  }
0x233: {  	[tilespmem:s3+$0x810] =	vst.add.f32.msk $0xffff, v7  }
0x234: {  	[tilespmem:s18+$0x10] =	vst.add.f32.msk $0xffff, v7  }
0x235: {  	[tilespmem:s17+$0x810] =	vst.add.f32.msk $0xffff, v7  }
0x236: {  	[tilespmem:s19+$0x10] =	vst.add.f32.msk $0xffff, v7  }
0x237: {  	v7 =	vld.idx.msk [tilespmem:v3+s21+$0x20 ss:$0x1], $0xffff;
	_ =	sdelay $0x5  }
0x238: {  	[tilespmem:s3+$0x820] =	vst.add.f32.msk $0xffff, v7  }
0x239: {  	[tilespmem:s18+$0x20] =	vst.add.f32.msk $0xffff, v7  }
0x23a: {  	[tilespmem:s17+$0x820] =	vst.add.f32.msk $0xffff, v7  }
0x23b: {  	[tilespmem:s19+$0x20] =	vst.add.f32.msk $0xffff, v7  }
0x23c: {  	v7 =	vld.idx.msk [tilespmem:v3+s21+$0x30 ss:$0x1], $0xffff;
	_ =	sdelay $0x5  }
0x23d: {  	[tilespmem:s3+$0x830] =	vst.add.f32.msk $0xffff, v7  }
0x23e: {  	[tilespmem:s18+$0x30] =	vst.add.f32.msk $0xffff, v7  }
0x23f: {  	[tilespmem:s17+$0x830] =	vst.add.f32.msk $0xffff, v7  }
0x240: {  	[tilespmem:s19+$0x30] =	vst.add.f32.msk $0xffff, v7  }
0x241: {  	v7 =	vld.idx.msk [tilespmem:v3+s21+$0x40 ss:$0x1], $0xffff;
	_ =	sdelay $0x5  }
0x242: {  	[tilespmem:s3+$0x840] =	vst.add.f32.msk $0xffff, v7  }
0x243: {  	[tilespmem:s18+$0x40] =	vst.add.f32.msk $0xffff, v7  }
0x244: {  	[tilespmem:s17+$0x840] =	vst.add.f32.msk $0xffff, v7  }
0x245: {  	[tilespmem:s19+$0x40] =	vst.add.f32.msk $0xffff, v7  }
0x246: {  	v7 =	vld.idx.msk [tilespmem:v3+s21+$0x50 ss:$0x1], $0xffff;
	_ =	sdelay $0x5  }
0x247: {  	[tilespmem:s3+$0x850] =	vst.add.f32.msk $0xffff, v7  }
0x248: {  	[tilespmem:s18+$0x50] =	vst.add.f32.msk $0xffff, v7  }
0x249: {  	[tilespmem:s17+$0x850] =	vst.add.f32.msk $0xffff, v7  }
0x24a: {  	[tilespmem:s19+$0x50] =	vst.add.f32.msk $0xffff, v7  }
0x24b: {  	v7 =	vld.idx.msk [tilespmem:v3+s21+$0x60 ss:$0x1], $0xffff;
	_ =	sdelay $0x5  }
0x24c: {  	[tilespmem:s3+$0x860] =	vst.add.f32.msk $0xffff, v7  }
0x24d: {  	[tilespmem:s18+$0x60] =	vst.add.f32.msk $0xffff, v7  }
0x24e: {  	[tilespmem:s17+$0x860] =	vst.add.f32.msk $0xffff, v7  }
0x24f: {  	[tilespmem:s19+$0x60] =	vst.add.f32.msk $0xffff, v7  }
0x250: {  	v7 =	vld.idx.msk [tilespmem:v3+s21+$0x70 ss:$0x1], $0xffff;
	_ =	sdelay $0x5  }
0x251: {  	[tilespmem:s3+$0x870] =	vst.add.f32.msk $0xffff, v7  }
0x252: {  	[tilespmem:s18+$0x70] =	vst.add.f32.msk $0xffff, v7  }
0x253: {  	[tilespmem:s17+$0x870] =	vst.add.f32.msk $0xffff, v7  }
0x254: {  	[tilespmem:s19+$0x70] =	vst.add.f32.msk $0xffff, v7  }
0x255: {  	v7 =	vld.idx.msk [tilespmem:v4+s21+$0x0 ss:$0x1], $0xffff;
	_ =	sdelay $0x5  }
0x256: {  	s18 =	sadd.s32 s21, s30;
	[tilespmem:s3+$0xC00] =	vst.add.f32.msk $0xffff, v7  }
0x257: {  	[tilespmem:s18+$0x0] =	vst.add.f32.msk $0xffff, v7  }
0x258: {  	s19 =	sadd.s32 s21, s31;
	[tilespmem:s17+$0xC00] =	vst.add.f32.msk $0xffff, v7  }
0x259: {  	[tilespmem:s19+$0x0] =	vst.add.f32.msk $0xffff, v7  }
0x25a: {  	v7 =	vld.idx.msk [tilespmem:v4+s21+$0x10 ss:$0x1], $0xffff;
	_ =	sdelay $0x5  }
0x25b: {  	[tilespmem:s3+$0xC10] =	vst.add.f32.msk $0xffff, v7  }
0x25c: {  	[tilespmem:s18+$0x10] =	vst.add.f32.msk $0xffff, v7  }
0x25d: {  	[tilespmem:s17+$0xC10] =	vst.add.f32.msk $0xffff, v7  }
0x25e: {  	[tilespmem:s19+$0x10] =	vst.add.f32.msk $0xffff, v7  }
0x25f: {  	v7 =	vld.idx.msk [tilespmem:v4+s21+$0x20 ss:$0x1], $0xffff;
	_ =	sdelay $0x5  }
0x260: {  	[tilespmem:s3+$0xC20] =	vst.add.f32.msk $0xffff, v7  }
0x261: {  	[tilespmem:s18+$0x20] =	vst.add.f32.msk $0xffff, v7  }
0x262: {  	[tilespmem:s17+$0xC20] =	vst.add.f32.msk $0xffff, v7  }
0x263: {  	[tilespmem:s19+$0x20] =	vst.add.f32.msk $0xffff, v7  }
0x264: {  	v7 =	vld.idx.msk [tilespmem:v4+s21+$0x30 ss:$0x1], $0xffff;
	_ =	sdelay $0x5  }
0x265: {  	[tilespmem:s3+$0xC30] =	vst.add.f32.msk $0xffff, v7  }
0x266: {  	[tilespmem:s18+$0x30] =	vst.add.f32.msk $0xffff, v7  }
0x267: {  	[tilespmem:s17+$0xC30] =	vst.add.f32.msk $0xffff, v7  }
0x268: {  	[tilespmem:s19+$0x30] =	vst.add.f32.msk $0xffff, v7  }
0x269: {  	v7 =	vld.idx.msk [tilespmem:v4+s21+$0x40 ss:$0x1], $0xffff;
	_ =	sdelay $0x5  }
0x26a: {  	[tilespmem:s3+$0xC40] =	vst.add.f32.msk $0xffff, v7  }
0x26b: {  	[tilespmem:s18+$0x40] =	vst.add.f32.msk $0xffff, v7  }
0x26c: {  	[tilespmem:s17+$0xC40] =	vst.add.f32.msk $0xffff, v7  }
0x26d: {  	[tilespmem:s19+$0x40] =	vst.add.f32.msk $0xffff, v7  }
0x26e: {  	v7 =	vld.idx.msk [tilespmem:v4+s21+$0x50 ss:$0x1], $0xffff;
	_ =	sdelay $0x5  }
0x26f: {  	[tilespmem:s3+$0xC50] =	vst.add.f32.msk $0xffff, v7  }
0x270: {  	[tilespmem:s18+$0x50] =	vst.add.f32.msk $0xffff, v7  }
0x271: {  	[tilespmem:s17+$0xC50] =	vst.add.f32.msk $0xffff, v7  }
0x272: {  	[tilespmem:s19+$0x50] =	vst.add.f32.msk $0xffff, v7  }
0x273: {  	v7 =	vld.idx.msk [tilespmem:v4+s21+$0x60 ss:$0x1], $0xffff;
	_ =	sdelay $0x5  }
0x274: {  	[tilespmem:s3+$0xC60] =	vst.add.f32.msk $0xffff, v7  }
0x275: {  	[tilespmem:s18+$0x60] =	vst.add.f32.msk $0xffff, v7  }
0x276: {  	[tilespmem:s17+$0xC60] =	vst.add.f32.msk $0xffff, v7  }
0x277: {  	[tilespmem:s19+$0x60] =	vst.add.f32.msk $0xffff, v7  }
0x278: {  	v7 =	vld.idx.msk [tilespmem:v4+s21+$0x70 ss:$0x1], $0xffff;
	_ =	sdelay $0x5  }
0x279: {  	[tilespmem:s3+$0xC70] =	vst.add.f32.msk $0xffff, v7  }
0x27a: {  	[tilespmem:s18+$0x70] =	vst.add.f32.msk $0xffff, v7  }
0x27b: {  	[tilespmem:s17+$0xC70] =	vst.add.f32.msk $0xffff, v7  }
0x27c: {  	[tilespmem:s19+$0x70] =	vst.add.f32.msk $0xffff, v7  }
0x27d: {  	v7 =	vld.idx.msk [tilespmem:v5+s21+$0x0 ss:$0x1], $0xffff;
	_ =	sdelay $0x5  }
0x27e: {  	s17 =	sadd.s32 s21, s9;
	[tilespmem:s3+$0x1000] =	vst.add.f32.msk $0xffff, v7  }
0x27f: {  	s18 =	sadd.s32 s21, s6;
	[tilespmem:s17+$0x0] =	vst.add.f32.msk $0xffff, v7  }
0x280: {  	[tilespmem:s18+$0x0] =	vst.add.f32.msk $0xffff, v7  }
0x281: {  	[tilespmem:s13+$0x1000] =	vst.add.f32.msk $0xffff, v7  }
0x282: {  	v7 =	vld.idx.msk [tilespmem:v5+s21+$0x10 ss:$0x1], $0xffff;
	_ =	sdelay $0x5  }
0x283: {  	[tilespmem:s3+$0x1010] =	vst.add.f32.msk $0xffff, v7  }
0x284: {  	[tilespmem:s17+$0x10] =	vst.add.f32.msk $0xffff, v7  }
0x285: {  	[tilespmem:s18+$0x10] =	vst.add.f32.msk $0xffff, v7  }
0x286: {  	[tilespmem:s13+$0x1010] =	vst.add.f32.msk $0xffff, v7  }
0x287: {  	v7 =	vld.idx.msk [tilespmem:v5+s21+$0x20 ss:$0x1], $0xffff;
	_ =	sdelay $0x5  }
0x288: {  	[tilespmem:s3+$0x1020] =	vst.add.f32.msk $0xffff, v7  }
0x289: {  	[tilespmem:s17+$0x20] =	vst.add.f32.msk $0xffff, v7  }
0x28a: {  	[tilespmem:s18+$0x20] =	vst.add.f32.msk $0xffff, v7  }
0x28b: {  	[tilespmem:s13+$0x1020] =	vst.add.f32.msk $0xffff, v7  }
0x28c: {  	v7 =	vld.idx.msk [tilespmem:v5+s21+$0x30 ss:$0x1], $0xffff;
	_ =	sdelay $0x5  }
0x28d: {  	[tilespmem:s3+$0x1030] =	vst.add.f32.msk $0xffff, v7  }
0x28e: {  	[tilespmem:s17+$0x30] =	vst.add.f32.msk $0xffff, v7  }
0x28f: {  	[tilespmem:s18+$0x30] =	vst.add.f32.msk $0xffff, v7  }
0x290: {  	[tilespmem:s13+$0x1030] =	vst.add.f32.msk $0xffff, v7  }
0x291: {  	v7 =	vld.idx.msk [tilespmem:v5+s21+$0x40 ss:$0x1], $0xffff;
	_ =	sdelay $0x5  }
0x292: {  	[tilespmem:s3+$0x1040] =	vst.add.f32.msk $0xffff, v7  }
0x293: {  	[tilespmem:s17+$0x40] =	vst.add.f32.msk $0xffff, v7  }
0x294: {  	[tilespmem:s18+$0x40] =	vst.add.f32.msk $0xffff, v7  }
0x295: {  	[tilespmem:s13+$0x1040] =	vst.add.f32.msk $0xffff, v7  }
0x296: {  	v7 =	vld.idx.msk [tilespmem:v5+s21+$0x50 ss:$0x1], $0xffff;
	_ =	sdelay $0x5  }
0x297: {  	[tilespmem:s3+$0x1050] =	vst.add.f32.msk $0xffff, v7  }
0x298: {  	[tilespmem:s17+$0x50] =	vst.add.f32.msk $0xffff, v7  }
0x299: {  	[tilespmem:s18+$0x50] =	vst.add.f32.msk $0xffff, v7  }
0x29a: {  	[tilespmem:s13+$0x1050] =	vst.add.f32.msk $0xffff, v7  }
0x29b: {  	v7 =	vld.idx.msk [tilespmem:v5+s21+$0x60 ss:$0x1], $0xffff;
	_ =	sdelay $0x5  }
0x29c: {  	[tilespmem:s3+$0x1060] =	vst.add.f32.msk $0xffff, v7  }
0x29d: {  	[tilespmem:s17+$0x60] =	vst.add.f32.msk $0xffff, v7  }
0x29e: {  	[tilespmem:s18+$0x60] =	vst.add.f32.msk $0xffff, v7  }
0x29f: {  	[tilespmem:s13+$0x1060] =	vst.add.f32.msk $0xffff, v7  }
0x2a0: {  	v7 =	vld.idx.msk [tilespmem:v5+s21+$0x70 ss:$0x1], $0xffff;
	_ =	sdelay $0x5  }
0x2a1: {  	[tilespmem:s3+$0x1070] =	vst.add.f32.msk $0xffff, v7  }
0x2a2: {  	[tilespmem:s17+$0x70] =	vst.add.f32.msk $0xffff, v7  }
0x2a3: {  	[tilespmem:s18+$0x70] =	vst.add.f32.msk $0xffff, v7  }
0x2a4: {  	[tilespmem:s13+$0x1070] =	vst.add.f32.msk $0xffff, v7  }
0x2a5: {  	v7 =	vld.idx.msk [tilespmem:v6+s21+$0x0 ss:$0x1], $0xffff;
	_ =	sdelay $0x5  }
0x2a6: {  	s17 =	sadd.s32 s21, s12;
	[tilespmem:s3+$0x1400] =	vst.add.f32.msk $0xffff, v7  }
0x2a7: {  	s18 =	sadd.s32 s21, s10;
	[tilespmem:s17+$0x0] =	vst.add.f32.msk $0xffff, v7  }
0x2a8: {  	[tilespmem:s18+$0x0] =	vst.add.f32.msk $0xffff, v7  }
0x2a9: {  	[tilespmem:s13+$0x1400] =	vst.add.f32.msk $0xffff, v7  }
0x2aa: {  	v7 =	vld.idx.msk [tilespmem:v6+s21+$0x10 ss:$0x1], $0xffff;
	_ =	sdelay $0x5  }
0x2ab: {  	[tilespmem:s3+$0x1410] =	vst.add.f32.msk $0xffff, v7  }
0x2ac: {  	[tilespmem:s17+$0x10] =	vst.add.f32.msk $0xffff, v7  }
0x2ad: {  	[tilespmem:s18+$0x10] =	vst.add.f32.msk $0xffff, v7  }
0x2ae: {  	[tilespmem:s13+$0x1410] =	vst.add.f32.msk $0xffff, v7  }
0x2af: {  	v7 =	vld.idx.msk [tilespmem:v6+s21+$0x20 ss:$0x1], $0xffff;
	_ =	sdelay $0x5  }
0x2b0: {  	[tilespmem:s3+$0x1420] =	vst.add.f32.msk $0xffff, v7  }
0x2b1: {  	[tilespmem:s17+$0x20] =	vst.add.f32.msk $0xffff, v7  }
0x2b2: {  	[tilespmem:s18+$0x20] =	vst.add.f32.msk $0xffff, v7  }
0x2b3: {  	[tilespmem:s13+$0x1420] =	vst.add.f32.msk $0xffff, v7  }
0x2b4: {  	v7 =	vld.idx.msk [tilespmem:v6+s21+$0x30 ss:$0x1], $0xffff;
	_ =	sdelay $0x5  }
0x2b5: {  	[tilespmem:s3+$0x1430] =	vst.add.f32.msk $0xffff, v7  }
0x2b6: {  	[tilespmem:s17+$0x30] =	vst.add.f32.msk $0xffff, v7  }
0x2b7: {  	[tilespmem:s18+$0x30] =	vst.add.f32.msk $0xffff, v7  }
0x2b8: {  	[tilespmem:s13+$0x1430] =	vst.add.f32.msk $0xffff, v7  }
0x2b9: {  	v7 =	vld.idx.msk [tilespmem:v6+s21+$0x40 ss:$0x1], $0xffff;
	_ =	sdelay $0x5  }
0x2ba: {  	[tilespmem:s3+$0x1440] =	vst.add.f32.msk $0xffff, v7  }
0x2bb: {  	[tilespmem:s17+$0x40] =	vst.add.f32.msk $0xffff, v7  }
0x2bc: {  	[tilespmem:s18+$0x40] =	vst.add.f32.msk $0xffff, v7  }
0x2bd: {  	[tilespmem:s13+$0x1440] =	vst.add.f32.msk $0xffff, v7  }
0x2be: {  	v7 =	vld.idx.msk [tilespmem:v6+s21+$0x50 ss:$0x1], $0xffff;
	_ =	sdelay $0x5  }
0x2bf: {  	[tilespmem:s3+$0x1450] =	vst.add.f32.msk $0xffff, v7  }
0x2c0: {  	[tilespmem:s17+$0x50] =	vst.add.f32.msk $0xffff, v7  }
0x2c1: {  	[tilespmem:s18+$0x50] =	vst.add.f32.msk $0xffff, v7  }
0x2c2: {  	[tilespmem:s13+$0x1450] =	vst.add.f32.msk $0xffff, v7  }
0x2c3: {  	v7 =	vld.idx.msk [tilespmem:v6+s21+$0x60 ss:$0x1], $0xffff;
	_ =	sdelay $0x5  }
0x2c4: {  	[tilespmem:s3+$0x1460] =	vst.add.f32.msk $0xffff, v7  }
0x2c5: {  	[tilespmem:s17+$0x60] =	vst.add.f32.msk $0xffff, v7  }
0x2c6: {  	[tilespmem:s18+$0x60] =	vst.add.f32.msk $0xffff, v7  }
0x2c7: {  	[tilespmem:s13+$0x1460] =	vst.add.f32.msk $0xffff, v7  }
0x2c8: {  	v7 =	vld.idx.msk [tilespmem:v6+s21+$0x70 ss:$0x1], $0xffff;
	_ =	sdelay $0x3  }
.Ltmp4:
0x2c9: {  	(pc) =	sbr.rel @p0 .LBB2_3-.Ltmp4, $4  }
0x2ca: {  	_ = 	snop  }
0x2cb: {  	[tilespmem:s3+$0x1470] =	vst.add.f32.msk $0xffff, v7  }
0x2cc: {  	[tilespmem:s17+$0x70] =	vst.add.f32.msk $0xffff, v7  }
0x2cd: {  	[tilespmem:s18+$0x70] =	vst.add.f32.msk $0xffff, v7  }
0x2ce: {  	_ =	sdelay $0x2  }
0x2cf: {  	s0 =	sshll.u32 s16, $0x7;
	[tilespmem:s13+$0x1470] =	vst.add.f32.msk $0xffff, v7  }
0x2d0: {  	v7 =	vld.idx.msk [tilespmem:v2+s0+$0x0 ss:$0x1], $0xffff;
	_ =	sdelay $0x3  }
0x2d1: {  	s3 =	sadd.s32 s0, s26  }
0x2d2: {  	s17 =	sadd.s32 s0, s25;
	[tilespmem:s3+$0x0] =	vst.add.f32.msk $0xffff, v7  }
0x2d3: {  	s16 =	sadd.s32 s0, s23;
	[tilespmem:s17+$0x0] =	vst.add.f32.msk $0xffff, v7  }
0x2d4: {  	s19 =	sadd.s32 s0, s24;
	[tilespmem:s16+$0x0] =	vst.add.f32.msk $0xffff, v7  }
0x2d5: {  	[tilespmem:s19+$0x0] =	vst.add.f32.msk $0xffff, v7  }
0x2d6: {  	v7 =	vld.idx.msk [tilespmem:v2+s0+$0x10 ss:$0x1], $0xffff;
	_ =	sdelay $0x4  }
0x2d7: {  	[tilespmem:s3+$0x10] =	vst.add.f32.msk $0xffff, v7  }
0x2d8: {  	[tilespmem:s17+$0x10] =	vst.add.f32.msk $0xffff, v7  }
0x2d9: {  	[tilespmem:s16+$0x10] =	vst.add.f32.msk $0xffff, v7  }
0x2da: {  	[tilespmem:s19+$0x10] =	vst.add.f32.msk $0xffff, v7  }
0x2db: {  	v7 =	vld.idx.msk [tilespmem:v2+s0+$0x20 ss:$0x1], $0xffff;
	_ =	sdelay $0x4  }
0x2dc: {  	[tilespmem:s3+$0x20] =	vst.add.f32.msk $0xffff, v7  }
0x2dd: {  	[tilespmem:s17+$0x20] =	vst.add.f32.msk $0xffff, v7  }
0x2de: {  	[tilespmem:s16+$0x20] =	vst.add.f32.msk $0xffff, v7  }
0x2df: {  	[tilespmem:s19+$0x20] =	vst.add.f32.msk $0xffff, v7  }
0x2e0: {  	v7 =	vld.idx.msk [tilespmem:v2+s0+$0x30 ss:$0x1], $0xffff;
	_ =	sdelay $0x4  }
0x2e1: {  	[tilespmem:s3+$0x30] =	vst.add.f32.msk $0xffff, v7  }
0x2e2: {  	[tilespmem:s17+$0x30] =	vst.add.f32.msk $0xffff, v7  }
0x2e3: {  	[tilespmem:s16+$0x30] =	vst.add.f32.msk $0xffff, v7  }
0x2e4: {  	[tilespmem:s19+$0x30] =	vst.add.f32.msk $0xffff, v7  }
0x2e5: {  	v7 =	vld.idx.msk [tilespmem:v2+s0+$0x40 ss:$0x1], $0xffff;
	_ =	sdelay $0x4  }
0x2e6: {  	[tilespmem:s3+$0x40] =	vst.add.f32.msk $0xffff, v7  }
0x2e7: {  	[tilespmem:s17+$0x40] =	vst.add.f32.msk $0xffff, v7  }
0x2e8: {  	[tilespmem:s16+$0x40] =	vst.add.f32.msk $0xffff, v7  }
0x2e9: {  	[tilespmem:s19+$0x40] =	vst.add.f32.msk $0xffff, v7  }
0x2ea: {  	v7 =	vld.idx.msk [tilespmem:v2+s0+$0x50 ss:$0x1], $0xffff;
	_ =	sdelay $0x4  }
0x2eb: {  	[tilespmem:s3+$0x50] =	vst.add.f32.msk $0xffff, v7  }
0x2ec: {  	[tilespmem:s17+$0x50] =	vst.add.f32.msk $0xffff, v7  }
0x2ed: {  	[tilespmem:s16+$0x50] =	vst.add.f32.msk $0xffff, v7  }
0x2ee: {  	[tilespmem:s19+$0x50] =	vst.add.f32.msk $0xffff, v7  }
0x2ef: {  	v7 =	vld.idx.msk [tilespmem:v2+s0+$0x60 ss:$0x1], $0xffff;
	_ =	sdelay $0x4  }
0x2f0: {  	[tilespmem:s3+$0x60] =	vst.add.f32.msk $0xffff, v7  }
0x2f1: {  	[tilespmem:s17+$0x60] =	vst.add.f32.msk $0xffff, v7  }
0x2f2: {  	[tilespmem:s16+$0x60] =	vst.add.f32.msk $0xffff, v7  }
0x2f3: {  	[tilespmem:s19+$0x60] =	vst.add.f32.msk $0xffff, v7  }
0x2f4: {  	v7 =	vld.idx.msk [tilespmem:v2+s0+$0x70 ss:$0x1], $0xffff;
	_ =	sdelay $0x4  }
0x2f5: {  	[tilespmem:s3+$0x70] =	vst.add.f32.msk $0xffff, v7  }
0x2f6: {  	[tilespmem:s17+$0x70] =	vst.add.f32.msk $0xffff, v7  }
0x2f7: {  	[tilespmem:s16+$0x70] =	vst.add.f32.msk $0xffff, v7  }
0x2f8: {  	[tilespmem:s19+$0x70] =	vst.add.f32.msk $0xffff, v7  }
0x2f9: {  	v7 =	vld.idx.msk [tilespmem:v2+s0+$0x400 ss:$0x1], $0xffff;
	_ =	sdelay $0x4  }
0x2fa: {  	[tilespmem:s3+$0x400] =	vst.add.f32.msk $0xffff, v7  }
0x2fb: {  	[tilespmem:s17+$0x400] =	vst.add.f32.msk $0xffff, v7  }
0x2fc: {  	[tilespmem:s16+$0x400] =	vst.add.f32.msk $0xffff, v7  }
0x2fd: {  	[tilespmem:s19+$0x400] =	vst.add.f32.msk $0xffff, v7  }
0x2fe: {  	v7 =	vld.idx.msk [tilespmem:v2+s0+$0x410 ss:$0x1], $0xffff;
	_ =	sdelay $0x4  }
0x2ff: {  	[tilespmem:s3+$0x410] =	vst.add.f32.msk $0xffff, v7  }
0x300: {  	[tilespmem:s17+$0x410] =	vst.add.f32.msk $0xffff, v7  }
0x301: {  	[tilespmem:s16+$0x410] =	vst.add.f32.msk $0xffff, v7  }
0x302: {  	[tilespmem:s19+$0x410] =	vst.add.f32.msk $0xffff, v7  }
0x303: {  	v7 =	vld.idx.msk [tilespmem:v2+s0+$0x420 ss:$0x1], $0xffff;
	_ =	sdelay $0x4  }
0x304: {  	[tilespmem:s3+$0x420] =	vst.add.f32.msk $0xffff, v7  }
0x305: {  	[tilespmem:s17+$0x420] =	vst.add.f32.msk $0xffff, v7  }
0x306: {  	[tilespmem:s16+$0x420] =	vst.add.f32.msk $0xffff, v7  }
0x307: {  	[tilespmem:s19+$0x420] =	vst.add.f32.msk $0xffff, v7  }
0x308: {  	v7 =	vld.idx.msk [tilespmem:v2+s0+$0x430 ss:$0x1], $0xffff;
	_ =	sdelay $0x4  }
0x309: {  	[tilespmem:s3+$0x430] =	vst.add.f32.msk $0xffff, v7  }
0x30a: {  	[tilespmem:s17+$0x430] =	vst.add.f32.msk $0xffff, v7  }
0x30b: {  	[tilespmem:s16+$0x430] =	vst.add.f32.msk $0xffff, v7  }
0x30c: {  	[tilespmem:s19+$0x430] =	vst.add.f32.msk $0xffff, v7  }
0x30d: {  	v7 =	vld.idx.msk [tilespmem:v2+s0+$0x440 ss:$0x1], $0xffff;
	_ =	sdelay $0x4  }
0x30e: {  	[tilespmem:s3+$0x440] =	vst.add.f32.msk $0xffff, v7  }
0x30f: {  	[tilespmem:s17+$0x440] =	vst.add.f32.msk $0xffff, v7  }
0x310: {  	[tilespmem:s16+$0x440] =	vst.add.f32.msk $0xffff, v7  }
0x311: {  	[tilespmem:s19+$0x440] =	vst.add.f32.msk $0xffff, v7  }
0x312: {  	v7 =	vld.idx.msk [tilespmem:v2+s0+$0x450 ss:$0x1], $0xffff;
	_ =	sdelay $0x4  }
0x313: {  	[tilespmem:s3+$0x450] =	vst.add.f32.msk $0xffff, v7  }
0x314: {  	[tilespmem:s17+$0x450] =	vst.add.f32.msk $0xffff, v7  }
0x315: {  	[tilespmem:s16+$0x450] =	vst.add.f32.msk $0xffff, v7  }
0x316: {  	[tilespmem:s19+$0x450] =	vst.add.f32.msk $0xffff, v7  }
0x317: {  	v7 =	vld.idx.msk [tilespmem:v2+s0+$0x460 ss:$0x1], $0xffff;
	_ =	sdelay $0x4  }
0x318: {  	[tilespmem:s3+$0x460] =	vst.add.f32.msk $0xffff, v7  }
0x319: {  	[tilespmem:s17+$0x460] =	vst.add.f32.msk $0xffff, v7  }
0x31a: {  	[tilespmem:s16+$0x460] =	vst.add.f32.msk $0xffff, v7  }
0x31b: {  	[tilespmem:s19+$0x460] =	vst.add.f32.msk $0xffff, v7  }
0x31c: {  	v2 =	vld.idx.msk [tilespmem:v2+s0+$0x470 ss:$0x1], $0xffff;
	_ =	sdelay $0x4  }
0x31d: {  	[tilespmem:s3+$0x470] =	vst.add.f32.msk $0xffff, v2  }
0x31e: {  	[tilespmem:s17+$0x470] =	vst.add.f32.msk $0xffff, v2  }
0x31f: {  	[tilespmem:s16+$0x470] =	vst.add.f32.msk $0xffff, v2  }
0x320: {  	[tilespmem:s19+$0x470] =	vst.add.f32.msk $0xffff, v2  }
0x321: {  	v2 =	vld.idx.msk [tilespmem:v3+s0+$0x0 ss:$0x1], $0xffff;
	_ =	sdelay $0x4  }
0x322: {  	s21 =	sadd.s32 s0, s28;
	[tilespmem:s3+$0x800] =	vst.add.f32.msk $0xffff, v2  }
0x323: {  	[tilespmem:s21+$0x0] =	vst.add.f32.msk $0xffff, v2  }
0x324: {  	s18 =	sadd.s32 s0, s29;
	[tilespmem:s16+$0x800] =	vst.add.f32.msk $0xffff, v2  }
0x325: {  	[tilespmem:s18+$0x0] =	vst.add.f32.msk $0xffff, v2  }
0x326: {  	v2 =	vld.idx.msk [tilespmem:v3+s0+$0x10 ss:$0x1], $0xffff;
	_ =	sdelay $0x4  }
0x327: {  	[tilespmem:s3+$0x810] =	vst.add.f32.msk $0xffff, v2  }
0x328: {  	[tilespmem:s21+$0x10] =	vst.add.f32.msk $0xffff, v2  }
0x329: {  	[tilespmem:s16+$0x810] =	vst.add.f32.msk $0xffff, v2  }
0x32a: {  	[tilespmem:s18+$0x10] =	vst.add.f32.msk $0xffff, v2  }
0x32b: {  	v2 =	vld.idx.msk [tilespmem:v3+s0+$0x20 ss:$0x1], $0xffff;
	_ =	sdelay $0x4  }
0x32c: {  	[tilespmem:s3+$0x820] =	vst.add.f32.msk $0xffff, v2  }
0x32d: {  	[tilespmem:s21+$0x20] =	vst.add.f32.msk $0xffff, v2  }
0x32e: {  	[tilespmem:s16+$0x820] =	vst.add.f32.msk $0xffff, v2  }
0x32f: {  	[tilespmem:s18+$0x20] =	vst.add.f32.msk $0xffff, v2  }
0x330: {  	v2 =	vld.idx.msk [tilespmem:v3+s0+$0x30 ss:$0x1], $0xffff;
	_ =	sdelay $0x4  }
0x331: {  	[tilespmem:s3+$0x830] =	vst.add.f32.msk $0xffff, v2  }
0x332: {  	[tilespmem:s21+$0x30] =	vst.add.f32.msk $0xffff, v2  }
0x333: {  	[tilespmem:s16+$0x830] =	vst.add.f32.msk $0xffff, v2  }
0x334: {  	[tilespmem:s18+$0x30] =	vst.add.f32.msk $0xffff, v2  }
0x335: {  	v2 =	vld.idx.msk [tilespmem:v3+s0+$0x40 ss:$0x1], $0xffff;
	_ =	sdelay $0x4  }
0x336: {  	[tilespmem:s3+$0x840] =	vst.add.f32.msk $0xffff, v2  }
0x337: {  	[tilespmem:s21+$0x40] =	vst.add.f32.msk $0xffff, v2  }
0x338: {  	[tilespmem:s16+$0x840] =	vst.add.f32.msk $0xffff, v2  }
0x339: {  	[tilespmem:s18+$0x40] =	vst.add.f32.msk $0xffff, v2  }
0x33a: {  	v2 =	vld.idx.msk [tilespmem:v3+s0+$0x50 ss:$0x1], $0xffff;
	_ =	sdelay $0x4  }
0x33b: {  	[tilespmem:s3+$0x850] =	vst.add.f32.msk $0xffff, v2  }
0x33c: {  	[tilespmem:s21+$0x50] =	vst.add.f32.msk $0xffff, v2  }
0x33d: {  	[tilespmem:s16+$0x850] =	vst.add.f32.msk $0xffff, v2  }
0x33e: {  	[tilespmem:s18+$0x50] =	vst.add.f32.msk $0xffff, v2  }
0x33f: {  	v2 =	vld.idx.msk [tilespmem:v3+s0+$0x60 ss:$0x1], $0xffff;
	_ =	sdelay $0x4  }
0x340: {  	[tilespmem:s3+$0x860] =	vst.add.f32.msk $0xffff, v2  }
0x341: {  	[tilespmem:s21+$0x60] =	vst.add.f32.msk $0xffff, v2  }
0x342: {  	[tilespmem:s16+$0x860] =	vst.add.f32.msk $0xffff, v2  }
0x343: {  	[tilespmem:s18+$0x60] =	vst.add.f32.msk $0xffff, v2  }
0x344: {  	v2 =	vld.idx.msk [tilespmem:v3+s0+$0x70 ss:$0x1], $0xffff;
	_ =	sdelay $0x4  }
0x345: {  	[tilespmem:s3+$0x870] =	vst.add.f32.msk $0xffff, v2  }
0x346: {  	[tilespmem:s21+$0x70] =	vst.add.f32.msk $0xffff, v2  }
0x347: {  	[tilespmem:s16+$0x870] =	vst.add.f32.msk $0xffff, v2  }
0x348: {  	[tilespmem:s18+$0x70] =	vst.add.f32.msk $0xffff, v2  }
0x349: {  	v2 =	vld.idx.msk [tilespmem:v4+s0+$0x0 ss:$0x1], $0xffff;
	_ =	sdelay $0x4  }
0x34a: {  	s28 =	sadd.s32 s0, s30;
	[tilespmem:s3+$0xC00] =	vst.add.f32.msk $0xffff, v2  }
0x34b: {  	[tilespmem:s28+$0x0] =	vst.add.f32.msk $0xffff, v2  }
0x34c: {  	s29 =	sadd.s32 s0, s31;
	[tilespmem:s16+$0xC00] =	vst.add.f32.msk $0xffff, v2  }
0x34d: {  	[tilespmem:s29+$0x0] =	vst.add.f32.msk $0xffff, v2  }
0x34e: {  	v2 =	vld.idx.msk [tilespmem:v4+s0+$0x10 ss:$0x1], $0xffff;
	_ =	sdelay $0x4  }
0x34f: {  	[tilespmem:s3+$0xC10] =	vst.add.f32.msk $0xffff, v2  }
0x350: {  	[tilespmem:s28+$0x10] =	vst.add.f32.msk $0xffff, v2  }
0x351: {  	[tilespmem:s16+$0xC10] =	vst.add.f32.msk $0xffff, v2  }
0x352: {  	[tilespmem:s29+$0x10] =	vst.add.f32.msk $0xffff, v2  }
0x353: {  	v2 =	vld.idx.msk [tilespmem:v4+s0+$0x20 ss:$0x1], $0xffff;
	_ =	sdelay $0x4  }
0x354: {  	[tilespmem:s3+$0xC20] =	vst.add.f32.msk $0xffff, v2  }
0x355: {  	[tilespmem:s28+$0x20] =	vst.add.f32.msk $0xffff, v2  }
0x356: {  	[tilespmem:s16+$0xC20] =	vst.add.f32.msk $0xffff, v2  }
0x357: {  	[tilespmem:s29+$0x20] =	vst.add.f32.msk $0xffff, v2  }
0x358: {  	v2 =	vld.idx.msk [tilespmem:v4+s0+$0x30 ss:$0x1], $0xffff;
	_ =	sdelay $0x4  }
0x359: {  	[tilespmem:s3+$0xC30] =	vst.add.f32.msk $0xffff, v2  }
0x35a: {  	[tilespmem:s28+$0x30] =	vst.add.f32.msk $0xffff, v2  }
0x35b: {  	[tilespmem:s16+$0xC30] =	vst.add.f32.msk $0xffff, v2  }
0x35c: {  	[tilespmem:s29+$0x30] =	vst.add.f32.msk $0xffff, v2  }
0x35d: {  	v2 =	vld.idx.msk [tilespmem:v4+s0+$0x40 ss:$0x1], $0xffff;
	_ =	sdelay $0x4  }
0x35e: {  	[tilespmem:s3+$0xC40] =	vst.add.f32.msk $0xffff, v2  }
0x35f: {  	[tilespmem:s28+$0x40] =	vst.add.f32.msk $0xffff, v2  }
0x360: {  	[tilespmem:s16+$0xC40] =	vst.add.f32.msk $0xffff, v2  }
0x361: {  	[tilespmem:s29+$0x40] =	vst.add.f32.msk $0xffff, v2  }
0x362: {  	v2 =	vld.idx.msk [tilespmem:v4+s0+$0x50 ss:$0x1], $0xffff;
	_ =	sdelay $0x4  }
0x363: {  	[tilespmem:s3+$0xC50] =	vst.add.f32.msk $0xffff, v2  }
0x364: {  	[tilespmem:s28+$0x50] =	vst.add.f32.msk $0xffff, v2  }
0x365: {  	[tilespmem:s16+$0xC50] =	vst.add.f32.msk $0xffff, v2  }
0x366: {  	[tilespmem:s29+$0x50] =	vst.add.f32.msk $0xffff, v2  }
0x367: {  	v2 =	vld.idx.msk [tilespmem:v4+s0+$0x60 ss:$0x1], $0xffff;
	_ =	sdelay $0x4  }
0x368: {  	[tilespmem:s3+$0xC60] =	vst.add.f32.msk $0xffff, v2  }
0x369: {  	[tilespmem:s28+$0x60] =	vst.add.f32.msk $0xffff, v2  }
0x36a: {  	[tilespmem:s16+$0xC60] =	vst.add.f32.msk $0xffff, v2  }
0x36b: {  	[tilespmem:s29+$0x60] =	vst.add.f32.msk $0xffff, v2  }
0x36c: {  	v2 =	vld.idx.msk [tilespmem:v4+s0+$0x70 ss:$0x1], $0xffff;
	_ =	sdelay $0x4  }
0x36d: {  	[tilespmem:s3+$0xC70] =	vst.add.f32.msk $0xffff, v2  }
0x36e: {  	[tilespmem:s28+$0x70] =	vst.add.f32.msk $0xffff, v2  }
0x36f: {  	[tilespmem:s16+$0xC70] =	vst.add.f32.msk $0xffff, v2  }
0x370: {  	[tilespmem:s29+$0x70] =	vst.add.f32.msk $0xffff, v2  }
0x371: {  	v2 =	vld.idx.msk [tilespmem:v5+s0+$0x0 ss:$0x1], $0xffff;
	_ =	sdelay $0x4  }
0x372: {  	s9 =	sadd.s32 s0, s9;
	[tilespmem:s3+$0x1000] =	vst.add.f32.msk $0xffff, v2  }
0x373: {  	s6 =	sadd.s32 s0, s6;
	[tilespmem:s9+$0x0] =	vst.add.f32.msk $0xffff, v2  }
0x374: {  	[tilespmem:s6+$0x0] =	vst.add.f32.msk $0xffff, v2  }
0x375: {  	[tilespmem:s19+$0x1000] =	vst.add.f32.msk $0xffff, v2  }
0x376: {  	v2 =	vld.idx.msk [tilespmem:v5+s0+$0x10 ss:$0x1], $0xffff;
	_ =	sdelay $0x4  }
0x377: {  	[tilespmem:s3+$0x1010] =	vst.add.f32.msk $0xffff, v2  }
0x378: {  	[tilespmem:s9+$0x10] =	vst.add.f32.msk $0xffff, v2  }
0x379: {  	[tilespmem:s6+$0x10] =	vst.add.f32.msk $0xffff, v2  }
0x37a: {  	[tilespmem:s19+$0x1010] =	vst.add.f32.msk $0xffff, v2  }
0x37b: {  	v2 =	vld.idx.msk [tilespmem:v5+s0+$0x20 ss:$0x1], $0xffff;
	_ =	sdelay $0x4  }
0x37c: {  	[tilespmem:s3+$0x1020] =	vst.add.f32.msk $0xffff, v2  }
0x37d: {  	[tilespmem:s9+$0x20] =	vst.add.f32.msk $0xffff, v2  }
0x37e: {  	[tilespmem:s6+$0x20] =	vst.add.f32.msk $0xffff, v2  }
0x37f: {  	[tilespmem:s19+$0x1020] =	vst.add.f32.msk $0xffff, v2  }
0x380: {  	v2 =	vld.idx.msk [tilespmem:v5+s0+$0x30 ss:$0x1], $0xffff;
	_ =	sdelay $0x4  }
0x381: {  	[tilespmem:s3+$0x1030] =	vst.add.f32.msk $0xffff, v2  }
0x382: {  	[tilespmem:s9+$0x30] =	vst.add.f32.msk $0xffff, v2  }
0x383: {  	[tilespmem:s6+$0x30] =	vst.add.f32.msk $0xffff, v2  }
0x384: {  	[tilespmem:s19+$0x1030] =	vst.add.f32.msk $0xffff, v2  }
0x385: {  	v2 =	vld.idx.msk [tilespmem:v5+s0+$0x40 ss:$0x1], $0xffff;
	_ =	sdelay $0x4  }
0x386: {  	[tilespmem:s3+$0x1040] =	vst.add.f32.msk $0xffff, v2  }
0x387: {  	[tilespmem:s9+$0x40] =	vst.add.f32.msk $0xffff, v2  }
0x388: {  	[tilespmem:s6+$0x40] =	vst.add.f32.msk $0xffff, v2  }
0x389: {  	[tilespmem:s19+$0x1040] =	vst.add.f32.msk $0xffff, v2  }
0x38a: {  	v2 =	vld.idx.msk [tilespmem:v5+s0+$0x50 ss:$0x1], $0xffff;
	_ =	sdelay $0x4  }
0x38b: {  	[tilespmem:s3+$0x1050] =	vst.add.f32.msk $0xffff, v2  }
0x38c: {  	[tilespmem:s9+$0x50] =	vst.add.f32.msk $0xffff, v2  }
0x38d: {  	[tilespmem:s6+$0x50] =	vst.add.f32.msk $0xffff, v2  }
0x38e: {  	[tilespmem:s19+$0x1050] =	vst.add.f32.msk $0xffff, v2  }
0x38f: {  	v2 =	vld.idx.msk [tilespmem:v5+s0+$0x60 ss:$0x1], $0xffff;
	_ =	sdelay $0x4  }
0x390: {  	[tilespmem:s3+$0x1060] =	vst.add.f32.msk $0xffff, v2  }
0x391: {  	[tilespmem:s9+$0x60] =	vst.add.f32.msk $0xffff, v2  }
0x392: {  	[tilespmem:s6+$0x60] =	vst.add.f32.msk $0xffff, v2  }
0x393: {  	[tilespmem:s19+$0x1060] =	vst.add.f32.msk $0xffff, v2  }
0x394: {  	v2 =	vld.idx.msk [tilespmem:v5+s0+$0x70 ss:$0x1], $0xffff;
	_ =	sdelay $0x4  }
0x395: {  	[tilespmem:s3+$0x1070] =	vst.add.f32.msk $0xffff, v2  }
0x396: {  	[tilespmem:s9+$0x70] =	vst.add.f32.msk $0xffff, v2  }
0x397: {  	[tilespmem:s6+$0x70] =	vst.add.f32.msk $0xffff, v2  }
0x398: {  	[tilespmem:s19+$0x1070] =	vst.add.f32.msk $0xffff, v2  }
0x399: {  	v2 =	vld.idx.msk [tilespmem:v6+s0+$0x0 ss:$0x1], $0xffff;
	_ =	sdelay $0x4  }
0x39a: {  	s30 =	sadd.s32 s0, s12;
	[tilespmem:s3+$0x1400] =	vst.add.f32.msk $0xffff, v2  }
0x39b: {  	s31 =	sadd.s32 s0, s10;
	[tilespmem:s30+$0x0] =	vst.add.f32.msk $0xffff, v2  }
0x39c: {  	[tilespmem:s31+$0x0] =	vst.add.f32.msk $0xffff, v2  }
0x39d: {  	[tilespmem:s19+$0x1400] =	vst.add.f32.msk $0xffff, v2  }
0x39e: {  	v2 =	vld.idx.msk [tilespmem:v6+s0+$0x10 ss:$0x1], $0xffff;
	_ =	sdelay $0x4  }
0x39f: {  	[tilespmem:s3+$0x1410] =	vst.add.f32.msk $0xffff, v2  }
0x3a0: {  	[tilespmem:s30+$0x10] =	vst.add.f32.msk $0xffff, v2  }
0x3a1: {  	[tilespmem:s31+$0x10] =	vst.add.f32.msk $0xffff, v2  }
0x3a2: {  	[tilespmem:s19+$0x1410] =	vst.add.f32.msk $0xffff, v2  }
0x3a3: {  	v2 =	vld.idx.msk [tilespmem:v6+s0+$0x20 ss:$0x1], $0xffff;
	_ =	sdelay $0x4  }
0x3a4: {  	[tilespmem:s3+$0x1420] =	vst.add.f32.msk $0xffff, v2  }
0x3a5: {  	[tilespmem:s30+$0x20] =	vst.add.f32.msk $0xffff, v2  }
0x3a6: {  	[tilespmem:s31+$0x20] =	vst.add.f32.msk $0xffff, v2  }
0x3a7: {  	[tilespmem:s19+$0x1420] =	vst.add.f32.msk $0xffff, v2  }
0x3a8: {  	v2 =	vld.idx.msk [tilespmem:v6+s0+$0x30 ss:$0x1], $0xffff;
	_ =	sdelay $0x4  }
0x3a9: {  	[tilespmem:s3+$0x1430] =	vst.add.f32.msk $0xffff, v2  }
0x3aa: {  	[tilespmem:s30+$0x30] =	vst.add.f32.msk $0xffff, v2  }
0x3ab: {  	[tilespmem:s31+$0x30] =	vst.add.f32.msk $0xffff, v2  }
0x3ac: {  	[tilespmem:s19+$0x1430] =	vst.add.f32.msk $0xffff, v2  }
0x3ad: {  	v2 =	vld.idx.msk [tilespmem:v6+s0+$0x40 ss:$0x1], $0xffff;
	_ =	sdelay $0x4  }
0x3ae: {  	[tilespmem:s3+$0x1440] =	vst.add.f32.msk $0xffff, v2  }
0x3af: {  	[tilespmem:s30+$0x40] =	vst.add.f32.msk $0xffff, v2  }
0x3b0: {  	[tilespmem:s31+$0x40] =	vst.add.f32.msk $0xffff, v2  }
0x3b1: {  	[tilespmem:s19+$0x1440] =	vst.add.f32.msk $0xffff, v2  }
0x3b2: {  	v2 =	vld.idx.msk [tilespmem:v6+s0+$0x50 ss:$0x1], $0xffff;
	_ =	sdelay $0x4  }
0x3b3: {  	[tilespmem:s3+$0x1450] =	vst.add.f32.msk $0xffff, v2  }
0x3b4: {  	[tilespmem:s30+$0x50] =	vst.add.f32.msk $0xffff, v2  }
0x3b5: {  	[tilespmem:s31+$0x50] =	vst.add.f32.msk $0xffff, v2  }
0x3b6: {  	[tilespmem:s19+$0x1450] =	vst.add.f32.msk $0xffff, v2  }
0x3b7: {  	v2 =	vld.idx.msk [tilespmem:v6+s0+$0x60 ss:$0x1], $0xffff;
	_ =	sdelay $0x4  }
0x3b8: {  	[tilespmem:s3+$0x1460] =	vst.add.f32.msk $0xffff, v2  }
0x3b9: {  	[tilespmem:s30+$0x60] =	vst.add.f32.msk $0xffff, v2  }
0x3ba: {  	[tilespmem:s31+$0x60] =	vst.add.f32.msk $0xffff, v2  }
0x3bb: {  	[tilespmem:s19+$0x1460] =	vst.add.f32.msk $0xffff, v2  }
0x3bc: {  	v2 =	vld.idx.msk [tilespmem:v6+s0+$0x70 ss:$0x1], $0xffff;
	_ =	sdelay $0x2  }
0x3bd: {  	p0 =	sgt.u32 s20, $0x5  }
.Ltmp5:
0x3be: {  	_ = 	snop;
	(pc) =	sbr.rel @p0 .LBB2_6-.Ltmp5, $4  }
0x3bf: {  	[tilespmem:s3+$0x1470] =	vst.add.f32.msk $0xffff, v2  }
0x3c0: {  	[tilespmem:s30+$0x70] =	vst.add.f32.msk $0xffff, v2  }
0x3c1: {  	[tilespmem:s31+$0x70] =	vst.add.f32.msk $0xffff, v2  }
0x3c2: {  	[tilespmem:s19+$0x1470] =	vst.add.f32.msk $0xffff, v2  }
0x3c3: {  	s0 =	sadd.s32 $0x2, s20  }
0x3c4: {  	s3 =	smulhi.u32 $0xAAAAAAAB, s0;
	_ =	sdelay $0x1  }
0x3c5: {  	s3 =	sshrl.u32 s3, $0x1  }
0x3c6: {  	s3 =	smul.u32 $0x3, s3;
	_ =	sdelay $0x1  }
0x3c7: {  	p0 =	seq.s32 s20, $0x0;
	s3 =	ssub.s32 s0, s3  }
0x3c8: {  	s6 =	sadd.s32 @!p0 $0x4, s3  }
0x3c9: {  	_ =	swait.ge @!p0 [sflag:s6], $0x1800  }
0x3ca: {  	[sflag:s6] =	ssyncset.done @!p0 $0x0  }
0x3cb: {  	[sflag:s6] =	ssyncadd.s32 @!p0 $0xFFFFE800  }
0x3cc: {  	_ =	swait.ge @!p0 [sflag:s6], $0x1800  }
0x3cd: {  	[sflag:s6] =	ssyncset.done @!p0 $0x0  }
0x3ce: {  	[sflag:s6] =	ssyncadd.s32 @!p0 $0xFFFFE800  }
0x3cf: {  	_ =	swait.ge @!p0 [sflag:s6], $0x1800  }
0x3d0: {  	[sflag:s6] =	ssyncset.done @!p0 $0x0  }
0x3d1: {  	[sflag:s6] =	ssyncadd.s32 @!p0 $0xFFFFE800  }
0x3d2: {  	_ =	swait.ge @!p0 [sflag:s6], $0x1800  }
0x3d3: {  	s0 =	sshll.u32 s0, $0x3;
	[sflag:s6] =	ssyncset.done @!p0 $0x0  }
0x3d4: {  	s0 =	sand.u32 $0x3FFFFFF8, s0;
	[sflag:s6] =	ssyncadd.s32 @!p0 $0xFFFFE800  }
0x3d5: {  	v2 =	vld.msk [tilespmem:s0+$0x0], $0xff;
	_ =	sdelay $0x4  }
0x3d6: {  	v3 =	vshrl.u32 v2, $0x3  }
0x3d7: {  	v3 =	vmul.u32 $0x30, v3  }
0x3d8: {  	v2 =	vand.u32 $0x7, v2  }
0x3d9: {  	v2 =	vor.u32 v2, v3  }
0x3da: {  	v2 =	vperm.xlane v2, v0;
	_ =	sdelay $0x1  }
0x3db: {  	v2 =	vadd.s32 v1, v2  }
0x3dc: {  	s10 =	smul.u32 $0x18000, s3;
	_ =	sdelay $0x1  }
0x3dd: {  	s6 =	sshra.s32 s10, $0x2  }
0x3de: {  	s3 =	sadd.s32 $0x1, s3;
	s9 =	sadd.s32 $0xC100, s6  }
0x3df: {  	[tilespmem:s9], [sflag:s3] =	stream.indirect_vreg.gather [hbm4b:s1+s4], $0x80, v2, vm0, $0xb8;
	[tilespmem:$0x1E100] =	vst v63  }
0x3e0: {  	s12 =	sadd.s32 $0xC900, s6  }
0x3e1: {  	[tilespmem:s12], [sflag:s3] =	stream.indirect_vreg.gather [hbm4b:s14+s4], $0x80, v2, vm0, $0xb8;
	[tilespmem:$0x1E100] =	vst v63  }
0x3e2: {  	s13 =	sadd.s32 $0xD100, s6  }
0x3e3: {  	[tilespmem:s13], [sflag:s3] =	stream.indirect_vreg.gather [hbm4b:s15+s4], $0x80, v2, vm0, $0xb8;
	[tilespmem:$0x1E100] =	vst v63  }
0x3e4: {  	v2 =	vld.msk [tilespmem:s0+$0x40], $0xff;
	_ =	sdelay $0x4  }
0x3e5: {  	v3 =	vshrl.u32 v2, $0x3  }
0x3e6: {  	v3 =	vmul.u32 $0x30, v3  }
0x3e7: {  	v2 =	vand.u32 $0x7, v2  }
0x3e8: {  	v2 =	vor.u32 v2, v3  }
0x3e9: {  	v2 =	vperm.xlane v2, v0;
	_ =	sdelay $0x1  }
0x3ea: {  	v2 =	vadd.s32 v1, v2;
	_ =	sdelay $0x3  }
0x3eb: {  	s16 =	sadd.s32 $0xD900, s6  }
0x3ec: {  	[tilespmem:s16], [sflag:s3] =	stream.indirect_vreg.gather [hbm4b:s1+s4], $0x80, v2, vm0, $0xb8;
	[tilespmem:$0x1E100] =	vst v63  }
0x3ed: {  	s17 =	sadd.s32 $0xE100, s6  }
0x3ee: {  	[tilespmem:s17], [sflag:s3] =	stream.indirect_vreg.gather [hbm4b:s14+s4], $0x80, v2, vm0, $0xb8;
	[tilespmem:$0x1E100] =	vst v63  }
0x3ef: {  	s18 =	sadd.s32 $0xE900, s6  }
0x3f0: {  	[tilespmem:s18], [sflag:s3] =	stream.indirect_vreg.gather [hbm4b:s15+s4], $0x80, v2, vm0, $0xb8;
	[tilespmem:$0x1E100] =	vst v63  }
0x3f1: {  	v2 =	vld.msk [tilespmem:s0+$0x80], $0xff;
	_ =	sdelay $0x4  }
0x3f2: {  	v3 =	vshrl.u32 v2, $0x3  }
0x3f3: {  	v3 =	vmul.u32 $0x30, v3  }
0x3f4: {  	v2 =	vand.u32 $0x7, v2  }
0x3f5: {  	v2 =	vor.u32 v2, v3  }
0x3f6: {  	v2 =	vperm.xlane v2, v0;
	_ =	sdelay $0x1  }
0x3f7: {  	v2 =	vadd.s32 v1, v2;
	_ =	sdelay $0x3  }
0x3f8: {  	s19 =	sadd.s32 $0xF100, s6  }
0x3f9: {  	[tilespmem:s19], [sflag:s3] =	stream.indirect_vreg.gather [hbm4b:s1+s4], $0x80, v2, vm0, $0xb8;
	[tilespmem:$0x1E100] =	vst v63  }
0x3fa: {  	s21 =	sadd.s32 $0xF900, s6  }
0x3fb: {  	[tilespmem:s21], [sflag:s3] =	stream.indirect_vreg.gather [hbm4b:s14+s4], $0x80, v2, vm0, $0xb8;
	[tilespmem:$0x1E100] =	vst v63  }
0x3fc: {  	s28 =	sadd.s32 $0x10100, s6  }
0x3fd: {  	[tilespmem:s28], [sflag:s3] =	stream.indirect_vreg.gather [hbm4b:s15+s4], $0x80, v2, vm0, $0xb8;
	[tilespmem:$0x1E100] =	vst v63  }
0x3fe: {  	v2 =	vld.msk [tilespmem:s0+$0xC0], $0xff;
	_ =	sdelay $0x4  }
0x3ff: {  	v3 =	vshrl.u32 v2, $0x3  }
0x400: {  	v3 =	vmul.u32 $0x30, v3  }
0x401: {  	v2 =	vand.u32 $0x7, v2  }
0x402: {  	v2 =	vor.u32 v2, v3  }
0x403: {  	v2 =	vperm.xlane v2, v0;
	_ =	sdelay $0x1  }
0x404: {  	v2 =	vadd.s32 v1, v2;
	_ =	sdelay $0x3  }
0x405: {  	s29 =	sadd.s32 $0x10900, s6  }
0x406: {  	[tilespmem:s29], [sflag:s3] =	stream.indirect_vreg.gather [hbm4b:s1+s4], $0x80, v2, vm0, $0xb8;
	[tilespmem:$0x1E100] =	vst v63  }
.Ltmp6:
0x407: {  	_ = 	snop;
	(pc) =	sbr.rel .LBB2_6-.Ltmp6, $4  }
0x408: {  	s30 =	sadd.s32 $0x11100, s6  }
0x409: {  	[tilespmem:s30], [sflag:s3] =	stream.indirect_vreg.gather [hbm4b:s14+s4], $0x80, v2, vm0, $0xb8;
	[tilespmem:$0x1E100] =	vst v63  }
0x40a: {  	s31 =	sadd.s32 $0x11900, s6  }
0x40b: {  	[tilespmem:s31], [sflag:s3] =	stream.indirect_vreg.gather [hbm4b:s15+s4], $0x80, v2, vm0, $0xb8;
	[tilespmem:$0x1E100] =	vst v63  }
.LBB2_8:
0x40c: {  	_ =	sfence.sel $0x180000  }
0x40d: {  	[bflag:$0x0] =	sbarrier.arrive $0xFFFF  }
0x40e: {  	_ =	strace $0x90000047  }
0x40f: {  	s0 =	stileid.u32;
	[bflag:$0x2] =	sbarrier.arrive $0xFFFF  }
0x410: {  	p0 =	sne.s32 s0, $0x0;
	s0 =	rddreg [dreg:$0x4]  }
0x411: {  	s0 =	sadd.s32 @!p0 $0x100000, s0  }
0x412: {  	[sflag:s0] =	ssyncadd.tile.s32 @!p0 $0x1;
	_ =	shalt  }
.Lfunc_end2:
_tile_overlayer_lowered:
.L_overlay_start_2:
0x413: {  	(tag) =	ssettag $0x2  }
0x414: {  	s0 =	rddreg [dreg:$0x0];
	s2 =	stileid.u32  }
0x415: {  	s1 =	rddreg [dreg:$0x1];
	p0 =	sne.s32 s2, $0x0  }
0x416: {  	s3 =	rddreg [dreg:$0x2];
	[bflag:$0x3] =	sbarrier.arrive $0xFFFF;
	s2 =	simm.s32 @!p0 $0x1C09  }
0x417: {  	[timem:s3], [sflag:s2] =	dma.local @!p0 [hbm:s0], s1  }
0x418: {  	s0 =	simm.s32 @!p0 $0x9  }
0x419: {  	_ =	swait.ge @!p0 [sflag:s0], s1  }
0x41a: {  	s1 =	ssub.s32 @!p0 $0x0, s1;
	[sflag:s0] =	ssyncset.done @!p0 $0x0  }
0x41b: {  	[sflag:s0] =	ssyncadd.s32 @!p0 s1  }
0x41c: {  	[bflag:$0x3] =	sbarrier.arrive $0xFFFF  }
0x41d: {  	_ =	shalt  }

</sc_bundles>
